<compile_context>
chip_gen: v7x
topology: tpu7x:2x2x1
jax: 0.10.2.dev20260603
libtpu: 0.0.44.dev20260713+nightly
codegen_flags: <defaults>
</compile_context>

<pallas_src>
import functools

import jax
import jax.numpy as jnp
from jax import lax
from jax.experimental import pallas as pl
from jax.experimental.pallas import tpu as pltpu
from jax.experimental.pallas import tpu_sc as plsc

N = 10000
E = 320000
D_IN = 128
H = 64

NC = 2
NS = 16
NW = NC * NS

NP = 10240
EP_TOT = 327680
EPT = EP_TOT // NW
C = 128
NCH = EPT // C
NPAIR = NCH // 2
NB = 8
NGRP = NCH // NB
CH0 = 80
CH1 = (2 * NCH) - CH0
RPT = NP // NS
ZR = 64

_mesh = functools.partial(
    plsc.VectorSubcoreMesh, core_axis_name="c", subcore_axis_name="s"
)


def _make_deg_kernel():

    @functools.partial(
        pl.kernel,
        out_type=jax.ShapeDtypeStruct((NC, NP, 16), jnp.float32),
        mesh=_mesh(),
        compiler_params=pltpu.CompilerParams(use_tc_tiling_on_sc=False),
        scratch_types=[
            pltpu.VMEM((NCH, C), jnp.int32),
            pltpu.VMEM((C, 16), jnp.float32),
            pltpu.VMEM((ZR, 16), jnp.float32),
            pltpu.VMEM_SHARED((NP, 16), jnp.float32),
            pltpu.SemaphoreType.DMA,
            pltpu.SemaphoreType.DMA,
        ],
    )
    def deg_kernel(dst_hbm, out_hbm, didx, ones, zbuf, accum, sem0, sem1):
        c = lax.axis_index("c")
        s = lax.axis_index("s")
        tid = c * NS + s

        pltpu.sync_copy(dst_hbm.at[pl.ds(tid * NCH, NCH)], didx)

        zv = jnp.zeros((16,), jnp.float32)
        ov = jnp.ones((16,), jnp.float32)

        def fill_ones(i, _):
            ones[i, :] = ov
            return 0

        lax.fori_loop(0, C, fill_ones, 0)

        def fill_z(i, _):
            zbuf[i, :] = zv
            return 0

        lax.fori_loop(0, ZR, fill_z, 0)

        def zero_accum(j, _):
            pltpu.sync_copy(zbuf, accum.at[pl.ds(s * RPT + j * ZR, ZR)])
            return 0

        lax.fori_loop(0, RPT // ZR, zero_accum, 0)
        plsc.subcore_barrier()

        pltpu.async_copy(ones, accum.at[didx.at[0]], sem0, add=True)

        def body(jj, _):
            j0 = 2 * jj
            pltpu.async_copy(ones, accum.at[didx.at[j0 + 1]], sem1, add=True)
            pltpu.make_async_copy(ones, accum.at[didx.at[j0]], sem0).wait()

            @pl.when(jj < NPAIR - 1)
            def _():
                pltpu.async_copy(ones, accum.at[didx.at[j0 + 2]], sem0,
                                 add=True)

            pltpu.make_async_copy(ones, accum.at[didx.at[j0 + 1]], sem1).wait()
            return 0

        lax.fori_loop(0, NPAIR, body, 0)
        if NCH % 2 == 1:
            pltpu.sync_copy(ones, accum.at[didx.at[NCH - 1]], add=True)
        plsc.subcore_barrier()

        pltpu.sync_copy(
            accum.at[pl.ds(s * RPT, RPT)], out_hbm.at[c, pl.ds(s * RPT, RPT)]
        )

    return deg_kernel


def _make_edge_kernel(F):

    @functools.partial(
        pl.kernel,
        out_type=jax.ShapeDtypeStruct((NC, NP, F), jnp.float32),
        mesh=_mesh(),
        compiler_params=pltpu.CompilerParams(use_tc_tiling_on_sc=False),
        scratch_types=[
            pltpu.VMEM((NCH, C), jnp.int32),
            pltpu.VMEM((NCH, C), jnp.int32),
            pltpu.VMEM((NB, C, F), jnp.float32),
            pltpu.VMEM((ZR, F), jnp.float32),
            pltpu.VMEM_SHARED((NP, F), jnp.float32),
            [pltpu.SemaphoreType.DMA] * NB,
            [pltpu.SemaphoreType.DMA] * NB,
        ],
    )
    def edge_kernel(g_hbm, src_hbm, dst_hbm, out_hbm, sidx, didx, rows, zbuf,
                    accum, gsems, ssems):
        c = lax.axis_index("c")
        s = lax.axis_index("s")
        tid = c * NS + s

        pltpu.sync_copy(src_hbm.at[pl.ds(tid * NCH, NCH)], sidx)
        pltpu.sync_copy(dst_hbm.at[pl.ds(tid * NCH, NCH)], didx)

        zv = jnp.zeros((16,), jnp.float32)

        def fill(i, _):
            for k in range(F // 16):
                zbuf[i, pl.ds(k * 16, 16)] = zv
            return 0

        lax.fori_loop(0, ZR, fill, 0)

        def zero_accum(j, _):
            pltpu.sync_copy(zbuf, accum.at[pl.ds(s * RPT + j * ZR, ZR)])
            return 0

        lax.fori_loop(0, RPT // ZR, zero_accum, 0)
        plsc.subcore_barrier()

        ngrp = NGRP
        for b in range(NB - 2):
            pltpu.async_copy(g_hbm.at[sidx.at[b]], rows.at[b], gsems[b])

        def body(gg, _):
            j0 = gg * NB
            for b in range(NB):
                bw = (b - 2) % NB

                def wait_scat():
                    pltpu.make_async_copy(
                        rows.at[bw], accum.at[didx.at[0]], ssems[bw]
                    ).wait()

                if b >= 2:
                    wait_scat()
                    jg = j0 + NB + b - 2

                    @pl.when(gg < ngrp - 1)
                    def _():
                        pltpu.async_copy(
                            g_hbm.at[sidx.at[jg]], rows.at[bw], gsems[bw]
                        )
                else:
                    @pl.when(gg > 0)
                    def _():
                        wait_scat()

                    jg = j0 + NB - 2 + b
                    pltpu.async_copy(
                        g_hbm.at[sidx.at[jg]], rows.at[bw], gsems[bw]
                    )

                j = j0 + b
                pltpu.make_async_copy(
                    g_hbm.at[sidx.at[j]], rows.at[b], gsems[b]
                ).wait()
                pltpu.async_copy(
                    rows.at[b], accum.at[didx.at[j]], ssems[b], add=True
                )
            return 0

        lax.fori_loop(0, NGRP, body, 0, unroll=False)
        for b in (NB - 2, NB - 1):
            pltpu.make_async_copy(
                rows.at[b], accum.at[didx.at[0]], ssems[b]
            ).wait()
        plsc.subcore_barrier()

        pltpu.sync_copy(
            accum.at[pl.ds(s * RPT, RPT)], out_hbm.at[c, pl.ds(s * RPT, RPT)]
        )

    return edge_kernel


_deg_call = _make_deg_kernel()
_edge64_call = _make_edge_kernel(H)
_edge32_call = _make_edge_kernel(32)

_TC_R = 2048


def _tc1_body(x_ref, w_ref, d_ref, g_ref, dis_ref):
    deg = d_ref[:, 0:1] + d_ref[:, 1:2] + 1.0
    dis = lax.rsqrt(deg)
    h = jnp.dot(x_ref[...], w_ref[...], preferred_element_type=jnp.float32)
    g_ref[...] = h * dis
    dis_ref[...] = dis


def _tc1_call(xp, w1, dcols):
    grid = (NP // _TC_R,)
    return pl.pallas_call(
        _tc1_body,
        grid=grid,
        in_specs=[
            pl.BlockSpec((_TC_R, D_IN), lambda i: (i, 0)),
            pl.BlockSpec((D_IN, H), lambda i: (0, 0)),
            pl.BlockSpec((_TC_R, NC), lambda i: (i, 0)),
        ],
        out_specs=[
            pl.BlockSpec((_TC_R, H), lambda i: (i, 0)),
            pl.BlockSpec((_TC_R, 1), lambda i: (i, 0)),
        ],
        out_shape=[
            jax.ShapeDtypeStruct((NP, H), jnp.float32),
            jax.ShapeDtypeStruct((NP, 1), jnp.float32),
        ],
    )(xp, w1, dcols)


def _tcmid_body(p_ref, g_ref, dis_ref, b_ref, w_ref, o_ref):
    dis = dis_ref[...]
    u = (p_ref[0] + p_ref[1] + g_ref[...]) * dis + b_ref[...]
    t = jnp.maximum(u, 0.0)
    h = jnp.dot(t, w_ref[...], preferred_element_type=jnp.float32)
    o_ref[...] = h * dis


def _tcmid_call(p, g, dis, b, w):
    F = g.shape[1]
    F2 = w.shape[1]
    grid = (NP // _TC_R,)
    return pl.pallas_call(
        _tcmid_body,
        grid=grid,
        in_specs=[
            pl.BlockSpec((NC, _TC_R, F), lambda i: (0, i, 0)),
            pl.BlockSpec((_TC_R, F), lambda i: (i, 0)),
            pl.BlockSpec((_TC_R, 1), lambda i: (i, 0)),
            pl.BlockSpec((1, F), lambda i: (0, 0)),
            pl.BlockSpec((F, F2), lambda i: (0, 0)),
        ],
        out_specs=pl.BlockSpec((_TC_R, F2), lambda i: (i, 0)),
        out_shape=jax.ShapeDtypeStruct((NP, F2), jnp.float32),
    )(p, g, dis, b, w)


def _tcfin_body(p_ref, g_ref, dis_ref, b_ref, wp_ref, bp_ref, o_ref):
    u = (p_ref[0] + p_ref[1] + g_ref[...]) * dis_ref[...] + b_ref[...]
    t = jnp.maximum(u, 0.0)
    o_ref[...] = (
        jnp.dot(t, wp_ref[...], preferred_element_type=jnp.float32)
        + bp_ref[...]
    )


def _tcfin_call(p, g, dis, b, wp, bp):
    F = g.shape[1]
    grid = (NP // _TC_R,)
    return pl.pallas_call(
        _tcfin_body,
        grid=grid,
        in_specs=[
            pl.BlockSpec((NC, _TC_R, F), lambda i: (0, i, 0)),
            pl.BlockSpec((_TC_R, F), lambda i: (i, 0)),
            pl.BlockSpec((_TC_R, 1), lambda i: (i, 0)),
            pl.BlockSpec((1, F), lambda i: (0, 0)),
            pl.BlockSpec((F, 1), lambda i: (0, 0)),
            pl.BlockSpec((1, 1), lambda i: (0, 0)),
        ],
        out_specs=pl.BlockSpec((_TC_R, 1), lambda i: (i, 0)),
        out_shape=jax.ShapeDtypeStruct((NP, 1), jnp.float32),
    )(p, g, dis, b, wp, bp)


def kernel(x, edge_index, W1, b1, W2, b2, W3, b3, Wp, bp):
    src = edge_index[0]
    dst = edge_index[1]
    pad_e = EP_TOT - E
    fill = jnp.full((pad_e,), N, jnp.int32)
    srcp = jnp.concatenate([src, fill]).reshape(EP_TOT // C, C)
    dstp = jnp.concatenate([dst, fill]).reshape(EP_TOT // C, C)
    xp = jnp.pad(x, ((0, NP - N), (0, 0)))

    degp = _deg_call(dstp)
    dcols = jnp.transpose(degp[:, :, 0])

    g1, dis = _tc1_call(xp, W1, dcols)
    p1 = _edge64_call(g1, srcp, dstp)
    g2 = _tcmid_call(p1, g1, dis, b1.reshape(1, H), W2)
    p2 = _edge64_call(g2, srcp, dstp)
    g3 = _tcmid_call(p2, g2, dis, b2.reshape(1, H), W3)
    p3 = _edge32_call(g3, srcp, dstp)
    out = _tcfin_call(p3, g3, dis, b3.reshape(1, 32), Wp, bp.reshape(1, 1))
    return out[:N]

# --- scband reference (transcript-rebuilt; emitter-appended) ---
"""Pipeline reference for scband-turbine-gnn-44865228374583 (READ-ONLY COPY).

The authoritative reference and input builder live on the scoring server;
editing this copy changes nothing except your own understanding.
"""

import jax, jax.numpy as jnp
import numpy as np

N = 10000
E = 320000
D_IN = 128
H = 64


def setup_inputs(seed: int = 0) -> dict:
    key = jax.random.key(seed)
    ks = jax.random.split(key, 12)
    x = jax.random.normal(ks[0], (N, D_IN), dtype=jnp.float32)
    edge_index = jax.random.randint(ks[1], (2, E), 0, N, dtype=jnp.int32)
    W1 = jax.random.normal(ks[2], (D_IN, H), dtype=jnp.float32) * (1.0 / np.sqrt(D_IN))
    b1 = jnp.zeros((H,), dtype=jnp.float32)
    W2 = jax.random.normal(ks[3], (H, H), dtype=jnp.float32) * (1.0 / np.sqrt(H))
    b2 = jnp.zeros((H,), dtype=jnp.float32)
    W3 = jax.random.normal(ks[4], (H, 32), dtype=jnp.float32) * (1.0 / np.sqrt(H))
    b3 = jnp.zeros((32,), dtype=jnp.float32)
    Wp = jax.random.normal(ks[5], (32, 1), dtype=jnp.float32) * (1.0 / np.sqrt(32))
    bp = jnp.zeros((1,), dtype=jnp.float32)
    return {"x": x, "edge_index": edge_index, "W1": W1, "b1": b1, "W2": W2, "b2": b2, "W3": W3, "b3": b3, "Wp": Wp, "bp": bp}


def gcn_conv(x, edge_index, W, b):
    # GCNConv: out = D^{-1/2} (A + I) D^{-1/2} (X W) + b
    n = x.shape[0]
    src = edge_index[0]
    dst = edge_index[1]
    loop = jnp.arange(n, dtype=src.dtype)
    src = jnp.concatenate([src, loop])
    dst = jnp.concatenate([dst, loop])
    deg = jnp.zeros((n,), jnp.float32).at[dst].add(1.0)
    dis = jnp.where(deg > 0, jax.lax.rsqrt(jnp.maximum(deg, 1e-12)), 0.0)
    norm = dis[src] * dis[dst]
    h = x @ W
    msg = h[src] * norm[:, None]
    out = jnp.zeros((n, W.shape[1]), dtype=h.dtype).at[dst].add(msg)
    return out + b


def reference(x, edge_index, W1, b1, W2, b2, W3, b3, Wp, bp):
    # dropout is identity in eval mode
    h = jax.nn.relu(gcn_conv(x, edge_index, W1, b1))
    h = jax.nn.relu(gcn_conv(h, edge_index, W2, b2))
    h = jax.nn.relu(gcn_conv(h, edge_index, W3, b3))
    return h @ Wp + bp

if __name__ == "__main__":
    import jax
    _d = setup_inputs()
    print(jax.jit(kernel)(*tuple(_d.values())))

</pallas_src>

<mosaic_0001>
#map = affine_map<(d0, d1) -> (0, 0)>
#map1 = affine_map<(d0, d1) -> (0, 0, 0)>
module attributes {stable_mosaic.version = 14 : i64} {
  func.func @edge_kernel(%arg0: i32, %arg1: i32, %arg2: memref<10240x64xf32, #tpu.memory_space<hbm>>, %arg3: memref<2560x128xi32, #tpu.memory_space<hbm>>, %arg4: memref<2560x128xi32, #tpu.memory_space<hbm>>, %arg5: memref<2x10240x64xf32, #tpu.memory_space<hbm>>, %arg6: memref<80x128xi32, #tpu.memory_space<vmem>>, %arg7: memref<80x128xi32, #tpu.memory_space<vmem>>, %arg8: memref<8x128x64xf32, #tpu.memory_space<vmem>>, %arg9: memref<64x64xf32, #tpu.memory_space<vmem>>, %arg10: memref<10240x64xf32, #tpu.memory_space<vmem_shared>>, %arg11: memref<!tpu.dma_semaphore, #tpu.memory_space<semaphore_mem>>, %arg12: memref<!tpu.dma_semaphore, #tpu.memory_space<semaphore_mem>>, %arg13: memref<!tpu.dma_semaphore, #tpu.memory_space<semaphore_mem>>, %arg14: memref<!tpu.dma_semaphore, #tpu.memory_space<semaphore_mem>>, %arg15: memref<!tpu.dma_semaphore, #tpu.memory_space<semaphore_mem>>, %arg16: memref<!tpu.dma_semaphore, #tpu.memory_space<semaphore_mem>>, %arg17: memref<!tpu.dma_semaphore, #tpu.memory_space<semaphore_mem>>, %arg18: memref<!tpu.dma_semaphore, #tpu.memory_space<semaphore_mem>>, %arg19: memref<!tpu.dma_semaphore, #tpu.memory_space<semaphore_mem>>, %arg20: memref<!tpu.dma_semaphore, #tpu.memory_space<semaphore_mem>>, %arg21: memref<!tpu.dma_semaphore, #tpu.memory_space<semaphore_mem>>, %arg22: memref<!tpu.dma_semaphore, #tpu.memory_space<semaphore_mem>>, %arg23: memref<!tpu.dma_semaphore, #tpu.memory_space<semaphore_mem>>, %arg24: memref<!tpu.dma_semaphore, #tpu.memory_space<semaphore_mem>>, %arg25: memref<!tpu.dma_semaphore, #tpu.memory_space<semaphore_mem>>, %arg26: memref<!tpu.dma_semaphore, #tpu.memory_space<semaphore_mem>>) attributes {dimension_semantics = [#tpu.dimension_semantics<core_parallel>, #tpu.dimension_semantics<subcore_parallel>], iteration_bounds = array<i64: 2, 16>, scalar_prefetch = 0 : i64, scratch_operands = 21 : i64, tpu.core_type = #tpu.core_type<sc_vector_subcore>, window_params = [{transform_indices = #map}, {transform_indices = #map}, {transform_indices = #map}, {transform_indices = #map1}]} {
    %mul3A = arith.constant 16 : i32
    %mul3A_0 = arith.muli %arg0, %mul3A : i32
    %add3A = arith.addi %mul3A_0, %arg1 : i32
    %mul3A_1 = arith.constant 80 : i32
    %mul3A_2 = arith.muli %add3A, %mul3A_1 : i32
    "tpu.region"() ({
      %run_scoped3A = tpu.sem_alloc : memref<!tpu.dma_semaphore, #tpu.memory_space<semaphore_mem>>
      %dma_start3A_125 = arith.constant 0 : i32
      %dma_start3A_126 = tpu.memref_slice %arg3[%mul3A_2, %dma_start3A_125] : memref<2560x128xi32, #tpu.memory_space<hbm>> -> memref<80x128xi32, #tpu.memory_space<hbm>>
      %dma_start3A_127 = arith.constant 0 : i32
      %dma_start3A_128 = tpu.memref_slice %arg3[%mul3A_2, %dma_start3A_127] : memref<2560x128xi32, #tpu.memory_space<hbm>> -> memref<80x128xi32, #tpu.memory_space<hbm>>
      tpu.enqueue_dma source(%dma_start3A_128 : memref<80x128xi32, #tpu.memory_space<hbm>>) target(%arg6 : memref<80x128xi32, #tpu.memory_space<vmem>>) target_semaphore(%run_scoped3A : memref<!tpu.dma_semaphore, #tpu.memory_space<semaphore_mem>>)
      %dma_wait3A_129 = arith.constant 0 : i32
      %dma_wait3A_130 = tpu.memref_slice %arg3[%mul3A_2, %dma_wait3A_129] : memref<2560x128xi32, #tpu.memory_space<hbm>> -> memref<80x128xi32, #tpu.memory_space<hbm>>
      %dma_wait3A_131 = arith.constant 0 : i32
      %dma_wait3A_132 = tpu.memref_slice %arg3[%mul3A_2, %dma_wait3A_131] : memref<2560x128xi32, #tpu.memory_space<hbm>> -> memref<80x128xi32, #tpu.memory_space<hbm>>
      tpu.wait_dma2 semaphore(%run_scoped3A : memref<!tpu.dma_semaphore, #tpu.memory_space<semaphore_mem>>) src(%dma_wait3A_132 : memref<80x128xi32, #tpu.memory_space<hbm>>) dst(%arg6 : memref<80x128xi32, #tpu.memory_space<vmem>>)
      tpu.yield
    }) : () -> ()
    %mul3A_3 = arith.constant 80 : i32
    %mul3A_4 = arith.muli %add3A, %mul3A_3 : i32
    "tpu.region"() ({
      %run_scoped3A = tpu.sem_alloc : memref<!tpu.dma_semaphore, #tpu.memory_space<semaphore_mem>>
      %dma_start3A_125 = arith.constant 0 : i32
      %dma_start3A_126 = tpu.memref_slice %arg4[%mul3A_4, %dma_start3A_125] : memref<2560x128xi32, #tpu.memory_space<hbm>> -> memref<80x128xi32, #tpu.memory_space<hbm>>
      %dma_start3A_127 = arith.constant 0 : i32
      %dma_start3A_128 = tpu.memref_slice %arg4[%mul3A_4, %dma_start3A_127] : memref<2560x128xi32, #tpu.memory_space<hbm>> -> memref<80x128xi32, #tpu.memory_space<hbm>>
      tpu.enqueue_dma source(%dma_start3A_128 : memref<80x128xi32, #tpu.memory_space<hbm>>) target(%arg7 : memref<80x128xi32, #tpu.memory_space<vmem>>) target_semaphore(%run_scoped3A : memref<!tpu.dma_semaphore, #tpu.memory_space<semaphore_mem>>)
      %dma_wait3A_129 = arith.constant 0 : i32
      %dma_wait3A_130 = tpu.memref_slice %arg4[%mul3A_4, %dma_wait3A_129] : memref<2560x128xi32, #tpu.memory_space<hbm>> -> memref<80x128xi32, #tpu.memory_space<hbm>>
      %dma_wait3A_131 = arith.constant 0 : i32
      %dma_wait3A_132 = tpu.memref_slice %arg4[%mul3A_4, %dma_wait3A_131] : memref<2560x128xi32, #tpu.memory_space<hbm>> -> memref<80x128xi32, #tpu.memory_space<hbm>>
      tpu.wait_dma2 semaphore(%run_scoped3A : memref<!tpu.dma_semaphore, #tpu.memory_space<semaphore_mem>>) src(%dma_wait3A_132 : memref<80x128xi32, #tpu.memory_space<hbm>>) dst(%arg7 : memref<80x128xi32, #tpu.memory_space<vmem>>)
      tpu.yield
    }) : () -> ()
    %broadcast_in_dim3A = arith.constant 0.000000e+00 : f32
    %broadcast_in_dim3A_5 = vector.broadcast %broadcast_in_dim3A : f32 to vector<16xf32>
    %scan3A = arith.constant 0 : i32
    %scan3A_6 = arith.constant 0 : i32
    %scan3A_7 = arith.constant 64 : i32
    %scan3A_8 = arith.addi %scan3A_6, %scan3A_7 : i32
    %scan3A_9 = arith.constant 1 : i32
    %scan3A_10 = scf.for %scan3A_125 = %scan3A_6 to %scan3A_8 step %scan3A_9 iter_args(%scan3A_126 = %scan3A) -> (i32)  : i32 {
      %swap3A = arith.index_cast %scan3A_125 : i32 to index
      %swap3A_127 = arith.constant 0 : index
      %swap3A_128 = tpu.vector_load %arg9[%swap3A, %swap3A_127] {strides = array<i32>} : memref<64x64xf32, #tpu.memory_space<vmem>>, vector<1x16xf32>,
      %swap3A_129 = vector.shape_cast %swap3A_128 : vector<1x16xf32> to vector<16xf32>
      %swap3A_130 = vector.shape_cast %broadcast_in_dim3A_5 : vector<16xf32> to vector<1x16xf32>
      tpu.vector_store %arg9[%swap3A, %swap3A_127], %swap3A_130 {strides = array<i32>} : memref<64x64xf32, #tpu.memory_space<vmem>>, vector<1x16xf32>,
      %swap3A_131 = arith.index_cast %scan3A_125 : i32 to index
      %swap3A_132 = arith.constant 16 : index
      %swap3A_133 = tpu.vector_load %arg9[%swap3A_131, %swap3A_132] {strides = array<i32>} : memref<64x64xf32, #tpu.memory_space<vmem>>, vector<1x16xf32>,
      %swap3A_134 = vector.shape_cast %swap3A_133 : vector<1x16xf32> to vector<16xf32>
      %swap3A_135 = vector.shape_cast %broadcast_in_dim3A_5 : vector<16xf32> to vector<1x16xf32>
      tpu.vector_store %arg9[%swap3A_131, %swap3A_132], %swap3A_135 {strides = array<i32>} : memref<64x64xf32, #tpu.memory_space<vmem>>, vector<1x16xf32>,
      %swap3A_136 = arith.index_cast %scan3A_125 : i32 to index
      %swap3A_137 = arith.constant 32 : index
      %swap3A_138 = tpu.vector_load %arg9[%swap3A_136, %swap3A_137] {strides = array<i32>} : memref<64x64xf32, #tpu.memory_space<vmem>>, vector<1x16xf32>,
      %swap3A_139 = vector.shape_cast %swap3A_138 : vector<1x16xf32> to vector<16xf32>
      %swap3A_140 = vector.shape_cast %broadcast_in_dim3A_5 : vector<16xf32> to vector<1x16xf32>
      tpu.vector_store %arg9[%swap3A_136, %swap3A_137], %swap3A_140 {strides = array<i32>} : memref<64x64xf32, #tpu.memory_space<vmem>>, vector<1x16xf32>,
      %swap3A_141 = arith.index_cast %scan3A_125 : i32 to index
      %swap3A_142 = arith.constant 48 : index
      %swap3A_143 = tpu.vector_load %arg9[%swap3A_141, %swap3A_142] {strides = array<i32>} : memref<64x64xf32, #tpu.memory_space<vmem>>, vector<1x16xf32>,
      %swap3A_144 = vector.shape_cast %swap3A_143 : vector<1x16xf32> to vector<16xf32>
      %swap3A_145 = vector.shape_cast %broadcast_in_dim3A_5 : vector<16xf32> to vector<1x16xf32>
      tpu.vector_store %arg9[%swap3A_141, %swap3A_142], %swap3A_145 {strides = array<i32>} : memref<64x64xf32, #tpu.memory_space<vmem>>, vector<1x16xf32>,
      %scan3A_146 = arith.constant 0 : i32
      scf.yield %scan3A_146 : i32
    }
    %scan3A_11 = arith.constant 64 : i32
    %scan3A_12 = arith.constant 0 : i32
    %scan3A_13 = arith.constant 0 : i32
    %scan3A_14 = arith.constant 10 : i32
    %scan3A_15 = arith.addi %scan3A_13, %scan3A_14 : i32
    %scan3A_16 = arith.constant 1 : i32
    %scan3A_17 = scf.for %scan3A_125 = %scan3A_13 to %scan3A_15 step %scan3A_16 iter_args(%scan3A_126 = %scan3A_12) -> (i32)  : i32 {
      %mul3A_127 = arith.constant 640 : i32
      %mul3A_128 = arith.muli %arg1, %mul3A_127 : i32
      %mul3A_129 = arith.constant 64 : i32
      %mul3A_130 = arith.muli %scan3A_125, %mul3A_129 : i32
      %add3A_131 = arith.addi %mul3A_128, %mul3A_130 : i32
      "tpu.region"() ({
        %run_scoped3A = tpu.sem_alloc : memref<!tpu.dma_semaphore, #tpu.memory_space<semaphore_mem>>
        %dma_start3A_133 = arith.constant 0 : i32
        %dma_start3A_134 = tpu.memref_slice %arg10[%add3A_131, %dma_start3A_133] : memref<10240x64xf32, #tpu.memory_space<vmem_shared>> -> memref<64x64xf32, #tpu.memory_space<vmem_shared>>
        %dma_start3A_135 = arith.constant 0 : i32
        %dma_start3A_136 = tpu.memref_slice %arg10[%add3A_131, %dma_start3A_135] : memref<10240x64xf32, #tpu.memory_space<vmem_shared>> -> memref<64x64xf32, #tpu.memory_space<vmem_shared>>
        tpu.enqueue_dma source(%arg9 : memref<64x64xf32, #tpu.memory_space<vmem>>) target(%dma_start3A_136 : memref<64x64xf32, #tpu.memory_space<vmem_shared>>) target_semaphore(%run_scoped3A : memref<!tpu.dma_semaphore, #tpu.memory_space<semaphore_mem>>)
        %dma_wait3A_137 = arith.constant 0 : i32
        %dma_wait3A_138 = tpu.memref_slice %arg10[%add3A_131, %dma_wait3A_137] : memref<10240x64xf32, #tpu.memory_space<vmem_shared>> -> memref<64x64xf32, #tpu.memory_space<vmem_shared>>
        %dma_wait3A_139 = arith.constant 0 : i32
        %dma_wait3A_140 = tpu.memref_slice %arg10[%add3A_131, %dma_wait3A_139] : memref<10240x64xf32, #tpu.memory_space<vmem_shared>> -> memref<64x64xf32, #tpu.memory_space<vmem_shared>>
        tpu.wait_dma2 semaphore(%run_scoped3A : memref<!tpu.dma_semaphore, #tpu.memory_space<semaphore_mem>>) src(%arg9 : memref<64x64xf32, #tpu.memory_space<vmem>>) dst(%dma_wait3A_140 : memref<64x64xf32, #tpu.memory_space<vmem_shared>>)
        tpu.yield
      }) : () -> ()
      %scan3A_132 = arith.constant 0 : i32
      scf.yield %scan3A_132 : i32
    }
    %scan3A_18 = arith.constant 10 : i32
    %barrier3A = arith.constant 0 : index
    tpu.barrier barrier_id(%barrier3A)
    %dma_start3A = arith.constant 0 : i32
    %dma_start3A_19 = arith.constant 0 : i32
    %dma_start3A_20 = arith.constant 0 : i32
    %dma_start3A_21 = arith.constant 0 : i32
    %dma_start3A_22 = tpu.memref_slice %arg8[%dma_start3A_19, %dma_start3A_20, %dma_start3A_21] : memref<8x128x64xf32, #tpu.memory_space<vmem>> -> memref<1x128x64xf32, #tpu.memory_space<vmem>>
    %dma_start3A_23 = tpu.memref_squeeze %dma_start3A_22 : memref<1x128x64xf32, #tpu.memory_space<vmem>> -> memref<128x64xf32, #tpu.memory_space<vmem>>
    %dma_start3A_24 = arith.constant 0 : i32
    %dma_start3A_25 = tpu.memref_slice %arg6[%dma_start3A, %dma_start3A_24] : memref<80x128xi32, #tpu.memory_space<vmem>> -> memref<1x128xi32, #tpu.memory_space<vmem>>
    %dma_start3A_26 = tpu.memref_squeeze %dma_start3A_25 : memref<1x128xi32, #tpu.memory_space<vmem>> -> memref<128xi32, #tpu.memory_space<vmem>>
    %dma_start3A_27 = arith.constant 0 : i32
    %dma_start3A_28 = arith.constant 0 : i32
    %dma_start3A_29 = tpu.memref_slice %arg2[%dma_start3A_27, %dma_start3A_28] : memref<10240x64xf32, #tpu.memory_space<hbm>> -> memref<10240x64xf32, #tpu.memory_space<hbm>>
    tpu.enqueue_indirect_dma source(%dma_start3A_29 : memref<10240x64xf32, #tpu.memory_space<hbm>>) target(%dma_start3A_23 : memref<128x64xf32, #tpu.memory_space<vmem>>) offsets(%dma_start3A_26 : memref<128xi32, #tpu.memory_space<vmem>>) semaphore(%arg11 : memref<!tpu.dma_semaphore, #tpu.memory_space<semaphore_mem>>)
    %dma_start3A_30 = arith.constant 1 : i32
    %dma_start3A_31 = arith.constant 1 : i32
    %dma_start3A_32 = arith.constant 0 : i32
    %dma_start3A_33 = arith.constant 0 : i32
    %dma_start3A_34 = tpu.memref_slice %arg8[%dma_start3A_31, %dma_start3A_32, %dma_start3A_33] : memref<8x128x64xf32, #tpu.memory_space<vmem>> -> memref<1x128x64xf32, #tpu.memory_space<vmem>>
    %dma_start3A_35 = tpu.memref_squeeze %dma_start3A_34 : memref<1x128x64xf32, #tpu.memory_space<vmem>> -> memref<128x64xf32, #tpu.memory_space<vmem>>
    %dma_start3A_36 = arith.constant 0 : i32
    %dma_start3A_37 = tpu.memref_slice %arg6[%dma_start3A_30, %dma_start3A_36] : memref<80x128xi32, #tpu.memory_space<vmem>> -> memref<1x128xi32, #tpu.memory_space<vmem>>
    %dma_start3A_38 = tpu.memref_squeeze %dma_start3A_37 : memref<1x128xi32, #tpu.memory_space<vmem>> -> memref<128xi32, #tpu.memory_space<vmem>>
    %dma_start3A_39 = arith.constant 0 : i32
    %dma_start3A_40 = arith.constant 0 : i32
    %dma_start3A_41 = tpu.memref_slice %arg2[%dma_start3A_39, %dma_start3A_40] : memref<10240x64xf32, #tpu.memory_space<hbm>> -> memref<10240x64xf32, #tpu.memory_space<hbm>>
    tpu.enqueue_indirect_dma source(%dma_start3A_41 : memref<10240x64xf32, #tpu.memory_space<hbm>>) target(%dma_start3A_35 : memref<128x64xf32, #tpu.memory_space<vmem>>) offsets(%dma_start3A_38 : memref<128xi32, #tpu.memory_space<vmem>>) semaphore(%arg12 : memref<!tpu.dma_semaphore, #tpu.memory_space<semaphore_mem>>)
    %dma_start3A_42 = arith.constant 2 : i32
    %dma_start3A_43 = arith.constant 2 : i32
    %dma_start3A_44 = arith.constant 0 : i32
    %dma_start3A_45 = arith.constant 0 : i32
    %dma_start3A_46 = tpu.memref_slice %arg8[%dma_start3A_43, %dma_start3A_44, %dma_start3A_45] : memref<8x128x64xf32, #tpu.memory_space<vmem>> -> memref<1x128x64xf32, #tpu.memory_space<vmem>>
    %dma_start3A_47 = tpu.memref_squeeze %dma_start3A_46 : memref<1x128x64xf32, #tpu.memory_space<vmem>> -> memref<128x64xf32, #tpu.memory_space<vmem>>
    %dma_start3A_48 = arith.constant 0 : i32
    %dma_start3A_49 = tpu.memref_slice %arg6[%dma_start3A_42, %dma_start3A_48] : memref<80x128xi32, #tpu.memory_space<vmem>> -> memref<1x128xi32, #tpu.memory_space<vmem>>
    %dma_start3A_50 = tpu.memref_squeeze %dma_start3A_49 : memref<1x128xi32, #tpu.memory_space<vmem>> -> memref<128xi32, #tpu.memory_space<vmem>>
    %dma_start3A_51 = arith.constant 0 : i32
    %dma_start3A_52 = arith.constant 0 : i32
    %dma_start3A_53 = tpu.memref_slice %arg2[%dma_start3A_51, %dma_start3A_52] : memref<10240x64xf32, #tpu.memory_space<hbm>> -> memref<10240x64xf32, #tpu.memory_space<hbm>>
    tpu.enqueue_indirect_dma source(%dma_start3A_53 : memref<10240x64xf32, #tpu.memory_space<hbm>>) target(%dma_start3A_47 : memref<128x64xf32, #tpu.memory_space<vmem>>) offsets(%dma_start3A_50 : memref<128xi32, #tpu.memory_space<vmem>>) semaphore(%arg13 : memref<!tpu.dma_semaphore, #tpu.memory_space<semaphore_mem>>)
    %dma_start3A_54 = arith.constant 3 : i32
    %dma_start3A_55 = arith.constant 3 : i32
    %dma_start3A_56 = arith.constant 0 : i32
    %dma_start3A_57 = arith.constant 0 : i32
    %dma_start3A_58 = tpu.memref_slice %arg8[%dma_start3A_55, %dma_start3A_56, %dma_start3A_57] : memref<8x128x64xf32, #tpu.memory_space<vmem>> -> memref<1x128x64xf32, #tpu.memory_space<vmem>>
    %dma_start3A_59 = tpu.memref_squeeze %dma_start3A_58 : memref<1x128x64xf32, #tpu.memory_space<vmem>> -> memref<128x64xf32, #tpu.memory_space<vmem>>
    %dma_start3A_60 = arith.constant 0 : i32
    %dma_start3A_61 = tpu.memref_slice %arg6[%dma_start3A_54, %dma_start3A_60] : memref<80x128xi32, #tpu.memory_space<vmem>> -> memref<1x128xi32, #tpu.memory_space<vmem>>
    %dma_start3A_62 = tpu.memref_squeeze %dma_start3A_61 : memref<1x128xi32, #tpu.memory_space<vmem>> -> memref<128xi32, #tpu.memory_space<vmem>>
    %dma_start3A_63 = arith.constant 0 : i32
    %dma_start3A_64 = arith.constant 0 : i32
    %dma_start3A_65 = tpu.memref_slice %arg2[%dma_start3A_63, %dma_start3A_64] : memref<10240x64xf32, #tpu.memory_space<hbm>> -> memref<10240x64xf32, #tpu.memory_space<hbm>>
    tpu.enqueue_indirect_dma source(%dma_start3A_65 : memref<10240x64xf32, #tpu.memory_space<hbm>>) target(%dma_start3A_59 : memref<128x64xf32, #tpu.memory_space<vmem>>) offsets(%dma_start3A_62 : memref<128xi32, #tpu.memory_space<vmem>>) semaphore(%arg14 : memref<!tpu.dma_semaphore, #tpu.memory_space<semaphore_mem>>)
    %dma_start3A_66 = arith.constant 4 : i32
    %dma_start3A_67 = arith.constant 4 : i32
    %dma_start3A_68 = arith.constant 0 : i32
    %dma_start3A_69 = arith.constant 0 : i32
    %dma_start3A_70 = tpu.memref_slice %arg8[%dma_start3A_67, %dma_start3A_68, %dma_start3A_69] : memref<8x128x64xf32, #tpu.memory_space<vmem>> -> memref<1x128x64xf32, #tpu.memory_space<vmem>>
    %dma_start3A_71 = tpu.memref_squeeze %dma_start3A_70 : memref<1x128x64xf32, #tpu.memory_space<vmem>> -> memref<128x64xf32, #tpu.memory_space<vmem>>
    %dma_start3A_72 = arith.constant 0 : i32
    %dma_start3A_73 = tpu.memref_slice %arg6[%dma_start3A_66, %dma_start3A_72] : memref<80x128xi32, #tpu.memory_space<vmem>> -> memref<1x128xi32, #tpu.memory_space<vmem>>
    %dma_start3A_74 = tpu.memref_squeeze %dma_start3A_73 : memref<1x128xi32, #tpu.memory_space<vmem>> -> memref<128xi32, #tpu.memory_space<vmem>>
    %dma_start3A_75 = arith.constant 0 : i32
    %dma_start3A_76 = arith.constant 0 : i32
    %dma_start3A_77 = tpu.memref_slice %arg2[%dma_start3A_75, %dma_start3A_76] : memref<10240x64xf32, #tpu.memory_space<hbm>> -> memref<10240x64xf32, #tpu.memory_space<hbm>>
    tpu.enqueue_indirect_dma source(%dma_start3A_77 : memref<10240x64xf32, #tpu.memory_space<hbm>>) target(%dma_start3A_71 : memref<128x64xf32, #tpu.memory_space<vmem>>) offsets(%dma_start3A_74 : memref<128xi32, #tpu.memory_space<vmem>>) semaphore(%arg15 : memref<!tpu.dma_semaphore, #tpu.memory_space<semaphore_mem>>)
    %dma_start3A_78 = arith.constant 5 : i32
    %dma_start3A_79 = arith.constant 5 : i32
    %dma_start3A_80 = arith.constant 0 : i32
    %dma_start3A_81 = arith.constant 0 : i32
    %dma_start3A_82 = tpu.memref_slice %arg8[%dma_start3A_79, %dma_start3A_80, %dma_start3A_81] : memref<8x128x64xf32, #tpu.memory_space<vmem>> -> memref<1x128x64xf32, #tpu.memory_space<vmem>>
    %dma_start3A_83 = tpu.memref_squeeze %dma_start3A_82 : memref<1x128x64xf32, #tpu.memory_space<vmem>> -> memref<128x64xf32, #tpu.memory_space<vmem>>
    %dma_start3A_84 = arith.constant 0 : i32
    %dma_start3A_85 = tpu.memref_slice %arg6[%dma_start3A_78, %dma_start3A_84] : memref<80x128xi32, #tpu.memory_space<vmem>> -> memref<1x128xi32, #tpu.memory_space<vmem>>
    %dma_start3A_86 = tpu.memref_squeeze %dma_start3A_85 : memref<1x128xi32, #tpu.memory_space<vmem>> -> memref<128xi32, #tpu.memory_space<vmem>>
    %dma_start3A_87 = arith.constant 0 : i32
    %dma_start3A_88 = arith.constant 0 : i32
    %dma_start3A_89 = tpu.memref_slice %arg2[%dma_start3A_87, %dma_start3A_88] : memref<10240x64xf32, #tpu.memory_space<hbm>> -> memref<10240x64xf32, #tpu.memory_space<hbm>>
    tpu.enqueue_indirect_dma source(%dma_start3A_89 : memref<10240x64xf32, #tpu.memory_space<hbm>>) target(%dma_start3A_83 : memref<128x64xf32, #tpu.memory_space<vmem>>) offsets(%dma_start3A_86 : memref<128xi32, #tpu.memory_space<vmem>>) semaphore(%arg16 : memref<!tpu.dma_semaphore, #tpu.memory_space<semaphore_mem>>)
    %scan3A_90 = arith.constant 0 : i32
    %scan3A_91 = arith.constant 0 : i32
    %scan3A_92 = arith.constant 10 : i32
    %scan3A_93 = arith.addi %scan3A_91, %scan3A_92 : i32
    %scan3A_94 = arith.constant 1 : i32
    %scan3A_95 = scf.for %scan3A_125 = %scan3A_91 to %scan3A_93 step %scan3A_94 iter_args(%scan3A_126 = %scan3A_90) -> (i32)  : i32 {
      %mul3A_127 = arith.constant 8 : i32
      %mul3A_128 = arith.muli %scan3A_125, %mul3A_127 : i32
      %gt3A = arith.constant 0 : i32
      %gt3A_129 = arith.cmpi sgt, %scan3A_125, %gt3A : i32
      %convert_element_type3A = arith.extui %gt3A_129 : i1 to i32
      %cond3A = arith.constant 0 : i32
      %cond3A_130 = arith.cmpi ne, %convert_element_type3A, %cond3A : i32
      scf.if %cond3A_130 {
        %dma_wait3A_499 = arith.constant 6 : i32
        %dma_wait3A_500 = arith.constant 0 : i32
        %dma_wait3A_501 = arith.constant 0 : i32
        %dma_wait3A_502 = arith.constant 0 : i32
        %dma_wait3A_503 = tpu.memref_slice %arg8[%dma_wait3A_499, %dma_wait3A_501, %dma_wait3A_502] : memref<8x128x64xf32, #tpu.memory_space<vmem>> -> memref<1x128x64xf32, #tpu.memory_space<vmem>>
        %dma_wait3A_504 = tpu.memref_squeeze %dma_wait3A_503 : memref<1x128x64xf32, #tpu.memory_space<vmem>> -> memref<128x64xf32, #tpu.memory_space<vmem>>
        %dma_wait3A_505 = arith.constant 0 : i32
        %dma_wait3A_506 = tpu.memref_slice %arg7[%dma_wait3A_500, %dma_wait3A_505] : memref<80x128xi32, #tpu.memory_space<vmem>> -> memref<1x128xi32, #tpu.memory_space<vmem>>
        %dma_wait3A_507 = tpu.memref_squeeze %dma_wait3A_506 : memref<1x128xi32, #tpu.memory_space<vmem>> -> memref<128xi32, #tpu.memory_space<vmem>>
        %dma_wait3A_508 = arith.constant 0 : i32
        %dma_wait3A_509 = arith.constant 0 : i32
        %dma_wait3A_510 = tpu.memref_slice %arg10[%dma_wait3A_508, %dma_wait3A_509] : memref<10240x64xf32, #tpu.memory_space<vmem_shared>> -> memref<10240x64xf32, #tpu.memory_space<vmem_shared>>
        tpu.wait_indirect_dma semaphore(%arg25 : memref<!tpu.dma_semaphore, #tpu.memory_space<semaphore_mem>>) src(%dma_wait3A_504 : memref<128x64xf32, #tpu.memory_space<vmem>>) dst(%dma_wait3A_510 : memref<10240x64xf32, #tpu.memory_space<vmem_shared>>)
      } else {
      }
      %add3A_131 = arith.constant 8 : i32
      %add3A_132 = arith.addi %mul3A_128, %add3A_131 : i32
      %sub3A = arith.constant 2 : i32
      %sub3A_133 = arith.subi %add3A_132, %sub3A : i32
      %add3A_134 = arith.constant 0 : i32
      %add3A_135 = arith.addi %sub3A_133, %add3A_134 : i32
      %dma_start3A_136 = arith.constant 6 : i32
      %dma_start3A_137 = arith.constant 0 : i32
      %dma_start3A_138 = arith.constant 0 : i32
      %dma_start3A_139 = tpu.memref_slice %arg8[%dma_start3A_136, %dma_start3A_137, %dma_start3A_138] : memref<8x128x64xf32, #tpu.memory_space<vmem>> -> memref<1x128x64xf32, #tpu.memory_space<vmem>>
      %dma_start3A_140 = tpu.memref_squeeze %dma_start3A_139 : memref<1x128x64xf32, #tpu.memory_space<vmem>> -> memref<128x64xf32, #tpu.memory_space<vmem>>
      %dma_start3A_141 = arith.constant 0 : i32
      %dma_start3A_142 = tpu.memref_slice %arg6[%add3A_135, %dma_start3A_141] : memref<80x128xi32, #tpu.memory_space<vmem>> -> memref<1x128xi32, #tpu.memory_space<vmem>>
      %dma_start3A_143 = tpu.memref_squeeze %dma_start3A_142 : memref<1x128xi32, #tpu.memory_space<vmem>> -> memref<128xi32, #tpu.memory_space<vmem>>
      %dma_start3A_144 = arith.constant 0 : i32
      %dma_start3A_145 = arith.constant 0 : i32
      %dma_start3A_146 = tpu.memref_slice %arg2[%dma_start3A_144, %dma_start3A_145] : memref<10240x64xf32, #tpu.memory_space<hbm>> -> memref<10240x64xf32, #tpu.memory_space<hbm>>
      tpu.enqueue_indirect_dma source(%dma_start3A_146 : memref<10240x64xf32, #tpu.memory_space<hbm>>) target(%dma_start3A_140 : memref<128x64xf32, #tpu.memory_space<vmem>>) offsets(%dma_start3A_143 : memref<128xi32, #tpu.memory_space<vmem>>) semaphore(%arg17 : memref<!tpu.dma_semaphore, #tpu.memory_space<semaphore_mem>>)
      %add3A_147 = arith.constant 0 : i32
      %add3A_148 = arith.addi %mul3A_128, %add3A_147 : i32
      %dma_wait3A_149 = arith.constant 0 : i32
      %dma_wait3A_150 = arith.constant 0 : i32
      %dma_wait3A_151 = arith.constant 0 : i32
      %dma_wait3A_152 = tpu.memref_slice %arg8[%dma_wait3A_149, %dma_wait3A_150, %dma_wait3A_151] : memref<8x128x64xf32, #tpu.memory_space<vmem>> -> memref<1x128x64xf32, #tpu.memory_space<vmem>>
      %dma_wait3A_153 = tpu.memref_squeeze %dma_wait3A_152 : memref<1x128x64xf32, #tpu.memory_space<vmem>> -> memref<128x64xf32, #tpu.memory_space<vmem>>
      %dma_wait3A_154 = arith.constant 0 : i32
      %dma_wait3A_155 = tpu.memref_slice %arg6[%add3A_148, %dma_wait3A_154] : memref<80x128xi32, #tpu.memory_space<vmem>> -> memref<1x128xi32, #tpu.memory_space<vmem>>
      %dma_wait3A_156 = tpu.memref_squeeze %dma_wait3A_155 : memref<1x128xi32, #tpu.memory_space<vmem>> -> memref<128xi32, #tpu.memory_space<vmem>>
      %dma_wait3A_157 = arith.constant 0 : i32
      %dma_wait3A_158 = arith.constant 0 : i32
      %dma_wait3A_159 = tpu.memref_slice %arg2[%dma_wait3A_157, %dma_wait3A_158] : memref<10240x64xf32, #tpu.memory_space<hbm>> -> memref<10240x64xf32, #tpu.memory_space<hbm>>
      tpu.wait_indirect_dma semaphore(%arg11 : memref<!tpu.dma_semaphore, #tpu.memory_space<semaphore_mem>>) src(%dma_wait3A_159 : memref<10240x64xf32, #tpu.memory_space<hbm>>) dst(%dma_wait3A_153 : memref<128x64xf32, #tpu.memory_space<vmem>>)
      %dma_start3A_160 = arith.constant 0 : i32
      %dma_start3A_161 = arith.constant 0 : i32
      %dma_start3A_162 = arith.constant 0 : i32
      %dma_start3A_163 = tpu.memref_slice %arg8[%dma_start3A_160, %dma_start3A_161, %dma_start3A_162] : memref<8x128x64xf32, #tpu.memory_space<vmem>> -> memref<1x128x64xf32, #tpu.memory_space<vmem>>
      %dma_start3A_164 = tpu.memref_squeeze %dma_start3A_163 : memref<1x128x64xf32, #tpu.memory_space<vmem>> -> memref<128x64xf32, #tpu.memory_space<vmem>>
      %dma_start3A_165 = arith.constant 0 : i32
      %dma_start3A_166 = tpu.memref_slice %arg7[%add3A_148, %dma_start3A_165] : memref<80x128xi32, #tpu.memory_space<vmem>> -> memref<1x128xi32, #tpu.memory_space<vmem>>
      %dma_start3A_167 = tpu.memref_squeeze %dma_start3A_166 : memref<1x128xi32, #tpu.memory_space<vmem>> -> memref<128xi32, #tpu.memory_space<vmem>>
      %dma_start3A_168 = arith.constant 0 : i32
      %dma_start3A_169 = arith.constant 0 : i32
      %dma_start3A_170 = tpu.memref_slice %arg10[%dma_start3A_168, %dma_start3A_169] : memref<10240x64xf32, #tpu.memory_space<vmem_shared>> -> memref<10240x64xf32, #tpu.memory_space<vmem_shared>>
      tpu.enqueue_indirect_dma source(%dma_start3A_164 : memref<128x64xf32, #tpu.memory_space<vmem>>) target(%dma_start3A_170 : memref<10240x64xf32, #tpu.memory_space<vmem_shared>>) offsets(%dma_start3A_167 : memref<128xi32, #tpu.memory_space<vmem>>) semaphore(%arg19 : memref<!tpu.dma_semaphore, #tpu.memory_space<semaphore_mem>>) {add = true}
      %gt3A_171 = arith.constant 0 : i32
      %gt3A_172 = arith.cmpi sgt, %scan3A_125, %gt3A_171 : i32
      %convert_element_type3A_173 = arith.extui %gt3A_172 : i1 to i32
      %cond3A_174 = arith.constant 0 : i32
      %cond3A_175 = arith.cmpi ne, %convert_element_type3A_173, %cond3A_174 : i32
      scf.if %cond3A_175 {
        %dma_wait3A_499 = arith.constant 7 : i32
        %dma_wait3A_500 = arith.constant 0 : i32
        %dma_wait3A_501 = arith.constant 0 : i32
        %dma_wait3A_502 = arith.constant 0 : i32
        %dma_wait3A_503 = tpu.memref_slice %arg8[%dma_wait3A_499, %dma_wait3A_501, %dma_wait3A_502] : memref<8x128x64xf32, #tpu.memory_space<vmem>> -> memref<1x128x64xf32, #tpu.memory_space<vmem>>
        %dma_wait3A_504 = tpu.memref_squeeze %dma_wait3A_503 : memref<1x128x64xf32, #tpu.memory_space<vmem>> -> memref<128x64xf32, #tpu.memory_space<vmem>>
        %dma_wait3A_505 = arith.constant 0 : i32
        %dma_wait3A_506 = tpu.memref_slice %arg7[%dma_wait3A_500, %dma_wait3A_505] : memref<80x128xi32, #tpu.memory_space<vmem>> -> memref<1x128xi32, #tpu.memory_space<vmem>>
        %dma_wait3A_507 = tpu.memref_squeeze %dma_wait3A_506 : memref<1x128xi32, #tpu.memory_space<vmem>> -> memref<128xi32, #tpu.memory_space<vmem>>
        %dma_wait3A_508 = arith.constant 0 : i32
        %dma_wait3A_509 = arith.constant 0 : i32
        %dma_wait3A_510 = tpu.memref_slice %arg10[%dma_wait3A_508, %dma_wait3A_509] : memref<10240x64xf32, #tpu.memory_space<vmem_shared>> -> memref<10240x64xf32, #tpu.memory_space<vmem_shared>>
        tpu.wait_indirect_dma semaphore(%arg26 : memref<!tpu.dma_semaphore, #tpu.memory_space<semaphore_mem>>) src(%dma_wait3A_504 : memref<128x64xf32, #tpu.memory_space<vmem>>) dst(%dma_wait3A_510 : memref<10240x64xf32, #tpu.memory_space<vmem_shared>>)
      } else {
      }
      %add3A_176 = arith.constant 8 : i32
      %add3A_177 = arith.addi %mul3A_128, %add3A_176 : i32
      %sub3A_178 = arith.constant 2 : i32
      %sub3A_179 = arith.subi %add3A_177, %sub3A_178 : i32
      %add3A_180 = arith.constant 1 : i32
      %add3A_181 = arith.addi %sub3A_179, %add3A_180 : i32
      %dma_start3A_182 = arith.constant 7 : i32
      %dma_start3A_183 = arith.constant 0 : i32
      %dma_start3A_184 = arith.constant 0 : i32
      %dma_start3A_185 = tpu.memref_slice %arg8[%dma_start3A_182, %dma_start3A_183, %dma_start3A_184] : memref<8x128x64xf32, #tpu.memory_space<vmem>> -> memref<1x128x64xf32, #tpu.memory_space<vmem>>
      %dma_start3A_186 = tpu.memref_squeeze %dma_start3A_185 : memref<1x128x64xf32, #tpu.memory_space<vmem>> -> memref<128x64xf32, #tpu.memory_space<vmem>>
      %dma_start3A_187 = arith.constant 0 : i32
      %dma_start3A_188 = tpu.memref_slice %arg6[%add3A_181, %dma_start3A_187] : memref<80x128xi32, #tpu.memory_space<vmem>> -> memref<1x128xi32, #tpu.memory_space<vmem>>
      %dma_start3A_189 = tpu.memref_squeeze %dma_start3A_188 : memref<1x128xi32, #tpu.memory_space<vmem>> -> memref<128xi32, #tpu.memory_space<vmem>>
      %dma_start3A_190 = arith.constant 0 : i32
      %dma_start3A_191 = arith.constant 0 : i32
      %dma_start3A_192 = tpu.memref_slice %arg2[%dma_start3A_190, %dma_start3A_191] : memref<10240x64xf32, #tpu.memory_space<hbm>> -> memref<10240x64xf32, #tpu.memory_space<hbm>>
      tpu.enqueue_indirect_dma source(%dma_start3A_192 : memref<10240x64xf32, #tpu.memory_space<hbm>>) target(%dma_start3A_186 : memref<128x64xf32, #tpu.memory_space<vmem>>) offsets(%dma_start3A_189 : memref<128xi32, #tpu.memory_space<vmem>>) semaphore(%arg18 : memref<!tpu.dma_semaphore, #tpu.memory_space<semaphore_mem>>)
      %add3A_193 = arith.constant 1 : i32
      %add3A_194 = arith.addi %mul3A_128, %add3A_193 : i32
      %dma_wait3A_195 = arith.constant 1 : i32
      %dma_wait3A_196 = arith.constant 0 : i32
      %dma_wait3A_197 = arith.constant 0 : i32
      %dma_wait3A_198 = tpu.memref_slice %arg8[%dma_wait3A_195, %dma_wait3A_196, %dma_wait3A_197] : memref<8x128x64xf32, #tpu.memory_space<vmem>> -> memref<1x128x64xf32, #tpu.memory_space<vmem>>
      %dma_wait3A_199 = tpu.memref_squeeze %dma_wait3A_198 : memref<1x128x64xf32, #tpu.memory_space<vmem>> -> memref<128x64xf32, #tpu.memory_space<vmem>>
      %dma_wait3A_200 = arith.constant 0 : i32
      %dma_wait3A_201 = tpu.memref_slice %arg6[%add3A_194, %dma_wait3A_200] : memref<80x128xi32, #tpu.memory_space<vmem>> -> memref<1x128xi32, #tpu.memory_space<vmem>>
      %dma_wait3A_202 = tpu.memref_squeeze %dma_wait3A_201 : memref<1x128xi32, #tpu.memory_space<vmem>> -> memref<128xi32, #tpu.memory_space<vmem>>
      %dma_wait3A_203 = arith.constant 0 : i32
      %dma_wait3A_204 = arith.constant 0 : i32
      %dma_wait3A_205 = tpu.memref_slice %arg2[%dma_wait3A_203, %dma_wait3A_204] : memref<10240x64xf32, #tpu.memory_space<hbm>> -> memref<10240x64xf32, #tpu.memory_space<hbm>>
      tpu.wait_indirect_dma semaphore(%arg12 : memref<!tpu.dma_semaphore, #tpu.memory_space<semaphore_mem>>) src(%dma_wait3A_205 : memref<10240x64xf32, #tpu.memory_space<hbm>>) dst(%dma_wait3A_199 : memref<128x64xf32, #tpu.memory_space<vmem>>)
      %dma_start3A_206 = arith.constant 1 : i32
      %dma_start3A_207 = arith.constant 0 : i32
      %dma_start3A_208 = arith.constant 0 : i32
      %dma_start3A_209 = tpu.memref_slice %arg8[%dma_start3A_206, %dma_start3A_207, %dma_start3A_208] : memref<8x128x64xf32, #tpu.memory_space<vmem>> -> memref<1x128x64xf32, #tpu.memory_space<vmem>>
      %dma_start3A_210 = tpu.memref_squeeze %dma_start3A_209 : memref<1x128x64xf32, #tpu.memory_space<vmem>> -> memref<128x64xf32, #tpu.memory_space<vmem>>
      %dma_start3A_211 = arith.constant 0 : i32
      %dma_start3A_212 = tpu.memref_slice %arg7[%add3A_194, %dma_start3A_211] : memref<80x128xi32, #tpu.memory_space<vmem>> -> memref<1x128xi32, #tpu.memory_space<vmem>>
      %dma_start3A_213 = tpu.memref_squeeze %dma_start3A_212 : memref<1x128xi32, #tpu.memory_space<vmem>> -> memref<128xi32, #tpu.memory_space<vmem>>
      %dma_start3A_214 = arith.constant 0 : i32
      %dma_start3A_215 = arith.constant 0 : i32
      %dma_start3A_216 = tpu.memref_slice %arg10[%dma_start3A_214, %dma_start3A_215] : memref<10240x64xf32, #tpu.memory_space<vmem_shared>> -> memref<10240x64xf32, #tpu.memory_space<vmem_shared>>
      tpu.enqueue_indirect_dma source(%dma_start3A_210 : memref<128x64xf32, #tpu.memory_space<vmem>>) target(%dma_start3A_216 : memref<10240x64xf32, #tpu.memory_space<vmem_shared>>) offsets(%dma_start3A_213 : memref<128xi32, #tpu.memory_space<vmem>>) semaphore(%arg20 : memref<!tpu.dma_semaphore, #tpu.memory_space<semaphore_mem>>) {add = true}
      %dma_wait3A_217 = arith.constant 0 : i32
      %dma_wait3A_218 = arith.constant 0 : i32
      %dma_wait3A_219 = arith.constant 0 : i32
      %dma_wait3A_220 = arith.constant 0 : i32
      %dma_wait3A_221 = tpu.memref_slice %arg8[%dma_wait3A_217, %dma_wait3A_219, %dma_wait3A_220] : memref<8x128x64xf32, #tpu.memory_space<vmem>> -> memref<1x128x64xf32, #tpu.memory_space<vmem>>
      %dma_wait3A_222 = tpu.memref_squeeze %dma_wait3A_221 : memref<1x128x64xf32, #tpu.memory_space<vmem>> -> memref<128x64xf32, #tpu.memory_space<vmem>>
      %dma_wait3A_223 = arith.constant 0 : i32
      %dma_wait3A_224 = tpu.memref_slice %arg7[%dma_wait3A_218, %dma_wait3A_223] : memref<80x128xi32, #tpu.memory_space<vmem>> -> memref<1x128xi32, #tpu.memory_space<vmem>>
      %dma_wait3A_225 = tpu.memref_squeeze %dma_wait3A_224 : memref<1x128xi32, #tpu.memory_space<vmem>> -> memref<128xi32, #tpu.memory_space<vmem>>
      %dma_wait3A_226 = arith.constant 0 : i32
      %dma_wait3A_227 = arith.constant 0 : i32
      %dma_wait3A_228 = tpu.memref_slice %arg10[%dma_wait3A_226, %dma_wait3A_227] : memref<10240x64xf32, #tpu.memory_space<vmem_shared>> -> memref<10240x64xf32, #tpu.memory_space<vmem_shared>>
      tpu.wait_indirect_dma semaphore(%arg19 : memref<!tpu.dma_semaphore, #tpu.memory_space<semaphore_mem>>) src(%dma_wait3A_222 : memref<128x64xf32, #tpu.memory_space<vmem>>) dst(%dma_wait3A_228 : memref<10240x64xf32, #tpu.memory_space<vmem_shared>>)
      %add3A_229 = arith.constant 8 : i32
      %add3A_230 = arith.addi %mul3A_128, %add3A_229 : i32
      %add3A_231 = arith.constant 2 : i32
      %add3A_232 = arith.addi %add3A_230, %add3A_231 : i32
      %sub3A_233 = arith.constant 2 : i32
      %sub3A_234 = arith.subi %add3A_232, %sub3A_233 : i32
      %lt3A = arith.constant 9 : i32
      %lt3A_235 = arith.cmpi slt, %scan3A_125, %lt3A : i32
      %convert_element_type3A_236 = arith.extui %lt3A_235 : i1 to i32
      %cond3A_237 = arith.constant 0 : i32
      %cond3A_238 = arith.cmpi ne, %convert_element_type3A_236, %cond3A_237 : i32
      scf.if %cond3A_238 {
        %dma_start3A_499 = arith.constant 0 : i32
        %dma_start3A_500 = arith.constant 0 : i32
        %dma_start3A_501 = arith.constant 0 : i32
        %dma_start3A_502 = tpu.memref_slice %arg8[%dma_start3A_499, %dma_start3A_500, %dma_start3A_501] : memref<8x128x64xf32, #tpu.memory_space<vmem>> -> memref<1x128x64xf32, #tpu.memory_space<vmem>>
        %dma_start3A_503 = tpu.memref_squeeze %dma_start3A_502 : memref<1x128x64xf32, #tpu.memory_space<vmem>> -> memref<128x64xf32, #tpu.memory_space<vmem>>
        %dma_start3A_504 = arith.constant 0 : i32
        %dma_start3A_505 = tpu.memref_slice %arg6[%sub3A_234, %dma_start3A_504] : memref<80x128xi32, #tpu.memory_space<vmem>> -> memref<1x128xi32, #tpu.memory_space<vmem>>
        %dma_start3A_506 = tpu.memref_squeeze %dma_start3A_505 : memref<1x128xi32, #tpu.memory_space<vmem>> -> memref<128xi32, #tpu.memory_space<vmem>>
        %dma_start3A_507 = arith.constant 0 : i32
        %dma_start3A_508 = arith.constant 0 : i32
        %dma_start3A_509 = tpu.memref_slice %arg2[%dma_start3A_507, %dma_start3A_508] : memref<10240x64xf32, #tpu.memory_space<hbm>> -> memref<10240x64xf32, #tpu.memory_space<hbm>>
        tpu.enqueue_indirect_dma source(%dma_start3A_509 : memref<10240x64xf32, #tpu.memory_space<hbm>>) target(%dma_start3A_503 : memref<128x64xf32, #tpu.memory_space<vmem>>) offsets(%dma_start3A_506 : memref<128xi32, #tpu.memory_space<vmem>>) semaphore(%arg11 : memref<!tpu.dma_semaphore, #tpu.memory_space<semaphore_mem>>)
      } else {
      }
      %add3A_239 = arith.constant 2 : i32
      %add3A_240 = arith.addi %mul3A_128, %add3A_239 : i32
      %dma_wait3A_241 = arith.constant 2 : i32
      %dma_wait3A_242 = arith.constant 0 : i32
      %dma_wait3A_243 = arith.constant 0 : i32
      %dma_wait3A_244 = tpu.memref_slice %arg8[%dma_wait3A_241, %dma_wait3A_242, %dma_wait3A_243] : memref<8x128x64xf32, #tpu.memory_space<vmem>> -> memref<1x128x64xf32, #tpu.memory_space<vmem>>
      %dma_wait3A_245 = tpu.memref_squeeze %dma_wait3A_244 : memref<1x128x64xf32, #tpu.memory_space<vmem>> -> memref<128x64xf32, #tpu.memory_space<vmem>>
      %dma_wait3A_246 = arith.constant 0 : i32
      %dma_wait3A_247 = tpu.memref_slice %arg6[%add3A_240, %dma_wait3A_246] : memref<80x128xi32, #tpu.memory_space<vmem>> -> memref<1x128xi32, #tpu.memory_space<vmem>>
      %dma_wait3A_248 = tpu.memref_squeeze %dma_wait3A_247 : memref<1x128xi32, #tpu.memory_space<vmem>> -> memref<128xi32, #tpu.memory_space<vmem>>
      %dma_wait3A_249 = arith.constant 0 : i32
      %dma_wait3A_250 = arith.constant 0 : i32
      %dma_wait3A_251 = tpu.memref_slice %arg2[%dma_wait3A_249, %dma_wait3A_250] : memref<10240x64xf32, #tpu.memory_space<hbm>> -> memref<10240x64xf32, #tpu.memory_space<hbm>>
      tpu.wait_indirect_dma semaphore(%arg13 : memref<!tpu.dma_semaphore, #tpu.memory_space<semaphore_mem>>) src(%dma_wait3A_251 : memref<10240x64xf32, #tpu.memory_space<hbm>>) dst(%dma_wait3A_245 : memref<128x64xf32, #tpu.memory_space<vmem>>)
      %dma_start3A_252 = arith.constant 2 : i32
      %dma_start3A_253 = arith.constant 0 : i32
      %dma_start3A_254 = arith.constant 0 : i32
      %dma_start3A_255 = tpu.memref_slice %arg8[%dma_start3A_252, %dma_start3A_253, %dma_start3A_254] : memref<8x128x64xf32, #tpu.memory_space<vmem>> -> memref<1x128x64xf32, #tpu.memory_space<vmem>>
      %dma_start3A_256 = tpu.memref_squeeze %dma_start3A_255 : memref<1x128x64xf32, #tpu.memory_space<vmem>> -> memref<128x64xf32, #tpu.memory_space<vmem>>
      %dma_start3A_257 = arith.constant 0 : i32
      %dma_start3A_258 = tpu.memref_slice %arg7[%add3A_240, %dma_start3A_257] : memref<80x128xi32, #tpu.memory_space<vmem>> -> memref<1x128xi32, #tpu.memory_space<vmem>>
      %dma_start3A_259 = tpu.memref_squeeze %dma_start3A_258 : memref<1x128xi32, #tpu.memory_space<vmem>> -> memref<128xi32, #tpu.memory_space<vmem>>
      %dma_start3A_260 = arith.constant 0 : i32
      %dma_start3A_261 = arith.constant 0 : i32
      %dma_start3A_262 = tpu.memref_slice %arg10[%dma_start3A_260, %dma_start3A_261] : memref<10240x64xf32, #tpu.memory_space<vmem_shared>> -> memref<10240x64xf32, #tpu.memory_space<vmem_shared>>
      tpu.enqueue_indirect_dma source(%dma_start3A_256 : memref<128x64xf32, #tpu.memory_space<vmem>>) target(%dma_start3A_262 : memref<10240x64xf32, #tpu.memory_space<vmem_shared>>) offsets(%dma_start3A_259 : memref<128xi32, #tpu.memory_space<vmem>>) semaphore(%arg21 : memref<!tpu.dma_semaphore, #tpu.memory_space<semaphore_mem>>) {add = true}
      %dma_wait3A_263 = arith.constant 1 : i32
      %dma_wait3A_264 = arith.constant 0 : i32
      %dma_wait3A_265 = arith.constant 0 : i32
      %dma_wait3A_266 = arith.constant 0 : i32
      %dma_wait3A_267 = tpu.memref_slice %arg8[%dma_wait3A_263, %dma_wait3A_265, %dma_wait3A_266] : memref<8x128x64xf32, #tpu.memory_space<vmem>> -> memref<1x128x64xf32, #tpu.memory_space<vmem>>
      %dma_wait3A_268 = tpu.memref_squeeze %dma_wait3A_267 : memref<1x128x64xf32, #tpu.memory_space<vmem>> -> memref<128x64xf32, #tpu.memory_space<vmem>>
      %dma_wait3A_269 = arith.constant 0 : i32
      %dma_wait3A_270 = tpu.memref_slice %arg7[%dma_wait3A_264, %dma_wait3A_269] : memref<80x128xi32, #tpu.memory_space<vmem>> -> memref<1x128xi32, #tpu.memory_space<vmem>>
      %dma_wait3A_271 = tpu.memref_squeeze %dma_wait3A_270 : memref<1x128xi32, #tpu.memory_space<vmem>> -> memref<128xi32, #tpu.memory_space<vmem>>
      %dma_wait3A_272 = arith.constant 0 : i32
      %dma_wait3A_273 = arith.constant 0 : i32
      %dma_wait3A_274 = tpu.memref_slice %arg10[%dma_wait3A_272, %dma_wait3A_273] : memref<10240x64xf32, #tpu.memory_space<vmem_shared>> -> memref<10240x64xf32, #tpu.memory_space<vmem_shared>>
      tpu.wait_indirect_dma semaphore(%arg20 : memref<!tpu.dma_semaphore, #tpu.memory_space<semaphore_mem>>) src(%dma_wait3A_268 : memref<128x64xf32, #tpu.memory_space<vmem>>) dst(%dma_wait3A_274 : memref<10240x64xf32, #tpu.memory_space<vmem_shared>>)
      %add3A_275 = arith.constant 8 : i32
      %add3A_276 = arith.addi %mul3A_128, %add3A_275 : i32
      %add3A_277 = arith.constant 3 : i32
      %add3A_278 = arith.addi %add3A_276, %add3A_277 : i32
      %sub3A_279 = arith.constant 2 : i32
      %sub3A_280 = arith.subi %add3A_278, %sub3A_279 : i32
      %lt3A_281 = arith.constant 9 : i32
      %lt3A_282 = arith.cmpi slt, %scan3A_125, %lt3A_281 : i32
      %convert_element_type3A_283 = arith.extui %lt3A_282 : i1 to i32
      %cond3A_284 = arith.constant 0 : i32
      %cond3A_285 = arith.cmpi ne, %convert_element_type3A_283, %cond3A_284 : i32
      scf.if %cond3A_285 {
        %dma_start3A_499 = arith.constant 1 : i32
        %dma_start3A_500 = arith.constant 0 : i32
        %dma_start3A_501 = arith.constant 0 : i32
        %dma_start3A_502 = tpu.memref_slice %arg8[%dma_start3A_499, %dma_start3A_500, %dma_start3A_501] : memref<8x128x64xf32, #tpu.memory_space<vmem>> -> memref<1x128x64xf32, #tpu.memory_space<vmem>>
        %dma_start3A_503 = tpu.memref_squeeze %dma_start3A_502 : memref<1x128x64xf32, #tpu.memory_space<vmem>> -> memref<128x64xf32, #tpu.memory_space<vmem>>
        %dma_start3A_504 = arith.constant 0 : i32
        %dma_start3A_505 = tpu.memref_slice %arg6[%sub3A_280, %dma_start3A_504] : memref<80x128xi32, #tpu.memory_space<vmem>> -> memref<1x128xi32, #tpu.memory_space<vmem>>
        %dma_start3A_506 = tpu.memref_squeeze %dma_start3A_505 : memref<1x128xi32, #tpu.memory_space<vmem>> -> memref<128xi32, #tpu.memory_space<vmem>>
        %dma_start3A_507 = arith.constant 0 : i32
        %dma_start3A_508 = arith.constant 0 : i32
        %dma_start3A_509 = tpu.memref_slice %arg2[%dma_start3A_507, %dma_start3A_508] : memref<10240x64xf32, #tpu.memory_space<hbm>> -> memref<10240x64xf32, #tpu.memory_space<hbm>>
        tpu.enqueue_indirect_dma source(%dma_start3A_509 : memref<10240x64xf32, #tpu.memory_space<hbm>>) target(%dma_start3A_503 : memref<128x64xf32, #tpu.memory_space<vmem>>) offsets(%dma_start3A_506 : memref<128xi32, #tpu.memory_space<vmem>>) semaphore(%arg12 : memref<!tpu.dma_semaphore, #tpu.memory_space<semaphore_mem>>)
      } else {
      }
      %add3A_286 = arith.constant 3 : i32
      %add3A_287 = arith.addi %mul3A_128, %add3A_286 : i32
      %dma_wait3A_288 = arith.constant 3 : i32
      %dma_wait3A_289 = arith.constant 0 : i32
      %dma_wait3A_290 = arith.constant 0 : i32
      %dma_wait3A_291 = tpu.memref_slice %arg8[%dma_wait3A_288, %dma_wait3A_289, %dma_wait3A_290] : memref<8x128x64xf32, #tpu.memory_space<vmem>> -> memref<1x128x64xf32, #tpu.memory_space<vmem>>
      %dma_wait3A_292 = tpu.memref_squeeze %dma_wait3A_291 : memref<1x128x64xf32, #tpu.memory_space<vmem>> -> memref<128x64xf32, #tpu.memory_space<vmem>>
      %dma_wait3A_293 = arith.constant 0 : i32
      %dma_wait3A_294 = tpu.memref_slice %arg6[%add3A_287, %dma_wait3A_293] : memref<80x128xi32, #tpu.memory_space<vmem>> -> memref<1x128xi32, #tpu.memory_space<vmem>>
      %dma_wait3A_295 = tpu.memref_squeeze %dma_wait3A_294 : memref<1x128xi32, #tpu.memory_space<vmem>> -> memref<128xi32, #tpu.memory_space<vmem>>
      %dma_wait3A_296 = arith.constant 0 : i32
      %dma_wait3A_297 = arith.constant 0 : i32
      %dma_wait3A_298 = tpu.memref_slice %arg2[%dma_wait3A_296, %dma_wait3A_297] : memref<10240x64xf32, #tpu.memory_space<hbm>> -> memref<10240x64xf32, #tpu.memory_space<hbm>>
      tpu.wait_indirect_dma semaphore(%arg14 : memref<!tpu.dma_semaphore, #tpu.memory_space<semaphore_mem>>) src(%dma_wait3A_298 : memref<10240x64xf32, #tpu.memory_space<hbm>>) dst(%dma_wait3A_292 : memref<128x64xf32, #tpu.memory_space<vmem>>)
      %dma_start3A_299 = arith.constant 3 : i32
      %dma_start3A_300 = arith.constant 0 : i32
      %dma_start3A_301 = arith.constant 0 : i32
      %dma_start3A_302 = tpu.memref_slice %arg8[%dma_start3A_299, %dma_start3A_300, %dma_start3A_301] : memref<8x128x64xf32, #tpu.memory_space<vmem>> -> memref<1x128x64xf32, #tpu.memory_space<vmem>>
      %dma_start3A_303 = tpu.memref_squeeze %dma_start3A_302 : memref<1x128x64xf32, #tpu.memory_space<vmem>> -> memref<128x64xf32, #tpu.memory_space<vmem>>
      %dma_start3A_304 = arith.constant 0 : i32
      %dma_start3A_305 = tpu.memref_slice %arg7[%add3A_287, %dma_start3A_304] : memref<80x128xi32, #tpu.memory_space<vmem>> -> memref<1x128xi32, #tpu.memory_space<vmem>>
      %dma_start3A_306 = tpu.memref_squeeze %dma_start3A_305 : memref<1x128xi32, #tpu.memory_space<vmem>> -> memref<128xi32, #tpu.memory_space<vmem>>
      %dma_start3A_307 = arith.constant 0 : i32
      %dma_start3A_308 = arith.constant 0 : i32
      %dma_start3A_309 = tpu.memref_slice %arg10[%dma_start3A_307, %dma_start3A_308] : memref<10240x64xf32, #tpu.memory_space<vmem_shared>> -> memref<10240x64xf32, #tpu.memory_space<vmem_shared>>
      tpu.enqueue_indirect_dma source(%dma_start3A_303 : memref<128x64xf32, #tpu.memory_space<vmem>>) target(%dma_start3A_309 : memref<10240x64xf32, #tpu.memory_space<vmem_shared>>) offsets(%dma_start3A_306 : memref<128xi32, #tpu.memory_space<vmem>>) semaphore(%arg22 : memref<!tpu.dma_semaphore, #tpu.memory_space<semaphore_mem>>) {add = true}
      %dma_wait3A_310 = arith.constant 2 : i32
      %dma_wait3A_311 = arith.constant 0 : i32
      %dma_wait3A_312 = arith.constant 0 : i32
      %dma_wait3A_313 = arith.constant 0 : i32
      %dma_wait3A_314 = tpu.memref_slice %arg8[%dma_wait3A_310, %dma_wait3A_312, %dma_wait3A_313] : memref<8x128x64xf32, #tpu.memory_space<vmem>> -> memref<1x128x64xf32, #tpu.memory_space<vmem>>
      %dma_wait3A_315 = tpu.memref_squeeze %dma_wait3A_314 : memref<1x128x64xf32, #tpu.memory_space<vmem>> -> memref<128x64xf32, #tpu.memory_space<vmem>>
      %dma_wait3A_316 = arith.constant 0 : i32
      %dma_wait3A_317 = tpu.memref_slice %arg7[%dma_wait3A_311, %dma_wait3A_316] : memref<80x128xi32, #tpu.memory_space<vmem>> -> memref<1x128xi32, #tpu.memory_space<vmem>>
      %dma_wait3A_318 = tpu.memref_squeeze %dma_wait3A_317 : memref<1x128xi32, #tpu.memory_space<vmem>> -> memref<128xi32, #tpu.memory_space<vmem>>
      %dma_wait3A_319 = arith.constant 0 : i32
      %dma_wait3A_320 = arith.constant 0 : i32
      %dma_wait3A_321 = tpu.memref_slice %arg10[%dma_wait3A_319, %dma_wait3A_320] : memref<10240x64xf32, #tpu.memory_space<vmem_shared>> -> memref<10240x64xf32, #tpu.memory_space<vmem_shared>>
      tpu.wait_indirect_dma semaphore(%arg21 : memref<!tpu.dma_semaphore, #tpu.memory_space<semaphore_mem>>) src(%dma_wait3A_315 : memref<128x64xf32, #tpu.memory_space<vmem>>) dst(%dma_wait3A_321 : memref<10240x64xf32, #tpu.memory_space<vmem_shared>>)
      %add3A_322 = arith.constant 8 : i32
      %add3A_323 = arith.addi %mul3A_128, %add3A_322 : i32
      %add3A_324 = arith.constant 4 : i32
      %add3A_325 = arith.addi %add3A_323, %add3A_324 : i32
      %sub3A_326 = arith.constant 2 : i32
      %sub3A_327 = arith.subi %add3A_325, %sub3A_326 : i32
      %lt3A_328 = arith.constant 9 : i32
      %lt3A_329 = arith.cmpi slt, %scan3A_125, %lt3A_328 : i32
      %convert_element_type3A_330 = arith.extui %lt3A_329 : i1 to i32
      %cond3A_331 = arith.constant 0 : i32
      %cond3A_332 = arith.cmpi ne, %convert_element_type3A_330, %cond3A_331 : i32
      scf.if %cond3A_332 {
        %dma_start3A_499 = arith.constant 2 : i32
        %dma_start3A_500 = arith.constant 0 : i32
        %dma_start3A_501 = arith.constant 0 : i32
        %dma_start3A_502 = tpu.memref_slice %arg8[%dma_start3A_499, %dma_start3A_500, %dma_start3A_501] : memref<8x128x64xf32, #tpu.memory_space<vmem>> -> memref<1x128x64xf32, #tpu.memory_space<vmem>>
        %dma_start3A_503 = tpu.memref_squeeze %dma_start3A_502 : memref<1x128x64xf32, #tpu.memory_space<vmem>> -> memref<128x64xf32, #tpu.memory_space<vmem>>
        %dma_start3A_504 = arith.constant 0 : i32
        %dma_start3A_505 = tpu.memref_slice %arg6[%sub3A_327, %dma_start3A_504] : memref<80x128xi32, #tpu.memory_space<vmem>> -> memref<1x128xi32, #tpu.memory_space<vmem>>
        %dma_start3A_506 = tpu.memref_squeeze %dma_start3A_505 : memref<1x128xi32, #tpu.memory_space<vmem>> -> memref<128xi32, #tpu.memory_space<vmem>>
        %dma_start3A_507 = arith.constant 0 : i32
        %dma_start3A_508 = arith.constant 0 : i32
        %dma_start3A_509 = tpu.memref_slice %arg2[%dma_start3A_507, %dma_start3A_508] : memref<10240x64xf32, #tpu.memory_space<hbm>> -> memref<10240x64xf32, #tpu.memory_space<hbm>>
        tpu.enqueue_indirect_dma source(%dma_start3A_509 : memref<10240x64xf32, #tpu.memory_space<hbm>>) target(%dma_start3A_503 : memref<128x64xf32, #tpu.memory_space<vmem>>) offsets(%dma_start3A_506 : memref<128xi32, #tpu.memory_space<vmem>>) semaphore(%arg13 : memref<!tpu.dma_semaphore, #tpu.memory_space<semaphore_mem>>)
      } else {
      }
      %add3A_333 = arith.constant 4 : i32
      %add3A_334 = arith.addi %mul3A_128, %add3A_333 : i32
      %dma_wait3A_335 = arith.constant 4 : i32
      %dma_wait3A_336 = arith.constant 0 : i32
      %dma_wait3A_337 = arith.constant 0 : i32
      %dma_wait3A_338 = tpu.memref_slice %arg8[%dma_wait3A_335, %dma_wait3A_336, %dma_wait3A_337] : memref<8x128x64xf32, #tpu.memory_space<vmem>> -> memref<1x128x64xf32, #tpu.memory_space<vmem>>
      %dma_wait3A_339 = tpu.memref_squeeze %dma_wait3A_338 : memref<1x128x64xf32, #tpu.memory_space<vmem>> -> memref<128x64xf32, #tpu.memory_space<vmem>>
      %dma_wait3A_340 = arith.constant 0 : i32
      %dma_wait3A_341 = tpu.memref_slice %arg6[%add3A_334, %dma_wait3A_340] : memref<80x128xi32, #tpu.memory_space<vmem>> -> memref<1x128xi32, #tpu.memory_space<vmem>>
      %dma_wait3A_342 = tpu.memref_squeeze %dma_wait3A_341 : memref<1x128xi32, #tpu.memory_space<vmem>> -> memref<128xi32, #tpu.memory_space<vmem>>
      %dma_wait3A_343 = arith.constant 0 : i32
      %dma_wait3A_344 = arith.constant 0 : i32
      %dma_wait3A_345 = tpu.memref_slice %arg2[%dma_wait3A_343, %dma_wait3A_344] : memref<10240x64xf32, #tpu.memory_space<hbm>> -> memref<10240x64xf32, #tpu.memory_space<hbm>>
      tpu.wait_indirect_dma semaphore(%arg15 : memref<!tpu.dma_semaphore, #tpu.memory_space<semaphore_mem>>) src(%dma_wait3A_345 : memref<10240x64xf32, #tpu.memory_space<hbm>>) dst(%dma_wait3A_339 : memref<128x64xf32, #tpu.memory_space<vmem>>)
      %dma_start3A_346 = arith.constant 4 : i32
      %dma_start3A_347 = arith.constant 0 : i32
      %dma_start3A_348 = arith.constant 0 : i32
      %dma_start3A_349 = tpu.memref_slice %arg8[%dma_start3A_346, %dma_start3A_347, %dma_start3A_348] : memref<8x128x64xf32, #tpu.memory_space<vmem>> -> memref<1x128x64xf32, #tpu.memory_space<vmem>>
      %dma_start3A_350 = tpu.memref_squeeze %dma_start3A_349 : memref<1x128x64xf32, #tpu.memory_space<vmem>> -> memref<128x64xf32, #tpu.memory_space<vmem>>
      %dma_start3A_351 = arith.constant 0 : i32
      %dma_start3A_352 = tpu.memref_slice %arg7[%add3A_334, %dma_start3A_351] : memref<80x128xi32, #tpu.memory_space<vmem>> -> memref<1x128xi32, #tpu.memory_space<vmem>>
      %dma_start3A_353 = tpu.memref_squeeze %dma_start3A_352 : memref<1x128xi32, #tpu.memory_space<vmem>> -> memref<128xi32, #tpu.memory_space<vmem>>
      %dma_start3A_354 = arith.constant 0 : i32
      %dma_start3A_355 = arith.constant 0 : i32
      %dma_start3A_356 = tpu.memref_slice %arg10[%dma_start3A_354, %dma_start3A_355] : memref<10240x64xf32, #tpu.memory_space<vmem_shared>> -> memref<10240x64xf32, #tpu.memory_space<vmem_shared>>
      tpu.enqueue_indirect_dma source(%dma_start3A_350 : memref<128x64xf32, #tpu.memory_space<vmem>>) target(%dma_start3A_356 : memref<10240x64xf32, #tpu.memory_space<vmem_shared>>) offsets(%dma_start3A_353 : memref<128xi32, #tpu.memory_space<vmem>>) semaphore(%arg23 : memref<!tpu.dma_semaphore, #tpu.memory_space<semaphore_mem>>) {add = true}
      %dma_wait3A_357 = arith.constant 3 : i32
      %dma_wait3A_358 = arith.constant 0 : i32
      %dma_wait3A_359 = arith.constant 0 : i32
      %dma_wait3A_360 = arith.constant 0 : i32
      %dma_wait3A_361 = tpu.memref_slice %arg8[%dma_wait3A_357, %dma_wait3A_359, %dma_wait3A_360] : memref<8x128x64xf32, #tpu.memory_space<vmem>> -> memref<1x128x64xf32, #tpu.memory_space<vmem>>
      %dma_wait3A_362 = tpu.memref_squeeze %dma_wait3A_361 : memref<1x128x64xf32, #tpu.memory_space<vmem>> -> memref<128x64xf32, #tpu.memory_space<vmem>>
      %dma_wait3A_363 = arith.constant 0 : i32
      %dma_wait3A_364 = tpu.memref_slice %arg7[%dma_wait3A_358, %dma_wait3A_363] : memref<80x128xi32, #tpu.memory_space<vmem>> -> memref<1x128xi32, #tpu.memory_space<vmem>>
      %dma_wait3A_365 = tpu.memref_squeeze %dma_wait3A_364 : memref<1x128xi32, #tpu.memory_space<vmem>> -> memref<128xi32, #tpu.memory_space<vmem>>
      %dma_wait3A_366 = arith.constant 0 : i32
      %dma_wait3A_367 = arith.constant 0 : i32
      %dma_wait3A_368 = tpu.memref_slice %arg10[%dma_wait3A_366, %dma_wait3A_367] : memref<10240x64xf32, #tpu.memory_space<vmem_shared>> -> memref<10240x64xf32, #tpu.memory_space<vmem_shared>>
      tpu.wait_indirect_dma semaphore(%arg22 : memref<!tpu.dma_semaphore, #tpu.memory_space<semaphore_mem>>) src(%dma_wait3A_362 : memref<128x64xf32, #tpu.memory_space<vmem>>) dst(%dma_wait3A_368 : memref<10240x64xf32, #tpu.memory_space<vmem_shared>>)
      %add3A_369 = arith.constant 8 : i32
      %add3A_370 = arith.addi %mul3A_128, %add3A_369 : i32
      %add3A_371 = arith.constant 5 : i32
      %add3A_372 = arith.addi %add3A_370, %add3A_371 : i32
      %sub3A_373 = arith.constant 2 : i32
      %sub3A_374 = arith.subi %add3A_372, %sub3A_373 : i32
      %lt3A_375 = arith.constant 9 : i32
      %lt3A_376 = arith.cmpi slt, %scan3A_125, %lt3A_375 : i32
      %convert_element_type3A_377 = arith.extui %lt3A_376 : i1 to i32
      %cond3A_378 = arith.constant 0 : i32
      %cond3A_379 = arith.cmpi ne, %convert_element_type3A_377, %cond3A_378 : i32
      scf.if %cond3A_379 {
        %dma_start3A_499 = arith.constant 3 : i32
        %dma_start3A_500 = arith.constant 0 : i32
        %dma_start3A_501 = arith.constant 0 : i32
        %dma_start3A_502 = tpu.memref_slice %arg8[%dma_start3A_499, %dma_start3A_500, %dma_start3A_501] : memref<8x128x64xf32, #tpu.memory_space<vmem>> -> memref<1x128x64xf32, #tpu.memory_space<vmem>>
        %dma_start3A_503 = tpu.memref_squeeze %dma_start3A_502 : memref<1x128x64xf32, #tpu.memory_space<vmem>> -> memref<128x64xf32, #tpu.memory_space<vmem>>
        %dma_start3A_504 = arith.constant 0 : i32
        %dma_start3A_505 = tpu.memref_slice %arg6[%sub3A_374, %dma_start3A_504] : memref<80x128xi32, #tpu.memory_space<vmem>> -> memref<1x128xi32, #tpu.memory_space<vmem>>
        %dma_start3A_506 = tpu.memref_squeeze %dma_start3A_505 : memref<1x128xi32, #tpu.memory_space<vmem>> -> memref<128xi32, #tpu.memory_space<vmem>>
        %dma_start3A_507 = arith.constant 0 : i32
        %dma_start3A_508 = arith.constant 0 : i32
        %dma_start3A_509 = tpu.memref_slice %arg2[%dma_start3A_507, %dma_start3A_508] : memref<10240x64xf32, #tpu.memory_space<hbm>> -> memref<10240x64xf32, #tpu.memory_space<hbm>>
        tpu.enqueue_indirect_dma source(%dma_start3A_509 : memref<10240x64xf32, #tpu.memory_space<hbm>>) target(%dma_start3A_503 : memref<128x64xf32, #tpu.memory_space<vmem>>) offsets(%dma_start3A_506 : memref<128xi32, #tpu.memory_space<vmem>>) semaphore(%arg14 : memref<!tpu.dma_semaphore, #tpu.memory_space<semaphore_mem>>)
      } else {
      }
      %add3A_380 = arith.constant 5 : i32
      %add3A_381 = arith.addi %mul3A_128, %add3A_380 : i32
      %dma_wait3A_382 = arith.constant 5 : i32
      %dma_wait3A_383 = arith.constant 0 : i32
      %dma_wait3A_384 = arith.constant 0 : i32
      %dma_wait3A_385 = tpu.memref_slice %arg8[%dma_wait3A_382, %dma_wait3A_383, %dma_wait3A_384] : memref<8x128x64xf32, #tpu.memory_space<vmem>> -> memref<1x128x64xf32, #tpu.memory_space<vmem>>
      %dma_wait3A_386 = tpu.memref_squeeze %dma_wait3A_385 : memref<1x128x64xf32, #tpu.memory_space<vmem>> -> memref<128x64xf32, #tpu.memory_space<vmem>>
      %dma_wait3A_387 = arith.constant 0 : i32
      %dma_wait3A_388 = tpu.memref_slice %arg6[%add3A_381, %dma_wait3A_387] : memref<80x128xi32, #tpu.memory_space<vmem>> -> memref<1x128xi32, #tpu.memory_space<vmem>>
      %dma_wait3A_389 = tpu.memref_squeeze %dma_wait3A_388 : memref<1x128xi32, #tpu.memory_space<vmem>> -> memref<128xi32, #tpu.memory_space<vmem>>
      %dma_wait3A_390 = arith.constant 0 : i32
      %dma_wait3A_391 = arith.constant 0 : i32
      %dma_wait3A_392 = tpu.memref_slice %arg2[%dma_wait3A_390, %dma_wait3A_391] : memref<10240x64xf32, #tpu.memory_space<hbm>> -> memref<10240x64xf32, #tpu.memory_space<hbm>>
      tpu.wait_indirect_dma semaphore(%arg16 : memref<!tpu.dma_semaphore, #tpu.memory_space<semaphore_mem>>) src(%dma_wait3A_392 : memref<10240x64xf32, #tpu.memory_space<hbm>>) dst(%dma_wait3A_386 : memref<128x64xf32, #tpu.memory_space<vmem>>)
      %dma_start3A_393 = arith.constant 5 : i32
      %dma_start3A_394 = arith.constant 0 : i32
      %dma_start3A_395 = arith.constant 0 : i32
      %dma_start3A_396 = tpu.memref_slice %arg8[%dma_start3A_393, %dma_start3A_394, %dma_start3A_395] : memref<8x128x64xf32, #tpu.memory_space<vmem>> -> memref<1x128x64xf32, #tpu.memory_space<vmem>>
      %dma_start3A_397 = tpu.memref_squeeze %dma_start3A_396 : memref<1x128x64xf32, #tpu.memory_space<vmem>> -> memref<128x64xf32, #tpu.memory_space<vmem>>
      %dma_start3A_398 = arith.constant 0 : i32
      %dma_start3A_399 = tpu.memref_slice %arg7[%add3A_381, %dma_start3A_398] : memref<80x128xi32, #tpu.memory_space<vmem>> -> memref<1x128xi32, #tpu.memory_space<vmem>>
      %dma_start3A_400 = tpu.memref_squeeze %dma_start3A_399 : memref<1x128xi32, #tpu.memory_space<vmem>> -> memref<128xi32, #tpu.memory_space<vmem>>
      %dma_start3A_401 = arith.constant 0 : i32
      %dma_start3A_402 = arith.constant 0 : i32
      %dma_start3A_403 = tpu.memref_slice %arg10[%dma_start3A_401, %dma_start3A_402] : memref<10240x64xf32, #tpu.memory_space<vmem_shared>> -> memref<10240x64xf32, #tpu.memory_space<vmem_shared>>
      tpu.enqueue_indirect_dma source(%dma_start3A_397 : memref<128x64xf32, #tpu.memory_space<vmem>>) target(%dma_start3A_403 : memref<10240x64xf32, #tpu.memory_space<vmem_shared>>) offsets(%dma_start3A_400 : memref<128xi32, #tpu.memory_space<vmem>>) semaphore(%arg24 : memref<!tpu.dma_semaphore, #tpu.memory_space<semaphore_mem>>) {add = true}
      %dma_wait3A_404 = arith.constant 4 : i32
      %dma_wait3A_405 = arith.constant 0 : i32
      %dma_wait3A_406 = arith.constant 0 : i32
      %dma_wait3A_407 = arith.constant 0 : i32
      %dma_wait3A_408 = tpu.memref_slice %arg8[%dma_wait3A_404, %dma_wait3A_406, %dma_wait3A_407] : memref<8x128x64xf32, #tpu.memory_space<vmem>> -> memref<1x128x64xf32, #tpu.memory_space<vmem>>
      %dma_wait3A_409 = tpu.memref_squeeze %dma_wait3A_408 : memref<1x128x64xf32, #tpu.memory_space<vmem>> -> memref<128x64xf32, #tpu.memory_space<vmem>>
      %dma_wait3A_410 = arith.constant 0 : i32
      %dma_wait3A_411 = tpu.memref_slice %arg7[%dma_wait3A_405, %dma_wait3A_410] : memref<80x128xi32, #tpu.memory_space<vmem>> -> memref<1x128xi32, #tpu.memory_space<vmem>>
      %dma_wait3A_412 = tpu.memref_squeeze %dma_wait3A_411 : memref<1x128xi32, #tpu.memory_space<vmem>> -> memref<128xi32, #tpu.memory_space<vmem>>
      %dma_wait3A_413 = arith.constant 0 : i32
      %dma_wait3A_414 = arith.constant 0 : i32
      %dma_wait3A_415 = tpu.memref_slice %arg10[%dma_wait3A_413, %dma_wait3A_414] : memref<10240x64xf32, #tpu.memory_space<vmem_shared>> -> memref<10240x64xf32, #tpu.memory_space<vmem_shared>>
      tpu.wait_indirect_dma semaphore(%arg23 : memref<!tpu.dma_semaphore, #tpu.memory_space<semaphore_mem>>) src(%dma_wait3A_409 : memref<128x64xf32, #tpu.memory_space<vmem>>) dst(%dma_wait3A_415 : memref<10240x64xf32, #tpu.memory_space<vmem_shared>>)
      %add3A_416 = arith.constant 8 : i32
      %add3A_417 = arith.addi %mul3A_128, %add3A_416 : i32
      %add3A_418 = arith.constant 6 : i32
      %add3A_419 = arith.addi %add3A_417, %add3A_418 : i32
      %sub3A_420 = arith.constant 2 : i32
      %sub3A_421 = arith.subi %add3A_419, %sub3A_420 : i32
      %lt3A_422 = arith.constant 9 : i32
      %lt3A_423 = arith.cmpi slt, %scan3A_125, %lt3A_422 : i32
      %convert_element_type3A_424 = arith.extui %lt3A_423 : i1 to i32
      %cond3A_425 = arith.constant 0 : i32
      %cond3A_426 = arith.cmpi ne, %convert_element_type3A_424, %cond3A_425 : i32
      scf.if %cond3A_426 {
        %dma_start3A_499 = arith.constant 4 : i32
        %dma_start3A_500 = arith.constant 0 : i32
        %dma_start3A_501 = arith.constant 0 : i32
        %dma_start3A_502 = tpu.memref_slice %arg8[%dma_start3A_499, %dma_start3A_500, %dma_start3A_501] : memref<8x128x64xf32, #tpu.memory_space<vmem>> -> memref<1x128x64xf32, #tpu.memory_space<vmem>>
        %dma_start3A_503 = tpu.memref_squeeze %dma_start3A_502 : memref<1x128x64xf32, #tpu.memory_space<vmem>> -> memref<128x64xf32, #tpu.memory_space<vmem>>
        %dma_start3A_504 = arith.constant 0 : i32
        %dma_start3A_505 = tpu.memref_slice %arg6[%sub3A_421, %dma_start3A_504] : memref<80x128xi32, #tpu.memory_space<vmem>> -> memref<1x128xi32, #tpu.memory_space<vmem>>
        %dma_start3A_506 = tpu.memref_squeeze %dma_start3A_505 : memref<1x128xi32, #tpu.memory_space<vmem>> -> memref<128xi32, #tpu.memory_space<vmem>>
        %dma_start3A_507 = arith.constant 0 : i32
        %dma_start3A_508 = arith.constant 0 : i32
        %dma_start3A_509 = tpu.memref_slice %arg2[%dma_start3A_507, %dma_start3A_508] : memref<10240x64xf32, #tpu.memory_space<hbm>> -> memref<10240x64xf32, #tpu.memory_space<hbm>>
        tpu.enqueue_indirect_dma source(%dma_start3A_509 : memref<10240x64xf32, #tpu.memory_space<hbm>>) target(%dma_start3A_503 : memref<128x64xf32, #tpu.memory_space<vmem>>) offsets(%dma_start3A_506 : memref<128xi32, #tpu.memory_space<vmem>>) semaphore(%arg15 : memref<!tpu.dma_semaphore, #tpu.memory_space<semaphore_mem>>)
      } else {
      }
      %add3A_427 = arith.constant 6 : i32
      %add3A_428 = arith.addi %mul3A_128, %add3A_427 : i32
      %dma_wait3A_429 = arith.constant 6 : i32
      %dma_wait3A_430 = arith.constant 0 : i32
      %dma_wait3A_431 = arith.constant 0 : i32
      %dma_wait3A_432 = tpu.memref_slice %arg8[%dma_wait3A_429, %dma_wait3A_430, %dma_wait3A_431] : memref<8x128x64xf32, #tpu.memory_space<vmem>> -> memref<1x128x64xf32, #tpu.memory_space<vmem>>
      %dma_wait3A_433 = tpu.memref_squeeze %dma_wait3A_432 : memref<1x128x64xf32, #tpu.memory_space<vmem>> -> memref<128x64xf32, #tpu.memory_space<vmem>>
      %dma_wait3A_434 = arith.constant 0 : i32
      %dma_wait3A_435 = tpu.memref_slice %arg6[%add3A_428, %dma_wait3A_434] : memref<80x128xi32, #tpu.memory_space<vmem>> -> memref<1x128xi32, #tpu.memory_space<vmem>>
      %dma_wait3A_436 = tpu.memref_squeeze %dma_wait3A_435 : memref<1x128xi32, #tpu.memory_space<vmem>> -> memref<128xi32, #tpu.memory_space<vmem>>
      %dma_wait3A_437 = arith.constant 0 : i32
      %dma_wait3A_438 = arith.constant 0 : i32
      %dma_wait3A_439 = tpu.memref_slice %arg2[%dma_wait3A_437, %dma_wait3A_438] : memref<10240x64xf32, #tpu.memory_space<hbm>> -> memref<10240x64xf32, #tpu.memory_space<hbm>>
      tpu.wait_indirect_dma semaphore(%arg17 : memref<!tpu.dma_semaphore, #tpu.memory_space<semaphore_mem>>) src(%dma_wait3A_439 : memref<10240x64xf32, #tpu.memory_space<hbm>>) dst(%dma_wait3A_433 : memref<128x64xf32, #tpu.memory_space<vmem>>)
      %dma_start3A_440 = arith.constant 6 : i32
      %dma_start3A_441 = arith.constant 0 : i32
      %dma_start3A_442 = arith.constant 0 : i32
      %dma_start3A_443 = tpu.memref_slice %arg8[%dma_start3A_440, %dma_start3A_441, %dma_start3A_442] : memref<8x128x64xf32, #tpu.memory_space<vmem>> -> memref<1x128x64xf32, #tpu.memory_space<vmem>>
      %dma_start3A_444 = tpu.memref_squeeze %dma_start3A_443 : memref<1x128x64xf32, #tpu.memory_space<vmem>> -> memref<128x64xf32, #tpu.memory_space<vmem>>
      %dma_start3A_445 = arith.constant 0 : i32
      %dma_start3A_446 = tpu.memref_slice %arg7[%add3A_428, %dma_start3A_445] : memref<80x128xi32, #tpu.memory_space<vmem>> -> memref<1x128xi32, #tpu.memory_space<vmem>>
      %dma_start3A_447 = tpu.memref_squeeze %dma_start3A_446 : memref<1x128xi32, #tpu.memory_space<vmem>> -> memref<128xi32, #tpu.memory_space<vmem>>
      %dma_start3A_448 = arith.constant 0 : i32
      %dma_start3A_449 = arith.constant 0 : i32
      %dma_start3A_450 = tpu.memref_slice %arg10[%dma_start3A_448, %dma_start3A_449] : memref<10240x64xf32, #tpu.memory_space<vmem_shared>> -> memref<10240x64xf32, #tpu.memory_space<vmem_shared>>
      tpu.enqueue_indirect_dma source(%dma_start3A_444 : memref<128x64xf32, #tpu.memory_space<vmem>>) target(%dma_start3A_450 : memref<10240x64xf32, #tpu.memory_space<vmem_shared>>) offsets(%dma_start3A_447 : memref<128xi32, #tpu.memory_space<vmem>>) semaphore(%arg25 : memref<!tpu.dma_semaphore, #tpu.memory_space<semaphore_mem>>) {add = true}
      %dma_wait3A_451 = arith.constant 5 : i32
      %dma_wait3A_452 = arith.constant 0 : i32
      %dma_wait3A_453 = arith.constant 0 : i32
      %dma_wait3A_454 = arith.constant 0 : i32
      %dma_wait3A_455 = tpu.memref_slice %arg8[%dma_wait3A_451, %dma_wait3A_453, %dma_wait3A_454] : memref<8x128x64xf32, #tpu.memory_space<vmem>> -> memref<1x128x64xf32, #tpu.memory_space<vmem>>
      %dma_wait3A_456 = tpu.memref_squeeze %dma_wait3A_455 : memref<1x128x64xf32, #tpu.memory_space<vmem>> -> memref<128x64xf32, #tpu.memory_space<vmem>>
      %dma_wait3A_457 = arith.constant 0 : i32
      %dma_wait3A_458 = tpu.memref_slice %arg7[%dma_wait3A_452, %dma_wait3A_457] : memref<80x128xi32, #tpu.memory_space<vmem>> -> memref<1x128xi32, #tpu.memory_space<vmem>>
      %dma_wait3A_459 = tpu.memref_squeeze %dma_wait3A_458 : memref<1x128xi32, #tpu.memory_space<vmem>> -> memref<128xi32, #tpu.memory_space<vmem>>
      %dma_wait3A_460 = arith.constant 0 : i32
      %dma_wait3A_461 = arith.constant 0 : i32
      %dma_wait3A_462 = tpu.memref_slice %arg10[%dma_wait3A_460, %dma_wait3A_461] : memref<10240x64xf32, #tpu.memory_space<vmem_shared>> -> memref<10240x64xf32, #tpu.memory_space<vmem_shared>>
      tpu.wait_indirect_dma semaphore(%arg24 : memref<!tpu.dma_semaphore, #tpu.memory_space<semaphore_mem>>) src(%dma_wait3A_456 : memref<128x64xf32, #tpu.memory_space<vmem>>) dst(%dma_wait3A_462 : memref<10240x64xf32, #tpu.memory_space<vmem_shared>>)
      %add3A_463 = arith.constant 8 : i32
      %add3A_464 = arith.addi %mul3A_128, %add3A_463 : i32
      %add3A_465 = arith.constant 7 : i32
      %add3A_466 = arith.addi %add3A_464, %add3A_465 : i32
      %sub3A_467 = arith.constant 2 : i32
      %sub3A_468 = arith.subi %add3A_466, %sub3A_467 : i32
      %lt3A_469 = arith.constant 9 : i32
      %lt3A_470 = arith.cmpi slt, %scan3A_125, %lt3A_469 : i32
      %convert_element_type3A_471 = arith.extui %lt3A_470 : i1 to i32
      %cond3A_472 = arith.constant 0 : i32
      %cond3A_473 = arith.cmpi ne, %convert_element_type3A_471, %cond3A_472 : i32
      scf.if %cond3A_473 {
        %dma_start3A_499 = arith.constant 5 : i32
        %dma_start3A_500 = arith.constant 0 : i32
        %dma_start3A_501 = arith.constant 0 : i32
        %dma_start3A_502 = tpu.memref_slice %arg8[%dma_start3A_499, %dma_start3A_500, %dma_start3A_501] : memref<8x128x64xf32, #tpu.memory_space<vmem>> -> memref<1x128x64xf32, #tpu.memory_space<vmem>>
        %dma_start3A_503 = tpu.memref_squeeze %dma_start3A_502 : memref<1x128x64xf32, #tpu.memory_space<vmem>> -> memref<128x64xf32, #tpu.memory_space<vmem>>
        %dma_start3A_504 = arith.constant 0 : i32
        %dma_start3A_505 = tpu.memref_slice %arg6[%sub3A_468, %dma_start3A_504] : memref<80x128xi32, #tpu.memory_space<vmem>> -> memref<1x128xi32, #tpu.memory_space<vmem>>
        %dma_start3A_506 = tpu.memref_squeeze %dma_start3A_505 : memref<1x128xi32, #tpu.memory_space<vmem>> -> memref<128xi32, #tpu.memory_space<vmem>>
        %dma_start3A_507 = arith.constant 0 : i32
        %dma_start3A_508 = arith.constant 0 : i32
        %dma_start3A_509 = tpu.memref_slice %arg2[%dma_start3A_507, %dma_start3A_508] : memref<10240x64xf32, #tpu.memory_space<hbm>> -> memref<10240x64xf32, #tpu.memory_space<hbm>>
        tpu.enqueue_indirect_dma source(%dma_start3A_509 : memref<10240x64xf32, #tpu.memory_space<hbm>>) target(%dma_start3A_503 : memref<128x64xf32, #tpu.memory_space<vmem>>) offsets(%dma_start3A_506 : memref<128xi32, #tpu.memory_space<vmem>>) semaphore(%arg16 : memref<!tpu.dma_semaphore, #tpu.memory_space<semaphore_mem>>)
      } else {
      }
      %add3A_474 = arith.constant 7 : i32
      %add3A_475 = arith.addi %mul3A_128, %add3A_474 : i32
      %dma_wait3A_476 = arith.constant 7 : i32
      %dma_wait3A_477 = arith.constant 0 : i32
      %dma_wait3A_478 = arith.constant 0 : i32
      %dma_wait3A_479 = tpu.memref_slice %arg8[%dma_wait3A_476, %dma_wait3A_477, %dma_wait3A_478] : memref<8x128x64xf32, #tpu.memory_space<vmem>> -> memref<1x128x64xf32, #tpu.memory_space<vmem>>
      %dma_wait3A_480 = tpu.memref_squeeze %dma_wait3A_479 : memref<1x128x64xf32, #tpu.memory_space<vmem>> -> memref<128x64xf32, #tpu.memory_space<vmem>>
      %dma_wait3A_481 = arith.constant 0 : i32
      %dma_wait3A_482 = tpu.memref_slice %arg6[%add3A_475, %dma_wait3A_481] : memref<80x128xi32, #tpu.memory_space<vmem>> -> memref<1x128xi32, #tpu.memory_space<vmem>>
      %dma_wait3A_483 = tpu.memref_squeeze %dma_wait3A_482 : memref<1x128xi32, #tpu.memory_space<vmem>> -> memref<128xi32, #tpu.memory_space<vmem>>
      %dma_wait3A_484 = arith.constant 0 : i32
      %dma_wait3A_485 = arith.constant 0 : i32
      %dma_wait3A_486 = tpu.memref_slice %arg2[%dma_wait3A_484, %dma_wait3A_485] : memref<10240x64xf32, #tpu.memory_space<hbm>> -> memref<10240x64xf32, #tpu.memory_space<hbm>>
      tpu.wait_indirect_dma semaphore(%arg18 : memref<!tpu.dma_semaphore, #tpu.memory_space<semaphore_mem>>) src(%dma_wait3A_486 : memref<10240x64xf32, #tpu.memory_space<hbm>>) dst(%dma_wait3A_480 : memref<128x64xf32, #tpu.memory_space<vmem>>)
      %dma_start3A_487 = arith.constant 7 : i32
      %dma_start3A_488 = arith.constant 0 : i32
      %dma_start3A_489 = arith.constant 0 : i32
      %dma_start3A_490 = tpu.memref_slice %arg8[%dma_start3A_487, %dma_start3A_488, %dma_start3A_489] : memref<8x128x64xf32, #tpu.memory_space<vmem>> -> memref<1x128x64xf32, #tpu.memory_space<vmem>>
      %dma_start3A_491 = tpu.memref_squeeze %dma_start3A_490 : memref<1x128x64xf32, #tpu.memory_space<vmem>> -> memref<128x64xf32, #tpu.memory_space<vmem>>
      %dma_start3A_492 = arith.constant 0 : i32
      %dma_start3A_493 = tpu.memref_slice %arg7[%add3A_475, %dma_start3A_492] : memref<80x128xi32, #tpu.memory_space<vmem>> -> memref<1x128xi32, #tpu.memory_space<vmem>>
      %dma_start3A_494 = tpu.memref_squeeze %dma_start3A_493 : memref<1x128xi32, #tpu.memory_space<vmem>> -> memref<128xi32, #tpu.memory_space<vmem>>
      %dma_start3A_495 = arith.constant 0 : i32
      %dma_start3A_496 = arith.constant 0 : i32
      %dma_start3A_497 = tpu.memref_slice %arg10[%dma_start3A_495, %dma_start3A_496] : memref<10240x64xf32, #tpu.memory_space<vmem_shared>> -> memref<10240x64xf32, #tpu.memory_space<vmem_shared>>
      tpu.enqueue_indirect_dma source(%dma_start3A_491 : memref<128x64xf32, #tpu.memory_space<vmem>>) target(%dma_start3A_497 : memref<10240x64xf32, #tpu.memory_space<vmem_shared>>) offsets(%dma_start3A_494 : memref<128xi32, #tpu.memory_space<vmem>>) semaphore(%arg26 : memref<!tpu.dma_semaphore, #tpu.memory_space<semaphore_mem>>) {add = true}
      %scan3A_498 = arith.constant 0 : i32
      scf.yield %scan3A_498 : i32
    }
    %scan3A_96 = arith.constant 10 : i32
    %dma_wait3A = arith.constant 6 : i32
    %dma_wait3A_97 = arith.constant 0 : i32
    %dma_wait3A_98 = arith.constant 0 : i32
    %dma_wait3A_99 = arith.constant 0 : i32
    %dma_wait3A_100 = tpu.memref_slice %arg8[%dma_wait3A, %dma_wait3A_98, %dma_wait3A_99] : memref<8x128x64xf32, #tpu.memory_space<vmem>> -> memref<1x128x64xf32, #tpu.memory_space<vmem>>
    %dma_wait3A_101 = tpu.memref_squeeze %dma_wait3A_100 : memref<1x128x64xf32, #tpu.memory_space<vmem>> -> memref<128x64xf32, #tpu.memory_space<vmem>>
    %dma_wait3A_102 = arith.constant 0 : i32
    %dma_wait3A_103 = tpu.memref_slice %arg7[%dma_wait3A_97, %dma_wait3A_102] : memref<80x128xi32, #tpu.memory_space<vmem>> -> memref<1x128xi32, #tpu.memory_space<vmem>>
    %dma_wait3A_104 = tpu.memref_squeeze %dma_wait3A_103 : memref<1x128xi32, #tpu.memory_space<vmem>> -> memref<128xi32, #tpu.memory_space<vmem>>
    %dma_wait3A_105 = arith.constant 0 : i32
    %dma_wait3A_106 = arith.constant 0 : i32
    %dma_wait3A_107 = tpu.memref_slice %arg10[%dma_wait3A_105, %dma_wait3A_106] : memref<10240x64xf32, #tpu.memory_space<vmem_shared>> -> memref<10240x64xf32, #tpu.memory_space<vmem_shared>>
    tpu.wait_indirect_dma semaphore(%arg25 : memref<!tpu.dma_semaphore, #tpu.memory_space<semaphore_mem>>) src(%dma_wait3A_101 : memref<128x64xf32, #tpu.memory_space<vmem>>) dst(%dma_wait3A_107 : memref<10240x64xf32, #tpu.memory_space<vmem_shared>>)
    %dma_wait3A_108 = arith.constant 7 : i32
    %dma_wait3A_109 = arith.constant 0 : i32
    %dma_wait3A_110 = arith.constant 0 : i32
    %dma_wait3A_111 = arith.constant 0 : i32
    %dma_wait3A_112 = tpu.memref_slice %arg8[%dma_wait3A_108, %dma_wait3A_110, %dma_wait3A_111] : memref<8x128x64xf32, #tpu.memory_space<vmem>> -> memref<1x128x64xf32, #tpu.memory_space<vmem>>
    %dma_wait3A_113 = tpu.memref_squeeze %dma_wait3A_112 : memref<1x128x64xf32, #tpu.memory_space<vmem>> -> memref<128x64xf32, #tpu.memory_space<vmem>>
    %dma_wait3A_114 = arith.constant 0 : i32
    %dma_wait3A_115 = tpu.memref_slice %arg7[%dma_wait3A_109, %dma_wait3A_114] : memref<80x128xi32, #tpu.memory_space<vmem>> -> memref<1x128xi32, #tpu.memory_space<vmem>>
    %dma_wait3A_116 = tpu.memref_squeeze %dma_wait3A_115 : memref<1x128xi32, #tpu.memory_space<vmem>> -> memref<128xi32, #tpu.memory_space<vmem>>
    %dma_wait3A_117 = arith.constant 0 : i32
    %dma_wait3A_118 = arith.constant 0 : i32
    %dma_wait3A_119 = tpu.memref_slice %arg10[%dma_wait3A_117, %dma_wait3A_118] : memref<10240x64xf32, #tpu.memory_space<vmem_shared>> -> memref<10240x64xf32, #tpu.memory_space<vmem_shared>>
    tpu.wait_indirect_dma semaphore(%arg26 : memref<!tpu.dma_semaphore, #tpu.memory_space<semaphore_mem>>) src(%dma_wait3A_113 : memref<128x64xf32, #tpu.memory_space<vmem>>) dst(%dma_wait3A_119 : memref<10240x64xf32, #tpu.memory_space<vmem_shared>>)
    %barrier3A_120 = arith.constant 0 : index
    tpu.barrier barrier_id(%barrier3A_120)
    %mul3A_121 = arith.constant 640 : i32
    %mul3A_122 = arith.muli %arg1, %mul3A_121 : i32
    %mul3A_123 = arith.constant 640 : i32
    %mul3A_124 = arith.muli %arg1, %mul3A_123 : i32
    "tpu.region"() ({
      %run_scoped3A = tpu.sem_alloc : memref<!tpu.dma_semaphore, #tpu.memory_space<semaphore_mem>>
      %dma_start3A_125 = arith.constant 0 : i32
      %dma_start3A_126 = tpu.memref_slice %arg5[%arg0, %mul3A_124, %dma_start3A_125] : memref<2x10240x64xf32, #tpu.memory_space<hbm>> -> memref<1x640x64xf32, #tpu.memory_space<hbm>>
      %dma_start3A_127 = tpu.memref_squeeze %dma_start3A_126 : memref<1x640x64xf32, #tpu.memory_space<hbm>> -> memref<640x64xf32, #tpu.memory_space<hbm>>
      %dma_start3A_128 = arith.constant 0 : i32
      %dma_start3A_129 = tpu.memref_slice %arg10[%mul3A_122, %dma_start3A_128] : memref<10240x64xf32, #tpu.memory_space<vmem_shared>> -> memref<640x64xf32, #tpu.memory_space<vmem_shared>>
      tpu.enqueue_dma source(%dma_start3A_129 : memref<640x64xf32, #tpu.memory_space<vmem_shared>>) target(%dma_start3A_127 : memref<640x64xf32, #tpu.memory_space<hbm>>) target_semaphore(%run_scoped3A : memref<!tpu.dma_semaphore, #tpu.memory_space<semaphore_mem>>)
      %dma_wait3A_130 = arith.constant 0 : i32
      %dma_wait3A_131 = tpu.memref_slice %arg5[%arg0, %mul3A_124, %dma_wait3A_130] : memref<2x10240x64xf32, #tpu.memory_space<hbm>> -> memref<1x640x64xf32, #tpu.memory_space<hbm>>
      %dma_wait3A_132 = tpu.memref_squeeze %dma_wait3A_131 : memref<1x640x64xf32, #tpu.memory_space<hbm>> -> memref<640x64xf32, #tpu.memory_space<hbm>>
      %dma_wait3A_133 = arith.constant 0 : i32
      %dma_wait3A_134 = tpu.memref_slice %arg10[%mul3A_122, %dma_wait3A_133] : memref<10240x64xf32, #tpu.memory_space<vmem_shared>> -> memref<640x64xf32, #tpu.memory_space<vmem_shared>>
      tpu.wait_dma2 semaphore(%run_scoped3A : memref<!tpu.dma_semaphore, #tpu.memory_space<semaphore_mem>>) src(%dma_wait3A_134 : memref<640x64xf32, #tpu.memory_space<vmem_shared>>) dst(%dma_wait3A_132 : memref<640x64xf32, #tpu.memory_space<hbm>>)
      tpu.yield
    }) : () -> ()
    return
  }
}

#map = affine_map<(d0, d1) -> (0, 0)>
#map1 = affine_map<(d0, d1) -> (0, 0, 0)>
module attributes {stable_mosaic.version = 14 : i64} {
  func.func @deg_kernel(%arg0: i32, %arg1: i32, %arg2: memref<2560x128xi32, #tpu.memory_space<hbm>>, %arg3: memref<2x10240x16xf32, #tpu.memory_space<hbm>>, %arg4: memref<80x128xi32, #tpu.memory_space<vmem>>, %arg5: memref<128x16xf32, #tpu.memory_space<vmem>>, %arg6: memref<64x16xf32, #tpu.memory_space<vmem>>, %arg7: memref<10240x16xf32, #tpu.memory_space<vmem_shared>>, %arg8: memref<!tpu.dma_semaphore, #tpu.memory_space<semaphore_mem>>, %arg9: memref<!tpu.dma_semaphore, #tpu.memory_space<semaphore_mem>>) attributes {dimension_semantics = [#tpu.dimension_semantics<core_parallel>, #tpu.dimension_semantics<subcore_parallel>], iteration_bounds = array<i64: 2, 16>, scalar_prefetch = 0 : i64, scratch_operands = 6 : i64, tpu.core_type = #tpu.core_type<sc_vector_subcore>, window_params = [{transform_indices = #map}, {transform_indices = #map1}]} {
    %mul3A = arith.constant 16 : i32
    %mul3A_0 = arith.muli %arg0, %mul3A : i32
    %add3A = arith.addi %mul3A_0, %arg1 : i32
    %mul3A_1 = arith.constant 80 : i32
    %mul3A_2 = arith.muli %add3A, %mul3A_1 : i32
    "tpu.region"() ({
      %run_scoped3A = tpu.sem_alloc : memref<!tpu.dma_semaphore, #tpu.memory_space<semaphore_mem>>
      %dma_start3A_44 = arith.constant 0 : i32
      %dma_start3A_45 = tpu.memref_slice %arg2[%mul3A_2, %dma_start3A_44] : memref<2560x128xi32, #tpu.memory_space<hbm>> -> memref<80x128xi32, #tpu.memory_space<hbm>>
      %dma_start3A_46 = arith.constant 0 : i32
      %dma_start3A_47 = tpu.memref_slice %arg2[%mul3A_2, %dma_start3A_46] : memref<2560x128xi32, #tpu.memory_space<hbm>> -> memref<80x128xi32, #tpu.memory_space<hbm>>
      tpu.enqueue_dma source(%dma_start3A_47 : memref<80x128xi32, #tpu.memory_space<hbm>>) target(%arg4 : memref<80x128xi32, #tpu.memory_space<vmem>>) target_semaphore(%run_scoped3A : memref<!tpu.dma_semaphore, #tpu.memory_space<semaphore_mem>>)
      %dma_wait3A = arith.constant 0 : i32
      %dma_wait3A_48 = tpu.memref_slice %arg2[%mul3A_2, %dma_wait3A] : memref<2560x128xi32, #tpu.memory_space<hbm>> -> memref<80x128xi32, #tpu.memory_space<hbm>>
      %dma_wait3A_49 = arith.constant 0 : i32
      %dma_wait3A_50 = tpu.memref_slice %arg2[%mul3A_2, %dma_wait3A_49] : memref<2560x128xi32, #tpu.memory_space<hbm>> -> memref<80x128xi32, #tpu.memory_space<hbm>>
      tpu.wait_dma2 semaphore(%run_scoped3A : memref<!tpu.dma_semaphore, #tpu.memory_space<semaphore_mem>>) src(%dma_wait3A_50 : memref<80x128xi32, #tpu.memory_space<hbm>>) dst(%arg4 : memref<80x128xi32, #tpu.memory_space<vmem>>)
      tpu.yield
    }) : () -> ()
    %broadcast_in_dim3A = arith.constant 0.000000e+00 : f32
    %broadcast_in_dim3A_3 = vector.broadcast %broadcast_in_dim3A : f32 to vector<16xf32>
    %broadcast_in_dim3A_4 = arith.constant 1.000000e+00 : f32
    %broadcast_in_dim3A_5 = vector.broadcast %broadcast_in_dim3A_4 : f32 to vector<16xf32>
    %scan3A = arith.constant 0 : i32
    %scan3A_6 = arith.constant 0 : i32
    %scan3A_7 = arith.constant 128 : i32
    %scan3A_8 = arith.addi %scan3A_6, %scan3A_7 : i32
    %scan3A_9 = arith.constant 1 : i32
    %scan3A_10 = scf.for %scan3A_44 = %scan3A_6 to %scan3A_8 step %scan3A_9 iter_args(%scan3A_45 = %scan3A) -> (i32)  : i32 {
      %swap3A = arith.index_cast %scan3A_44 : i32 to index
      %swap3A_46 = arith.constant 0 : index
      %swap3A_47 = tpu.vector_load %arg5[%swap3A, %swap3A_46] {strides = array<i32>} : memref<128x16xf32, #tpu.memory_space<vmem>>, vector<1x16xf32>,
      %swap3A_48 = vector.shape_cast %swap3A_47 : vector<1x16xf32> to vector<16xf32>
      %swap3A_49 = vector.shape_cast %broadcast_in_dim3A_5 : vector<16xf32> to vector<1x16xf32>
      tpu.vector_store %arg5[%swap3A, %swap3A_46], %swap3A_49 {strides = array<i32>} : memref<128x16xf32, #tpu.memory_space<vmem>>, vector<1x16xf32>,
      %scan3A_50 = arith.constant 0 : i32
      scf.yield %scan3A_50 : i32
    }
    %scan3A_11 = arith.constant 128 : i32
    %scan3A_12 = arith.constant 0 : i32
    %scan3A_13 = arith.constant 0 : i32
    %scan3A_14 = arith.constant 64 : i32
    %scan3A_15 = arith.addi %scan3A_13, %scan3A_14 : i32
    %scan3A_16 = arith.constant 1 : i32
    %scan3A_17 = scf.for %scan3A_44 = %scan3A_13 to %scan3A_15 step %scan3A_16 iter_args(%scan3A_45 = %scan3A_12) -> (i32)  : i32 {
      %swap3A = arith.index_cast %scan3A_44 : i32 to index
      %swap3A_46 = arith.constant 0 : index
      %swap3A_47 = tpu.vector_load %arg6[%swap3A, %swap3A_46] {strides = array<i32>} : memref<64x16xf32, #tpu.memory_space<vmem>>, vector<1x16xf32>,
      %swap3A_48 = vector.shape_cast %swap3A_47 : vector<1x16xf32> to vector<16xf32>
      %swap3A_49 = vector.shape_cast %broadcast_in_dim3A_3 : vector<16xf32> to vector<1x16xf32>
      tpu.vector_store %arg6[%swap3A, %swap3A_46], %swap3A_49 {strides = array<i32>} : memref<64x16xf32, #tpu.memory_space<vmem>>, vector<1x16xf32>,
      %scan3A_50 = arith.constant 0 : i32
      scf.yield %scan3A_50 : i32
    }
    %scan3A_18 = arith.constant 64 : i32
    %scan3A_19 = arith.constant 0 : i32
    %scan3A_20 = arith.constant 0 : i32
    %scan3A_21 = arith.constant 10 : i32
    %scan3A_22 = arith.addi %scan3A_20, %scan3A_21 : i32
    %scan3A_23 = arith.constant 1 : i32
    %scan3A_24 = scf.for %scan3A_44 = %scan3A_20 to %scan3A_22 step %scan3A_23 iter_args(%scan3A_45 = %scan3A_19) -> (i32)  : i32 {
      %mul3A_46 = arith.constant 640 : i32
      %mul3A_47 = arith.muli %arg1, %mul3A_46 : i32
      %mul3A_48 = arith.constant 64 : i32
      %mul3A_49 = arith.muli %scan3A_44, %mul3A_48 : i32
      %add3A_50 = arith.addi %mul3A_47, %mul3A_49 : i32
      "tpu.region"() ({
        %run_scoped3A = tpu.sem_alloc : memref<!tpu.dma_semaphore, #tpu.memory_space<semaphore_mem>>
        %dma_start3A_52 = arith.constant 0 : i32
        %dma_start3A_53 = tpu.memref_slice %arg7[%add3A_50, %dma_start3A_52] : memref<10240x16xf32, #tpu.memory_space<vmem_shared>> -> memref<64x16xf32, #tpu.memory_space<vmem_shared>>
        %dma_start3A_54 = arith.constant 0 : i32
        %dma_start3A_55 = tpu.memref_slice %arg7[%add3A_50, %dma_start3A_54] : memref<10240x16xf32, #tpu.memory_space<vmem_shared>> -> memref<64x16xf32, #tpu.memory_space<vmem_shared>>
        tpu.enqueue_dma source(%arg6 : memref<64x16xf32, #tpu.memory_space<vmem>>) target(%dma_start3A_55 : memref<64x16xf32, #tpu.memory_space<vmem_shared>>) target_semaphore(%run_scoped3A : memref<!tpu.dma_semaphore, #tpu.memory_space<semaphore_mem>>)
        %dma_wait3A = arith.constant 0 : i32
        %dma_wait3A_56 = tpu.memref_slice %arg7[%add3A_50, %dma_wait3A] : memref<10240x16xf32, #tpu.memory_space<vmem_shared>> -> memref<64x16xf32, #tpu.memory_space<vmem_shared>>
        %dma_wait3A_57 = arith.constant 0 : i32
        %dma_wait3A_58 = tpu.memref_slice %arg7[%add3A_50, %dma_wait3A_57] : memref<10240x16xf32, #tpu.memory_space<vmem_shared>> -> memref<64x16xf32, #tpu.memory_space<vmem_shared>>
        tpu.wait_dma2 semaphore(%run_scoped3A : memref<!tpu.dma_semaphore, #tpu.memory_space<semaphore_mem>>) src(%arg6 : memref<64x16xf32, #tpu.memory_space<vmem>>) dst(%dma_wait3A_58 : memref<64x16xf32, #tpu.memory_space<vmem_shared>>)
        tpu.yield
      }) : () -> ()
      %scan3A_51 = arith.constant 0 : i32
      scf.yield %scan3A_51 : i32
    }
    %scan3A_25 = arith.constant 10 : i32
    %barrier3A = arith.constant 0 : index
    tpu.barrier barrier_id(%barrier3A)
    %dma_start3A = arith.constant 0 : i32
    %dma_start3A_26 = arith.constant 0 : i32
    %dma_start3A_27 = tpu.memref_slice %arg4[%dma_start3A, %dma_start3A_26] : memref<80x128xi32, #tpu.memory_space<vmem>> -> memref<1x128xi32, #tpu.memory_space<vmem>>
    %dma_start3A_28 = tpu.memref_squeeze %dma_start3A_27 : memref<1x128xi32, #tpu.memory_space<vmem>> -> memref<128xi32, #tpu.memory_space<vmem>>
    %dma_start3A_29 = arith.constant 0 : i32
    %dma_start3A_30 = arith.constant 0 : i32
    %dma_start3A_31 = tpu.memref_slice %arg7[%dma_start3A_29, %dma_start3A_30] : memref<10240x16xf32, #tpu.memory_space<vmem_shared>> -> memref<10240x16xf32, #tpu.memory_space<vmem_shared>>
    tpu.enqueue_indirect_dma source(%arg5 : memref<128x16xf32, #tpu.memory_space<vmem>>) target(%dma_start3A_31 : memref<10240x16xf32, #tpu.memory_space<vmem_shared>>) offsets(%dma_start3A_28 : memref<128xi32, #tpu.memory_space<vmem>>) semaphore(%arg8 : memref<!tpu.dma_semaphore, #tpu.memory_space<semaphore_mem>>) {add = true}
    %scan3A_32 = arith.constant 0 : i32
    %scan3A_33 = arith.constant 0 : i32
    %scan3A_34 = arith.constant 40 : i32
    %scan3A_35 = arith.addi %scan3A_33, %scan3A_34 : i32
    %scan3A_36 = arith.constant 1 : i32
    %scan3A_37 = scf.for %scan3A_44 = %scan3A_33 to %scan3A_35 step %scan3A_36 iter_args(%scan3A_45 = %scan3A_32) -> (i32)  : i32 {
      %mul3A_46 = arith.constant 2 : i32
      %mul3A_47 = arith.muli %mul3A_46, %scan3A_44 : i32
      %add3A_48 = arith.constant 1 : i32
      %add3A_49 = arith.addi %mul3A_47, %add3A_48 : i32
      %dma_start3A_50 = arith.constant 0 : i32
      %dma_start3A_51 = tpu.memref_slice %arg4[%add3A_49, %dma_start3A_50] : memref<80x128xi32, #tpu.memory_space<vmem>> -> memref<1x128xi32, #tpu.memory_space<vmem>>
      %dma_start3A_52 = tpu.memref_squeeze %dma_start3A_51 : memref<1x128xi32, #tpu.memory_space<vmem>> -> memref<128xi32, #tpu.memory_space<vmem>>
      %dma_start3A_53 = arith.constant 0 : i32
      %dma_start3A_54 = arith.constant 0 : i32
      %dma_start3A_55 = tpu.memref_slice %arg7[%dma_start3A_53, %dma_start3A_54] : memref<10240x16xf32, #tpu.memory_space<vmem_shared>> -> memref<10240x16xf32, #tpu.memory_space<vmem_shared>>
      tpu.enqueue_indirect_dma source(%arg5 : memref<128x16xf32, #tpu.memory_space<vmem>>) target(%dma_start3A_55 : memref<10240x16xf32, #tpu.memory_space<vmem_shared>>) offsets(%dma_start3A_52 : memref<128xi32, #tpu.memory_space<vmem>>) semaphore(%arg9 : memref<!tpu.dma_semaphore, #tpu.memory_space<semaphore_mem>>) {add = true}
      %dma_wait3A = arith.constant 0 : i32
      %dma_wait3A_56 = tpu.memref_slice %arg4[%mul3A_47, %dma_wait3A] : memref<80x128xi32, #tpu.memory_space<vmem>> -> memref<1x128xi32, #tpu.memory_space<vmem>>
      %dma_wait3A_57 = tpu.memref_squeeze %dma_wait3A_56 : memref<1x128xi32, #tpu.memory_space<vmem>> -> memref<128xi32, #tpu.memory_space<vmem>>
      %dma_wait3A_58 = arith.constant 0 : i32
      %dma_wait3A_59 = arith.constant 0 : i32
      %dma_wait3A_60 = tpu.memref_slice %arg7[%dma_wait3A_58, %dma_wait3A_59] : memref<10240x16xf32, #tpu.memory_space<vmem_shared>> -> memref<10240x16xf32, #tpu.memory_space<vmem_shared>>
      tpu.wait_indirect_dma semaphore(%arg8 : memref<!tpu.dma_semaphore, #tpu.memory_space<semaphore_mem>>) src(%arg5 : memref<128x16xf32, #tpu.memory_space<vmem>>) dst(%dma_wait3A_60 : memref<10240x16xf32, #tpu.memory_space<vmem_shared>>)
      %lt3A = arith.constant 39 : i32
      %lt3A_61 = arith.cmpi slt, %scan3A_44, %lt3A : i32
      %convert_element_type3A = arith.extui %lt3A_61 : i1 to i32
      %cond3A = arith.constant 0 : i32
      %cond3A_62 = arith.cmpi ne, %convert_element_type3A, %cond3A : i32
      scf.if %cond3A_62 {
        %add3A_72 = arith.constant 2 : i32
        %add3A_73 = arith.addi %mul3A_47, %add3A_72 : i32
        %dma_start3A_74 = arith.constant 0 : i32
        %dma_start3A_75 = tpu.memref_slice %arg4[%add3A_73, %dma_start3A_74] : memref<80x128xi32, #tpu.memory_space<vmem>> -> memref<1x128xi32, #tpu.memory_space<vmem>>
        %dma_start3A_76 = tpu.memref_squeeze %dma_start3A_75 : memref<1x128xi32, #tpu.memory_space<vmem>> -> memref<128xi32, #tpu.memory_space<vmem>>
        %dma_start3A_77 = arith.constant 0 : i32
        %dma_start3A_78 = arith.constant 0 : i32
        %dma_start3A_79 = tpu.memref_slice %arg7[%dma_start3A_77, %dma_start3A_78] : memref<10240x16xf32, #tpu.memory_space<vmem_shared>> -> memref<10240x16xf32, #tpu.memory_space<vmem_shared>>
        tpu.enqueue_indirect_dma source(%arg5 : memref<128x16xf32, #tpu.memory_space<vmem>>) target(%dma_start3A_79 : memref<10240x16xf32, #tpu.memory_space<vmem_shared>>) offsets(%dma_start3A_76 : memref<128xi32, #tpu.memory_space<vmem>>) semaphore(%arg8 : memref<!tpu.dma_semaphore, #tpu.memory_space<semaphore_mem>>) {add = true}
      } else {
      }
      %add3A_63 = arith.constant 1 : i32
      %add3A_64 = arith.addi %mul3A_47, %add3A_63 : i32
      %dma_wait3A_65 = arith.constant 0 : i32
      %dma_wait3A_66 = tpu.memref_slice %arg4[%add3A_64, %dma_wait3A_65] : memref<80x128xi32, #tpu.memory_space<vmem>> -> memref<1x128xi32, #tpu.memory_space<vmem>>
      %dma_wait3A_67 = tpu.memref_squeeze %dma_wait3A_66 : memref<1x128xi32, #tpu.memory_space<vmem>> -> memref<128xi32, #tpu.memory_space<vmem>>
      %dma_wait3A_68 = arith.constant 0 : i32
      %dma_wait3A_69 = arith.constant 0 : i32
      %dma_wait3A_70 = tpu.memref_slice %arg7[%dma_wait3A_68, %dma_wait3A_69] : memref<10240x16xf32, #tpu.memory_space<vmem_shared>> -> memref<10240x16xf32, #tpu.memory_space<vmem_shared>>
      tpu.wait_indirect_dma semaphore(%arg9 : memref<!tpu.dma_semaphore, #tpu.memory_space<semaphore_mem>>) src(%arg5 : memref<128x16xf32, #tpu.memory_space<vmem>>) dst(%dma_wait3A_70 : memref<10240x16xf32, #tpu.memory_space<vmem_shared>>)
      %scan3A_71 = arith.constant 0 : i32
      scf.yield %scan3A_71 : i32
    }
    %scan3A_38 = arith.constant 40 : i32
    %barrier3A_39 = arith.constant 0 : index
    tpu.barrier barrier_id(%barrier3A_39)
    %mul3A_40 = arith.constant 640 : i32
    %mul3A_41 = arith.muli %arg1, %mul3A_40 : i32
    %mul3A_42 = arith.constant 640 : i32
    %mul3A_43 = arith.muli %arg1, %mul3A_42 : i32
    "tpu.region"() ({
      %run_scoped3A = tpu.sem_alloc : memref<!tpu.dma_semaphore, #tpu.memory_space<semaphore_mem>>
      %dma_start3A_44 = arith.constant 0 : i32
      %dma_start3A_45 = tpu.memref_slice %arg3[%arg0, %mul3A_43, %dma_start3A_44] : memref<2x10240x16xf32, #tpu.memory_space<hbm>> -> memref<1x640x16xf32, #tpu.memory_space<hbm>>
      %dma_start3A_46 = tpu.memref_squeeze %dma_start3A_45 : memref<1x640x16xf32, #tpu.memory_space<hbm>> -> memref<640x16xf32, #tpu.memory_space<hbm>>
      %dma_start3A_47 = arith.constant 0 : i32
      %dma_start3A_48 = tpu.memref_slice %arg7[%mul3A_41, %dma_start3A_47] : memref<10240x16xf32, #tpu.memory_space<vmem_shared>> -> memref<640x16xf32, #tpu.memory_space<vmem_shared>>
      tpu.enqueue_dma source(%dma_start3A_48 : memref<640x16xf32, #tpu.memory_space<vmem_shared>>) target(%dma_start3A_46 : memref<640x16xf32, #tpu.memory_space<hbm>>) target_semaphore(%run_scoped3A : memref<!tpu.dma_semaphore, #tpu.memory_space<semaphore_mem>>)
      %dma_wait3A = arith.constant 0 : i32
      %dma_wait3A_49 = tpu.memref_slice %arg3[%arg0, %mul3A_43, %dma_wait3A] : memref<2x10240x16xf32, #tpu.memory_space<hbm>> -> memref<1x640x16xf32, #tpu.memory_space<hbm>>
      %dma_wait3A_50 = tpu.memref_squeeze %dma_wait3A_49 : memref<1x640x16xf32, #tpu.memory_space<hbm>> -> memref<640x16xf32, #tpu.memory_space<hbm>>
      %dma_wait3A_51 = arith.constant 0 : i32
      %dma_wait3A_52 = tpu.memref_slice %arg7[%mul3A_41, %dma_wait3A_51] : memref<10240x16xf32, #tpu.memory_space<vmem_shared>> -> memref<640x16xf32, #tpu.memory_space<vmem_shared>>
      tpu.wait_dma2 semaphore(%run_scoped3A : memref<!tpu.dma_semaphore, #tpu.memory_space<semaphore_mem>>) src(%dma_wait3A_52 : memref<640x16xf32, #tpu.memory_space<vmem_shared>>) dst(%dma_wait3A_50 : memref<640x16xf32, #tpu.memory_space<hbm>>)
      tpu.yield
    }) : () -> ()
    return
  }
}

#map = affine_map<(d0, d1) -> (0, 0)>
#map1 = affine_map<(d0, d1) -> (0, 0, 0)>
module attributes {stable_mosaic.version = 14 : i64} {
  func.func @edge_kernel(%arg0: i32, %arg1: i32, %arg2: memref<10240x32xf32, #tpu.memory_space<hbm>>, %arg3: memref<2560x128xi32, #tpu.memory_space<hbm>>, %arg4: memref<2560x128xi32, #tpu.memory_space<hbm>>, %arg5: memref<2x10240x32xf32, #tpu.memory_space<hbm>>, %arg6: memref<80x128xi32, #tpu.memory_space<vmem>>, %arg7: memref<80x128xi32, #tpu.memory_space<vmem>>, %arg8: memref<8x128x32xf32, #tpu.memory_space<vmem>>, %arg9: memref<64x32xf32, #tpu.memory_space<vmem>>, %arg10: memref<10240x32xf32, #tpu.memory_space<vmem_shared>>, %arg11: memref<!tpu.dma_semaphore, #tpu.memory_space<semaphore_mem>>, %arg12: memref<!tpu.dma_semaphore, #tpu.memory_space<semaphore_mem>>, %arg13: memref<!tpu.dma_semaphore, #tpu.memory_space<semaphore_mem>>, %arg14: memref<!tpu.dma_semaphore, #tpu.memory_space<semaphore_mem>>, %arg15: memref<!tpu.dma_semaphore, #tpu.memory_space<semaphore_mem>>, %arg16: memref<!tpu.dma_semaphore, #tpu.memory_space<semaphore_mem>>, %arg17: memref<!tpu.dma_semaphore, #tpu.memory_space<semaphore_mem>>, %arg18: memref<!tpu.dma_semaphore, #tpu.memory_space<semaphore_mem>>, %arg19: memref<!tpu.dma_semaphore, #tpu.memory_space<semaphore_mem>>, %arg20: memref<!tpu.dma_semaphore, #tpu.memory_space<semaphore_mem>>, %arg21: memref<!tpu.dma_semaphore, #tpu.memory_space<semaphore_mem>>, %arg22: memref<!tpu.dma_semaphore, #tpu.memory_space<semaphore_mem>>, %arg23: memref<!tpu.dma_semaphore, #tpu.memory_space<semaphore_mem>>, %arg24: memref<!tpu.dma_semaphore, #tpu.memory_space<semaphore_mem>>, %arg25: memref<!tpu.dma_semaphore, #tpu.memory_space<semaphore_mem>>, %arg26: memref<!tpu.dma_semaphore, #tpu.memory_space<semaphore_mem>>) attributes {dimension_semantics = [#tpu.dimension_semantics<core_parallel>, #tpu.dimension_semantics<subcore_parallel>], iteration_bounds = array<i64: 2, 16>, scalar_prefetch = 0 : i64, scratch_operands = 21 : i64, tpu.core_type = #tpu.core_type<sc_vector_subcore>, window_params = [{transform_indices = #map}, {transform_indices = #map}, {transform_indices = #map}, {transform_indices = #map1}]} {
    %mul3A = arith.constant 16 : i32
    %mul3A_0 = arith.muli %arg0, %mul3A : i32
    %add3A = arith.addi %mul3A_0, %arg1 : i32
    %mul3A_1 = arith.constant 80 : i32
    %mul3A_2 = arith.muli %add3A, %mul3A_1 : i32
    "tpu.region"() ({
      %run_scoped3A = tpu.sem_alloc : memref<!tpu.dma_semaphore, #tpu.memory_space<semaphore_mem>>
      %dma_start3A_125 = arith.constant 0 : i32
      %dma_start3A_126 = tpu.memref_slice %arg3[%mul3A_2, %dma_start3A_125] : memref<2560x128xi32, #tpu.memory_space<hbm>> -> memref<80x128xi32, #tpu.memory_space<hbm>>
      %dma_start3A_127 = arith.constant 0 : i32
      %dma_start3A_128 = tpu.memref_slice %arg3[%mul3A_2, %dma_start3A_127] : memref<2560x128xi32, #tpu.memory_space<hbm>> -> memref<80x128xi32, #tpu.memory_space<hbm>>
      tpu.enqueue_dma source(%dma_start3A_128 : memref<80x128xi32, #tpu.memory_space<hbm>>) target(%arg6 : memref<80x128xi32, #tpu.memory_space<vmem>>) target_semaphore(%run_scoped3A : memref<!tpu.dma_semaphore, #tpu.memory_space<semaphore_mem>>)
      %dma_wait3A_129 = arith.constant 0 : i32
      %dma_wait3A_130 = tpu.memref_slice %arg3[%mul3A_2, %dma_wait3A_129] : memref<2560x128xi32, #tpu.memory_space<hbm>> -> memref<80x128xi32, #tpu.memory_space<hbm>>
      %dma_wait3A_131 = arith.constant 0 : i32
      %dma_wait3A_132 = tpu.memref_slice %arg3[%mul3A_2, %dma_wait3A_131] : memref<2560x128xi32, #tpu.memory_space<hbm>> -> memref<80x128xi32, #tpu.memory_space<hbm>>
      tpu.wait_dma2 semaphore(%run_scoped3A : memref<!tpu.dma_semaphore, #tpu.memory_space<semaphore_mem>>) src(%dma_wait3A_132 : memref<80x128xi32, #tpu.memory_space<hbm>>) dst(%arg6 : memref<80x128xi32, #tpu.memory_space<vmem>>)
      tpu.yield
    }) : () -> ()
    %mul3A_3 = arith.constant 80 : i32
    %mul3A_4 = arith.muli %add3A, %mul3A_3 : i32
    "tpu.region"() ({
      %run_scoped3A = tpu.sem_alloc : memref<!tpu.dma_semaphore, #tpu.memory_space<semaphore_mem>>
      %dma_start3A_125 = arith.constant 0 : i32
      %dma_start3A_126 = tpu.memref_slice %arg4[%mul3A_4, %dma_start3A_125] : memref<2560x128xi32, #tpu.memory_space<hbm>> -> memref<80x128xi32, #tpu.memory_space<hbm>>
      %dma_start3A_127 = arith.constant 0 : i32
      %dma_start3A_128 = tpu.memref_slice %arg4[%mul3A_4, %dma_start3A_127] : memref<2560x128xi32, #tpu.memory_space<hbm>> -> memref<80x128xi32, #tpu.memory_space<hbm>>
      tpu.enqueue_dma source(%dma_start3A_128 : memref<80x128xi32, #tpu.memory_space<hbm>>) target(%arg7 : memref<80x128xi32, #tpu.memory_space<vmem>>) target_semaphore(%run_scoped3A : memref<!tpu.dma_semaphore, #tpu.memory_space<semaphore_mem>>)
      %dma_wait3A_129 = arith.constant 0 : i32
      %dma_wait3A_130 = tpu.memref_slice %arg4[%mul3A_4, %dma_wait3A_129] : memref<2560x128xi32, #tpu.memory_space<hbm>> -> memref<80x128xi32, #tpu.memory_space<hbm>>
      %dma_wait3A_131 = arith.constant 0 : i32
      %dma_wait3A_132 = tpu.memref_slice %arg4[%mul3A_4, %dma_wait3A_131] : memref<2560x128xi32, #tpu.memory_space<hbm>> -> memref<80x128xi32, #tpu.memory_space<hbm>>
      tpu.wait_dma2 semaphore(%run_scoped3A : memref<!tpu.dma_semaphore, #tpu.memory_space<semaphore_mem>>) src(%dma_wait3A_132 : memref<80x128xi32, #tpu.memory_space<hbm>>) dst(%arg7 : memref<80x128xi32, #tpu.memory_space<vmem>>)
      tpu.yield
    }) : () -> ()
    %broadcast_in_dim3A = arith.constant 0.000000e+00 : f32
    %broadcast_in_dim3A_5 = vector.broadcast %broadcast_in_dim3A : f32 to vector<16xf32>
    %scan3A = arith.constant 0 : i32
    %scan3A_6 = arith.constant 0 : i32
    %scan3A_7 = arith.constant 64 : i32
    %scan3A_8 = arith.addi %scan3A_6, %scan3A_7 : i32
    %scan3A_9 = arith.constant 1 : i32
    %scan3A_10 = scf.for %scan3A_125 = %scan3A_6 to %scan3A_8 step %scan3A_9 iter_args(%scan3A_126 = %scan3A) -> (i32)  : i32 {
      %swap3A = arith.index_cast %scan3A_125 : i32 to index
      %swap3A_127 = arith.constant 0 : index
      %swap3A_128 = tpu.vector_load %arg9[%swap3A, %swap3A_127] {strides = array<i32>} : memref<64x32xf32, #tpu.memory_space<vmem>>, vector<1x16xf32>,
      %swap3A_129 = vector.shape_cast %swap3A_128 : vector<1x16xf32> to vector<16xf32>
      %swap3A_130 = vector.shape_cast %broadcast_in_dim3A_5 : vector<16xf32> to vector<1x16xf32>
      tpu.vector_store %arg9[%swap3A, %swap3A_127], %swap3A_130 {strides = array<i32>} : memref<64x32xf32, #tpu.memory_space<vmem>>, vector<1x16xf32>,
      %swap3A_131 = arith.index_cast %scan3A_125 : i32 to index
      %swap3A_132 = arith.constant 16 : index
      %swap3A_133 = tpu.vector_load %arg9[%swap3A_131, %swap3A_132] {strides = array<i32>} : memref<64x32xf32, #tpu.memory_space<vmem>>, vector<1x16xf32>,
      %swap3A_134 = vector.shape_cast %swap3A_133 : vector<1x16xf32> to vector<16xf32>
      %swap3A_135 = vector.shape_cast %broadcast_in_dim3A_5 : vector<16xf32> to vector<1x16xf32>
      tpu.vector_store %arg9[%swap3A_131, %swap3A_132], %swap3A_135 {strides = array<i32>} : memref<64x32xf32, #tpu.memory_space<vmem>>, vector<1x16xf32>,
      %scan3A_136 = arith.constant 0 : i32
      scf.yield %scan3A_136 : i32
    }
    %scan3A_11 = arith.constant 64 : i32
    %scan3A_12 = arith.constant 0 : i32
    %scan3A_13 = arith.constant 0 : i32
    %scan3A_14 = arith.constant 10 : i32
    %scan3A_15 = arith.addi %scan3A_13, %scan3A_14 : i32
    %scan3A_16 = arith.constant 1 : i32
    %scan3A_17 = scf.for %scan3A_125 = %scan3A_13 to %scan3A_15 step %scan3A_16 iter_args(%scan3A_126 = %scan3A_12) -> (i32)  : i32 {
      %mul3A_127 = arith.constant 640 : i32
      %mul3A_128 = arith.muli %arg1, %mul3A_127 : i32
      %mul3A_129 = arith.constant 64 : i32
      %mul3A_130 = arith.muli %scan3A_125, %mul3A_129 : i32
      %add3A_131 = arith.addi %mul3A_128, %mul3A_130 : i32
      "tpu.region"() ({
        %run_scoped3A = tpu.sem_alloc : memref<!tpu.dma_semaphore, #tpu.memory_space<semaphore_mem>>
        %dma_start3A_133 = arith.constant 0 : i32
        %dma_start3A_134 = tpu.memref_slice %arg10[%add3A_131, %dma_start3A_133] : memref<10240x32xf32, #tpu.memory_space<vmem_shared>> -> memref<64x32xf32, #tpu.memory_space<vmem_shared>>
        %dma_start3A_135 = arith.constant 0 : i32
        %dma_start3A_136 = tpu.memref_slice %arg10[%add3A_131, %dma_start3A_135] : memref<10240x32xf32, #tpu.memory_space<vmem_shared>> -> memref<64x32xf32, #tpu.memory_space<vmem_shared>>
        tpu.enqueue_dma source(%arg9 : memref<64x32xf32, #tpu.memory_space<vmem>>) target(%dma_start3A_136 : memref<64x32xf32, #tpu.memory_space<vmem_shared>>) target_semaphore(%run_scoped3A : memref<!tpu.dma_semaphore, #tpu.memory_space<semaphore_mem>>)
        %dma_wait3A_137 = arith.constant 0 : i32
        %dma_wait3A_138 = tpu.memref_slice %arg10[%add3A_131, %dma_wait3A_137] : memref<10240x32xf32, #tpu.memory_space<vmem_shared>> -> memref<64x32xf32, #tpu.memory_space<vmem_shared>>
        %dma_wait3A_139 = arith.constant 0 : i32
        %dma_wait3A_140 = tpu.memref_slice %arg10[%add3A_131, %dma_wait3A_139] : memref<10240x32xf32, #tpu.memory_space<vmem_shared>> -> memref<64x32xf32, #tpu.memory_space<vmem_shared>>
        tpu.wait_dma2 semaphore(%run_scoped3A : memref<!tpu.dma_semaphore, #tpu.memory_space<semaphore_mem>>) src(%arg9 : memref<64x32xf32, #tpu.memory_space<vmem>>) dst(%dma_wait3A_140 : memref<64x32xf32, #tpu.memory_space<vmem_shared>>)
        tpu.yield
      }) : () -> ()
      %scan3A_132 = arith.constant 0 : i32
      scf.yield %scan3A_132 : i32
    }
    %scan3A_18 = arith.constant 10 : i32
    %barrier3A = arith.constant 0 : index
    tpu.barrier barrier_id(%barrier3A)
    %dma_start3A = arith.constant 0 : i32
    %dma_start3A_19 = arith.constant 0 : i32
    %dma_start3A_20 = arith.constant 0 : i32
    %dma_start3A_21 = arith.constant 0 : i32
    %dma_start3A_22 = tpu.memref_slice %arg8[%dma_start3A_19, %dma_start3A_20, %dma_start3A_21] : memref<8x128x32xf32, #tpu.memory_space<vmem>> -> memref<1x128x32xf32, #tpu.memory_space<vmem>>
    %dma_start3A_23 = tpu.memref_squeeze %dma_start3A_22 : memref<1x128x32xf32, #tpu.memory_space<vmem>> -> memref<128x32xf32, #tpu.memory_space<vmem>>
    %dma_start3A_24 = arith.constant 0 : i32
    %dma_start3A_25 = tpu.memref_slice %arg6[%dma_start3A, %dma_start3A_24] : memref<80x128xi32, #tpu.memory_space<vmem>> -> memref<1x128xi32, #tpu.memory_space<vmem>>
    %dma_start3A_26 = tpu.memref_squeeze %dma_start3A_25 : memref<1x128xi32, #tpu.memory_space<vmem>> -> memref<128xi32, #tpu.memory_space<vmem>>
    %dma_start3A_27 = arith.constant 0 : i32
    %dma_start3A_28 = arith.constant 0 : i32
    %dma_start3A_29 = tpu.memref_slice %arg2[%dma_start3A_27, %dma_start3A_28] : memref<10240x32xf32, #tpu.memory_space<hbm>> -> memref<10240x32xf32, #tpu.memory_space<hbm>>
    tpu.enqueue_indirect_dma source(%dma_start3A_29 : memref<10240x32xf32, #tpu.memory_space<hbm>>) target(%dma_start3A_23 : memref<128x32xf32, #tpu.memory_space<vmem>>) offsets(%dma_start3A_26 : memref<128xi32, #tpu.memory_space<vmem>>) semaphore(%arg11 : memref<!tpu.dma_semaphore, #tpu.memory_space<semaphore_mem>>)
    %dma_start3A_30 = arith.constant 1 : i32
    %dma_start3A_31 = arith.constant 1 : i32
    %dma_start3A_32 = arith.constant 0 : i32
    %dma_start3A_33 = arith.constant 0 : i32
    %dma_start3A_34 = tpu.memref_slice %arg8[%dma_start3A_31, %dma_start3A_32, %dma_start3A_33] : memref<8x128x32xf32, #tpu.memory_space<vmem>> -> memref<1x128x32xf32, #tpu.memory_space<vmem>>
    %dma_start3A_35 = tpu.memref_squeeze %dma_start3A_34 : memref<1x128x32xf32, #tpu.memory_space<vmem>> -> memref<128x32xf32, #tpu.memory_space<vmem>>
    %dma_start3A_36 = arith.constant 0 : i32
    %dma_start3A_37 = tpu.memref_slice %arg6[%dma_start3A_30, %dma_start3A_36] : memref<80x128xi32, #tpu.memory_space<vmem>> -> memref<1x128xi32, #tpu.memory_space<vmem>>
    %dma_start3A_38 = tpu.memref_squeeze %dma_start3A_37 : memref<1x128xi32, #tpu.memory_space<vmem>> -> memref<128xi32, #tpu.memory_space<vmem>>
    %dma_start3A_39 = arith.constant 0 : i32
    %dma_start3A_40 = arith.constant 0 : i32
    %dma_start3A_41 = tpu.memref_slice %arg2[%dma_start3A_39, %dma_start3A_40] : memref<10240x32xf32, #tpu.memory_space<hbm>> -> memref<10240x32xf32, #tpu.memory_space<hbm>>
    tpu.enqueue_indirect_dma source(%dma_start3A_41 : memref<10240x32xf32, #tpu.memory_space<hbm>>) target(%dma_start3A_35 : memref<128x32xf32, #tpu.memory_space<vmem>>) offsets(%dma_start3A_38 : memref<128xi32, #tpu.memory_space<vmem>>) semaphore(%arg12 : memref<!tpu.dma_semaphore, #tpu.memory_space<semaphore_mem>>)
    %dma_start3A_42 = arith.constant 2 : i32
    %dma_start3A_43 = arith.constant 2 : i32
    %dma_start3A_44 = arith.constant 0 : i32
    %dma_start3A_45 = arith.constant 0 : i32
    %dma_start3A_46 = tpu.memref_slice %arg8[%dma_start3A_43, %dma_start3A_44, %dma_start3A_45] : memref<8x128x32xf32, #tpu.memory_space<vmem>> -> memref<1x128x32xf32, #tpu.memory_space<vmem>>
    %dma_start3A_47 = tpu.memref_squeeze %dma_start3A_46 : memref<1x128x32xf32, #tpu.memory_space<vmem>> -> memref<128x32xf32, #tpu.memory_space<vmem>>
    %dma_start3A_48 = arith.constant 0 : i32
    %dma_start3A_49 = tpu.memref_slice %arg6[%dma_start3A_42, %dma_start3A_48] : memref<80x128xi32, #tpu.memory_space<vmem>> -> memref<1x128xi32, #tpu.memory_space<vmem>>
    %dma_start3A_50 = tpu.memref_squeeze %dma_start3A_49 : memref<1x128xi32, #tpu.memory_space<vmem>> -> memref<128xi32, #tpu.memory_space<vmem>>
    %dma_start3A_51 = arith.constant 0 : i32
    %dma_start3A_52 = arith.constant 0 : i32
    %dma_start3A_53 = tpu.memref_slice %arg2[%dma_start3A_51, %dma_start3A_52] : memref<10240x32xf32, #tpu.memory_space<hbm>> -> memref<10240x32xf32, #tpu.memory_space<hbm>>
    tpu.enqueue_indirect_dma source(%dma_start3A_53 : memref<10240x32xf32, #tpu.memory_space<hbm>>) target(%dma_start3A_47 : memref<128x32xf32, #tpu.memory_space<vmem>>) offsets(%dma_start3A_50 : memref<128xi32, #tpu.memory_space<vmem>>) semaphore(%arg13 : memref<!tpu.dma_semaphore, #tpu.memory_space<semaphore_mem>>)
    %dma_start3A_54 = arith.constant 3 : i32
    %dma_start3A_55 = arith.constant 3 : i32
    %dma_start3A_56 = arith.constant 0 : i32
    %dma_start3A_57 = arith.constant 0 : i32
    %dma_start3A_58 = tpu.memref_slice %arg8[%dma_start3A_55, %dma_start3A_56, %dma_start3A_57] : memref<8x128x32xf32, #tpu.memory_space<vmem>> -> memref<1x128x32xf32, #tpu.memory_space<vmem>>
    %dma_start3A_59 = tpu.memref_squeeze %dma_start3A_58 : memref<1x128x32xf32, #tpu.memory_space<vmem>> -> memref<128x32xf32, #tpu.memory_space<vmem>>
    %dma_start3A_60 = arith.constant 0 : i32
    %dma_start3A_61 = tpu.memref_slice %arg6[%dma_start3A_54, %dma_start3A_60] : memref<80x128xi32, #tpu.memory_space<vmem>> -> memref<1x128xi32, #tpu.memory_space<vmem>>
    %dma_start3A_62 = tpu.memref_squeeze %dma_start3A_61 : memref<1x128xi32, #tpu.memory_space<vmem>> -> memref<128xi32, #tpu.memory_space<vmem>>
    %dma_start3A_63 = arith.constant 0 : i32
    %dma_start3A_64 = arith.constant 0 : i32
    %dma_start3A_65 = tpu.memref_slice %arg2[%dma_start3A_63, %dma_start3A_64] : memref<10240x32xf32, #tpu.memory_space<hbm>> -> memref<10240x32xf32, #tpu.memory_space<hbm>>
    tpu.enqueue_indirect_dma source(%dma_start3A_65 : memref<10240x32xf32, #tpu.memory_space<hbm>>) target(%dma_start3A_59 : memref<128x32xf32, #tpu.memory_space<vmem>>) offsets(%dma_start3A_62 : memref<128xi32, #tpu.memory_space<vmem>>) semaphore(%arg14 : memref<!tpu.dma_semaphore, #tpu.memory_space<semaphore_mem>>)
    %dma_start3A_66 = arith.constant 4 : i32
    %dma_start3A_67 = arith.constant 4 : i32
    %dma_start3A_68 = arith.constant 0 : i32
    %dma_start3A_69 = arith.constant 0 : i32
    %dma_start3A_70 = tpu.memref_slice %arg8[%dma_start3A_67, %dma_start3A_68, %dma_start3A_69] : memref<8x128x32xf32, #tpu.memory_space<vmem>> -> memref<1x128x32xf32, #tpu.memory_space<vmem>>
    %dma_start3A_71 = tpu.memref_squeeze %dma_start3A_70 : memref<1x128x32xf32, #tpu.memory_space<vmem>> -> memref<128x32xf32, #tpu.memory_space<vmem>>
    %dma_start3A_72 = arith.constant 0 : i32
    %dma_start3A_73 = tpu.memref_slice %arg6[%dma_start3A_66, %dma_start3A_72] : memref<80x128xi32, #tpu.memory_space<vmem>> -> memref<1x128xi32, #tpu.memory_space<vmem>>
    %dma_start3A_74 = tpu.memref_squeeze %dma_start3A_73 : memref<1x128xi32, #tpu.memory_space<vmem>> -> memref<128xi32, #tpu.memory_space<vmem>>
    %dma_start3A_75 = arith.constant 0 : i32
    %dma_start3A_76 = arith.constant 0 : i32
    %dma_start3A_77 = tpu.memref_slice %arg2[%dma_start3A_75, %dma_start3A_76] : memref<10240x32xf32, #tpu.memory_space<hbm>> -> memref<10240x32xf32, #tpu.memory_space<hbm>>
    tpu.enqueue_indirect_dma source(%dma_start3A_77 : memref<10240x32xf32, #tpu.memory_space<hbm>>) target(%dma_start3A_71 : memref<128x32xf32, #tpu.memory_space<vmem>>) offsets(%dma_start3A_74 : memref<128xi32, #tpu.memory_space<vmem>>) semaphore(%arg15 : memref<!tpu.dma_semaphore, #tpu.memory_space<semaphore_mem>>)
    %dma_start3A_78 = arith.constant 5 : i32
    %dma_start3A_79 = arith.constant 5 : i32
    %dma_start3A_80 = arith.constant 0 : i32
    %dma_start3A_81 = arith.constant 0 : i32
    %dma_start3A_82 = tpu.memref_slice %arg8[%dma_start3A_79, %dma_start3A_80, %dma_start3A_81] : memref<8x128x32xf32, #tpu.memory_space<vmem>> -> memref<1x128x32xf32, #tpu.memory_space<vmem>>
    %dma_start3A_83 = tpu.memref_squeeze %dma_start3A_82 : memref<1x128x32xf32, #tpu.memory_space<vmem>> -> memref<128x32xf32, #tpu.memory_space<vmem>>
    %dma_start3A_84 = arith.constant 0 : i32
    %dma_start3A_85 = tpu.memref_slice %arg6[%dma_start3A_78, %dma_start3A_84] : memref<80x128xi32, #tpu.memory_space<vmem>> -> memref<1x128xi32, #tpu.memory_space<vmem>>
    %dma_start3A_86 = tpu.memref_squeeze %dma_start3A_85 : memref<1x128xi32, #tpu.memory_space<vmem>> -> memref<128xi32, #tpu.memory_space<vmem>>
    %dma_start3A_87 = arith.constant 0 : i32
    %dma_start3A_88 = arith.constant 0 : i32
    %dma_start3A_89 = tpu.memref_slice %arg2[%dma_start3A_87, %dma_start3A_88] : memref<10240x32xf32, #tpu.memory_space<hbm>> -> memref<10240x32xf32, #tpu.memory_space<hbm>>
    tpu.enqueue_indirect_dma source(%dma_start3A_89 : memref<10240x32xf32, #tpu.memory_space<hbm>>) target(%dma_start3A_83 : memref<128x32xf32, #tpu.memory_space<vmem>>) offsets(%dma_start3A_86 : memref<128xi32, #tpu.memory_space<vmem>>) semaphore(%arg16 : memref<!tpu.dma_semaphore, #tpu.memory_space<semaphore_mem>>)
    %scan3A_90 = arith.constant 0 : i32
    %scan3A_91 = arith.constant 0 : i32
    %scan3A_92 = arith.constant 10 : i32
    %scan3A_93 = arith.addi %scan3A_91, %scan3A_92 : i32
    %scan3A_94 = arith.constant 1 : i32
    %scan3A_95 = scf.for %scan3A_125 = %scan3A_91 to %scan3A_93 step %scan3A_94 iter_args(%scan3A_126 = %scan3A_90) -> (i32)  : i32 {
      %mul3A_127 = arith.constant 8 : i32
      %mul3A_128 = arith.muli %scan3A_125, %mul3A_127 : i32
      %gt3A = arith.constant 0 : i32
      %gt3A_129 = arith.cmpi sgt, %scan3A_125, %gt3A : i32
      %convert_element_type3A = arith.extui %gt3A_129 : i1 to i32
      %cond3A = arith.constant 0 : i32
      %cond3A_130 = arith.cmpi ne, %convert_element_type3A, %cond3A : i32
      scf.if %cond3A_130 {
        %dma_wait3A_499 = arith.constant 6 : i32
        %dma_wait3A_500 = arith.constant 0 : i32
        %dma_wait3A_501 = arith.constant 0 : i32
        %dma_wait3A_502 = arith.constant 0 : i32
        %dma_wait3A_503 = tpu.memref_slice %arg8[%dma_wait3A_499, %dma_wait3A_501, %dma_wait3A_502] : memref<8x128x32xf32, #tpu.memory_space<vmem>> -> memref<1x128x32xf32, #tpu.memory_space<vmem>>
        %dma_wait3A_504 = tpu.memref_squeeze %dma_wait3A_503 : memref<1x128x32xf32, #tpu.memory_space<vmem>> -> memref<128x32xf32, #tpu.memory_space<vmem>>
        %dma_wait3A_505 = arith.constant 0 : i32
        %dma_wait3A_506 = tpu.memref_slice %arg7[%dma_wait3A_500, %dma_wait3A_505] : memref<80x128xi32, #tpu.memory_space<vmem>> -> memref<1x128xi32, #tpu.memory_space<vmem>>
        %dma_wait3A_507 = tpu.memref_squeeze %dma_wait3A_506 : memref<1x128xi32, #tpu.memory_space<vmem>> -> memref<128xi32, #tpu.memory_space<vmem>>
        %dma_wait3A_508 = arith.constant 0 : i32
        %dma_wait3A_509 = arith.constant 0 : i32
        %dma_wait3A_510 = tpu.memref_slice %arg10[%dma_wait3A_508, %dma_wait3A_509] : memref<10240x32xf32, #tpu.memory_space<vmem_shared>> -> memref<10240x32xf32, #tpu.memory_space<vmem_shared>>
        tpu.wait_indirect_dma semaphore(%arg25 : memref<!tpu.dma_semaphore, #tpu.memory_space<semaphore_mem>>) src(%dma_wait3A_504 : memref<128x32xf32, #tpu.memory_space<vmem>>) dst(%dma_wait3A_510 : memref<10240x32xf32, #tpu.memory_space<vmem_shared>>)
      } else {
      }
      %add3A_131 = arith.constant 8 : i32
      %add3A_132 = arith.addi %mul3A_128, %add3A_131 : i32
      %sub3A = arith.constant 2 : i32
      %sub3A_133 = arith.subi %add3A_132, %sub3A : i32
      %add3A_134 = arith.constant 0 : i32
      %add3A_135 = arith.addi %sub3A_133, %add3A_134 : i32
      %dma_start3A_136 = arith.constant 6 : i32
      %dma_start3A_137 = arith.constant 0 : i32
      %dma_start3A_138 = arith.constant 0 : i32
      %dma_start3A_139 = tpu.memref_slice %arg8[%dma_start3A_136, %dma_start3A_137, %dma_start3A_138] : memref<8x128x32xf32, #tpu.memory_space<vmem>> -> memref<1x128x32xf32, #tpu.memory_space<vmem>>
      %dma_start3A_140 = tpu.memref_squeeze %dma_start3A_139 : memref<1x128x32xf32, #tpu.memory_space<vmem>> -> memref<128x32xf32, #tpu.memory_space<vmem>>
      %dma_start3A_141 = arith.constant 0 : i32
      %dma_start3A_142 = tpu.memref_slice %arg6[%add3A_135, %dma_start3A_141] : memref<80x128xi32, #tpu.memory_space<vmem>> -> memref<1x128xi32, #tpu.memory_space<vmem>>
      %dma_start3A_143 = tpu.memref_squeeze %dma_start3A_142 : memref<1x128xi32, #tpu.memory_space<vmem>> -> memref<128xi32, #tpu.memory_space<vmem>>
      %dma_start3A_144 = arith.constant 0 : i32
      %dma_start3A_145 = arith.constant 0 : i32
      %dma_start3A_146 = tpu.memref_slice %arg2[%dma_start3A_144, %dma_start3A_145] : memref<10240x32xf32, #tpu.memory_space<hbm>> -> memref<10240x32xf32, #tpu.memory_space<hbm>>
      tpu.enqueue_indirect_dma source(%dma_start3A_146 : memref<10240x32xf32, #tpu.memory_space<hbm>>) target(%dma_start3A_140 : memref<128x32xf32, #tpu.memory_space<vmem>>) offsets(%dma_start3A_143 : memref<128xi32, #tpu.memory_space<vmem>>) semaphore(%arg17 : memref<!tpu.dma_semaphore, #tpu.memory_space<semaphore_mem>>)
      %add3A_147 = arith.constant 0 : i32
      %add3A_148 = arith.addi %mul3A_128, %add3A_147 : i32
      %dma_wait3A_149 = arith.constant 0 : i32
      %dma_wait3A_150 = arith.constant 0 : i32
      %dma_wait3A_151 = arith.constant 0 : i32
      %dma_wait3A_152 = tpu.memref_slice %arg8[%dma_wait3A_149, %dma_wait3A_150, %dma_wait3A_151] : memref<8x128x32xf32, #tpu.memory_space<vmem>> -> memref<1x128x32xf32, #tpu.memory_space<vmem>>
      %dma_wait3A_153 = tpu.memref_squeeze %dma_wait3A_152 : memref<1x128x32xf32, #tpu.memory_space<vmem>> -> memref<128x32xf32, #tpu.memory_space<vmem>>
      %dma_wait3A_154 = arith.constant 0 : i32
      %dma_wait3A_155 = tpu.memref_slice %arg6[%add3A_148, %dma_wait3A_154] : memref<80x128xi32, #tpu.memory_space<vmem>> -> memref<1x128xi32, #tpu.memory_space<vmem>>
      %dma_wait3A_156 = tpu.memref_squeeze %dma_wait3A_155 : memref<1x128xi32, #tpu.memory_space<vmem>> -> memref<128xi32, #tpu.memory_space<vmem>>
      %dma_wait3A_157 = arith.constant 0 : i32
      %dma_wait3A_158 = arith.constant 0 : i32
      %dma_wait3A_159 = tpu.memref_slice %arg2[%dma_wait3A_157, %dma_wait3A_158] : memref<10240x32xf32, #tpu.memory_space<hbm>> -> memref<10240x32xf32, #tpu.memory_space<hbm>>
      tpu.wait_indirect_dma semaphore(%arg11 : memref<!tpu.dma_semaphore, #tpu.memory_space<semaphore_mem>>) src(%dma_wait3A_159 : memref<10240x32xf32, #tpu.memory_space<hbm>>) dst(%dma_wait3A_153 : memref<128x32xf32, #tpu.memory_space<vmem>>)
      %dma_start3A_160 = arith.constant 0 : i32
      %dma_start3A_161 = arith.constant 0 : i32
      %dma_start3A_162 = arith.constant 0 : i32
      %dma_start3A_163 = tpu.memref_slice %arg8[%dma_start3A_160, %dma_start3A_161, %dma_start3A_162] : memref<8x128x32xf32, #tpu.memory_space<vmem>> -> memref<1x128x32xf32, #tpu.memory_space<vmem>>
      %dma_start3A_164 = tpu.memref_squeeze %dma_start3A_163 : memref<1x128x32xf32, #tpu.memory_space<vmem>> -> memref<128x32xf32, #tpu.memory_space<vmem>>
      %dma_start3A_165 = arith.constant 0 : i32
      %dma_start3A_166 = tpu.memref_slice %arg7[%add3A_148, %dma_start3A_165] : memref<80x128xi32, #tpu.memory_space<vmem>> -> memref<1x128xi32, #tpu.memory_space<vmem>>
      %dma_start3A_167 = tpu.memref_squeeze %dma_start3A_166 : memref<1x128xi32, #tpu.memory_space<vmem>> -> memref<128xi32, #tpu.memory_space<vmem>>
      %dma_start3A_168 = arith.constant 0 : i32
      %dma_start3A_169 = arith.constant 0 : i32
      %dma_start3A_170 = tpu.memref_slice %arg10[%dma_start3A_168, %dma_start3A_169] : memref<10240x32xf32, #tpu.memory_space<vmem_shared>> -> memref<10240x32xf32, #tpu.memory_space<vmem_shared>>
      tpu.enqueue_indirect_dma source(%dma_start3A_164 : memref<128x32xf32, #tpu.memory_space<vmem>>) target(%dma_start3A_170 : memref<10240x32xf32, #tpu.memory_space<vmem_shared>>) offsets(%dma_start3A_167 : memref<128xi32, #tpu.memory_space<vmem>>) semaphore(%arg19 : memref<!tpu.dma_semaphore, #tpu.memory_space<semaphore_mem>>) {add = true}
      %gt3A_171 = arith.constant 0 : i32
      %gt3A_172 = arith.cmpi sgt, %scan3A_125, %gt3A_171 : i32
      %convert_element_type3A_173 = arith.extui %gt3A_172 : i1 to i32
      %cond3A_174 = arith.constant 0 : i32
      %cond3A_175 = arith.cmpi ne, %convert_element_type3A_173, %cond3A_174 : i32
      scf.if %cond3A_175 {
        %dma_wait3A_499 = arith.constant 7 : i32
        %dma_wait3A_500 = arith.constant 0 : i32
        %dma_wait3A_501 = arith.constant 0 : i32
        %dma_wait3A_502 = arith.constant 0 : i32
        %dma_wait3A_503 = tpu.memref_slice %arg8[%dma_wait3A_499, %dma_wait3A_501, %dma_wait3A_502] : memref<8x128x32xf32, #tpu.memory_space<vmem>> -> memref<1x128x32xf32, #tpu.memory_space<vmem>>
        %dma_wait3A_504 = tpu.memref_squeeze %dma_wait3A_503 : memref<1x128x32xf32, #tpu.memory_space<vmem>> -> memref<128x32xf32, #tpu.memory_space<vmem>>
        %dma_wait3A_505 = arith.constant 0 : i32
        %dma_wait3A_506 = tpu.memref_slice %arg7[%dma_wait3A_500, %dma_wait3A_505] : memref<80x128xi32, #tpu.memory_space<vmem>> -> memref<1x128xi32, #tpu.memory_space<vmem>>
        %dma_wait3A_507 = tpu.memref_squeeze %dma_wait3A_506 : memref<1x128xi32, #tpu.memory_space<vmem>> -> memref<128xi32, #tpu.memory_space<vmem>>
        %dma_wait3A_508 = arith.constant 0 : i32
        %dma_wait3A_509 = arith.constant 0 : i32
        %dma_wait3A_510 = tpu.memref_slice %arg10[%dma_wait3A_508, %dma_wait3A_509] : memref<10240x32xf32, #tpu.memory_space<vmem_shared>> -> memref<10240x32xf32, #tpu.memory_space<vmem_shared>>
        tpu.wait_indirect_dma semaphore(%arg26 : memref<!tpu.dma_semaphore, #tpu.memory_space<semaphore_mem>>) src(%dma_wait3A_504 : memref<128x32xf32, #tpu.memory_space<vmem>>) dst(%dma_wait3A_510 : memref<10240x32xf32, #tpu.memory_space<vmem_shared>>)
      } else {
      }
      %add3A_176 = arith.constant 8 : i32
      %add3A_177 = arith.addi %mul3A_128, %add3A_176 : i32
      %sub3A_178 = arith.constant 2 : i32
      %sub3A_179 = arith.subi %add3A_177, %sub3A_178 : i32
      %add3A_180 = arith.constant 1 : i32
      %add3A_181 = arith.addi %sub3A_179, %add3A_180 : i32
      %dma_start3A_182 = arith.constant 7 : i32
      %dma_start3A_183 = arith.constant 0 : i32
      %dma_start3A_184 = arith.constant 0 : i32
      %dma_start3A_185 = tpu.memref_slice %arg8[%dma_start3A_182, %dma_start3A_183, %dma_start3A_184] : memref<8x128x32xf32, #tpu.memory_space<vmem>> -> memref<1x128x32xf32, #tpu.memory_space<vmem>>
      %dma_start3A_186 = tpu.memref_squeeze %dma_start3A_185 : memref<1x128x32xf32, #tpu.memory_space<vmem>> -> memref<128x32xf32, #tpu.memory_space<vmem>>
      %dma_start3A_187 = arith.constant 0 : i32
      %dma_start3A_188 = tpu.memref_slice %arg6[%add3A_181, %dma_start3A_187] : memref<80x128xi32, #tpu.memory_space<vmem>> -> memref<1x128xi32, #tpu.memory_space<vmem>>
      %dma_start3A_189 = tpu.memref_squeeze %dma_start3A_188 : memref<1x128xi32, #tpu.memory_space<vmem>> -> memref<128xi32, #tpu.memory_space<vmem>>
      %dma_start3A_190 = arith.constant 0 : i32
      %dma_start3A_191 = arith.constant 0 : i32
      %dma_start3A_192 = tpu.memref_slice %arg2[%dma_start3A_190, %dma_start3A_191] : memref<10240x32xf32, #tpu.memory_space<hbm>> -> memref<10240x32xf32, #tpu.memory_space<hbm>>
      tpu.enqueue_indirect_dma source(%dma_start3A_192 : memref<10240x32xf32, #tpu.memory_space<hbm>>) target(%dma_start3A_186 : memref<128x32xf32, #tpu.memory_space<vmem>>) offsets(%dma_start3A_189 : memref<128xi32, #tpu.memory_space<vmem>>) semaphore(%arg18 : memref<!tpu.dma_semaphore, #tpu.memory_space<semaphore_mem>>)
      %add3A_193 = arith.constant 1 : i32
      %add3A_194 = arith.addi %mul3A_128, %add3A_193 : i32
      %dma_wait3A_195 = arith.constant 1 : i32
      %dma_wait3A_196 = arith.constant 0 : i32
      %dma_wait3A_197 = arith.constant 0 : i32
      %dma_wait3A_198 = tpu.memref_slice %arg8[%dma_wait3A_195, %dma_wait3A_196, %dma_wait3A_197] : memref<8x128x32xf32, #tpu.memory_space<vmem>> -> memref<1x128x32xf32, #tpu.memory_space<vmem>>
      %dma_wait3A_199 = tpu.memref_squeeze %dma_wait3A_198 : memref<1x128x32xf32, #tpu.memory_space<vmem>> -> memref<128x32xf32, #tpu.memory_space<vmem>>
      %dma_wait3A_200 = arith.constant 0 : i32
      %dma_wait3A_201 = tpu.memref_slice %arg6[%add3A_194, %dma_wait3A_200] : memref<80x128xi32, #tpu.memory_space<vmem>> -> memref<1x128xi32, #tpu.memory_space<vmem>>
      %dma_wait3A_202 = tpu.memref_squeeze %dma_wait3A_201 : memref<1x128xi32, #tpu.memory_space<vmem>> -> memref<128xi32, #tpu.memory_space<vmem>>
      %dma_wait3A_203 = arith.constant 0 : i32
      %dma_wait3A_204 = arith.constant 0 : i32
      %dma_wait3A_205 = tpu.memref_slice %arg2[%dma_wait3A_203, %dma_wait3A_204] : memref<10240x32xf32, #tpu.memory_space<hbm>> -> memref<10240x32xf32, #tpu.memory_space<hbm>>
      tpu.wait_indirect_dma semaphore(%arg12 : memref<!tpu.dma_semaphore, #tpu.memory_space<semaphore_mem>>) src(%dma_wait3A_205 : memref<10240x32xf32, #tpu.memory_space<hbm>>) dst(%dma_wait3A_199 : memref<128x32xf32, #tpu.memory_space<vmem>>)
      %dma_start3A_206 = arith.constant 1 : i32
      %dma_start3A_207 = arith.constant 0 : i32
      %dma_start3A_208 = arith.constant 0 : i32
      %dma_start3A_209 = tpu.memref_slice %arg8[%dma_start3A_206, %dma_start3A_207, %dma_start3A_208] : memref<8x128x32xf32, #tpu.memory_space<vmem>> -> memref<1x128x32xf32, #tpu.memory_space<vmem>>
      %dma_start3A_210 = tpu.memref_squeeze %dma_start3A_209 : memref<1x128x32xf32, #tpu.memory_space<vmem>> -> memref<128x32xf32, #tpu.memory_space<vmem>>
      %dma_start3A_211 = arith.constant 0 : i32
      %dma_start3A_212 = tpu.memref_slice %arg7[%add3A_194, %dma_start3A_211] : memref<80x128xi32, #tpu.memory_space<vmem>> -> memref<1x128xi32, #tpu.memory_space<vmem>>
      %dma_start3A_213 = tpu.memref_squeeze %dma_start3A_212 : memref<1x128xi32, #tpu.memory_space<vmem>> -> memref<128xi32, #tpu.memory_space<vmem>>
      %dma_start3A_214 = arith.constant 0 : i32
      %dma_start3A_215 = arith.constant 0 : i32
      %dma_start3A_216 = tpu.memref_slice %arg10[%dma_start3A_214, %dma_start3A_215] : memref<10240x32xf32, #tpu.memory_space<vmem_shared>> -> memref<10240x32xf32, #tpu.memory_space<vmem_shared>>
      tpu.enqueue_indirect_dma source(%dma_start3A_210 : memref<128x32xf32, #tpu.memory_space<vmem>>) target(%dma_start3A_216 : memref<10240x32xf32, #tpu.memory_space<vmem_shared>>) offsets(%dma_start3A_213 : memref<128xi32, #tpu.memory_space<vmem>>) semaphore(%arg20 : memref<!tpu.dma_semaphore, #tpu.memory_space<semaphore_mem>>) {add = true}
      %dma_wait3A_217 = arith.constant 0 : i32
      %dma_wait3A_218 = arith.constant 0 : i32
      %dma_wait3A_219 = arith.constant 0 : i32
      %dma_wait3A_220 = arith.constant 0 : i32
      %dma_wait3A_221 = tpu.memref_slice %arg8[%dma_wait3A_217, %dma_wait3A_219, %dma_wait3A_220] : memref<8x128x32xf32, #tpu.memory_space<vmem>> -> memref<1x128x32xf32, #tpu.memory_space<vmem>>
      %dma_wait3A_222 = tpu.memref_squeeze %dma_wait3A_221 : memref<1x128x32xf32, #tpu.memory_space<vmem>> -> memref<128x32xf32, #tpu.memory_space<vmem>>
      %dma_wait3A_223 = arith.constant 0 : i32
      %dma_wait3A_224 = tpu.memref_slice %arg7[%dma_wait3A_218, %dma_wait3A_223] : memref<80x128xi32, #tpu.memory_space<vmem>> -> memref<1x128xi32, #tpu.memory_space<vmem>>
      %dma_wait3A_225 = tpu.memref_squeeze %dma_wait3A_224 : memref<1x128xi32, #tpu.memory_space<vmem>> -> memref<128xi32, #tpu.memory_space<vmem>>
      %dma_wait3A_226 = arith.constant 0 : i32
      %dma_wait3A_227 = arith.constant 0 : i32
      %dma_wait3A_228 = tpu.memref_slice %arg10[%dma_wait3A_226, %dma_wait3A_227] : memref<10240x32xf32, #tpu.memory_space<vmem_shared>> -> memref<10240x32xf32, #tpu.memory_space<vmem_shared>>
      tpu.wait_indirect_dma semaphore(%arg19 : memref<!tpu.dma_semaphore, #tpu.memory_space<semaphore_mem>>) src(%dma_wait3A_222 : memref<128x32xf32, #tpu.memory_space<vmem>>) dst(%dma_wait3A_228 : memref<10240x32xf32, #tpu.memory_space<vmem_shared>>)
      %add3A_229 = arith.constant 8 : i32
      %add3A_230 = arith.addi %mul3A_128, %add3A_229 : i32
      %add3A_231 = arith.constant 2 : i32
      %add3A_232 = arith.addi %add3A_230, %add3A_231 : i32
      %sub3A_233 = arith.constant 2 : i32
      %sub3A_234 = arith.subi %add3A_232, %sub3A_233 : i32
      %lt3A = arith.constant 9 : i32
      %lt3A_235 = arith.cmpi slt, %scan3A_125, %lt3A : i32
      %convert_element_type3A_236 = arith.extui %lt3A_235 : i1 to i32
      %cond3A_237 = arith.constant 0 : i32
      %cond3A_238 = arith.cmpi ne, %convert_element_type3A_236, %cond3A_237 : i32
      scf.if %cond3A_238 {
        %dma_start3A_499 = arith.constant 0 : i32
        %dma_start3A_500 = arith.constant 0 : i32
        %dma_start3A_501 = arith.constant 0 : i32
        %dma_start3A_502 = tpu.memref_slice %arg8[%dma_start3A_499, %dma_start3A_500, %dma_start3A_501] : memref<8x128x32xf32, #tpu.memory_space<vmem>> -> memref<1x128x32xf32, #tpu.memory_space<vmem>>
        %dma_start3A_503 = tpu.memref_squeeze %dma_start3A_502 : memref<1x128x32xf32, #tpu.memory_space<vmem>> -> memref<128x32xf32, #tpu.memory_space<vmem>>
        %dma_start3A_504 = arith.constant 0 : i32
        %dma_start3A_505 = tpu.memref_slice %arg6[%sub3A_234, %dma_start3A_504] : memref<80x128xi32, #tpu.memory_space<vmem>> -> memref<1x128xi32, #tpu.memory_space<vmem>>
        %dma_start3A_506 = tpu.memref_squeeze %dma_start3A_505 : memref<1x128xi32, #tpu.memory_space<vmem>> -> memref<128xi32, #tpu.memory_space<vmem>>
        %dma_start3A_507 = arith.constant 0 : i32
        %dma_start3A_508 = arith.constant 0 : i32
        %dma_start3A_509 = tpu.memref_slice %arg2[%dma_start3A_507, %dma_start3A_508] : memref<10240x32xf32, #tpu.memory_space<hbm>> -> memref<10240x32xf32, #tpu.memory_space<hbm>>
        tpu.enqueue_indirect_dma source(%dma_start3A_509 : memref<10240x32xf32, #tpu.memory_space<hbm>>) target(%dma_start3A_503 : memref<128x32xf32, #tpu.memory_space<vmem>>) offsets(%dma_start3A_506 : memref<128xi32, #tpu.memory_space<vmem>>) semaphore(%arg11 : memref<!tpu.dma_semaphore, #tpu.memory_space<semaphore_mem>>)
      } else {
      }
      %add3A_239 = arith.constant 2 : i32
      %add3A_240 = arith.addi %mul3A_128, %add3A_239 : i32
      %dma_wait3A_241 = arith.constant 2 : i32
      %dma_wait3A_242 = arith.constant 0 : i32
      %dma_wait3A_243 = arith.constant 0 : i32
      %dma_wait3A_244 = tpu.memref_slice %arg8[%dma_wait3A_241, %dma_wait3A_242, %dma_wait3A_243] : memref<8x128x32xf32, #tpu.memory_space<vmem>> -> memref<1x128x32xf32, #tpu.memory_space<vmem>>
      %dma_wait3A_245 = tpu.memref_squeeze %dma_wait3A_244 : memref<1x128x32xf32, #tpu.memory_space<vmem>> -> memref<128x32xf32, #tpu.memory_space<vmem>>
      %dma_wait3A_246 = arith.constant 0 : i32
      %dma_wait3A_247 = tpu.memref_slice %arg6[%add3A_240, %dma_wait3A_246] : memref<80x128xi32, #tpu.memory_space<vmem>> -> memref<1x128xi32, #tpu.memory_space<vmem>>
      %dma_wait3A_248 = tpu.memref_squeeze %dma_wait3A_247 : memref<1x128xi32, #tpu.memory_space<vmem>> -> memref<128xi32, #tpu.memory_space<vmem>>
      %dma_wait3A_249 = arith.constant 0 : i32
      %dma_wait3A_250 = arith.constant 0 : i32
      %dma_wait3A_251 = tpu.memref_slice %arg2[%dma_wait3A_249, %dma_wait3A_250] : memref<10240x32xf32, #tpu.memory_space<hbm>> -> memref<10240x32xf32, #tpu.memory_space<hbm>>
      tpu.wait_indirect_dma semaphore(%arg13 : memref<!tpu.dma_semaphore, #tpu.memory_space<semaphore_mem>>) src(%dma_wait3A_251 : memref<10240x32xf32, #tpu.memory_space<hbm>>) dst(%dma_wait3A_245 : memref<128x32xf32, #tpu.memory_space<vmem>>)
      %dma_start3A_252 = arith.constant 2 : i32
      %dma_start3A_253 = arith.constant 0 : i32
      %dma_start3A_254 = arith.constant 0 : i32
      %dma_start3A_255 = tpu.memref_slice %arg8[%dma_start3A_252, %dma_start3A_253, %dma_start3A_254] : memref<8x128x32xf32, #tpu.memory_space<vmem>> -> memref<1x128x32xf32, #tpu.memory_space<vmem>>
      %dma_start3A_256 = tpu.memref_squeeze %dma_start3A_255 : memref<1x128x32xf32, #tpu.memory_space<vmem>> -> memref<128x32xf32, #tpu.memory_space<vmem>>
      %dma_start3A_257 = arith.constant 0 : i32
      %dma_start3A_258 = tpu.memref_slice %arg7[%add3A_240, %dma_start3A_257] : memref<80x128xi32, #tpu.memory_space<vmem>> -> memref<1x128xi32, #tpu.memory_space<vmem>>
      %dma_start3A_259 = tpu.memref_squeeze %dma_start3A_258 : memref<1x128xi32, #tpu.memory_space<vmem>> -> memref<128xi32, #tpu.memory_space<vmem>>
      %dma_start3A_260 = arith.constant 0 : i32
      %dma_start3A_261 = arith.constant 0 : i32
      %dma_start3A_262 = tpu.memref_slice %arg10[%dma_start3A_260, %dma_start3A_261] : memref<10240x32xf32, #tpu.memory_space<vmem_shared>> -> memref<10240x32xf32, #tpu.memory_space<vmem_shared>>
      tpu.enqueue_indirect_dma source(%dma_start3A_256 : memref<128x32xf32, #tpu.memory_space<vmem>>) target(%dma_start3A_262 : memref<10240x32xf32, #tpu.memory_space<vmem_shared>>) offsets(%dma_start3A_259 : memref<128xi32, #tpu.memory_space<vmem>>) semaphore(%arg21 : memref<!tpu.dma_semaphore, #tpu.memory_space<semaphore_mem>>) {add = true}
      %dma_wait3A_263 = arith.constant 1 : i32
      %dma_wait3A_264 = arith.constant 0 : i32
      %dma_wait3A_265 = arith.constant 0 : i32
      %dma_wait3A_266 = arith.constant 0 : i32
      %dma_wait3A_267 = tpu.memref_slice %arg8[%dma_wait3A_263, %dma_wait3A_265, %dma_wait3A_266] : memref<8x128x32xf32, #tpu.memory_space<vmem>> -> memref<1x128x32xf32, #tpu.memory_space<vmem>>
      %dma_wait3A_268 = tpu.memref_squeeze %dma_wait3A_267 : memref<1x128x32xf32, #tpu.memory_space<vmem>> -> memref<128x32xf32, #tpu.memory_space<vmem>>
      %dma_wait3A_269 = arith.constant 0 : i32
      %dma_wait3A_270 = tpu.memref_slice %arg7[%dma_wait3A_264, %dma_wait3A_269] : memref<80x128xi32, #tpu.memory_space<vmem>> -> memref<1x128xi32, #tpu.memory_space<vmem>>
      %dma_wait3A_271 = tpu.memref_squeeze %dma_wait3A_270 : memref<1x128xi32, #tpu.memory_space<vmem>> -> memref<128xi32, #tpu.memory_space<vmem>>
      %dma_wait3A_272 = arith.constant 0 : i32
      %dma_wait3A_273 = arith.constant 0 : i32
      %dma_wait3A_274 = tpu.memref_slice %arg10[%dma_wait3A_272, %dma_wait3A_273] : memref<10240x32xf32, #tpu.memory_space<vmem_shared>> -> memref<10240x32xf32, #tpu.memory_space<vmem_shared>>
      tpu.wait_indirect_dma semaphore(%arg20 : memref<!tpu.dma_semaphore, #tpu.memory_space<semaphore_mem>>) src(%dma_wait3A_268 : memref<128x32xf32, #tpu.memory_space<vmem>>) dst(%dma_wait3A_274 : memref<10240x32xf32, #tpu.memory_space<vmem_shared>>)
      %add3A_275 = arith.constant 8 : i32
      %add3A_276 = arith.addi %mul3A_128, %add3A_275 : i32
      %add3A_277 = arith.constant 3 : i32
      %add3A_278 = arith.addi %add3A_276, %add3A_277 : i32
      %sub3A_279 = arith.constant 2 : i32
      %sub3A_280 = arith.subi %add3A_278, %sub3A_279 : i32
      %lt3A_281 = arith.constant 9 : i32
      %lt3A_282 = arith.cmpi slt, %scan3A_125, %lt3A_281 : i32
      %convert_element_type3A_283 = arith.extui %lt3A_282 : i1 to i32
      %cond3A_284 = arith.constant 0 : i32
      %cond3A_285 = arith.cmpi ne, %convert_element_type3A_283, %cond3A_284 : i32
      scf.if %cond3A_285 {
        %dma_start3A_499 = arith.constant 1 : i32
        %dma_start3A_500 = arith.constant 0 : i32
        %dma_start3A_501 = arith.constant 0 : i32
        %dma_start3A_502 = tpu.memref_slice %arg8[%dma_start3A_499, %dma_start3A_500, %dma_start3A_501] : memref<8x128x32xf32, #tpu.memory_space<vmem>> -> memref<1x128x32xf32, #tpu.memory_space<vmem>>
        %dma_start3A_503 = tpu.memref_squeeze %dma_start3A_502 : memref<1x128x32xf32, #tpu.memory_space<vmem>> -> memref<128x32xf32, #tpu.memory_space<vmem>>
        %dma_start3A_504 = arith.constant 0 : i32
        %dma_start3A_505 = tpu.memref_slice %arg6[%sub3A_280, %dma_start3A_504] : memref<80x128xi32, #tpu.memory_space<vmem>> -> memref<1x128xi32, #tpu.memory_space<vmem>>
        %dma_start3A_506 = tpu.memref_squeeze %dma_start3A_505 : memref<1x128xi32, #tpu.memory_space<vmem>> -> memref<128xi32, #tpu.memory_space<vmem>>
        %dma_start3A_507 = arith.constant 0 : i32
        %dma_start3A_508 = arith.constant 0 : i32
        %dma_start3A_509 = tpu.memref_slice %arg2[%dma_start3A_507, %dma_start3A_508] : memref<10240x32xf32, #tpu.memory_space<hbm>> -> memref<10240x32xf32, #tpu.memory_space<hbm>>
        tpu.enqueue_indirect_dma source(%dma_start3A_509 : memref<10240x32xf32, #tpu.memory_space<hbm>>) target(%dma_start3A_503 : memref<128x32xf32, #tpu.memory_space<vmem>>) offsets(%dma_start3A_506 : memref<128xi32, #tpu.memory_space<vmem>>) semaphore(%arg12 : memref<!tpu.dma_semaphore, #tpu.memory_space<semaphore_mem>>)
      } else {
      }
      %add3A_286 = arith.constant 3 : i32
      %add3A_287 = arith.addi %mul3A_128, %add3A_286 : i32
      %dma_wait3A_288 = arith.constant 3 : i32
      %dma_wait3A_289 = arith.constant 0 : i32
      %dma_wait3A_290 = arith.constant 0 : i32
      %dma_wait3A_291 = tpu.memref_slice %arg8[%dma_wait3A_288, %dma_wait3A_289, %dma_wait3A_290] : memref<8x128x32xf32, #tpu.memory_space<vmem>> -> memref<1x128x32xf32, #tpu.memory_space<vmem>>
      %dma_wait3A_292 = tpu.memref_squeeze %dma_wait3A_291 : memref<1x128x32xf32, #tpu.memory_space<vmem>> -> memref<128x32xf32, #tpu.memory_space<vmem>>
      %dma_wait3A_293 = arith.constant 0 : i32
      %dma_wait3A_294 = tpu.memref_slice %arg6[%add3A_287, %dma_wait3A_293] : memref<80x128xi32, #tpu.memory_space<vmem>> -> memref<1x128xi32, #tpu.memory_space<vmem>>
      %dma_wait3A_295 = tpu.memref_squeeze %dma_wait3A_294 : memref<1x128xi32, #tpu.memory_space<vmem>> -> memref<128xi32, #tpu.memory_space<vmem>>
      %dma_wait3A_296 = arith.constant 0 : i32
      %dma_wait3A_297 = arith.constant 0 : i32
      %dma_wait3A_298 = tpu.memref_slice %arg2[%dma_wait3A_296, %dma_wait3A_297] : memref<10240x32xf32, #tpu.memory_space<hbm>> -> memref<10240x32xf32, #tpu.memory_space<hbm>>
      tpu.wait_indirect_dma semaphore(%arg14 : memref<!tpu.dma_semaphore, #tpu.memory_space<semaphore_mem>>) src(%dma_wait3A_298 : memref<10240x32xf32, #tpu.memory_space<hbm>>) dst(%dma_wait3A_292 : memref<128x32xf32, #tpu.memory_space<vmem>>)
      %dma_start3A_299 = arith.constant 3 : i32
      %dma_start3A_300 = arith.constant 0 : i32
      %dma_start3A_301 = arith.constant 0 : i32
      %dma_start3A_302 = tpu.memref_slice %arg8[%dma_start3A_299, %dma_start3A_300, %dma_start3A_301] : memref<8x128x32xf32, #tpu.memory_space<vmem>> -> memref<1x128x32xf32, #tpu.memory_space<vmem>>
      %dma_start3A_303 = tpu.memref_squeeze %dma_start3A_302 : memref<1x128x32xf32, #tpu.memory_space<vmem>> -> memref<128x32xf32, #tpu.memory_space<vmem>>
      %dma_start3A_304 = arith.constant 0 : i32
      %dma_start3A_305 = tpu.memref_slice %arg7[%add3A_287, %dma_start3A_304] : memref<80x128xi32, #tpu.memory_space<vmem>> -> memref<1x128xi32, #tpu.memory_space<vmem>>
      %dma_start3A_306 = tpu.memref_squeeze %dma_start3A_305 : memref<1x128xi32, #tpu.memory_space<vmem>> -> memref<128xi32, #tpu.memory_space<vmem>>
      %dma_start3A_307 = arith.constant 0 : i32
      %dma_start3A_308 = arith.constant 0 : i32
      %dma_start3A_309 = tpu.memref_slice %arg10[%dma_start3A_307, %dma_start3A_308] : memref<10240x32xf32, #tpu.memory_space<vmem_shared>> -> memref<10240x32xf32, #tpu.memory_space<vmem_shared>>
      tpu.enqueue_indirect_dma source(%dma_start3A_303 : memref<128x32xf32, #tpu.memory_space<vmem>>) target(%dma_start3A_309 : memref<10240x32xf32, #tpu.memory_space<vmem_shared>>) offsets(%dma_start3A_306 : memref<128xi32, #tpu.memory_space<vmem>>) semaphore(%arg22 : memref<!tpu.dma_semaphore, #tpu.memory_space<semaphore_mem>>) {add = true}
      %dma_wait3A_310 = arith.constant 2 : i32
      %dma_wait3A_311 = arith.constant 0 : i32
      %dma_wait3A_312 = arith.constant 0 : i32
      %dma_wait3A_313 = arith.constant 0 : i32
      %dma_wait3A_314 = tpu.memref_slice %arg8[%dma_wait3A_310, %dma_wait3A_312, %dma_wait3A_313] : memref<8x128x32xf32, #tpu.memory_space<vmem>> -> memref<1x128x32xf32, #tpu.memory_space<vmem>>
      %dma_wait3A_315 = tpu.memref_squeeze %dma_wait3A_314 : memref<1x128x32xf32, #tpu.memory_space<vmem>> -> memref<128x32xf32, #tpu.memory_space<vmem>>
      %dma_wait3A_316 = arith.constant 0 : i32
      %dma_wait3A_317 = tpu.memref_slice %arg7[%dma_wait3A_311, %dma_wait3A_316] : memref<80x128xi32, #tpu.memory_space<vmem>> -> memref<1x128xi32, #tpu.memory_space<vmem>>
      %dma_wait3A_318 = tpu.memref_squeeze %dma_wait3A_317 : memref<1x128xi32, #tpu.memory_space<vmem>> -> memref<128xi32, #tpu.memory_space<vmem>>
      %dma_wait3A_319 = arith.constant 0 : i32
      %dma_wait3A_320 = arith.constant 0 : i32
      %dma_wait3A_321 = tpu.memref_slice %arg10[%dma_wait3A_319, %dma_wait3A_320] : memref<10240x32xf32, #tpu.memory_space<vmem_shared>> -> memref<10240x32xf32, #tpu.memory_space<vmem_shared>>
      tpu.wait_indirect_dma semaphore(%arg21 : memref<!tpu.dma_semaphore, #tpu.memory_space<semaphore_mem>>) src(%dma_wait3A_315 : memref<128x32xf32, #tpu.memory_space<vmem>>) dst(%dma_wait3A_321 : memref<10240x32xf32, #tpu.memory_space<vmem_shared>>)
      %add3A_322 = arith.constant 8 : i32
      %add3A_323 = arith.addi %mul3A_128, %add3A_322 : i32
      %add3A_324 = arith.constant 4 : i32
      %add3A_325 = arith.addi %add3A_323, %add3A_324 : i32
      %sub3A_326 = arith.constant 2 : i32
      %sub3A_327 = arith.subi %add3A_325, %sub3A_326 : i32
      %lt3A_328 = arith.constant 9 : i32
      %lt3A_329 = arith.cmpi slt, %scan3A_125, %lt3A_328 : i32
      %convert_element_type3A_330 = arith.extui %lt3A_329 : i1 to i32
      %cond3A_331 = arith.constant 0 : i32
      %cond3A_332 = arith.cmpi ne, %convert_element_type3A_330, %cond3A_331 : i32
      scf.if %cond3A_332 {
        %dma_start3A_499 = arith.constant 2 : i32
        %dma_start3A_500 = arith.constant 0 : i32
        %dma_start3A_501 = arith.constant 0 : i32
        %dma_start3A_502 = tpu.memref_slice %arg8[%dma_start3A_499, %dma_start3A_500, %dma_start3A_501] : memref<8x128x32xf32, #tpu.memory_space<vmem>> -> memref<1x128x32xf32, #tpu.memory_space<vmem>>
        %dma_start3A_503 = tpu.memref_squeeze %dma_start3A_502 : memref<1x128x32xf32, #tpu.memory_space<vmem>> -> memref<128x32xf32, #tpu.memory_space<vmem>>
        %dma_start3A_504 = arith.constant 0 : i32
        %dma_start3A_505 = tpu.memref_slice %arg6[%sub3A_327, %dma_start3A_504] : memref<80x128xi32, #tpu.memory_space<vmem>> -> memref<1x128xi32, #tpu.memory_space<vmem>>
        %dma_start3A_506 = tpu.memref_squeeze %dma_start3A_505 : memref<1x128xi32, #tpu.memory_space<vmem>> -> memref<128xi32, #tpu.memory_space<vmem>>
        %dma_start3A_507 = arith.constant 0 : i32
        %dma_start3A_508 = arith.constant 0 : i32
        %dma_start3A_509 = tpu.memref_slice %arg2[%dma_start3A_507, %dma_start3A_508] : memref<10240x32xf32, #tpu.memory_space<hbm>> -> memref<10240x32xf32, #tpu.memory_space<hbm>>
        tpu.enqueue_indirect_dma source(%dma_start3A_509 : memref<10240x32xf32, #tpu.memory_space<hbm>>) target(%dma_start3A_503 : memref<128x32xf32, #tpu.memory_space<vmem>>) offsets(%dma_start3A_506 : memref<128xi32, #tpu.memory_space<vmem>>) semaphore(%arg13 : memref<!tpu.dma_semaphore, #tpu.memory_space<semaphore_mem>>)
      } else {
      }
      %add3A_333 = arith.constant 4 : i32
      %add3A_334 = arith.addi %mul3A_128, %add3A_333 : i32
      %dma_wait3A_335 = arith.constant 4 : i32
      %dma_wait3A_336 = arith.constant 0 : i32
      %dma_wait3A_337 = arith.constant 0 : i32
      %dma_wait3A_338 = tpu.memref_slice %arg8[%dma_wait3A_335, %dma_wait3A_336, %dma_wait3A_337] : memref<8x128x32xf32, #tpu.memory_space<vmem>> -> memref<1x128x32xf32, #tpu.memory_space<vmem>>
      %dma_wait3A_339 = tpu.memref_squeeze %dma_wait3A_338 : memref<1x128x32xf32, #tpu.memory_space<vmem>> -> memref<128x32xf32, #tpu.memory_space<vmem>>
      %dma_wait3A_340 = arith.constant 0 : i32
      %dma_wait3A_341 = tpu.memref_slice %arg6[%add3A_334, %dma_wait3A_340] : memref<80x128xi32, #tpu.memory_space<vmem>> -> memref<1x128xi32, #tpu.memory_space<vmem>>
      %dma_wait3A_342 = tpu.memref_squeeze %dma_wait3A_341 : memref<1x128xi32, #tpu.memory_space<vmem>> -> memref<128xi32, #tpu.memory_space<vmem>>
      %dma_wait3A_343 = arith.constant 0 : i32
      %dma_wait3A_344 = arith.constant 0 : i32
      %dma_wait3A_345 = tpu.memref_slice %arg2[%dma_wait3A_343, %dma_wait3A_344] : memref<10240x32xf32, #tpu.memory_space<hbm>> -> memref<10240x32xf32, #tpu.memory_space<hbm>>
      tpu.wait_indirect_dma semaphore(%arg15 : memref<!tpu.dma_semaphore, #tpu.memory_space<semaphore_mem>>) src(%dma_wait3A_345 : memref<10240x32xf32, #tpu.memory_space<hbm>>) dst(%dma_wait3A_339 : memref<128x32xf32, #tpu.memory_space<vmem>>)
      %dma_start3A_346 = arith.constant 4 : i32
      %dma_start3A_347 = arith.constant 0 : i32
      %dma_start3A_348 = arith.constant 0 : i32
      %dma_start3A_349 = tpu.memref_slice %arg8[%dma_start3A_346, %dma_start3A_347, %dma_start3A_348] : memref<8x128x32xf32, #tpu.memory_space<vmem>> -> memref<1x128x32xf32, #tpu.memory_space<vmem>>
      %dma_start3A_350 = tpu.memref_squeeze %dma_start3A_349 : memref<1x128x32xf32, #tpu.memory_space<vmem>> -> memref<128x32xf32, #tpu.memory_space<vmem>>
      %dma_start3A_351 = arith.constant 0 : i32
      %dma_start3A_352 = tpu.memref_slice %arg7[%add3A_334, %dma_start3A_351] : memref<80x128xi32, #tpu.memory_space<vmem>> -> memref<1x128xi32, #tpu.memory_space<vmem>>
      %dma_start3A_353 = tpu.memref_squeeze %dma_start3A_352 : memref<1x128xi32, #tpu.memory_space<vmem>> -> memref<128xi32, #tpu.memory_space<vmem>>
      %dma_start3A_354 = arith.constant 0 : i32
      %dma_start3A_355 = arith.constant 0 : i32
      %dma_start3A_356 = tpu.memref_slice %arg10[%dma_start3A_354, %dma_start3A_355] : memref<10240x32xf32, #tpu.memory_space<vmem_shared>> -> memref<10240x32xf32, #tpu.memory_space<vmem_shared>>
      tpu.enqueue_indirect_dma source(%dma_start3A_350 : memref<128x32xf32, #tpu.memory_space<vmem>>) target(%dma_start3A_356 : memref<10240x32xf32, #tpu.memory_space<vmem_shared>>) offsets(%dma_start3A_353 : memref<128xi32, #tpu.memory_space<vmem>>) semaphore(%arg23 : memref<!tpu.dma_semaphore, #tpu.memory_space<semaphore_mem>>) {add = true}
      %dma_wait3A_357 = arith.constant 3 : i32
      %dma_wait3A_358 = arith.constant 0 : i32
      %dma_wait3A_359 = arith.constant 0 : i32
      %dma_wait3A_360 = arith.constant 0 : i32
      %dma_wait3A_361 = tpu.memref_slice %arg8[%dma_wait3A_357, %dma_wait3A_359, %dma_wait3A_360] : memref<8x128x32xf32, #tpu.memory_space<vmem>> -> memref<1x128x32xf32, #tpu.memory_space<vmem>>
      %dma_wait3A_362 = tpu.memref_squeeze %dma_wait3A_361 : memref<1x128x32xf32, #tpu.memory_space<vmem>> -> memref<128x32xf32, #tpu.memory_space<vmem>>
      %dma_wait3A_363 = arith.constant 0 : i32
      %dma_wait3A_364 = tpu.memref_slice %arg7[%dma_wait3A_358, %dma_wait3A_363] : memref<80x128xi32, #tpu.memory_space<vmem>> -> memref<1x128xi32, #tpu.memory_space<vmem>>
      %dma_wait3A_365 = tpu.memref_squeeze %dma_wait3A_364 : memref<1x128xi32, #tpu.memory_space<vmem>> -> memref<128xi32, #tpu.memory_space<vmem>>
      %dma_wait3A_366 = arith.constant 0 : i32
      %dma_wait3A_367 = arith.constant 0 : i32
      %dma_wait3A_368 = tpu.memref_slice %arg10[%dma_wait3A_366, %dma_wait3A_367] : memref<10240x32xf32, #tpu.memory_space<vmem_shared>> -> memref<10240x32xf32, #tpu.memory_space<vmem_shared>>
      tpu.wait_indirect_dma semaphore(%arg22 : memref<!tpu.dma_semaphore, #tpu.memory_space<semaphore_mem>>) src(%dma_wait3A_362 : memref<128x32xf32, #tpu.memory_space<vmem>>) dst(%dma_wait3A_368 : memref<10240x32xf32, #tpu.memory_space<vmem_shared>>)
      %add3A_369 = arith.constant 8 : i32
      %add3A_370 = arith.addi %mul3A_128, %add3A_369 : i32
      %add3A_371 = arith.constant 5 : i32
      %add3A_372 = arith.addi %add3A_370, %add3A_371 : i32
      %sub3A_373 = arith.constant 2 : i32
      %sub3A_374 = arith.subi %add3A_372, %sub3A_373 : i32
      %lt3A_375 = arith.constant 9 : i32
      %lt3A_376 = arith.cmpi slt, %scan3A_125, %lt3A_375 : i32
      %convert_element_type3A_377 = arith.extui %lt3A_376 : i1 to i32
      %cond3A_378 = arith.constant 0 : i32
      %cond3A_379 = arith.cmpi ne, %convert_element_type3A_377, %cond3A_378 : i32
      scf.if %cond3A_379 {
        %dma_start3A_499 = arith.constant 3 : i32
        %dma_start3A_500 = arith.constant 0 : i32
        %dma_start3A_501 = arith.constant 0 : i32
        %dma_start3A_502 = tpu.memref_slice %arg8[%dma_start3A_499, %dma_start3A_500, %dma_start3A_501] : memref<8x128x32xf32, #tpu.memory_space<vmem>> -> memref<1x128x32xf32, #tpu.memory_space<vmem>>
        %dma_start3A_503 = tpu.memref_squeeze %dma_start3A_502 : memref<1x128x32xf32, #tpu.memory_space<vmem>> -> memref<128x32xf32, #tpu.memory_space<vmem>>
        %dma_start3A_504 = arith.constant 0 : i32
        %dma_start3A_505 = tpu.memref_slice %arg6[%sub3A_374, %dma_start3A_504] : memref<80x128xi32, #tpu.memory_space<vmem>> -> memref<1x128xi32, #tpu.memory_space<vmem>>
        %dma_start3A_506 = tpu.memref_squeeze %dma_start3A_505 : memref<1x128xi32, #tpu.memory_space<vmem>> -> memref<128xi32, #tpu.memory_space<vmem>>
        %dma_start3A_507 = arith.constant 0 : i32
        %dma_start3A_508 = arith.constant 0 : i32
        %dma_start3A_509 = tpu.memref_slice %arg2[%dma_start3A_507, %dma_start3A_508] : memref<10240x32xf32, #tpu.memory_space<hbm>> -> memref<10240x32xf32, #tpu.memory_space<hbm>>
        tpu.enqueue_indirect_dma source(%dma_start3A_509 : memref<10240x32xf32, #tpu.memory_space<hbm>>) target(%dma_start3A_503 : memref<128x32xf32, #tpu.memory_space<vmem>>) offsets(%dma_start3A_506 : memref<128xi32, #tpu.memory_space<vmem>>) semaphore(%arg14 : memref<!tpu.dma_semaphore, #tpu.memory_space<semaphore_mem>>)
      } else {
      }
      %add3A_380 = arith.constant 5 : i32
      %add3A_381 = arith.addi %mul3A_128, %add3A_380 : i32
      %dma_wait3A_382 = arith.constant 5 : i32
      %dma_wait3A_383 = arith.constant 0 : i32
      %dma_wait3A_384 = arith.constant 0 : i32
      %dma_wait3A_385 = tpu.memref_slice %arg8[%dma_wait3A_382, %dma_wait3A_383, %dma_wait3A_384] : memref<8x128x32xf32, #tpu.memory_space<vmem>> -> memref<1x128x32xf32, #tpu.memory_space<vmem>>
      %dma_wait3A_386 = tpu.memref_squeeze %dma_wait3A_385 : memref<1x128x32xf32, #tpu.memory_space<vmem>> -> memref<128x32xf32, #tpu.memory_space<vmem>>
      %dma_wait3A_387 = arith.constant 0 : i32
      %dma_wait3A_388 = tpu.memref_slice %arg6[%add3A_381, %dma_wait3A_387] : memref<80x128xi32, #tpu.memory_space<vmem>> -> memref<1x128xi32, #tpu.memory_space<vmem>>
      %dma_wait3A_389 = tpu.memref_squeeze %dma_wait3A_388 : memref<1x128xi32, #tpu.memory_space<vmem>> -> memref<128xi32, #tpu.memory_space<vmem>>
      %dma_wait3A_390 = arith.constant 0 : i32
      %dma_wait3A_391 = arith.constant 0 : i32
      %dma_wait3A_392 = tpu.memref_slice %arg2[%dma_wait3A_390, %dma_wait3A_391] : memref<10240x32xf32, #tpu.memory_space<hbm>> -> memref<10240x32xf32, #tpu.memory_space<hbm>>
      tpu.wait_indirect_dma semaphore(%arg16 : memref<!tpu.dma_semaphore, #tpu.memory_space<semaphore_mem>>) src(%dma_wait3A_392 : memref<10240x32xf32, #tpu.memory_space<hbm>>) dst(%dma_wait3A_386 : memref<128x32xf32, #tpu.memory_space<vmem>>)
      %dma_start3A_393 = arith.constant 5 : i32
      %dma_start3A_394 = arith.constant 0 : i32
      %dma_start3A_395 = arith.constant 0 : i32
      %dma_start3A_396 = tpu.memref_slice %arg8[%dma_start3A_393, %dma_start3A_394, %dma_start3A_395] : memref<8x128x32xf32, #tpu.memory_space<vmem>> -> memref<1x128x32xf32, #tpu.memory_space<vmem>>
      %dma_start3A_397 = tpu.memref_squeeze %dma_start3A_396 : memref<1x128x32xf32, #tpu.memory_space<vmem>> -> memref<128x32xf32, #tpu.memory_space<vmem>>
      %dma_start3A_398 = arith.constant 0 : i32
      %dma_start3A_399 = tpu.memref_slice %arg7[%add3A_381, %dma_start3A_398] : memref<80x128xi32, #tpu.memory_space<vmem>> -> memref<1x128xi32, #tpu.memory_space<vmem>>
      %dma_start3A_400 = tpu.memref_squeeze %dma_start3A_399 : memref<1x128xi32, #tpu.memory_space<vmem>> -> memref<128xi32, #tpu.memory_space<vmem>>
      %dma_start3A_401 = arith.constant 0 : i32
      %dma_start3A_402 = arith.constant 0 : i32
      %dma_start3A_403 = tpu.memref_slice %arg10[%dma_start3A_401, %dma_start3A_402] : memref<10240x32xf32, #tpu.memory_space<vmem_shared>> -> memref<10240x32xf32, #tpu.memory_space<vmem_shared>>
      tpu.enqueue_indirect_dma source(%dma_start3A_397 : memref<128x32xf32, #tpu.memory_space<vmem>>) target(%dma_start3A_403 : memref<10240x32xf32, #tpu.memory_space<vmem_shared>>) offsets(%dma_start3A_400 : memref<128xi32, #tpu.memory_space<vmem>>) semaphore(%arg24 : memref<!tpu.dma_semaphore, #tpu.memory_space<semaphore_mem>>) {add = true}
      %dma_wait3A_404 = arith.constant 4 : i32
      %dma_wait3A_405 = arith.constant 0 : i32
      %dma_wait3A_406 = arith.constant 0 : i32
      %dma_wait3A_407 = arith.constant 0 : i32
      %dma_wait3A_408 = tpu.memref_slice %arg8[%dma_wait3A_404, %dma_wait3A_406, %dma_wait3A_407] : memref<8x128x32xf32, #tpu.memory_space<vmem>> -> memref<1x128x32xf32, #tpu.memory_space<vmem>>
      %dma_wait3A_409 = tpu.memref_squeeze %dma_wait3A_408 : memref<1x128x32xf32, #tpu.memory_space<vmem>> -> memref<128x32xf32, #tpu.memory_space<vmem>>
      %dma_wait3A_410 = arith.constant 0 : i32
      %dma_wait3A_411 = tpu.memref_slice %arg7[%dma_wait3A_405, %dma_wait3A_410] : memref<80x128xi32, #tpu.memory_space<vmem>> -> memref<1x128xi32, #tpu.memory_space<vmem>>
      %dma_wait3A_412 = tpu.memref_squeeze %dma_wait3A_411 : memref<1x128xi32, #tpu.memory_space<vmem>> -> memref<128xi32, #tpu.memory_space<vmem>>
      %dma_wait3A_413 = arith.constant 0 : i32
      %dma_wait3A_414 = arith.constant 0 : i32
      %dma_wait3A_415 = tpu.memref_slice %arg10[%dma_wait3A_413, %dma_wait3A_414] : memref<10240x32xf32, #tpu.memory_space<vmem_shared>> -> memref<10240x32xf32, #tpu.memory_space<vmem_shared>>
      tpu.wait_indirect_dma semaphore(%arg23 : memref<!tpu.dma_semaphore, #tpu.memory_space<semaphore_mem>>) src(%dma_wait3A_409 : memref<128x32xf32, #tpu.memory_space<vmem>>) dst(%dma_wait3A_415 : memref<10240x32xf32, #tpu.memory_space<vmem_shared>>)
      %add3A_416 = arith.constant 8 : i32
      %add3A_417 = arith.addi %mul3A_128, %add3A_416 : i32
      %add3A_418 = arith.constant 6 : i32
      %add3A_419 = arith.addi %add3A_417, %add3A_418 : i32
      %sub3A_420 = arith.constant 2 : i32
      %sub3A_421 = arith.subi %add3A_419, %sub3A_420 : i32
      %lt3A_422 = arith.constant 9 : i32
      %lt3A_423 = arith.cmpi slt, %scan3A_125, %lt3A_422 : i32
      %convert_element_type3A_424 = arith.extui %lt3A_423 : i1 to i32
      %cond3A_425 = arith.constant 0 : i32
      %cond3A_426 = arith.cmpi ne, %convert_element_type3A_424, %cond3A_425 : i32
      scf.if %cond3A_426 {
        %dma_start3A_499 = arith.constant 4 : i32
        %dma_start3A_500 = arith.constant 0 : i32
        %dma_start3A_501 = arith.constant 0 : i32
        %dma_start3A_502 = tpu.memref_slice %arg8[%dma_start3A_499, %dma_start3A_500, %dma_start3A_501] : memref<8x128x32xf32, #tpu.memory_space<vmem>> -> memref<1x128x32xf32, #tpu.memory_space<vmem>>
        %dma_start3A_503 = tpu.memref_squeeze %dma_start3A_502 : memref<1x128x32xf32, #tpu.memory_space<vmem>> -> memref<128x32xf32, #tpu.memory_space<vmem>>
        %dma_start3A_504 = arith.constant 0 : i32
        %dma_start3A_505 = tpu.memref_slice %arg6[%sub3A_421, %dma_start3A_504] : memref<80x128xi32, #tpu.memory_space<vmem>> -> memref<1x128xi32, #tpu.memory_space<vmem>>
        %dma_start3A_506 = tpu.memref_squeeze %dma_start3A_505 : memref<1x128xi32, #tpu.memory_space<vmem>> -> memref<128xi32, #tpu.memory_space<vmem>>
        %dma_start3A_507 = arith.constant 0 : i32
        %dma_start3A_508 = arith.constant 0 : i32
        %dma_start3A_509 = tpu.memref_slice %arg2[%dma_start3A_507, %dma_start3A_508] : memref<10240x32xf32, #tpu.memory_space<hbm>> -> memref<10240x32xf32, #tpu.memory_space<hbm>>
        tpu.enqueue_indirect_dma source(%dma_start3A_509 : memref<10240x32xf32, #tpu.memory_space<hbm>>) target(%dma_start3A_503 : memref<128x32xf32, #tpu.memory_space<vmem>>) offsets(%dma_start3A_506 : memref<128xi32, #tpu.memory_space<vmem>>) semaphore(%arg15 : memref<!tpu.dma_semaphore, #tpu.memory_space<semaphore_mem>>)
      } else {
      }
      %add3A_427 = arith.constant 6 : i32
      %add3A_428 = arith.addi %mul3A_128, %add3A_427 : i32
      %dma_wait3A_429 = arith.constant 6 : i32
      %dma_wait3A_430 = arith.constant 0 : i32
      %dma_wait3A_431 = arith.constant 0 : i32
      %dma_wait3A_432 = tpu.memref_slice %arg8[%dma_wait3A_429, %dma_wait3A_430, %dma_wait3A_431] : memref<8x128x32xf32, #tpu.memory_space<vmem>> -> memref<1x128x32xf32, #tpu.memory_space<vmem>>
      %dma_wait3A_433 = tpu.memref_squeeze %dma_wait3A_432 : memref<1x128x32xf32, #tpu.memory_space<vmem>> -> memref<128x32xf32, #tpu.memory_space<vmem>>
      %dma_wait3A_434 = arith.constant 0 : i32
      %dma_wait3A_435 = tpu.memref_slice %arg6[%add3A_428, %dma_wait3A_434] : memref<80x128xi32, #tpu.memory_space<vmem>> -> memref<1x128xi32, #tpu.memory_space<vmem>>
      %dma_wait3A_436 = tpu.memref_squeeze %dma_wait3A_435 : memref<1x128xi32, #tpu.memory_space<vmem>> -> memref<128xi32, #tpu.memory_space<vmem>>
      %dma_wait3A_437 = arith.constant 0 : i32
      %dma_wait3A_438 = arith.constant 0 : i32
      %dma_wait3A_439 = tpu.memref_slice %arg2[%dma_wait3A_437, %dma_wait3A_438] : memref<10240x32xf32, #tpu.memory_space<hbm>> -> memref<10240x32xf32, #tpu.memory_space<hbm>>
      tpu.wait_indirect_dma semaphore(%arg17 : memref<!tpu.dma_semaphore, #tpu.memory_space<semaphore_mem>>) src(%dma_wait3A_439 : memref<10240x32xf32, #tpu.memory_space<hbm>>) dst(%dma_wait3A_433 : memref<128x32xf32, #tpu.memory_space<vmem>>)
      %dma_start3A_440 = arith.constant 6 : i32
      %dma_start3A_441 = arith.constant 0 : i32
      %dma_start3A_442 = arith.constant 0 : i32
      %dma_start3A_443 = tpu.memref_slice %arg8[%dma_start3A_440, %dma_start3A_441, %dma_start3A_442] : memref<8x128x32xf32, #tpu.memory_space<vmem>> -> memref<1x128x32xf32, #tpu.memory_space<vmem>>
      %dma_start3A_444 = tpu.memref_squeeze %dma_start3A_443 : memref<1x128x32xf32, #tpu.memory_space<vmem>> -> memref<128x32xf32, #tpu.memory_space<vmem>>
      %dma_start3A_445 = arith.constant 0 : i32
      %dma_start3A_446 = tpu.memref_slice %arg7[%add3A_428, %dma_start3A_445] : memref<80x128xi32, #tpu.memory_space<vmem>> -> memref<1x128xi32, #tpu.memory_space<vmem>>
      %dma_start3A_447 = tpu.memref_squeeze %dma_start3A_446 : memref<1x128xi32, #tpu.memory_space<vmem>> -> memref<128xi32, #tpu.memory_space<vmem>>
      %dma_start3A_448 = arith.constant 0 : i32
      %dma_start3A_449 = arith.constant 0 : i32
      %dma_start3A_450 = tpu.memref_slice %arg10[%dma_start3A_448, %dma_start3A_449] : memref<10240x32xf32, #tpu.memory_space<vmem_shared>> -> memref<10240x32xf32, #tpu.memory_space<vmem_shared>>
      tpu.enqueue_indirect_dma source(%dma_start3A_444 : memref<128x32xf32, #tpu.memory_space<vmem>>) target(%dma_start3A_450 : memref<10240x32xf32, #tpu.memory_space<vmem_shared>>) offsets(%dma_start3A_447 : memref<128xi32, #tpu.memory_space<vmem>>) semaphore(%arg25 : memref<!tpu.dma_semaphore, #tpu.memory_space<semaphore_mem>>) {add = true}
      %dma_wait3A_451 = arith.constant 5 : i32
      %dma_wait3A_452 = arith.constant 0 : i32
      %dma_wait3A_453 = arith.constant 0 : i32
      %dma_wait3A_454 = arith.constant 0 : i32
      %dma_wait3A_455 = tpu.memref_slice %arg8[%dma_wait3A_451, %dma_wait3A_453, %dma_wait3A_454] : memref<8x128x32xf32, #tpu.memory_space<vmem>> -> memref<1x128x32xf32, #tpu.memory_space<vmem>>
      %dma_wait3A_456 = tpu.memref_squeeze %dma_wait3A_455 : memref<1x128x32xf32, #tpu.memory_space<vmem>> -> memref<128x32xf32, #tpu.memory_space<vmem>>
      %dma_wait3A_457 = arith.constant 0 : i32
      %dma_wait3A_458 = tpu.memref_slice %arg7[%dma_wait3A_452, %dma_wait3A_457] : memref<80x128xi32, #tpu.memory_space<vmem>> -> memref<1x128xi32, #tpu.memory_space<vmem>>
      %dma_wait3A_459 = tpu.memref_squeeze %dma_wait3A_458 : memref<1x128xi32, #tpu.memory_space<vmem>> -> memref<128xi32, #tpu.memory_space<vmem>>
      %dma_wait3A_460 = arith.constant 0 : i32
      %dma_wait3A_461 = arith.constant 0 : i32
      %dma_wait3A_462 = tpu.memref_slice %arg10[%dma_wait3A_460, %dma_wait3A_461] : memref<10240x32xf32, #tpu.memory_space<vmem_shared>> -> memref<10240x32xf32, #tpu.memory_space<vmem_shared>>
      tpu.wait_indirect_dma semaphore(%arg24 : memref<!tpu.dma_semaphore, #tpu.memory_space<semaphore_mem>>) src(%dma_wait3A_456 : memref<128x32xf32, #tpu.memory_space<vmem>>) dst(%dma_wait3A_462 : memref<10240x32xf32, #tpu.memory_space<vmem_shared>>)
      %add3A_463 = arith.constant 8 : i32
      %add3A_464 = arith.addi %mul3A_128, %add3A_463 : i32
      %add3A_465 = arith.constant 7 : i32
      %add3A_466 = arith.addi %add3A_464, %add3A_465 : i32
      %sub3A_467 = arith.constant 2 : i32
      %sub3A_468 = arith.subi %add3A_466, %sub3A_467 : i32
      %lt3A_469 = arith.constant 9 : i32
      %lt3A_470 = arith.cmpi slt, %scan3A_125, %lt3A_469 : i32
      %convert_element_type3A_471 = arith.extui %lt3A_470 : i1 to i32
      %cond3A_472 = arith.constant 0 : i32
      %cond3A_473 = arith.cmpi ne, %convert_element_type3A_471, %cond3A_472 : i32
      scf.if %cond3A_473 {
        %dma_start3A_499 = arith.constant 5 : i32
        %dma_start3A_500 = arith.constant 0 : i32
        %dma_start3A_501 = arith.constant 0 : i32
        %dma_start3A_502 = tpu.memref_slice %arg8[%dma_start3A_499, %dma_start3A_500, %dma_start3A_501] : memref<8x128x32xf32, #tpu.memory_space<vmem>> -> memref<1x128x32xf32, #tpu.memory_space<vmem>>
        %dma_start3A_503 = tpu.memref_squeeze %dma_start3A_502 : memref<1x128x32xf32, #tpu.memory_space<vmem>> -> memref<128x32xf32, #tpu.memory_space<vmem>>
        %dma_start3A_504 = arith.constant 0 : i32
        %dma_start3A_505 = tpu.memref_slice %arg6[%sub3A_468, %dma_start3A_504] : memref<80x128xi32, #tpu.memory_space<vmem>> -> memref<1x128xi32, #tpu.memory_space<vmem>>
        %dma_start3A_506 = tpu.memref_squeeze %dma_start3A_505 : memref<1x128xi32, #tpu.memory_space<vmem>> -> memref<128xi32, #tpu.memory_space<vmem>>
        %dma_start3A_507 = arith.constant 0 : i32
        %dma_start3A_508 = arith.constant 0 : i32
        %dma_start3A_509 = tpu.memref_slice %arg2[%dma_start3A_507, %dma_start3A_508] : memref<10240x32xf32, #tpu.memory_space<hbm>> -> memref<10240x32xf32, #tpu.memory_space<hbm>>
        tpu.enqueue_indirect_dma source(%dma_start3A_509 : memref<10240x32xf32, #tpu.memory_space<hbm>>) target(%dma_start3A_503 : memref<128x32xf32, #tpu.memory_space<vmem>>) offsets(%dma_start3A_506 : memref<128xi32, #tpu.memory_space<vmem>>) semaphore(%arg16 : memref<!tpu.dma_semaphore, #tpu.memory_space<semaphore_mem>>)
      } else {
      }
      %add3A_474 = arith.constant 7 : i32
      %add3A_475 = arith.addi %mul3A_128, %add3A_474 : i32
      %dma_wait3A_476 = arith.constant 7 : i32
      %dma_wait3A_477 = arith.constant 0 : i32
      %dma_wait3A_478 = arith.constant 0 : i32
      %dma_wait3A_479 = tpu.memref_slice %arg8[%dma_wait3A_476, %dma_wait3A_477, %dma_wait3A_478] : memref<8x128x32xf32, #tpu.memory_space<vmem>> -> memref<1x128x32xf32, #tpu.memory_space<vmem>>
      %dma_wait3A_480 = tpu.memref_squeeze %dma_wait3A_479 : memref<1x128x32xf32, #tpu.memory_space<vmem>> -> memref<128x32xf32, #tpu.memory_space<vmem>>
      %dma_wait3A_481 = arith.constant 0 : i32
      %dma_wait3A_482 = tpu.memref_slice %arg6[%add3A_475, %dma_wait3A_481] : memref<80x128xi32, #tpu.memory_space<vmem>> -> memref<1x128xi32, #tpu.memory_space<vmem>>
      %dma_wait3A_483 = tpu.memref_squeeze %dma_wait3A_482 : memref<1x128xi32, #tpu.memory_space<vmem>> -> memref<128xi32, #tpu.memory_space<vmem>>
      %dma_wait3A_484 = arith.constant 0 : i32
      %dma_wait3A_485 = arith.constant 0 : i32
      %dma_wait3A_486 = tpu.memref_slice %arg2[%dma_wait3A_484, %dma_wait3A_485] : memref<10240x32xf32, #tpu.memory_space<hbm>> -> memref<10240x32xf32, #tpu.memory_space<hbm>>
      tpu.wait_indirect_dma semaphore(%arg18 : memref<!tpu.dma_semaphore, #tpu.memory_space<semaphore_mem>>) src(%dma_wait3A_486 : memref<10240x32xf32, #tpu.memory_space<hbm>>) dst(%dma_wait3A_480 : memref<128x32xf32, #tpu.memory_space<vmem>>)
      %dma_start3A_487 = arith.constant 7 : i32
      %dma_start3A_488 = arith.constant 0 : i32
      %dma_start3A_489 = arith.constant 0 : i32
      %dma_start3A_490 = tpu.memref_slice %arg8[%dma_start3A_487, %dma_start3A_488, %dma_start3A_489] : memref<8x128x32xf32, #tpu.memory_space<vmem>> -> memref<1x128x32xf32, #tpu.memory_space<vmem>>
      %dma_start3A_491 = tpu.memref_squeeze %dma_start3A_490 : memref<1x128x32xf32, #tpu.memory_space<vmem>> -> memref<128x32xf32, #tpu.memory_space<vmem>>
      %dma_start3A_492 = arith.constant 0 : i32
      %dma_start3A_493 = tpu.memref_slice %arg7[%add3A_475, %dma_start3A_492] : memref<80x128xi32, #tpu.memory_space<vmem>> -> memref<1x128xi32, #tpu.memory_space<vmem>>
      %dma_start3A_494 = tpu.memref_squeeze %dma_start3A_493 : memref<1x128xi32, #tpu.memory_space<vmem>> -> memref<128xi32, #tpu.memory_space<vmem>>
      %dma_start3A_495 = arith.constant 0 : i32
      %dma_start3A_496 = arith.constant 0 : i32
      %dma_start3A_497 = tpu.memref_slice %arg10[%dma_start3A_495, %dma_start3A_496] : memref<10240x32xf32, #tpu.memory_space<vmem_shared>> -> memref<10240x32xf32, #tpu.memory_space<vmem_shared>>
      tpu.enqueue_indirect_dma source(%dma_start3A_491 : memref<128x32xf32, #tpu.memory_space<vmem>>) target(%dma_start3A_497 : memref<10240x32xf32, #tpu.memory_space<vmem_shared>>) offsets(%dma_start3A_494 : memref<128xi32, #tpu.memory_space<vmem>>) semaphore(%arg26 : memref<!tpu.dma_semaphore, #tpu.memory_space<semaphore_mem>>) {add = true}
      %scan3A_498 = arith.constant 0 : i32
      scf.yield %scan3A_498 : i32
    }
    %scan3A_96 = arith.constant 10 : i32
    %dma_wait3A = arith.constant 6 : i32
    %dma_wait3A_97 = arith.constant 0 : i32
    %dma_wait3A_98 = arith.constant 0 : i32
    %dma_wait3A_99 = arith.constant 0 : i32
    %dma_wait3A_100 = tpu.memref_slice %arg8[%dma_wait3A, %dma_wait3A_98, %dma_wait3A_99] : memref<8x128x32xf32, #tpu.memory_space<vmem>> -> memref<1x128x32xf32, #tpu.memory_space<vmem>>
    %dma_wait3A_101 = tpu.memref_squeeze %dma_wait3A_100 : memref<1x128x32xf32, #tpu.memory_space<vmem>> -> memref<128x32xf32, #tpu.memory_space<vmem>>
    %dma_wait3A_102 = arith.constant 0 : i32
    %dma_wait3A_103 = tpu.memref_slice %arg7[%dma_wait3A_97, %dma_wait3A_102] : memref<80x128xi32, #tpu.memory_space<vmem>> -> memref<1x128xi32, #tpu.memory_space<vmem>>
    %dma_wait3A_104 = tpu.memref_squeeze %dma_wait3A_103 : memref<1x128xi32, #tpu.memory_space<vmem>> -> memref<128xi32, #tpu.memory_space<vmem>>
    %dma_wait3A_105 = arith.constant 0 : i32
    %dma_wait3A_106 = arith.constant 0 : i32
    %dma_wait3A_107 = tpu.memref_slice %arg10[%dma_wait3A_105, %dma_wait3A_106] : memref<10240x32xf32, #tpu.memory_space<vmem_shared>> -> memref<10240x32xf32, #tpu.memory_space<vmem_shared>>
    tpu.wait_indirect_dma semaphore(%arg25 : memref<!tpu.dma_semaphore, #tpu.memory_space<semaphore_mem>>) src(%dma_wait3A_101 : memref<128x32xf32, #tpu.memory_space<vmem>>) dst(%dma_wait3A_107 : memref<10240x32xf32, #tpu.memory_space<vmem_shared>>)
    %dma_wait3A_108 = arith.constant 7 : i32
    %dma_wait3A_109 = arith.constant 0 : i32
    %dma_wait3A_110 = arith.constant 0 : i32
    %dma_wait3A_111 = arith.constant 0 : i32
    %dma_wait3A_112 = tpu.memref_slice %arg8[%dma_wait3A_108, %dma_wait3A_110, %dma_wait3A_111] : memref<8x128x32xf32, #tpu.memory_space<vmem>> -> memref<1x128x32xf32, #tpu.memory_space<vmem>>
    %dma_wait3A_113 = tpu.memref_squeeze %dma_wait3A_112 : memref<1x128x32xf32, #tpu.memory_space<vmem>> -> memref<128x32xf32, #tpu.memory_space<vmem>>
    %dma_wait3A_114 = arith.constant 0 : i32
    %dma_wait3A_115 = tpu.memref_slice %arg7[%dma_wait3A_109, %dma_wait3A_114] : memref<80x128xi32, #tpu.memory_space<vmem>> -> memref<1x128xi32, #tpu.memory_space<vmem>>
    %dma_wait3A_116 = tpu.memref_squeeze %dma_wait3A_115 : memref<1x128xi32, #tpu.memory_space<vmem>> -> memref<128xi32, #tpu.memory_space<vmem>>
    %dma_wait3A_117 = arith.constant 0 : i32
    %dma_wait3A_118 = arith.constant 0 : i32
    %dma_wait3A_119 = tpu.memref_slice %arg10[%dma_wait3A_117, %dma_wait3A_118] : memref<10240x32xf32, #tpu.memory_space<vmem_shared>> -> memref<10240x32xf32, #tpu.memory_space<vmem_shared>>
    tpu.wait_indirect_dma semaphore(%arg26 : memref<!tpu.dma_semaphore, #tpu.memory_space<semaphore_mem>>) src(%dma_wait3A_113 : memref<128x32xf32, #tpu.memory_space<vmem>>) dst(%dma_wait3A_119 : memref<10240x32xf32, #tpu.memory_space<vmem_shared>>)
    %barrier3A_120 = arith.constant 0 : index
    tpu.barrier barrier_id(%barrier3A_120)
    %mul3A_121 = arith.constant 640 : i32
    %mul3A_122 = arith.muli %arg1, %mul3A_121 : i32
    %mul3A_123 = arith.constant 640 : i32
    %mul3A_124 = arith.muli %arg1, %mul3A_123 : i32
    "tpu.region"() ({
      %run_scoped3A = tpu.sem_alloc : memref<!tpu.dma_semaphore, #tpu.memory_space<semaphore_mem>>
      %dma_start3A_125 = arith.constant 0 : i32
      %dma_start3A_126 = tpu.memref_slice %arg5[%arg0, %mul3A_124, %dma_start3A_125] : memref<2x10240x32xf32, #tpu.memory_space<hbm>> -> memref<1x640x32xf32, #tpu.memory_space<hbm>>
      %dma_start3A_127 = tpu.memref_squeeze %dma_start3A_126 : memref<1x640x32xf32, #tpu.memory_space<hbm>> -> memref<640x32xf32, #tpu.memory_space<hbm>>
      %dma_start3A_128 = arith.constant 0 : i32
      %dma_start3A_129 = tpu.memref_slice %arg10[%mul3A_122, %dma_start3A_128] : memref<10240x32xf32, #tpu.memory_space<vmem_shared>> -> memref<640x32xf32, #tpu.memory_space<vmem_shared>>
      tpu.enqueue_dma source(%dma_start3A_129 : memref<640x32xf32, #tpu.memory_space<vmem_shared>>) target(%dma_start3A_127 : memref<640x32xf32, #tpu.memory_space<hbm>>) target_semaphore(%run_scoped3A : memref<!tpu.dma_semaphore, #tpu.memory_space<semaphore_mem>>)
      %dma_wait3A_130 = arith.constant 0 : i32
      %dma_wait3A_131 = tpu.memref_slice %arg5[%arg0, %mul3A_124, %dma_wait3A_130] : memref<2x10240x32xf32, #tpu.memory_space<hbm>> -> memref<1x640x32xf32, #tpu.memory_space<hbm>>
      %dma_wait3A_132 = tpu.memref_squeeze %dma_wait3A_131 : memref<1x640x32xf32, #tpu.memory_space<hbm>> -> memref<640x32xf32, #tpu.memory_space<hbm>>
      %dma_wait3A_133 = arith.constant 0 : i32
      %dma_wait3A_134 = tpu.memref_slice %arg10[%mul3A_122, %dma_wait3A_133] : memref<10240x32xf32, #tpu.memory_space<vmem_shared>> -> memref<640x32xf32, #tpu.memory_space<vmem_shared>>
      tpu.wait_dma2 semaphore(%run_scoped3A : memref<!tpu.dma_semaphore, #tpu.memory_space<semaphore_mem>>) src(%dma_wait3A_134 : memref<640x32xf32, #tpu.memory_space<vmem_shared>>) dst(%dma_wait3A_132 : memref<640x32xf32, #tpu.memory_space<hbm>>)
      tpu.yield
    }) : () -> ()
    return
  }
}

#map = affine_map<(d0, d1) -> (0, 0)>
#map1 = affine_map<(d0, d1) -> (0, 0, 0)>
module attributes {stable_mosaic.version = 14 : i64} {
  func.func @edge_kernel(%arg0: i32, %arg1: i32, %arg2: memref<10240x64xf32, #tpu.memory_space<hbm>>, %arg3: memref<2560x128xi32, #tpu.memory_space<hbm>>, %arg4: memref<2560x128xi32, #tpu.memory_space<hbm>>, %arg5: memref<2x10240x64xf32, #tpu.memory_space<hbm>>, %arg6: memref<80x128xi32, #tpu.memory_space<vmem>>, %arg7: memref<80x128xi32, #tpu.memory_space<vmem>>, %arg8: memref<8x128x64xf32, #tpu.memory_space<vmem>>, %arg9: memref<64x64xf32, #tpu.memory_space<vmem>>, %arg10: memref<10240x64xf32, #tpu.memory_space<vmem_shared>>, %arg11: memref<!tpu.dma_semaphore, #tpu.memory_space<semaphore_mem>>, %arg12: memref<!tpu.dma_semaphore, #tpu.memory_space<semaphore_mem>>, %arg13: memref<!tpu.dma_semaphore, #tpu.memory_space<semaphore_mem>>, %arg14: memref<!tpu.dma_semaphore, #tpu.memory_space<semaphore_mem>>, %arg15: memref<!tpu.dma_semaphore, #tpu.memory_space<semaphore_mem>>, %arg16: memref<!tpu.dma_semaphore, #tpu.memory_space<semaphore_mem>>, %arg17: memref<!tpu.dma_semaphore, #tpu.memory_space<semaphore_mem>>, %arg18: memref<!tpu.dma_semaphore, #tpu.memory_space<semaphore_mem>>, %arg19: memref<!tpu.dma_semaphore, #tpu.memory_space<semaphore_mem>>, %arg20: memref<!tpu.dma_semaphore, #tpu.memory_space<semaphore_mem>>, %arg21: memref<!tpu.dma_semaphore, #tpu.memory_space<semaphore_mem>>, %arg22: memref<!tpu.dma_semaphore, #tpu.memory_space<semaphore_mem>>, %arg23: memref<!tpu.dma_semaphore, #tpu.memory_space<semaphore_mem>>, %arg24: memref<!tpu.dma_semaphore, #tpu.memory_space<semaphore_mem>>, %arg25: memref<!tpu.dma_semaphore, #tpu.memory_space<semaphore_mem>>, %arg26: memref<!tpu.dma_semaphore, #tpu.memory_space<semaphore_mem>>) attributes {dimension_semantics = [#tpu.dimension_semantics<core_parallel>, #tpu.dimension_semantics<subcore_parallel>], iteration_bounds = array<i64: 2, 16>, scalar_prefetch = 0 : i64, scratch_operands = 21 : i64, tpu.core_type = #tpu.core_type<sc_vector_subcore>, window_params = [{transform_indices = #map}, {transform_indices = #map}, {transform_indices = #map}, {transform_indices = #map1}]} {
    %mul3A = arith.constant 16 : i32
    %mul3A_0 = arith.muli %arg0, %mul3A : i32
    %add3A = arith.addi %mul3A_0, %arg1 : i32
    %mul3A_1 = arith.constant 80 : i32
    %mul3A_2 = arith.muli %add3A, %mul3A_1 : i32
    "tpu.region"() ({
      %run_scoped3A = tpu.sem_alloc : memref<!tpu.dma_semaphore, #tpu.memory_space<semaphore_mem>>
      %dma_start3A_125 = arith.constant 0 : i32
      %dma_start3A_126 = tpu.memref_slice %arg3[%mul3A_2, %dma_start3A_125] : memref<2560x128xi32, #tpu.memory_space<hbm>> -> memref<80x128xi32, #tpu.memory_space<hbm>>
      %dma_start3A_127 = arith.constant 0 : i32
      %dma_start3A_128 = tpu.memref_slice %arg3[%mul3A_2, %dma_start3A_127] : memref<2560x128xi32, #tpu.memory_space<hbm>> -> memref<80x128xi32, #tpu.memory_space<hbm>>
      tpu.enqueue_dma source(%dma_start3A_128 : memref<80x128xi32, #tpu.memory_space<hbm>>) target(%arg6 : memref<80x128xi32, #tpu.memory_space<vmem>>) target_semaphore(%run_scoped3A : memref<!tpu.dma_semaphore, #tpu.memory_space<semaphore_mem>>)
      %dma_wait3A_129 = arith.constant 0 : i32
      %dma_wait3A_130 = tpu.memref_slice %arg3[%mul3A_2, %dma_wait3A_129] : memref<2560x128xi32, #tpu.memory_space<hbm>> -> memref<80x128xi32, #tpu.memory_space<hbm>>
      %dma_wait3A_131 = arith.constant 0 : i32
      %dma_wait3A_132 = tpu.memref_slice %arg3[%mul3A_2, %dma_wait3A_131] : memref<2560x128xi32, #tpu.memory_space<hbm>> -> memref<80x128xi32, #tpu.memory_space<hbm>>
      tpu.wait_dma2 semaphore(%run_scoped3A : memref<!tpu.dma_semaphore, #tpu.memory_space<semaphore_mem>>) src(%dma_wait3A_132 : memref<80x128xi32, #tpu.memory_space<hbm>>) dst(%arg6 : memref<80x128xi32, #tpu.memory_space<vmem>>)
      tpu.yield
    }) : () -> ()
    %mul3A_3 = arith.constant 80 : i32
    %mul3A_4 = arith.muli %add3A, %mul3A_3 : i32
    "tpu.region"() ({
      %run_scoped3A = tpu.sem_alloc : memref<!tpu.dma_semaphore, #tpu.memory_space<semaphore_mem>>
      %dma_start3A_125 = arith.constant 0 : i32
      %dma_start3A_126 = tpu.memref_slice %arg4[%mul3A_4, %dma_start3A_125] : memref<2560x128xi32, #tpu.memory_space<hbm>> -> memref<80x128xi32, #tpu.memory_space<hbm>>
      %dma_start3A_127 = arith.constant 0 : i32
      %dma_start3A_128 = tpu.memref_slice %arg4[%mul3A_4, %dma_start3A_127] : memref<2560x128xi32, #tpu.memory_space<hbm>> -> memref<80x128xi32, #tpu.memory_space<hbm>>
      tpu.enqueue_dma source(%dma_start3A_128 : memref<80x128xi32, #tpu.memory_space<hbm>>) target(%arg7 : memref<80x128xi32, #tpu.memory_space<vmem>>) target_semaphore(%run_scoped3A : memref<!tpu.dma_semaphore, #tpu.memory_space<semaphore_mem>>)
      %dma_wait3A_129 = arith.constant 0 : i32
      %dma_wait3A_130 = tpu.memref_slice %arg4[%mul3A_4, %dma_wait3A_129] : memref<2560x128xi32, #tpu.memory_space<hbm>> -> memref<80x128xi32, #tpu.memory_space<hbm>>
      %dma_wait3A_131 = arith.constant 0 : i32
      %dma_wait3A_132 = tpu.memref_slice %arg4[%mul3A_4, %dma_wait3A_131] : memref<2560x128xi32, #tpu.memory_space<hbm>> -> memref<80x128xi32, #tpu.memory_space<hbm>>
      tpu.wait_dma2 semaphore(%run_scoped3A : memref<!tpu.dma_semaphore, #tpu.memory_space<semaphore_mem>>) src(%dma_wait3A_132 : memref<80x128xi32, #tpu.memory_space<hbm>>) dst(%arg7 : memref<80x128xi32, #tpu.memory_space<vmem>>)
      tpu.yield
    }) : () -> ()
    %broadcast_in_dim3A = arith.constant 0.000000e+00 : f32
    %broadcast_in_dim3A_5 = vector.broadcast %broadcast_in_dim3A : f32 to vector<16xf32>
    %scan3A = arith.constant 0 : i32
    %scan3A_6 = arith.constant 0 : i32
    %scan3A_7 = arith.constant 64 : i32
    %scan3A_8 = arith.addi %scan3A_6, %scan3A_7 : i32
    %scan3A_9 = arith.constant 1 : i32
    %scan3A_10 = scf.for %scan3A_125 = %scan3A_6 to %scan3A_8 step %scan3A_9 iter_args(%scan3A_126 = %scan3A) -> (i32)  : i32 {
      %swap3A = arith.index_cast %scan3A_125 : i32 to index
      %swap3A_127 = arith.constant 0 : index
      %swap3A_128 = tpu.vector_load %arg9[%swap3A, %swap3A_127] {strides = array<i32>} : memref<64x64xf32, #tpu.memory_space<vmem>>, vector<1x16xf32>,
      %swap3A_129 = vector.shape_cast %swap3A_128 : vector<1x16xf32> to vector<16xf32>
      %swap3A_130 = vector.shape_cast %broadcast_in_dim3A_5 : vector<16xf32> to vector<1x16xf32>
      tpu.vector_store %arg9[%swap3A, %swap3A_127], %swap3A_130 {strides = array<i32>} : memref<64x64xf32, #tpu.memory_space<vmem>>, vector<1x16xf32>,
      %swap3A_131 = arith.index_cast %scan3A_125 : i32 to index
      %swap3A_132 = arith.constant 16 : index
      %swap3A_133 = tpu.vector_load %arg9[%swap3A_131, %swap3A_132] {strides = array<i32>} : memref<64x64xf32, #tpu.memory_space<vmem>>, vector<1x16xf32>,
      %swap3A_134 = vector.shape_cast %swap3A_133 : vector<1x16xf32> to vector<16xf32>
      %swap3A_135 = vector.shape_cast %broadcast_in_dim3A_5 : vector<16xf32> to vector<1x16xf32>
      tpu.vector_store %arg9[%swap3A_131, %swap3A_132], %swap3A_135 {strides = array<i32>} : memref<64x64xf32, #tpu.memory_space<vmem>>, vector<1x16xf32>,
      %swap3A_136 = arith.index_cast %scan3A_125 : i32 to index
      %swap3A_137 = arith.constant 32 : index
      %swap3A_138 = tpu.vector_load %arg9[%swap3A_136, %swap3A_137] {strides = array<i32>} : memref<64x64xf32, #tpu.memory_space<vmem>>, vector<1x16xf32>,
      %swap3A_139 = vector.shape_cast %swap3A_138 : vector<1x16xf32> to vector<16xf32>
      %swap3A_140 = vector.shape_cast %broadcast_in_dim3A_5 : vector<16xf32> to vector<1x16xf32>
      tpu.vector_store %arg9[%swap3A_136, %swap3A_137], %swap3A_140 {strides = array<i32>} : memref<64x64xf32, #tpu.memory_space<vmem>>, vector<1x16xf32>,
      %swap3A_141 = arith.index_cast %scan3A_125 : i32 to index
      %swap3A_142 = arith.constant 48 : index
      %swap3A_143 = tpu.vector_load %arg9[%swap3A_141, %swap3A_142] {strides = array<i32>} : memref<64x64xf32, #tpu.memory_space<vmem>>, vector<1x16xf32>,
      %swap3A_144 = vector.shape_cast %swap3A_143 : vector<1x16xf32> to vector<16xf32>
      %swap3A_145 = vector.shape_cast %broadcast_in_dim3A_5 : vector<16xf32> to vector<1x16xf32>
      tpu.vector_store %arg9[%swap3A_141, %swap3A_142], %swap3A_145 {strides = array<i32>} : memref<64x64xf32, #tpu.memory_space<vmem>>, vector<1x16xf32>,
      %scan3A_146 = arith.constant 0 : i32
      scf.yield %scan3A_146 : i32
    }
    %scan3A_11 = arith.constant 64 : i32
    %scan3A_12 = arith.constant 0 : i32
    %scan3A_13 = arith.constant 0 : i32
    %scan3A_14 = arith.constant 10 : i32
    %scan3A_15 = arith.addi %scan3A_13, %scan3A_14 : i32
    %scan3A_16 = arith.constant 1 : i32
    %scan3A_17 = scf.for %scan3A_125 = %scan3A_13 to %scan3A_15 step %scan3A_16 iter_args(%scan3A_126 = %scan3A_12) -> (i32)  : i32 {
      %mul3A_127 = arith.constant 640 : i32
      %mul3A_128 = arith.muli %arg1, %mul3A_127 : i32
      %mul3A_129 = arith.constant 64 : i32
      %mul3A_130 = arith.muli %scan3A_125, %mul3A_129 : i32
      %add3A_131 = arith.addi %mul3A_128, %mul3A_130 : i32
      "tpu.region"() ({
        %run_scoped3A = tpu.sem_alloc : memref<!tpu.dma_semaphore, #tpu.memory_space<semaphore_mem>>
        %dma_start3A_133 = arith.constant 0 : i32
        %dma_start3A_134 = tpu.memref_slice %arg10[%add3A_131, %dma_start3A_133] : memref<10240x64xf32, #tpu.memory_space<vmem_shared>> -> memref<64x64xf32, #tpu.memory_space<vmem_shared>>
        %dma_start3A_135 = arith.constant 0 : i32
        %dma_start3A_136 = tpu.memref_slice %arg10[%add3A_131, %dma_start3A_135] : memref<10240x64xf32, #tpu.memory_space<vmem_shared>> -> memref<64x64xf32, #tpu.memory_space<vmem_shared>>
        tpu.enqueue_dma source(%arg9 : memref<64x64xf32, #tpu.memory_space<vmem>>) target(%dma_start3A_136 : memref<64x64xf32, #tpu.memory_space<vmem_shared>>) target_semaphore(%run_scoped3A : memref<!tpu.dma_semaphore, #tpu.memory_space<semaphore_mem>>)
        %dma_wait3A_137 = arith.constant 0 : i32
        %dma_wait3A_138 = tpu.memref_slice %arg10[%add3A_131, %dma_wait3A_137] : memref<10240x64xf32, #tpu.memory_space<vmem_shared>> -> memref<64x64xf32, #tpu.memory_space<vmem_shared>>
        %dma_wait3A_139 = arith.constant 0 : i32
        %dma_wait3A_140 = tpu.memref_slice %arg10[%add3A_131, %dma_wait3A_139] : memref<10240x64xf32, #tpu.memory_space<vmem_shared>> -> memref<64x64xf32, #tpu.memory_space<vmem_shared>>
        tpu.wait_dma2 semaphore(%run_scoped3A : memref<!tpu.dma_semaphore, #tpu.memory_space<semaphore_mem>>) src(%arg9 : memref<64x64xf32, #tpu.memory_space<vmem>>) dst(%dma_wait3A_140 : memref<64x64xf32, #tpu.memory_space<vmem_shared>>)
        tpu.yield
      }) : () -> ()
      %scan3A_132 = arith.constant 0 : i32
      scf.yield %scan3A_132 : i32
    }
    %scan3A_18 = arith.constant 10 : i32
    %barrier3A = arith.constant 0 : index
    tpu.barrier barrier_id(%barrier3A)
    %dma_start3A = arith.constant 0 : i32
    %dma_start3A_19 = arith.constant 0 : i32
    %dma_start3A_20 = arith.constant 0 : i32
    %dma_start3A_21 = arith.constant 0 : i32
    %dma_start3A_22 = tpu.memref_slice %arg8[%dma_start3A_19, %dma_start3A_20, %dma_start3A_21] : memref<8x128x64xf32, #tpu.memory_space<vmem>> -> memref<1x128x64xf32, #tpu.memory_space<vmem>>
    %dma_start3A_23 = tpu.memref_squeeze %dma_start3A_22 : memref<1x128x64xf32, #tpu.memory_space<vmem>> -> memref<128x64xf32, #tpu.memory_space<vmem>>
    %dma_start3A_24 = arith.constant 0 : i32
    %dma_start3A_25 = tpu.memref_slice %arg6[%dma_start3A, %dma_start3A_24] : memref<80x128xi32, #tpu.memory_space<vmem>> -> memref<1x128xi32, #tpu.memory_space<vmem>>
    %dma_start3A_26 = tpu.memref_squeeze %dma_start3A_25 : memref<1x128xi32, #tpu.memory_space<vmem>> -> memref<128xi32, #tpu.memory_space<vmem>>
    %dma_start3A_27 = arith.constant 0 : i32
    %dma_start3A_28 = arith.constant 0 : i32
    %dma_start3A_29 = tpu.memref_slice %arg2[%dma_start3A_27, %dma_start3A_28] : memref<10240x64xf32, #tpu.memory_space<hbm>> -> memref<10240x64xf32, #tpu.memory_space<hbm>>
    tpu.enqueue_indirect_dma source(%dma_start3A_29 : memref<10240x64xf32, #tpu.memory_space<hbm>>) target(%dma_start3A_23 : memref<128x64xf32, #tpu.memory_space<vmem>>) offsets(%dma_start3A_26 : memref<128xi32, #tpu.memory_space<vmem>>) semaphore(%arg11 : memref<!tpu.dma_semaphore, #tpu.memory_space<semaphore_mem>>)
    %dma_start3A_30 = arith.constant 1 : i32
    %dma_start3A_31 = arith.constant 1 : i32
    %dma_start3A_32 = arith.constant 0 : i32
    %dma_start3A_33 = arith.constant 0 : i32
    %dma_start3A_34 = tpu.memref_slice %arg8[%dma_start3A_31, %dma_start3A_32, %dma_start3A_33] : memref<8x128x64xf32, #tpu.memory_space<vmem>> -> memref<1x128x64xf32, #tpu.memory_space<vmem>>
    %dma_start3A_35 = tpu.memref_squeeze %dma_start3A_34 : memref<1x128x64xf32, #tpu.memory_space<vmem>> -> memref<128x64xf32, #tpu.memory_space<vmem>>
    %dma_start3A_36 = arith.constant 0 : i32
    %dma_start3A_37 = tpu.memref_slice %arg6[%dma_start3A_30, %dma_start3A_36] : memref<80x128xi32, #tpu.memory_space<vmem>> -> memref<1x128xi32, #tpu.memory_space<vmem>>
    %dma_start3A_38 = tpu.memref_squeeze %dma_start3A_37 : memref<1x128xi32, #tpu.memory_space<vmem>> -> memref<128xi32, #tpu.memory_space<vmem>>
    %dma_start3A_39 = arith.constant 0 : i32
    %dma_start3A_40 = arith.constant 0 : i32
    %dma_start3A_41 = tpu.memref_slice %arg2[%dma_start3A_39, %dma_start3A_40] : memref<10240x64xf32, #tpu.memory_space<hbm>> -> memref<10240x64xf32, #tpu.memory_space<hbm>>
    tpu.enqueue_indirect_dma source(%dma_start3A_41 : memref<10240x64xf32, #tpu.memory_space<hbm>>) target(%dma_start3A_35 : memref<128x64xf32, #tpu.memory_space<vmem>>) offsets(%dma_start3A_38 : memref<128xi32, #tpu.memory_space<vmem>>) semaphore(%arg12 : memref<!tpu.dma_semaphore, #tpu.memory_space<semaphore_mem>>)
    %dma_start3A_42 = arith.constant 2 : i32
    %dma_start3A_43 = arith.constant 2 : i32
    %dma_start3A_44 = arith.constant 0 : i32
    %dma_start3A_45 = arith.constant 0 : i32
    %dma_start3A_46 = tpu.memref_slice %arg8[%dma_start3A_43, %dma_start3A_44, %dma_start3A_45] : memref<8x128x64xf32, #tpu.memory_space<vmem>> -> memref<1x128x64xf32, #tpu.memory_space<vmem>>
    %dma_start3A_47 = tpu.memref_squeeze %dma_start3A_46 : memref<1x128x64xf32, #tpu.memory_space<vmem>> -> memref<128x64xf32, #tpu.memory_space<vmem>>
    %dma_start3A_48 = arith.constant 0 : i32
    %dma_start3A_49 = tpu.memref_slice %arg6[%dma_start3A_42, %dma_start3A_48] : memref<80x128xi32, #tpu.memory_space<vmem>> -> memref<1x128xi32, #tpu.memory_space<vmem>>
    %dma_start3A_50 = tpu.memref_squeeze %dma_start3A_49 : memref<1x128xi32, #tpu.memory_space<vmem>> -> memref<128xi32, #tpu.memory_space<vmem>>
    %dma_start3A_51 = arith.constant 0 : i32
    %dma_start3A_52 = arith.constant 0 : i32
    %dma_start3A_53 = tpu.memref_slice %arg2[%dma_start3A_51, %dma_start3A_52] : memref<10240x64xf32, #tpu.memory_space<hbm>> -> memref<10240x64xf32, #tpu.memory_space<hbm>>
    tpu.enqueue_indirect_dma source(%dma_start3A_53 : memref<10240x64xf32, #tpu.memory_space<hbm>>) target(%dma_start3A_47 : memref<128x64xf32, #tpu.memory_space<vmem>>) offsets(%dma_start3A_50 : memref<128xi32, #tpu.memory_space<vmem>>) semaphore(%arg13 : memref<!tpu.dma_semaphore, #tpu.memory_space<semaphore_mem>>)
    %dma_start3A_54 = arith.constant 3 : i32
    %dma_start3A_55 = arith.constant 3 : i32
    %dma_start3A_56 = arith.constant 0 : i32
    %dma_start3A_57 = arith.constant 0 : i32
    %dma_start3A_58 = tpu.memref_slice %arg8[%dma_start3A_55, %dma_start3A_56, %dma_start3A_57] : memref<8x128x64xf32, #tpu.memory_space<vmem>> -> memref<1x128x64xf32, #tpu.memory_space<vmem>>
    %dma_start3A_59 = tpu.memref_squeeze %dma_start3A_58 : memref<1x128x64xf32, #tpu.memory_space<vmem>> -> memref<128x64xf32, #tpu.memory_space<vmem>>
    %dma_start3A_60 = arith.constant 0 : i32
    %dma_start3A_61 = tpu.memref_slice %arg6[%dma_start3A_54, %dma_start3A_60] : memref<80x128xi32, #tpu.memory_space<vmem>> -> memref<1x128xi32, #tpu.memory_space<vmem>>
    %dma_start3A_62 = tpu.memref_squeeze %dma_start3A_61 : memref<1x128xi32, #tpu.memory_space<vmem>> -> memref<128xi32, #tpu.memory_space<vmem>>
    %dma_start3A_63 = arith.constant 0 : i32
    %dma_start3A_64 = arith.constant 0 : i32
    %dma_start3A_65 = tpu.memref_slice %arg2[%dma_start3A_63, %dma_start3A_64] : memref<10240x64xf32, #tpu.memory_space<hbm>> -> memref<10240x64xf32, #tpu.memory_space<hbm>>
    tpu.enqueue_indirect_dma source(%dma_start3A_65 : memref<10240x64xf32, #tpu.memory_space<hbm>>) target(%dma_start3A_59 : memref<128x64xf32, #tpu.memory_space<vmem>>) offsets(%dma_start3A_62 : memref<128xi32, #tpu.memory_space<vmem>>) semaphore(%arg14 : memref<!tpu.dma_semaphore, #tpu.memory_space<semaphore_mem>>)
    %dma_start3A_66 = arith.constant 4 : i32
    %dma_start3A_67 = arith.constant 4 : i32
    %dma_start3A_68 = arith.constant 0 : i32
    %dma_start3A_69 = arith.constant 0 : i32
    %dma_start3A_70 = tpu.memref_slice %arg8[%dma_start3A_67, %dma_start3A_68, %dma_start3A_69] : memref<8x128x64xf32, #tpu.memory_space<vmem>> -> memref<1x128x64xf32, #tpu.memory_space<vmem>>
    %dma_start3A_71 = tpu.memref_squeeze %dma_start3A_70 : memref<1x128x64xf32, #tpu.memory_space<vmem>> -> memref<128x64xf32, #tpu.memory_space<vmem>>
    %dma_start3A_72 = arith.constant 0 : i32
    %dma_start3A_73 = tpu.memref_slice %arg6[%dma_start3A_66, %dma_start3A_72] : memref<80x128xi32, #tpu.memory_space<vmem>> -> memref<1x128xi32, #tpu.memory_space<vmem>>
    %dma_start3A_74 = tpu.memref_squeeze %dma_start3A_73 : memref<1x128xi32, #tpu.memory_space<vmem>> -> memref<128xi32, #tpu.memory_space<vmem>>
    %dma_start3A_75 = arith.constant 0 : i32
    %dma_start3A_76 = arith.constant 0 : i32
    %dma_start3A_77 = tpu.memref_slice %arg2[%dma_start3A_75, %dma_start3A_76] : memref<10240x64xf32, #tpu.memory_space<hbm>> -> memref<10240x64xf32, #tpu.memory_space<hbm>>
    tpu.enqueue_indirect_dma source(%dma_start3A_77 : memref<10240x64xf32, #tpu.memory_space<hbm>>) target(%dma_start3A_71 : memref<128x64xf32, #tpu.memory_space<vmem>>) offsets(%dma_start3A_74 : memref<128xi32, #tpu.memory_space<vmem>>) semaphore(%arg15 : memref<!tpu.dma_semaphore, #tpu.memory_space<semaphore_mem>>)
    %dma_start3A_78 = arith.constant 5 : i32
    %dma_start3A_79 = arith.constant 5 : i32
    %dma_start3A_80 = arith.constant 0 : i32
    %dma_start3A_81 = arith.constant 0 : i32
    %dma_start3A_82 = tpu.memref_slice %arg8[%dma_start3A_79, %dma_start3A_80, %dma_start3A_81] : memref<8x128x64xf32, #tpu.memory_space<vmem>> -> memref<1x128x64xf32, #tpu.memory_space<vmem>>
    %dma_start3A_83 = tpu.memref_squeeze %dma_start3A_82 : memref<1x128x64xf32, #tpu.memory_space<vmem>> -> memref<128x64xf32, #tpu.memory_space<vmem>>
    %dma_start3A_84 = arith.constant 0 : i32
    %dma_start3A_85 = tpu.memref_slice %arg6[%dma_start3A_78, %dma_start3A_84] : memref<80x128xi32, #tpu.memory_space<vmem>> -> memref<1x128xi32, #tpu.memory_space<vmem>>
    %dma_start3A_86 = tpu.memref_squeeze %dma_start3A_85 : memref<1x128xi32, #tpu.memory_space<vmem>> -> memref<128xi32, #tpu.memory_space<vmem>>
    %dma_start3A_87 = arith.constant 0 : i32
    %dma_start3A_88 = arith.constant 0 : i32
    %dma_start3A_89 = tpu.memref_slice %arg2[%dma_start3A_87, %dma_start3A_88] : memref<10240x64xf32, #tpu.memory_space<hbm>> -> memref<10240x64xf32, #tpu.memory_space<hbm>>
    tpu.enqueue_indirect_dma source(%dma_start3A_89 : memref<10240x64xf32, #tpu.memory_space<hbm>>) target(%dma_start3A_83 : memref<128x64xf32, #tpu.memory_space<vmem>>) offsets(%dma_start3A_86 : memref<128xi32, #tpu.memory_space<vmem>>) semaphore(%arg16 : memref<!tpu.dma_semaphore, #tpu.memory_space<semaphore_mem>>)
    %scan3A_90 = arith.constant 0 : i32
    %scan3A_91 = arith.constant 0 : i32
    %scan3A_92 = arith.constant 10 : i32
    %scan3A_93 = arith.addi %scan3A_91, %scan3A_92 : i32
    %scan3A_94 = arith.constant 1 : i32
    %scan3A_95 = scf.for %scan3A_125 = %scan3A_91 to %scan3A_93 step %scan3A_94 iter_args(%scan3A_126 = %scan3A_90) -> (i32)  : i32 {
      %mul3A_127 = arith.constant 8 : i32
      %mul3A_128 = arith.muli %scan3A_125, %mul3A_127 : i32
      %gt3A = arith.constant 0 : i32
      %gt3A_129 = arith.cmpi sgt, %scan3A_125, %gt3A : i32
      %convert_element_type3A = arith.extui %gt3A_129 : i1 to i32
      %cond3A = arith.constant 0 : i32
      %cond3A_130 = arith.cmpi ne, %convert_element_type3A, %cond3A : i32
      scf.if %cond3A_130 {
        %dma_wait3A_499 = arith.constant 6 : i32
        %dma_wait3A_500 = arith.constant 0 : i32
        %dma_wait3A_501 = arith.constant 0 : i32
        %dma_wait3A_502 = arith.constant 0 : i32
        %dma_wait3A_503 = tpu.memref_slice %arg8[%dma_wait3A_499, %dma_wait3A_501, %dma_wait3A_502] : memref<8x128x64xf32, #tpu.memory_space<vmem>> -> memref<1x128x64xf32, #tpu.memory_space<vmem>>
        %dma_wait3A_504 = tpu.memref_squeeze %dma_wait3A_503 : memref<1x128x64xf32, #tpu.memory_space<vmem>> -> memref<128x64xf32, #tpu.memory_space<vmem>>
        %dma_wait3A_505 = arith.constant 0 : i32
        %dma_wait3A_506 = tpu.memref_slice %arg7[%dma_wait3A_500, %dma_wait3A_505] : memref<80x128xi32, #tpu.memory_space<vmem>> -> memref<1x128xi32, #tpu.memory_space<vmem>>
        %dma_wait3A_507 = tpu.memref_squeeze %dma_wait3A_506 : memref<1x128xi32, #tpu.memory_space<vmem>> -> memref<128xi32, #tpu.memory_space<vmem>>
        %dma_wait3A_508 = arith.constant 0 : i32
        %dma_wait3A_509 = arith.constant 0 : i32
        %dma_wait3A_510 = tpu.memref_slice %arg10[%dma_wait3A_508, %dma_wait3A_509] : memref<10240x64xf32, #tpu.memory_space<vmem_shared>> -> memref<10240x64xf32, #tpu.memory_space<vmem_shared>>
        tpu.wait_indirect_dma semaphore(%arg25 : memref<!tpu.dma_semaphore, #tpu.memory_space<semaphore_mem>>) src(%dma_wait3A_504 : memref<128x64xf32, #tpu.memory_space<vmem>>) dst(%dma_wait3A_510 : memref<10240x64xf32, #tpu.memory_space<vmem_shared>>)
      } else {
      }
      %add3A_131 = arith.constant 8 : i32
      %add3A_132 = arith.addi %mul3A_128, %add3A_131 : i32
      %sub3A = arith.constant 2 : i32
      %sub3A_133 = arith.subi %add3A_132, %sub3A : i32
      %add3A_134 = arith.constant 0 : i32
      %add3A_135 = arith.addi %sub3A_133, %add3A_134 : i32
      %dma_start3A_136 = arith.constant 6 : i32
      %dma_start3A_137 = arith.constant 0 : i32
      %dma_start3A_138 = arith.constant 0 : i32
      %dma_start3A_139 = tpu.memref_slice %arg8[%dma_start3A_136, %dma_start3A_137, %dma_start3A_138] : memref<8x128x64xf32, #tpu.memory_space<vmem>> -> memref<1x128x64xf32, #tpu.memory_space<vmem>>
      %dma_start3A_140 = tpu.memref_squeeze %dma_start3A_139 : memref<1x128x64xf32, #tpu.memory_space<vmem>> -> memref<128x64xf32, #tpu.memory_space<vmem>>
      %dma_start3A_141 = arith.constant 0 : i32
      %dma_start3A_142 = tpu.memref_slice %arg6[%add3A_135, %dma_start3A_141] : memref<80x128xi32, #tpu.memory_space<vmem>> -> memref<1x128xi32, #tpu.memory_space<vmem>>
      %dma_start3A_143 = tpu.memref_squeeze %dma_start3A_142 : memref<1x128xi32, #tpu.memory_space<vmem>> -> memref<128xi32, #tpu.memory_space<vmem>>
      %dma_start3A_144 = arith.constant 0 : i32
      %dma_start3A_145 = arith.constant 0 : i32
      %dma_start3A_146 = tpu.memref_slice %arg2[%dma_start3A_144, %dma_start3A_145] : memref<10240x64xf32, #tpu.memory_space<hbm>> -> memref<10240x64xf32, #tpu.memory_space<hbm>>
      tpu.enqueue_indirect_dma source(%dma_start3A_146 : memref<10240x64xf32, #tpu.memory_space<hbm>>) target(%dma_start3A_140 : memref<128x64xf32, #tpu.memory_space<vmem>>) offsets(%dma_start3A_143 : memref<128xi32, #tpu.memory_space<vmem>>) semaphore(%arg17 : memref<!tpu.dma_semaphore, #tpu.memory_space<semaphore_mem>>)
      %add3A_147 = arith.constant 0 : i32
      %add3A_148 = arith.addi %mul3A_128, %add3A_147 : i32
      %dma_wait3A_149 = arith.constant 0 : i32
      %dma_wait3A_150 = arith.constant 0 : i32
      %dma_wait3A_151 = arith.constant 0 : i32
      %dma_wait3A_152 = tpu.memref_slice %arg8[%dma_wait3A_149, %dma_wait3A_150, %dma_wait3A_151] : memref<8x128x64xf32, #tpu.memory_space<vmem>> -> memref<1x128x64xf32, #tpu.memory_space<vmem>>
      %dma_wait3A_153 = tpu.memref_squeeze %dma_wait3A_152 : memref<1x128x64xf32, #tpu.memory_space<vmem>> -> memref<128x64xf32, #tpu.memory_space<vmem>>
      %dma_wait3A_154 = arith.constant 0 : i32
      %dma_wait3A_155 = tpu.memref_slice %arg6[%add3A_148, %dma_wait3A_154] : memref<80x128xi32, #tpu.memory_space<vmem>> -> memref<1x128xi32, #tpu.memory_space<vmem>>
      %dma_wait3A_156 = tpu.memref_squeeze %dma_wait3A_155 : memref<1x128xi32, #tpu.memory_space<vmem>> -> memref<128xi32, #tpu.memory_space<vmem>>
      %dma_wait3A_157 = arith.constant 0 : i32
      %dma_wait3A_158 = arith.constant 0 : i32
      %dma_wait3A_159 = tpu.memref_slice %arg2[%dma_wait3A_157, %dma_wait3A_158] : memref<10240x64xf32, #tpu.memory_space<hbm>> -> memref<10240x64xf32, #tpu.memory_space<hbm>>
      tpu.wait_indirect_dma semaphore(%arg11 : memref<!tpu.dma_semaphore, #tpu.memory_space<semaphore_mem>>) src(%dma_wait3A_159 : memref<10240x64xf32, #tpu.memory_space<hbm>>) dst(%dma_wait3A_153 : memref<128x64xf32, #tpu.memory_space<vmem>>)
      %dma_start3A_160 = arith.constant 0 : i32
      %dma_start3A_161 = arith.constant 0 : i32
      %dma_start3A_162 = arith.constant 0 : i32
      %dma_start3A_163 = tpu.memref_slice %arg8[%dma_start3A_160, %dma_start3A_161, %dma_start3A_162] : memref<8x128x64xf32, #tpu.memory_space<vmem>> -> memref<1x128x64xf32, #tpu.memory_space<vmem>>
      %dma_start3A_164 = tpu.memref_squeeze %dma_start3A_163 : memref<1x128x64xf32, #tpu.memory_space<vmem>> -> memref<128x64xf32, #tpu.memory_space<vmem>>
      %dma_start3A_165 = arith.constant 0 : i32
      %dma_start3A_166 = tpu.memref_slice %arg7[%add3A_148, %dma_start3A_165] : memref<80x128xi32, #tpu.memory_space<vmem>> -> memref<1x128xi32, #tpu.memory_space<vmem>>
      %dma_start3A_167 = tpu.memref_squeeze %dma_start3A_166 : memref<1x128xi32, #tpu.memory_space<vmem>> -> memref<128xi32, #tpu.memory_space<vmem>>
      %dma_start3A_168 = arith.constant 0 : i32
      %dma_start3A_169 = arith.constant 0 : i32
      %dma_start3A_170 = tpu.memref_slice %arg10[%dma_start3A_168, %dma_start3A_169] : memref<10240x64xf32, #tpu.memory_space<vmem_shared>> -> memref<10240x64xf32, #tpu.memory_space<vmem_shared>>
      tpu.enqueue_indirect_dma source(%dma_start3A_164 : memref<128x64xf32, #tpu.memory_space<vmem>>) target(%dma_start3A_170 : memref<10240x64xf32, #tpu.memory_space<vmem_shared>>) offsets(%dma_start3A_167 : memref<128xi32, #tpu.memory_space<vmem>>) semaphore(%arg19 : memref<!tpu.dma_semaphore, #tpu.memory_space<semaphore_mem>>) {add = true}
      %gt3A_171 = arith.constant 0 : i32
      %gt3A_172 = arith.cmpi sgt, %scan3A_125, %gt3A_171 : i32
      %convert_element_type3A_173 = arith.extui %gt3A_172 : i1 to i32
      %cond3A_174 = arith.constant 0 : i32
      %cond3A_175 = arith.cmpi ne, %convert_element_type3A_173, %cond3A_174 : i32
      scf.if %cond3A_175 {
        %dma_wait3A_499 = arith.constant 7 : i32
        %dma_wait3A_500 = arith.constant 0 : i32
        %dma_wait3A_501 = arith.constant 0 : i32
        %dma_wait3A_502 = arith.constant 0 : i32
        %dma_wait3A_503 = tpu.memref_slice %arg8[%dma_wait3A_499, %dma_wait3A_501, %dma_wait3A_502] : memref<8x128x64xf32, #tpu.memory_space<vmem>> -> memref<1x128x64xf32, #tpu.memory_space<vmem>>
        %dma_wait3A_504 = tpu.memref_squeeze %dma_wait3A_503 : memref<1x128x64xf32, #tpu.memory_space<vmem>> -> memref<128x64xf32, #tpu.memory_space<vmem>>
        %dma_wait3A_505 = arith.constant 0 : i32
        %dma_wait3A_506 = tpu.memref_slice %arg7[%dma_wait3A_500, %dma_wait3A_505] : memref<80x128xi32, #tpu.memory_space<vmem>> -> memref<1x128xi32, #tpu.memory_space<vmem>>
        %dma_wait3A_507 = tpu.memref_squeeze %dma_wait3A_506 : memref<1x128xi32, #tpu.memory_space<vmem>> -> memref<128xi32, #tpu.memory_space<vmem>>
        %dma_wait3A_508 = arith.constant 0 : i32
        %dma_wait3A_509 = arith.constant 0 : i32
        %dma_wait3A_510 = tpu.memref_slice %arg10[%dma_wait3A_508, %dma_wait3A_509] : memref<10240x64xf32, #tpu.memory_space<vmem_shared>> -> memref<10240x64xf32, #tpu.memory_space<vmem_shared>>
        tpu.wait_indirect_dma semaphore(%arg26 : memref<!tpu.dma_semaphore, #tpu.memory_space<semaphore_mem>>) src(%dma_wait3A_504 : memref<128x64xf32, #tpu.memory_space<vmem>>) dst(%dma_wait3A_510 : memref<10240x64xf32, #tpu.memory_space<vmem_shared>>)
      } else {
      }
      %add3A_176 = arith.constant 8 : i32
      %add3A_177 = arith.addi %mul3A_128, %add3A_176 : i32
      %sub3A_178 = arith.constant 2 : i32
      %sub3A_179 = arith.subi %add3A_177, %sub3A_178 : i32
      %add3A_180 = arith.constant 1 : i32
      %add3A_181 = arith.addi %sub3A_179, %add3A_180 : i32
      %dma_start3A_182 = arith.constant 7 : i32
      %dma_start3A_183 = arith.constant 0 : i32
      %dma_start3A_184 = arith.constant 0 : i32
      %dma_start3A_185 = tpu.memref_slice %arg8[%dma_start3A_182, %dma_start3A_183, %dma_start3A_184] : memref<8x128x64xf32, #tpu.memory_space<vmem>> -> memref<1x128x64xf32, #tpu.memory_space<vmem>>
      %dma_start3A_186 = tpu.memref_squeeze %dma_start3A_185 : memref<1x128x64xf32, #tpu.memory_space<vmem>> -> memref<128x64xf32, #tpu.memory_space<vmem>>
      %dma_start3A_187 = arith.constant 0 : i32
      %dma_start3A_188 = tpu.memref_slice %arg6[%add3A_181, %dma_start3A_187] : memref<80x128xi32, #tpu.memory_space<vmem>> -> memref<1x128xi32, #tpu.memory_space<vmem>>
      %dma_start3A_189 = tpu.memref_squeeze %dma_start3A_188 : memref<1x128xi32, #tpu.memory_space<vmem>> -> memref<128xi32, #tpu.memory_space<vmem>>
      %dma_start3A_190 = arith.constant 0 : i32
      %dma_start3A_191 = arith.constant 0 : i32
      %dma_start3A_192 = tpu.memref_slice %arg2[%dma_start3A_190, %dma_start3A_191] : memref<10240x64xf32, #tpu.memory_space<hbm>> -> memref<10240x64xf32, #tpu.memory_space<hbm>>
      tpu.enqueue_indirect_dma source(%dma_start3A_192 : memref<10240x64xf32, #tpu.memory_space<hbm>>) target(%dma_start3A_186 : memref<128x64xf32, #tpu.memory_space<vmem>>) offsets(%dma_start3A_189 : memref<128xi32, #tpu.memory_space<vmem>>) semaphore(%arg18 : memref<!tpu.dma_semaphore, #tpu.memory_space<semaphore_mem>>)
      %add3A_193 = arith.constant 1 : i32
      %add3A_194 = arith.addi %mul3A_128, %add3A_193 : i32
      %dma_wait3A_195 = arith.constant 1 : i32
      %dma_wait3A_196 = arith.constant 0 : i32
      %dma_wait3A_197 = arith.constant 0 : i32
      %dma_wait3A_198 = tpu.memref_slice %arg8[%dma_wait3A_195, %dma_wait3A_196, %dma_wait3A_197] : memref<8x128x64xf32, #tpu.memory_space<vmem>> -> memref<1x128x64xf32, #tpu.memory_space<vmem>>
      %dma_wait3A_199 = tpu.memref_squeeze %dma_wait3A_198 : memref<1x128x64xf32, #tpu.memory_space<vmem>> -> memref<128x64xf32, #tpu.memory_space<vmem>>
      %dma_wait3A_200 = arith.constant 0 : i32
      %dma_wait3A_201 = tpu.memref_slice %arg6[%add3A_194, %dma_wait3A_200] : memref<80x128xi32, #tpu.memory_space<vmem>> -> memref<1x128xi32, #tpu.memory_space<vmem>>
      %dma_wait3A_202 = tpu.memref_squeeze %dma_wait3A_201 : memref<1x128xi32, #tpu.memory_space<vmem>> -> memref<128xi32, #tpu.memory_space<vmem>>
      %dma_wait3A_203 = arith.constant 0 : i32
      %dma_wait3A_204 = arith.constant 0 : i32
      %dma_wait3A_205 = tpu.memref_slice %arg2[%dma_wait3A_203, %dma_wait3A_204] : memref<10240x64xf32, #tpu.memory_space<hbm>> -> memref<10240x64xf32, #tpu.memory_space<hbm>>
      tpu.wait_indirect_dma semaphore(%arg12 : memref<!tpu.dma_semaphore, #tpu.memory_space<semaphore_mem>>) src(%dma_wait3A_205 : memref<10240x64xf32, #tpu.memory_space<hbm>>) dst(%dma_wait3A_199 : memref<128x64xf32, #tpu.memory_space<vmem>>)
      %dma_start3A_206 = arith.constant 1 : i32
      %dma_start3A_207 = arith.constant 0 : i32
      %dma_start3A_208 = arith.constant 0 : i32
      %dma_start3A_209 = tpu.memref_slice %arg8[%dma_start3A_206, %dma_start3A_207, %dma_start3A_208] : memref<8x128x64xf32, #tpu.memory_space<vmem>> -> memref<1x128x64xf32, #tpu.memory_space<vmem>>
      %dma_start3A_210 = tpu.memref_squeeze %dma_start3A_209 : memref<1x128x64xf32, #tpu.memory_space<vmem>> -> memref<128x64xf32, #tpu.memory_space<vmem>>
      %dma_start3A_211 = arith.constant 0 : i32
      %dma_start3A_212 = tpu.memref_slice %arg7[%add3A_194, %dma_start3A_211] : memref<80x128xi32, #tpu.memory_space<vmem>> -> memref<1x128xi32, #tpu.memory_space<vmem>>
      %dma_start3A_213 = tpu.memref_squeeze %dma_start3A_212 : memref<1x128xi32, #tpu.memory_space<vmem>> -> memref<128xi32, #tpu.memory_space<vmem>>
      %dma_start3A_214 = arith.constant 0 : i32
      %dma_start3A_215 = arith.constant 0 : i32
      %dma_start3A_216 = tpu.memref_slice %arg10[%dma_start3A_214, %dma_start3A_215] : memref<10240x64xf32, #tpu.memory_space<vmem_shared>> -> memref<10240x64xf32, #tpu.memory_space<vmem_shared>>
      tpu.enqueue_indirect_dma source(%dma_start3A_210 : memref<128x64xf32, #tpu.memory_space<vmem>>) target(%dma_start3A_216 : memref<10240x64xf32, #tpu.memory_space<vmem_shared>>) offsets(%dma_start3A_213 : memref<128xi32, #tpu.memory_space<vmem>>) semaphore(%arg20 : memref<!tpu.dma_semaphore, #tpu.memory_space<semaphore_mem>>) {add = true}
      %dma_wait3A_217 = arith.constant 0 : i32
      %dma_wait3A_218 = arith.constant 0 : i32
      %dma_wait3A_219 = arith.constant 0 : i32
      %dma_wait3A_220 = arith.constant 0 : i32
      %dma_wait3A_221 = tpu.memref_slice %arg8[%dma_wait3A_217, %dma_wait3A_219, %dma_wait3A_220] : memref<8x128x64xf32, #tpu.memory_space<vmem>> -> memref<1x128x64xf32, #tpu.memory_space<vmem>>
      %dma_wait3A_222 = tpu.memref_squeeze %dma_wait3A_221 : memref<1x128x64xf32, #tpu.memory_space<vmem>> -> memref<128x64xf32, #tpu.memory_space<vmem>>
      %dma_wait3A_223 = arith.constant 0 : i32
      %dma_wait3A_224 = tpu.memref_slice %arg7[%dma_wait3A_218, %dma_wait3A_223] : memref<80x128xi32, #tpu.memory_space<vmem>> -> memref<1x128xi32, #tpu.memory_space<vmem>>
      %dma_wait3A_225 = tpu.memref_squeeze %dma_wait3A_224 : memref<1x128xi32, #tpu.memory_space<vmem>> -> memref<128xi32, #tpu.memory_space<vmem>>
      %dma_wait3A_226 = arith.constant 0 : i32
      %dma_wait3A_227 = arith.constant 0 : i32
      %dma_wait3A_228 = tpu.memref_slice %arg10[%dma_wait3A_226, %dma_wait3A_227] : memref<10240x64xf32, #tpu.memory_space<vmem_shared>> -> memref<10240x64xf32, #tpu.memory_space<vmem_shared>>
      tpu.wait_indirect_dma semaphore(%arg19 : memref<!tpu.dma_semaphore, #tpu.memory_space<semaphore_mem>>) src(%dma_wait3A_222 : memref<128x64xf32, #tpu.memory_space<vmem>>) dst(%dma_wait3A_228 : memref<10240x64xf32, #tpu.memory_space<vmem_shared>>)
      %add3A_229 = arith.constant 8 : i32
      %add3A_230 = arith.addi %mul3A_128, %add3A_229 : i32
      %add3A_231 = arith.constant 2 : i32
      %add3A_232 = arith.addi %add3A_230, %add3A_231 : i32
      %sub3A_233 = arith.constant 2 : i32
      %sub3A_234 = arith.subi %add3A_232, %sub3A_233 : i32
      %lt3A = arith.constant 9 : i32
      %lt3A_235 = arith.cmpi slt, %scan3A_125, %lt3A : i32
      %convert_element_type3A_236 = arith.extui %lt3A_235 : i1 to i32
      %cond3A_237 = arith.constant 0 : i32
      %cond3A_238 = arith.cmpi ne, %convert_element_type3A_236, %cond3A_237 : i32
      scf.if %cond3A_238 {
        %dma_start3A_499 = arith.constant 0 : i32
        %dma_start3A_500 = arith.constant 0 : i32
        %dma_start3A_501 = arith.constant 0 : i32
        %dma_start3A_502 = tpu.memref_slice %arg8[%dma_start3A_499, %dma_start3A_500, %dma_start3A_501] : memref<8x128x64xf32, #tpu.memory_space<vmem>> -> memref<1x128x64xf32, #tpu.memory_space<vmem>>
        %dma_start3A_503 = tpu.memref_squeeze %dma_start3A_502 : memref<1x128x64xf32, #tpu.memory_space<vmem>> -> memref<128x64xf32, #tpu.memory_space<vmem>>
        %dma_start3A_504 = arith.constant 0 : i32
        %dma_start3A_505 = tpu.memref_slice %arg6[%sub3A_234, %dma_start3A_504] : memref<80x128xi32, #tpu.memory_space<vmem>> -> memref<1x128xi32, #tpu.memory_space<vmem>>
        %dma_start3A_506 = tpu.memref_squeeze %dma_start3A_505 : memref<1x128xi32, #tpu.memory_space<vmem>> -> memref<128xi32, #tpu.memory_space<vmem>>
        %dma_start3A_507 = arith.constant 0 : i32
        %dma_start3A_508 = arith.constant 0 : i32
        %dma_start3A_509 = tpu.memref_slice %arg2[%dma_start3A_507, %dma_start3A_508] : memref<10240x64xf32, #tpu.memory_space<hbm>> -> memref<10240x64xf32, #tpu.memory_space<hbm>>
        tpu.enqueue_indirect_dma source(%dma_start3A_509 : memref<10240x64xf32, #tpu.memory_space<hbm>>) target(%dma_start3A_503 : memref<128x64xf32, #tpu.memory_space<vmem>>) offsets(%dma_start3A_506 : memref<128xi32, #tpu.memory_space<vmem>>) semaphore(%arg11 : memref<!tpu.dma_semaphore, #tpu.memory_space<semaphore_mem>>)
      } else {
      }
      %add3A_239 = arith.constant 2 : i32
      %add3A_240 = arith.addi %mul3A_128, %add3A_239 : i32
      %dma_wait3A_241 = arith.constant 2 : i32
      %dma_wait3A_242 = arith.constant 0 : i32
      %dma_wait3A_243 = arith.constant 0 : i32
      %dma_wait3A_244 = tpu.memref_slice %arg8[%dma_wait3A_241, %dma_wait3A_242, %dma_wait3A_243] : memref<8x128x64xf32, #tpu.memory_space<vmem>> -> memref<1x128x64xf32, #tpu.memory_space<vmem>>
      %dma_wait3A_245 = tpu.memref_squeeze %dma_wait3A_244 : memref<1x128x64xf32, #tpu.memory_space<vmem>> -> memref<128x64xf32, #tpu.memory_space<vmem>>
      %dma_wait3A_246 = arith.constant 0 : i32
      %dma_wait3A_247 = tpu.memref_slice %arg6[%add3A_240, %dma_wait3A_246] : memref<80x128xi32, #tpu.memory_space<vmem>> -> memref<1x128xi32, #tpu.memory_space<vmem>>
      %dma_wait3A_248 = tpu.memref_squeeze %dma_wait3A_247 : memref<1x128xi32, #tpu.memory_space<vmem>> -> memref<128xi32, #tpu.memory_space<vmem>>
      %dma_wait3A_249 = arith.constant 0 : i32
      %dma_wait3A_250 = arith.constant 0 : i32
      %dma_wait3A_251 = tpu.memref_slice %arg2[%dma_wait3A_249, %dma_wait3A_250] : memref<10240x64xf32, #tpu.memory_space<hbm>> -> memref<10240x64xf32, #tpu.memory_space<hbm>>
      tpu.wait_indirect_dma semaphore(%arg13 : memref<!tpu.dma_semaphore, #tpu.memory_space<semaphore_mem>>) src(%dma_wait3A_251 : memref<10240x64xf32, #tpu.memory_space<hbm>>) dst(%dma_wait3A_245 : memref<128x64xf32, #tpu.memory_space<vmem>>)
      %dma_start3A_252 = arith.constant 2 : i32
      %dma_start3A_253 = arith.constant 0 : i32
      %dma_start3A_254 = arith.constant 0 : i32
      %dma_start3A_255 = tpu.memref_slice %arg8[%dma_start3A_252, %dma_start3A_253, %dma_start3A_254] : memref<8x128x64xf32, #tpu.memory_space<vmem>> -> memref<1x128x64xf32, #tpu.memory_space<vmem>>
      %dma_start3A_256 = tpu.memref_squeeze %dma_start3A_255 : memref<1x128x64xf32, #tpu.memory_space<vmem>> -> memref<128x64xf32, #tpu.memory_space<vmem>>
      %dma_start3A_257 = arith.constant 0 : i32
      %dma_start3A_258 = tpu.memref_slice %arg7[%add3A_240, %dma_start3A_257] : memref<80x128xi32, #tpu.memory_space<vmem>> -> memref<1x128xi32, #tpu.memory_space<vmem>>
      %dma_start3A_259 = tpu.memref_squeeze %dma_start3A_258 : memref<1x128xi32, #tpu.memory_space<vmem>> -> memref<128xi32, #tpu.memory_space<vmem>>
      %dma_start3A_260 = arith.constant 0 : i32
      %dma_start3A_261 = arith.constant 0 : i32
      %dma_start3A_262 = tpu.memref_slice %arg10[%dma_start3A_260, %dma_start3A_261] : memref<10240x64xf32, #tpu.memory_space<vmem_shared>> -> memref<10240x64xf32, #tpu.memory_space<vmem_shared>>
      tpu.enqueue_indirect_dma source(%dma_start3A_256 : memref<128x64xf32, #tpu.memory_space<vmem>>) target(%dma_start3A_262 : memref<10240x64xf32, #tpu.memory_space<vmem_shared>>) offsets(%dma_start3A_259 : memref<128xi32, #tpu.memory_space<vmem>>) semaphore(%arg21 : memref<!tpu.dma_semaphore, #tpu.memory_space<semaphore_mem>>) {add = true}
      %dma_wait3A_263 = arith.constant 1 : i32
      %dma_wait3A_264 = arith.constant 0 : i32
      %dma_wait3A_265 = arith.constant 0 : i32
      %dma_wait3A_266 = arith.constant 0 : i32
      %dma_wait3A_267 = tpu.memref_slice %arg8[%dma_wait3A_263, %dma_wait3A_265, %dma_wait3A_266] : memref<8x128x64xf32, #tpu.memory_space<vmem>> -> memref<1x128x64xf32, #tpu.memory_space<vmem>>
      %dma_wait3A_268 = tpu.memref_squeeze %dma_wait3A_267 : memref<1x128x64xf32, #tpu.memory_space<vmem>> -> memref<128x64xf32, #tpu.memory_space<vmem>>
      %dma_wait3A_269 = arith.constant 0 : i32
      %dma_wait3A_270 = tpu.memref_slice %arg7[%dma_wait3A_264, %dma_wait3A_269] : memref<80x128xi32, #tpu.memory_space<vmem>> -> memref<1x128xi32, #tpu.memory_space<vmem>>
      %dma_wait3A_271 = tpu.memref_squeeze %dma_wait3A_270 : memref<1x128xi32, #tpu.memory_space<vmem>> -> memref<128xi32, #tpu.memory_space<vmem>>
      %dma_wait3A_272 = arith.constant 0 : i32
      %dma_wait3A_273 = arith.constant 0 : i32
      %dma_wait3A_274 = tpu.memref_slice %arg10[%dma_wait3A_272, %dma_wait3A_273] : memref<10240x64xf32, #tpu.memory_space<vmem_shared>> -> memref<10240x64xf32, #tpu.memory_space<vmem_shared>>
      tpu.wait_indirect_dma semaphore(%arg20 : memref<!tpu.dma_semaphore, #tpu.memory_space<semaphore_mem>>) src(%dma_wait3A_268 : memref<128x64xf32, #tpu.memory_space<vmem>>) dst(%dma_wait3A_274 : memref<10240x64xf32, #tpu.memory_space<vmem_shared>>)
      %add3A_275 = arith.constant 8 : i32
      %add3A_276 = arith.addi %mul3A_128, %add3A_275 : i32
      %add3A_277 = arith.constant 3 : i32
      %add3A_278 = arith.addi %add3A_276, %add3A_277 : i32
      %sub3A_279 = arith.constant 2 : i32
      %sub3A_280 = arith.subi %add3A_278, %sub3A_279 : i32
      %lt3A_281 = arith.constant 9 : i32
      %lt3A_282 = arith.cmpi slt, %scan3A_125, %lt3A_281 : i32
      %convert_element_type3A_283 = arith.extui %lt3A_282 : i1 to i32
      %cond3A_284 = arith.constant 0 : i32
      %cond3A_285 = arith.cmpi ne, %convert_element_type3A_283, %cond3A_284 : i32
      scf.if %cond3A_285 {
        %dma_start3A_499 = arith.constant 1 : i32
        %dma_start3A_500 = arith.constant 0 : i32
        %dma_start3A_501 = arith.constant 0 : i32
        %dma_start3A_502 = tpu.memref_slice %arg8[%dma_start3A_499, %dma_start3A_500, %dma_start3A_501] : memref<8x128x64xf32, #tpu.memory_space<vmem>> -> memref<1x128x64xf32, #tpu.memory_space<vmem>>
        %dma_start3A_503 = tpu.memref_squeeze %dma_start3A_502 : memref<1x128x64xf32, #tpu.memory_space<vmem>> -> memref<128x64xf32, #tpu.memory_space<vmem>>
        %dma_start3A_504 = arith.constant 0 : i32
        %dma_start3A_505 = tpu.memref_slice %arg6[%sub3A_280, %dma_start3A_504] : memref<80x128xi32, #tpu.memory_space<vmem>> -> memref<1x128xi32, #tpu.memory_space<vmem>>
        %dma_start3A_506 = tpu.memref_squeeze %dma_start3A_505 : memref<1x128xi32, #tpu.memory_space<vmem>> -> memref<128xi32, #tpu.memory_space<vmem>>
        %dma_start3A_507 = arith.constant 0 : i32
        %dma_start3A_508 = arith.constant 0 : i32
        %dma_start3A_509 = tpu.memref_slice %arg2[%dma_start3A_507, %dma_start3A_508] : memref<10240x64xf32, #tpu.memory_space<hbm>> -> memref<10240x64xf32, #tpu.memory_space<hbm>>
        tpu.enqueue_indirect_dma source(%dma_start3A_509 : memref<10240x64xf32, #tpu.memory_space<hbm>>) target(%dma_start3A_503 : memref<128x64xf32, #tpu.memory_space<vmem>>) offsets(%dma_start3A_506 : memref<128xi32, #tpu.memory_space<vmem>>) semaphore(%arg12 : memref<!tpu.dma_semaphore, #tpu.memory_space<semaphore_mem>>)
      } else {
      }
      %add3A_286 = arith.constant 3 : i32
      %add3A_287 = arith.addi %mul3A_128, %add3A_286 : i32
      %dma_wait3A_288 = arith.constant 3 : i32
      %dma_wait3A_289 = arith.constant 0 : i32
      %dma_wait3A_290 = arith.constant 0 : i32
      %dma_wait3A_291 = tpu.memref_slice %arg8[%dma_wait3A_288, %dma_wait3A_289, %dma_wait3A_290] : memref<8x128x64xf32, #tpu.memory_space<vmem>> -> memref<1x128x64xf32, #tpu.memory_space<vmem>>
      %dma_wait3A_292 = tpu.memref_squeeze %dma_wait3A_291 : memref<1x128x64xf32, #tpu.memory_space<vmem>> -> memref<128x64xf32, #tpu.memory_space<vmem>>
      %dma_wait3A_293 = arith.constant 0 : i32
      %dma_wait3A_294 = tpu.memref_slice %arg6[%add3A_287, %dma_wait3A_293] : memref<80x128xi32, #tpu.memory_space<vmem>> -> memref<1x128xi32, #tpu.memory_space<vmem>>
      %dma_wait3A_295 = tpu.memref_squeeze %dma_wait3A_294 : memref<1x128xi32, #tpu.memory_space<vmem>> -> memref<128xi32, #tpu.memory_space<vmem>>
      %dma_wait3A_296 = arith.constant 0 : i32
      %dma_wait3A_297 = arith.constant 0 : i32
      %dma_wait3A_298 = tpu.memref_slice %arg2[%dma_wait3A_296, %dma_wait3A_297] : memref<10240x64xf32, #tpu.memory_space<hbm>> -> memref<10240x64xf32, #tpu.memory_space<hbm>>
      tpu.wait_indirect_dma semaphore(%arg14 : memref<!tpu.dma_semaphore, #tpu.memory_space<semaphore_mem>>) src(%dma_wait3A_298 : memref<10240x64xf32, #tpu.memory_space<hbm>>) dst(%dma_wait3A_292 : memref<128x64xf32, #tpu.memory_space<vmem>>)
      %dma_start3A_299 = arith.constant 3 : i32
      %dma_start3A_300 = arith.constant 0 : i32
      %dma_start3A_301 = arith.constant 0 : i32
      %dma_start3A_302 = tpu.memref_slice %arg8[%dma_start3A_299, %dma_start3A_300, %dma_start3A_301] : memref<8x128x64xf32, #tpu.memory_space<vmem>> -> memref<1x128x64xf32, #tpu.memory_space<vmem>>
      %dma_start3A_303 = tpu.memref_squeeze %dma_start3A_302 : memref<1x128x64xf32, #tpu.memory_space<vmem>> -> memref<128x64xf32, #tpu.memory_space<vmem>>
      %dma_start3A_304 = arith.constant 0 : i32
      %dma_start3A_305 = tpu.memref_slice %arg7[%add3A_287, %dma_start3A_304] : memref<80x128xi32, #tpu.memory_space<vmem>> -> memref<1x128xi32, #tpu.memory_space<vmem>>
      %dma_start3A_306 = tpu.memref_squeeze %dma_start3A_305 : memref<1x128xi32, #tpu.memory_space<vmem>> -> memref<128xi32, #tpu.memory_space<vmem>>
      %dma_start3A_307 = arith.constant 0 : i32
      %dma_start3A_308 = arith.constant 0 : i32
      %dma_start3A_309 = tpu.memref_slice %arg10[%dma_start3A_307, %dma_start3A_308] : memref<10240x64xf32, #tpu.memory_space<vmem_shared>> -> memref<10240x64xf32, #tpu.memory_space<vmem_shared>>
      tpu.enqueue_indirect_dma source(%dma_start3A_303 : memref<128x64xf32, #tpu.memory_space<vmem>>) target(%dma_start3A_309 : memref<10240x64xf32, #tpu.memory_space<vmem_shared>>) offsets(%dma_start3A_306 : memref<128xi32, #tpu.memory_space<vmem>>) semaphore(%arg22 : memref<!tpu.dma_semaphore, #tpu.memory_space<semaphore_mem>>) {add = true}
      %dma_wait3A_310 = arith.constant 2 : i32
      %dma_wait3A_311 = arith.constant 0 : i32
      %dma_wait3A_312 = arith.constant 0 : i32
      %dma_wait3A_313 = arith.constant 0 : i32
      %dma_wait3A_314 = tpu.memref_slice %arg8[%dma_wait3A_310, %dma_wait3A_312, %dma_wait3A_313] : memref<8x128x64xf32, #tpu.memory_space<vmem>> -> memref<1x128x64xf32, #tpu.memory_space<vmem>>
      %dma_wait3A_315 = tpu.memref_squeeze %dma_wait3A_314 : memref<1x128x64xf32, #tpu.memory_space<vmem>> -> memref<128x64xf32, #tpu.memory_space<vmem>>
      %dma_wait3A_316 = arith.constant 0 : i32
      %dma_wait3A_317 = tpu.memref_slice %arg7[%dma_wait3A_311, %dma_wait3A_316] : memref<80x128xi32, #tpu.memory_space<vmem>> -> memref<1x128xi32, #tpu.memory_space<vmem>>
      %dma_wait3A_318 = tpu.memref_squeeze %dma_wait3A_317 : memref<1x128xi32, #tpu.memory_space<vmem>> -> memref<128xi32, #tpu.memory_space<vmem>>
      %dma_wait3A_319 = arith.constant 0 : i32
      %dma_wait3A_320 = arith.constant 0 : i32
      %dma_wait3A_321 = tpu.memref_slice %arg10[%dma_wait3A_319, %dma_wait3A_320] : memref<10240x64xf32, #tpu.memory_space<vmem_shared>> -> memref<10240x64xf32, #tpu.memory_space<vmem_shared>>
      tpu.wait_indirect_dma semaphore(%arg21 : memref<!tpu.dma_semaphore, #tpu.memory_space<semaphore_mem>>) src(%dma_wait3A_315 : memref<128x64xf32, #tpu.memory_space<vmem>>) dst(%dma_wait3A_321 : memref<10240x64xf32, #tpu.memory_space<vmem_shared>>)
      %add3A_322 = arith.constant 8 : i32
      %add3A_323 = arith.addi %mul3A_128, %add3A_322 : i32
      %add3A_324 = arith.constant 4 : i32
      %add3A_325 = arith.addi %add3A_323, %add3A_324 : i32
      %sub3A_326 = arith.constant 2 : i32
      %sub3A_327 = arith.subi %add3A_325, %sub3A_326 : i32
      %lt3A_328 = arith.constant 9 : i32
      %lt3A_329 = arith.cmpi slt, %scan3A_125, %lt3A_328 : i32
      %convert_element_type3A_330 = arith.extui %lt3A_329 : i1 to i32
      %cond3A_331 = arith.constant 0 : i32
      %cond3A_332 = arith.cmpi ne, %convert_element_type3A_330, %cond3A_331 : i32
      scf.if %cond3A_332 {
        %dma_start3A_499 = arith.constant 2 : i32
        %dma_start3A_500 = arith.constant 0 : i32
        %dma_start3A_501 = arith.constant 0 : i32
        %dma_start3A_502 = tpu.memref_slice %arg8[%dma_start3A_499, %dma_start3A_500, %dma_start3A_501] : memref<8x128x64xf32, #tpu.memory_space<vmem>> -> memref<1x128x64xf32, #tpu.memory_space<vmem>>
        %dma_start3A_503 = tpu.memref_squeeze %dma_start3A_502 : memref<1x128x64xf32, #tpu.memory_space<vmem>> -> memref<128x64xf32, #tpu.memory_space<vmem>>
        %dma_start3A_504 = arith.constant 0 : i32
        %dma_start3A_505 = tpu.memref_slice %arg6[%sub3A_327, %dma_start3A_504] : memref<80x128xi32, #tpu.memory_space<vmem>> -> memref<1x128xi32, #tpu.memory_space<vmem>>
        %dma_start3A_506 = tpu.memref_squeeze %dma_start3A_505 : memref<1x128xi32, #tpu.memory_space<vmem>> -> memref<128xi32, #tpu.memory_space<vmem>>
        %dma_start3A_507 = arith.constant 0 : i32
        %dma_start3A_508 = arith.constant 0 : i32
        %dma_start3A_509 = tpu.memref_slice %arg2[%dma_start3A_507, %dma_start3A_508] : memref<10240x64xf32, #tpu.memory_space<hbm>> -> memref<10240x64xf32, #tpu.memory_space<hbm>>
        tpu.enqueue_indirect_dma source(%dma_start3A_509 : memref<10240x64xf32, #tpu.memory_space<hbm>>) target(%dma_start3A_503 : memref<128x64xf32, #tpu.memory_space<vmem>>) offsets(%dma_start3A_506 : memref<128xi32, #tpu.memory_space<vmem>>) semaphore(%arg13 : memref<!tpu.dma_semaphore, #tpu.memory_space<semaphore_mem>>)
      } else {
      }
      %add3A_333 = arith.constant 4 : i32
      %add3A_334 = arith.addi %mul3A_128, %add3A_333 : i32
      %dma_wait3A_335 = arith.constant 4 : i32
      %dma_wait3A_336 = arith.constant 0 : i32
      %dma_wait3A_337 = arith.constant 0 : i32
      %dma_wait3A_338 = tpu.memref_slice %arg8[%dma_wait3A_335, %dma_wait3A_336, %dma_wait3A_337] : memref<8x128x64xf32, #tpu.memory_space<vmem>> -> memref<1x128x64xf32, #tpu.memory_space<vmem>>
      %dma_wait3A_339 = tpu.memref_squeeze %dma_wait3A_338 : memref<1x128x64xf32, #tpu.memory_space<vmem>> -> memref<128x64xf32, #tpu.memory_space<vmem>>
      %dma_wait3A_340 = arith.constant 0 : i32
      %dma_wait3A_341 = tpu.memref_slice %arg6[%add3A_334, %dma_wait3A_340] : memref<80x128xi32, #tpu.memory_space<vmem>> -> memref<1x128xi32, #tpu.memory_space<vmem>>
      %dma_wait3A_342 = tpu.memref_squeeze %dma_wait3A_341 : memref<1x128xi32, #tpu.memory_space<vmem>> -> memref<128xi32, #tpu.memory_space<vmem>>
      %dma_wait3A_343 = arith.constant 0 : i32
      %dma_wait3A_344 = arith.constant 0 : i32
      %dma_wait3A_345 = tpu.memref_slice %arg2[%dma_wait3A_343, %dma_wait3A_344] : memref<10240x64xf32, #tpu.memory_space<hbm>> -> memref<10240x64xf32, #tpu.memory_space<hbm>>
      tpu.wait_indirect_dma semaphore(%arg15 : memref<!tpu.dma_semaphore, #tpu.memory_space<semaphore_mem>>) src(%dma_wait3A_345 : memref<10240x64xf32, #tpu.memory_space<hbm>>) dst(%dma_wait3A_339 : memref<128x64xf32, #tpu.memory_space<vmem>>)
      %dma_start3A_346 = arith.constant 4 : i32
      %dma_start3A_347 = arith.constant 0 : i32
      %dma_start3A_348 = arith.constant 0 : i32
      %dma_start3A_349 = tpu.memref_slice %arg8[%dma_start3A_346, %dma_start3A_347, %dma_start3A_348] : memref<8x128x64xf32, #tpu.memory_space<vmem>> -> memref<1x128x64xf32, #tpu.memory_space<vmem>>
      %dma_start3A_350 = tpu.memref_squeeze %dma_start3A_349 : memref<1x128x64xf32, #tpu.memory_space<vmem>> -> memref<128x64xf32, #tpu.memory_space<vmem>>
      %dma_start3A_351 = arith.constant 0 : i32
      %dma_start3A_352 = tpu.memref_slice %arg7[%add3A_334, %dma_start3A_351] : memref<80x128xi32, #tpu.memory_space<vmem>> -> memref<1x128xi32, #tpu.memory_space<vmem>>
      %dma_start3A_353 = tpu.memref_squeeze %dma_start3A_352 : memref<1x128xi32, #tpu.memory_space<vmem>> -> memref<128xi32, #tpu.memory_space<vmem>>
      %dma_start3A_354 = arith.constant 0 : i32
      %dma_start3A_355 = arith.constant 0 : i32
      %dma_start3A_356 = tpu.memref_slice %arg10[%dma_start3A_354, %dma_start3A_355] : memref<10240x64xf32, #tpu.memory_space<vmem_shared>> -> memref<10240x64xf32, #tpu.memory_space<vmem_shared>>
      tpu.enqueue_indirect_dma source(%dma_start3A_350 : memref<128x64xf32, #tpu.memory_space<vmem>>) target(%dma_start3A_356 : memref<10240x64xf32, #tpu.memory_space<vmem_shared>>) offsets(%dma_start3A_353 : memref<128xi32, #tpu.memory_space<vmem>>) semaphore(%arg23 : memref<!tpu.dma_semaphore, #tpu.memory_space<semaphore_mem>>) {add = true}
      %dma_wait3A_357 = arith.constant 3 : i32
      %dma_wait3A_358 = arith.constant 0 : i32
      %dma_wait3A_359 = arith.constant 0 : i32
      %dma_wait3A_360 = arith.constant 0 : i32
      %dma_wait3A_361 = tpu.memref_slice %arg8[%dma_wait3A_357, %dma_wait3A_359, %dma_wait3A_360] : memref<8x128x64xf32, #tpu.memory_space<vmem>> -> memref<1x128x64xf32, #tpu.memory_space<vmem>>
      %dma_wait3A_362 = tpu.memref_squeeze %dma_wait3A_361 : memref<1x128x64xf32, #tpu.memory_space<vmem>> -> memref<128x64xf32, #tpu.memory_space<vmem>>
      %dma_wait3A_363 = arith.constant 0 : i32
      %dma_wait3A_364 = tpu.memref_slice %arg7[%dma_wait3A_358, %dma_wait3A_363] : memref<80x128xi32, #tpu.memory_space<vmem>> -> memref<1x128xi32, #tpu.memory_space<vmem>>
      %dma_wait3A_365 = tpu.memref_squeeze %dma_wait3A_364 : memref<1x128xi32, #tpu.memory_space<vmem>> -> memref<128xi32, #tpu.memory_space<vmem>>
      %dma_wait3A_366 = arith.constant 0 : i32
      %dma_wait3A_367 = arith.constant 0 : i32
      %dma_wait3A_368 = tpu.memref_slice %arg10[%dma_wait3A_366, %dma_wait3A_367] : memref<10240x64xf32, #tpu.memory_space<vmem_shared>> -> memref<10240x64xf32, #tpu.memory_space<vmem_shared>>
      tpu.wait_indirect_dma semaphore(%arg22 : memref<!tpu.dma_semaphore, #tpu.memory_space<semaphore_mem>>) src(%dma_wait3A_362 : memref<128x64xf32, #tpu.memory_space<vmem>>) dst(%dma_wait3A_368 : memref<10240x64xf32, #tpu.memory_space<vmem_shared>>)
      %add3A_369 = arith.constant 8 : i32
      %add3A_370 = arith.addi %mul3A_128, %add3A_369 : i32
      %add3A_371 = arith.constant 5 : i32
      %add3A_372 = arith.addi %add3A_370, %add3A_371 : i32
      %sub3A_373 = arith.constant 2 : i32
      %sub3A_374 = arith.subi %add3A_372, %sub3A_373 : i32
      %lt3A_375 = arith.constant 9 : i32
      %lt3A_376 = arith.cmpi slt, %scan3A_125, %lt3A_375 : i32
      %convert_element_type3A_377 = arith.extui %lt3A_376 : i1 to i32
      %cond3A_378 = arith.constant 0 : i32
      %cond3A_379 = arith.cmpi ne, %convert_element_type3A_377, %cond3A_378 : i32
      scf.if %cond3A_379 {
        %dma_start3A_499 = arith.constant 3 : i32
        %dma_start3A_500 = arith.constant 0 : i32
        %dma_start3A_501 = arith.constant 0 : i32
        %dma_start3A_502 = tpu.memref_slice %arg8[%dma_start3A_499, %dma_start3A_500, %dma_start3A_501] : memref<8x128x64xf32, #tpu.memory_space<vmem>> -> memref<1x128x64xf32, #tpu.memory_space<vmem>>
        %dma_start3A_503 = tpu.memref_squeeze %dma_start3A_502 : memref<1x128x64xf32, #tpu.memory_space<vmem>> -> memref<128x64xf32, #tpu.memory_space<vmem>>
        %dma_start3A_504 = arith.constant 0 : i32
        %dma_start3A_505 = tpu.memref_slice %arg6[%sub3A_374, %dma_start3A_504] : memref<80x128xi32, #tpu.memory_space<vmem>> -> memref<1x128xi32, #tpu.memory_space<vmem>>
        %dma_start3A_506 = tpu.memref_squeeze %dma_start3A_505 : memref<1x128xi32, #tpu.memory_space<vmem>> -> memref<128xi32, #tpu.memory_space<vmem>>
        %dma_start3A_507 = arith.constant 0 : i32
        %dma_start3A_508 = arith.constant 0 : i32
        %dma_start3A_509 = tpu.memref_slice %arg2[%dma_start3A_507, %dma_start3A_508] : memref<10240x64xf32, #tpu.memory_space<hbm>> -> memref<10240x64xf32, #tpu.memory_space<hbm>>
        tpu.enqueue_indirect_dma source(%dma_start3A_509 : memref<10240x64xf32, #tpu.memory_space<hbm>>) target(%dma_start3A_503 : memref<128x64xf32, #tpu.memory_space<vmem>>) offsets(%dma_start3A_506 : memref<128xi32, #tpu.memory_space<vmem>>) semaphore(%arg14 : memref<!tpu.dma_semaphore, #tpu.memory_space<semaphore_mem>>)
      } else {
      }
      %add3A_380 = arith.constant 5 : i32
      %add3A_381 = arith.addi %mul3A_128, %add3A_380 : i32
      %dma_wait3A_382 = arith.constant 5 : i32
      %dma_wait3A_383 = arith.constant 0 : i32
      %dma_wait3A_384 = arith.constant 0 : i32
      %dma_wait3A_385 = tpu.memref_slice %arg8[%dma_wait3A_382, %dma_wait3A_383, %dma_wait3A_384] : memref<8x128x64xf32, #tpu.memory_space<vmem>> -> memref<1x128x64xf32, #tpu.memory_space<vmem>>
      %dma_wait3A_386 = tpu.memref_squeeze %dma_wait3A_385 : memref<1x128x64xf32, #tpu.memory_space<vmem>> -> memref<128x64xf32, #tpu.memory_space<vmem>>
      %dma_wait3A_387 = arith.constant 0 : i32
      %dma_wait3A_388 = tpu.memref_slice %arg6[%add3A_381, %dma_wait3A_387] : memref<80x128xi32, #tpu.memory_space<vmem>> -> memref<1x128xi32, #tpu.memory_space<vmem>>
      %dma_wait3A_389 = tpu.memref_squeeze %dma_wait3A_388 : memref<1x128xi32, #tpu.memory_space<vmem>> -> memref<128xi32, #tpu.memory_space<vmem>>
      %dma_wait3A_390 = arith.constant 0 : i32
      %dma_wait3A_391 = arith.constant 0 : i32
      %dma_wait3A_392 = tpu.memref_slice %arg2[%dma_wait3A_390, %dma_wait3A_391] : memref<10240x64xf32, #tpu.memory_space<hbm>> -> memref<10240x64xf32, #tpu.memory_space<hbm>>
      tpu.wait_indirect_dma semaphore(%arg16 : memref<!tpu.dma_semaphore, #tpu.memory_space<semaphore_mem>>) src(%dma_wait3A_392 : memref<10240x64xf32, #tpu.memory_space<hbm>>) dst(%dma_wait3A_386 : memref<128x64xf32, #tpu.memory_space<vmem>>)
      %dma_start3A_393 = arith.constant 5 : i32
      %dma_start3A_394 = arith.constant 0 : i32
      %dma_start3A_395 = arith.constant 0 : i32
      %dma_start3A_396 = tpu.memref_slice %arg8[%dma_start3A_393, %dma_start3A_394, %dma_start3A_395] : memref<8x128x64xf32, #tpu.memory_space<vmem>> -> memref<1x128x64xf32, #tpu.memory_space<vmem>>
      %dma_start3A_397 = tpu.memref_squeeze %dma_start3A_396 : memref<1x128x64xf32, #tpu.memory_space<vmem>> -> memref<128x64xf32, #tpu.memory_space<vmem>>
      %dma_start3A_398 = arith.constant 0 : i32
      %dma_start3A_399 = tpu.memref_slice %arg7[%add3A_381, %dma_start3A_398] : memref<80x128xi32, #tpu.memory_space<vmem>> -> memref<1x128xi32, #tpu.memory_space<vmem>>
      %dma_start3A_400 = tpu.memref_squeeze %dma_start3A_399 : memref<1x128xi32, #tpu.memory_space<vmem>> -> memref<128xi32, #tpu.memory_space<vmem>>
      %dma_start3A_401 = arith.constant 0 : i32
      %dma_start3A_402 = arith.constant 0 : i32
      %dma_start3A_403 = tpu.memref_slice %arg10[%dma_start3A_401, %dma_start3A_402] : memref<10240x64xf32, #tpu.memory_space<vmem_shared>> -> memref<10240x64xf32, #tpu.memory_space<vmem_shared>>
      tpu.enqueue_indirect_dma source(%dma_start3A_397 : memref<128x64xf32, #tpu.memory_space<vmem>>) target(%dma_start3A_403 : memref<10240x64xf32, #tpu.memory_space<vmem_shared>>) offsets(%dma_start3A_400 : memref<128xi32, #tpu.memory_space<vmem>>) semaphore(%arg24 : memref<!tpu.dma_semaphore, #tpu.memory_space<semaphore_mem>>) {add = true}
      %dma_wait3A_404 = arith.constant 4 : i32
      %dma_wait3A_405 = arith.constant 0 : i32
      %dma_wait3A_406 = arith.constant 0 : i32
      %dma_wait3A_407 = arith.constant 0 : i32
      %dma_wait3A_408 = tpu.memref_slice %arg8[%dma_wait3A_404, %dma_wait3A_406, %dma_wait3A_407] : memref<8x128x64xf32, #tpu.memory_space<vmem>> -> memref<1x128x64xf32, #tpu.memory_space<vmem>>
      %dma_wait3A_409 = tpu.memref_squeeze %dma_wait3A_408 : memref<1x128x64xf32, #tpu.memory_space<vmem>> -> memref<128x64xf32, #tpu.memory_space<vmem>>
      %dma_wait3A_410 = arith.constant 0 : i32
      %dma_wait3A_411 = tpu.memref_slice %arg7[%dma_wait3A_405, %dma_wait3A_410] : memref<80x128xi32, #tpu.memory_space<vmem>> -> memref<1x128xi32, #tpu.memory_space<vmem>>
      %dma_wait3A_412 = tpu.memref_squeeze %dma_wait3A_411 : memref<1x128xi32, #tpu.memory_space<vmem>> -> memref<128xi32, #tpu.memory_space<vmem>>
      %dma_wait3A_413 = arith.constant 0 : i32
      %dma_wait3A_414 = arith.constant 0 : i32
      %dma_wait3A_415 = tpu.memref_slice %arg10[%dma_wait3A_413, %dma_wait3A_414] : memref<10240x64xf32, #tpu.memory_space<vmem_shared>> -> memref<10240x64xf32, #tpu.memory_space<vmem_shared>>
      tpu.wait_indirect_dma semaphore(%arg23 : memref<!tpu.dma_semaphore, #tpu.memory_space<semaphore_mem>>) src(%dma_wait3A_409 : memref<128x64xf32, #tpu.memory_space<vmem>>) dst(%dma_wait3A_415 : memref<10240x64xf32, #tpu.memory_space<vmem_shared>>)
      %add3A_416 = arith.constant 8 : i32
      %add3A_417 = arith.addi %mul3A_128, %add3A_416 : i32
      %add3A_418 = arith.constant 6 : i32
      %add3A_419 = arith.addi %add3A_417, %add3A_418 : i32
      %sub3A_420 = arith.constant 2 : i32
      %sub3A_421 = arith.subi %add3A_419, %sub3A_420 : i32
      %lt3A_422 = arith.constant 9 : i32
      %lt3A_423 = arith.cmpi slt, %scan3A_125, %lt3A_422 : i32
      %convert_element_type3A_424 = arith.extui %lt3A_423 : i1 to i32
      %cond3A_425 = arith.constant 0 : i32
      %cond3A_426 = arith.cmpi ne, %convert_element_type3A_424, %cond3A_425 : i32
      scf.if %cond3A_426 {
        %dma_start3A_499 = arith.constant 4 : i32
        %dma_start3A_500 = arith.constant 0 : i32
        %dma_start3A_501 = arith.constant 0 : i32
        %dma_start3A_502 = tpu.memref_slice %arg8[%dma_start3A_499, %dma_start3A_500, %dma_start3A_501] : memref<8x128x64xf32, #tpu.memory_space<vmem>> -> memref<1x128x64xf32, #tpu.memory_space<vmem>>
        %dma_start3A_503 = tpu.memref_squeeze %dma_start3A_502 : memref<1x128x64xf32, #tpu.memory_space<vmem>> -> memref<128x64xf32, #tpu.memory_space<vmem>>
        %dma_start3A_504 = arith.constant 0 : i32
        %dma_start3A_505 = tpu.memref_slice %arg6[%sub3A_421, %dma_start3A_504] : memref<80x128xi32, #tpu.memory_space<vmem>> -> memref<1x128xi32, #tpu.memory_space<vmem>>
        %dma_start3A_506 = tpu.memref_squeeze %dma_start3A_505 : memref<1x128xi32, #tpu.memory_space<vmem>> -> memref<128xi32, #tpu.memory_space<vmem>>
        %dma_start3A_507 = arith.constant 0 : i32
        %dma_start3A_508 = arith.constant 0 : i32
        %dma_start3A_509 = tpu.memref_slice %arg2[%dma_start3A_507, %dma_start3A_508] : memref<10240x64xf32, #tpu.memory_space<hbm>> -> memref<10240x64xf32, #tpu.memory_space<hbm>>
        tpu.enqueue_indirect_dma source(%dma_start3A_509 : memref<10240x64xf32, #tpu.memory_space<hbm>>) target(%dma_start3A_503 : memref<128x64xf32, #tpu.memory_space<vmem>>) offsets(%dma_start3A_506 : memref<128xi32, #tpu.memory_space<vmem>>) semaphore(%arg15 : memref<!tpu.dma_semaphore, #tpu.memory_space<semaphore_mem>>)
      } else {
      }
      %add3A_427 = arith.constant 6 : i32
      %add3A_428 = arith.addi %mul3A_128, %add3A_427 : i32
      %dma_wait3A_429 = arith.constant 6 : i32
      %dma_wait3A_430 = arith.constant 0 : i32
      %dma_wait3A_431 = arith.constant 0 : i32
      %dma_wait3A_432 = tpu.memref_slice %arg8[%dma_wait3A_429, %dma_wait3A_430, %dma_wait3A_431] : memref<8x128x64xf32, #tpu.memory_space<vmem>> -> memref<1x128x64xf32, #tpu.memory_space<vmem>>
      %dma_wait3A_433 = tpu.memref_squeeze %dma_wait3A_432 : memref<1x128x64xf32, #tpu.memory_space<vmem>> -> memref<128x64xf32, #tpu.memory_space<vmem>>
      %dma_wait3A_434 = arith.constant 0 : i32
      %dma_wait3A_435 = tpu.memref_slice %arg6[%add3A_428, %dma_wait3A_434] : memref<80x128xi32, #tpu.memory_space<vmem>> -> memref<1x128xi32, #tpu.memory_space<vmem>>
      %dma_wait3A_436 = tpu.memref_squeeze %dma_wait3A_435 : memref<1x128xi32, #tpu.memory_space<vmem>> -> memref<128xi32, #tpu.memory_space<vmem>>
      %dma_wait3A_437 = arith.constant 0 : i32
      %dma_wait3A_438 = arith.constant 0 : i32
      %dma_wait3A_439 = tpu.memref_slice %arg2[%dma_wait3A_437, %dma_wait3A_438] : memref<10240x64xf32, #tpu.memory_space<hbm>> -> memref<10240x64xf32, #tpu.memory_space<hbm>>
      tpu.wait_indirect_dma semaphore(%arg17 : memref<!tpu.dma_semaphore, #tpu.memory_space<semaphore_mem>>) src(%dma_wait3A_439 : memref<10240x64xf32, #tpu.memory_space<hbm>>) dst(%dma_wait3A_433 : memref<128x64xf32, #tpu.memory_space<vmem>>)
      %dma_start3A_440 = arith.constant 6 : i32
      %dma_start3A_441 = arith.constant 0 : i32
      %dma_start3A_442 = arith.constant 0 : i32
      %dma_start3A_443 = tpu.memref_slice %arg8[%dma_start3A_440, %dma_start3A_441, %dma_start3A_442] : memref<8x128x64xf32, #tpu.memory_space<vmem>> -> memref<1x128x64xf32, #tpu.memory_space<vmem>>
      %dma_start3A_444 = tpu.memref_squeeze %dma_start3A_443 : memref<1x128x64xf32, #tpu.memory_space<vmem>> -> memref<128x64xf32, #tpu.memory_space<vmem>>
      %dma_start3A_445 = arith.constant 0 : i32
      %dma_start3A_446 = tpu.memref_slice %arg7[%add3A_428, %dma_start3A_445] : memref<80x128xi32, #tpu.memory_space<vmem>> -> memref<1x128xi32, #tpu.memory_space<vmem>>
      %dma_start3A_447 = tpu.memref_squeeze %dma_start3A_446 : memref<1x128xi32, #tpu.memory_space<vmem>> -> memref<128xi32, #tpu.memory_space<vmem>>
      %dma_start3A_448 = arith.constant 0 : i32
      %dma_start3A_449 = arith.constant 0 : i32
      %dma_start3A_450 = tpu.memref_slice %arg10[%dma_start3A_448, %dma_start3A_449] : memref<10240x64xf32, #tpu.memory_space<vmem_shared>> -> memref<10240x64xf32, #tpu.memory_space<vmem_shared>>
      tpu.enqueue_indirect_dma source(%dma_start3A_444 : memref<128x64xf32, #tpu.memory_space<vmem>>) target(%dma_start3A_450 : memref<10240x64xf32, #tpu.memory_space<vmem_shared>>) offsets(%dma_start3A_447 : memref<128xi32, #tpu.memory_space<vmem>>) semaphore(%arg25 : memref<!tpu.dma_semaphore, #tpu.memory_space<semaphore_mem>>) {add = true}
      %dma_wait3A_451 = arith.constant 5 : i32
      %dma_wait3A_452 = arith.constant 0 : i32
      %dma_wait3A_453 = arith.constant 0 : i32
      %dma_wait3A_454 = arith.constant 0 : i32
      %dma_wait3A_455 = tpu.memref_slice %arg8[%dma_wait3A_451, %dma_wait3A_453, %dma_wait3A_454] : memref<8x128x64xf32, #tpu.memory_space<vmem>> -> memref<1x128x64xf32, #tpu.memory_space<vmem>>
      %dma_wait3A_456 = tpu.memref_squeeze %dma_wait3A_455 : memref<1x128x64xf32, #tpu.memory_space<vmem>> -> memref<128x64xf32, #tpu.memory_space<vmem>>
      %dma_wait3A_457 = arith.constant 0 : i32
      %dma_wait3A_458 = tpu.memref_slice %arg7[%dma_wait3A_452, %dma_wait3A_457] : memref<80x128xi32, #tpu.memory_space<vmem>> -> memref<1x128xi32, #tpu.memory_space<vmem>>
      %dma_wait3A_459 = tpu.memref_squeeze %dma_wait3A_458 : memref<1x128xi32, #tpu.memory_space<vmem>> -> memref<128xi32, #tpu.memory_space<vmem>>
      %dma_wait3A_460 = arith.constant 0 : i32
      %dma_wait3A_461 = arith.constant 0 : i32
      %dma_wait3A_462 = tpu.memref_slice %arg10[%dma_wait3A_460, %dma_wait3A_461] : memref<10240x64xf32, #tpu.memory_space<vmem_shared>> -> memref<10240x64xf32, #tpu.memory_space<vmem_shared>>
      tpu.wait_indirect_dma semaphore(%arg24 : memref<!tpu.dma_semaphore, #tpu.memory_space<semaphore_mem>>) src(%dma_wait3A_456 : memref<128x64xf32, #tpu.memory_space<vmem>>) dst(%dma_wait3A_462 : memref<10240x64xf32, #tpu.memory_space<vmem_shared>>)
      %add3A_463 = arith.constant 8 : i32
      %add3A_464 = arith.addi %mul3A_128, %add3A_463 : i32
      %add3A_465 = arith.constant 7 : i32
      %add3A_466 = arith.addi %add3A_464, %add3A_465 : i32
      %sub3A_467 = arith.constant 2 : i32
      %sub3A_468 = arith.subi %add3A_466, %sub3A_467 : i32
      %lt3A_469 = arith.constant 9 : i32
      %lt3A_470 = arith.cmpi slt, %scan3A_125, %lt3A_469 : i32
      %convert_element_type3A_471 = arith.extui %lt3A_470 : i1 to i32
      %cond3A_472 = arith.constant 0 : i32
      %cond3A_473 = arith.cmpi ne, %convert_element_type3A_471, %cond3A_472 : i32
      scf.if %cond3A_473 {
        %dma_start3A_499 = arith.constant 5 : i32
        %dma_start3A_500 = arith.constant 0 : i32
        %dma_start3A_501 = arith.constant 0 : i32
        %dma_start3A_502 = tpu.memref_slice %arg8[%dma_start3A_499, %dma_start3A_500, %dma_start3A_501] : memref<8x128x64xf32, #tpu.memory_space<vmem>> -> memref<1x128x64xf32, #tpu.memory_space<vmem>>
        %dma_start3A_503 = tpu.memref_squeeze %dma_start3A_502 : memref<1x128x64xf32, #tpu.memory_space<vmem>> -> memref<128x64xf32, #tpu.memory_space<vmem>>
        %dma_start3A_504 = arith.constant 0 : i32
        %dma_start3A_505 = tpu.memref_slice %arg6[%sub3A_468, %dma_start3A_504] : memref<80x128xi32, #tpu.memory_space<vmem>> -> memref<1x128xi32, #tpu.memory_space<vmem>>
        %dma_start3A_506 = tpu.memref_squeeze %dma_start3A_505 : memref<1x128xi32, #tpu.memory_space<vmem>> -> memref<128xi32, #tpu.memory_space<vmem>>
        %dma_start3A_507 = arith.constant 0 : i32
        %dma_start3A_508 = arith.constant 0 : i32
        %dma_start3A_509 = tpu.memref_slice %arg2[%dma_start3A_507, %dma_start3A_508] : memref<10240x64xf32, #tpu.memory_space<hbm>> -> memref<10240x64xf32, #tpu.memory_space<hbm>>
        tpu.enqueue_indirect_dma source(%dma_start3A_509 : memref<10240x64xf32, #tpu.memory_space<hbm>>) target(%dma_start3A_503 : memref<128x64xf32, #tpu.memory_space<vmem>>) offsets(%dma_start3A_506 : memref<128xi32, #tpu.memory_space<vmem>>) semaphore(%arg16 : memref<!tpu.dma_semaphore, #tpu.memory_space<semaphore_mem>>)
      } else {
      }
      %add3A_474 = arith.constant 7 : i32
      %add3A_475 = arith.addi %mul3A_128, %add3A_474 : i32
      %dma_wait3A_476 = arith.constant 7 : i32
      %dma_wait3A_477 = arith.constant 0 : i32
      %dma_wait3A_478 = arith.constant 0 : i32
      %dma_wait3A_479 = tpu.memref_slice %arg8[%dma_wait3A_476, %dma_wait3A_477, %dma_wait3A_478] : memref<8x128x64xf32, #tpu.memory_space<vmem>> -> memref<1x128x64xf32, #tpu.memory_space<vmem>>
      %dma_wait3A_480 = tpu.memref_squeeze %dma_wait3A_479 : memref<1x128x64xf32, #tpu.memory_space<vmem>> -> memref<128x64xf32, #tpu.memory_space<vmem>>
      %dma_wait3A_481 = arith.constant 0 : i32
      %dma_wait3A_482 = tpu.memref_slice %arg6[%add3A_475, %dma_wait3A_481] : memref<80x128xi32, #tpu.memory_space<vmem>> -> memref<1x128xi32, #tpu.memory_space<vmem>>
      %dma_wait3A_483 = tpu.memref_squeeze %dma_wait3A_482 : memref<1x128xi32, #tpu.memory_space<vmem>> -> memref<128xi32, #tpu.memory_space<vmem>>
      %dma_wait3A_484 = arith.constant 0 : i32
      %dma_wait3A_485 = arith.constant 0 : i32
      %dma_wait3A_486 = tpu.memref_slice %arg2[%dma_wait3A_484, %dma_wait3A_485] : memref<10240x64xf32, #tpu.memory_space<hbm>> -> memref<10240x64xf32, #tpu.memory_space<hbm>>
      tpu.wait_indirect_dma semaphore(%arg18 : memref<!tpu.dma_semaphore, #tpu.memory_space<semaphore_mem>>) src(%dma_wait3A_486 : memref<10240x64xf32, #tpu.memory_space<hbm>>) dst(%dma_wait3A_480 : memref<128x64xf32, #tpu.memory_space<vmem>>)
      %dma_start3A_487 = arith.constant 7 : i32
      %dma_start3A_488 = arith.constant 0 : i32
      %dma_start3A_489 = arith.constant 0 : i32
      %dma_start3A_490 = tpu.memref_slice %arg8[%dma_start3A_487, %dma_start3A_488, %dma_start3A_489] : memref<8x128x64xf32, #tpu.memory_space<vmem>> -> memref<1x128x64xf32, #tpu.memory_space<vmem>>
      %dma_start3A_491 = tpu.memref_squeeze %dma_start3A_490 : memref<1x128x64xf32, #tpu.memory_space<vmem>> -> memref<128x64xf32, #tpu.memory_space<vmem>>
      %dma_start3A_492 = arith.constant 0 : i32
      %dma_start3A_493 = tpu.memref_slice %arg7[%add3A_475, %dma_start3A_492] : memref<80x128xi32, #tpu.memory_space<vmem>> -> memref<1x128xi32, #tpu.memory_space<vmem>>
      %dma_start3A_494 = tpu.memref_squeeze %dma_start3A_493 : memref<1x128xi32, #tpu.memory_space<vmem>> -> memref<128xi32, #tpu.memory_space<vmem>>
      %dma_start3A_495 = arith.constant 0 : i32
      %dma_start3A_496 = arith.constant 0 : i32
      %dma_start3A_497 = tpu.memref_slice %arg10[%dma_start3A_495, %dma_start3A_496] : memref<10240x64xf32, #tpu.memory_space<vmem_shared>> -> memref<10240x64xf32, #tpu.memory_space<vmem_shared>>
      tpu.enqueue_indirect_dma source(%dma_start3A_491 : memref<128x64xf32, #tpu.memory_space<vmem>>) target(%dma_start3A_497 : memref<10240x64xf32, #tpu.memory_space<vmem_shared>>) offsets(%dma_start3A_494 : memref<128xi32, #tpu.memory_space<vmem>>) semaphore(%arg26 : memref<!tpu.dma_semaphore, #tpu.memory_space<semaphore_mem>>) {add = true}
      %scan3A_498 = arith.constant 0 : i32
      scf.yield %scan3A_498 : i32
    }
    %scan3A_96 = arith.constant 10 : i32
    %dma_wait3A = arith.constant 6 : i32
    %dma_wait3A_97 = arith.constant 0 : i32
    %dma_wait3A_98 = arith.constant 0 : i32
    %dma_wait3A_99 = arith.constant 0 : i32
    %dma_wait3A_100 = tpu.memref_slice %arg8[%dma_wait3A, %dma_wait3A_98, %dma_wait3A_99] : memref<8x128x64xf32, #tpu.memory_space<vmem>> -> memref<1x128x64xf32, #tpu.memory_space<vmem>>
    %dma_wait3A_101 = tpu.memref_squeeze %dma_wait3A_100 : memref<1x128x64xf32, #tpu.memory_space<vmem>> -> memref<128x64xf32, #tpu.memory_space<vmem>>
    %dma_wait3A_102 = arith.constant 0 : i32
    %dma_wait3A_103 = tpu.memref_slice %arg7[%dma_wait3A_97, %dma_wait3A_102] : memref<80x128xi32, #tpu.memory_space<vmem>> -> memref<1x128xi32, #tpu.memory_space<vmem>>
    %dma_wait3A_104 = tpu.memref_squeeze %dma_wait3A_103 : memref<1x128xi32, #tpu.memory_space<vmem>> -> memref<128xi32, #tpu.memory_space<vmem>>
    %dma_wait3A_105 = arith.constant 0 : i32
    %dma_wait3A_106 = arith.constant 0 : i32
    %dma_wait3A_107 = tpu.memref_slice %arg10[%dma_wait3A_105, %dma_wait3A_106] : memref<10240x64xf32, #tpu.memory_space<vmem_shared>> -> memref<10240x64xf32, #tpu.memory_space<vmem_shared>>
    tpu.wait_indirect_dma semaphore(%arg25 : memref<!tpu.dma_semaphore, #tpu.memory_space<semaphore_mem>>) src(%dma_wait3A_101 : memref<128x64xf32, #tpu.memory_space<vmem>>) dst(%dma_wait3A_107 : memref<10240x64xf32, #tpu.memory_space<vmem_shared>>)
    %dma_wait3A_108 = arith.constant 7 : i32
    %dma_wait3A_109 = arith.constant 0 : i32
    %dma_wait3A_110 = arith.constant 0 : i32
    %dma_wait3A_111 = arith.constant 0 : i32
    %dma_wait3A_112 = tpu.memref_slice %arg8[%dma_wait3A_108, %dma_wait3A_110, %dma_wait3A_111] : memref<8x128x64xf32, #tpu.memory_space<vmem>> -> memref<1x128x64xf32, #tpu.memory_space<vmem>>
    %dma_wait3A_113 = tpu.memref_squeeze %dma_wait3A_112 : memref<1x128x64xf32, #tpu.memory_space<vmem>> -> memref<128x64xf32, #tpu.memory_space<vmem>>
    %dma_wait3A_114 = arith.constant 0 : i32
    %dma_wait3A_115 = tpu.memref_slice %arg7[%dma_wait3A_109, %dma_wait3A_114] : memref<80x128xi32, #tpu.memory_space<vmem>> -> memref<1x128xi32, #tpu.memory_space<vmem>>
    %dma_wait3A_116 = tpu.memref_squeeze %dma_wait3A_115 : memref<1x128xi32, #tpu.memory_space<vmem>> -> memref<128xi32, #tpu.memory_space<vmem>>
    %dma_wait3A_117 = arith.constant 0 : i32
    %dma_wait3A_118 = arith.constant 0 : i32
    %dma_wait3A_119 = tpu.memref_slice %arg10[%dma_wait3A_117, %dma_wait3A_118] : memref<10240x64xf32, #tpu.memory_space<vmem_shared>> -> memref<10240x64xf32, #tpu.memory_space<vmem_shared>>
    tpu.wait_indirect_dma semaphore(%arg26 : memref<!tpu.dma_semaphore, #tpu.memory_space<semaphore_mem>>) src(%dma_wait3A_113 : memref<128x64xf32, #tpu.memory_space<vmem>>) dst(%dma_wait3A_119 : memref<10240x64xf32, #tpu.memory_space<vmem_shared>>)
    %barrier3A_120 = arith.constant 0 : index
    tpu.barrier barrier_id(%barrier3A_120)
    %mul3A_121 = arith.constant 640 : i32
    %mul3A_122 = arith.muli %arg1, %mul3A_121 : i32
    %mul3A_123 = arith.constant 640 : i32
    %mul3A_124 = arith.muli %arg1, %mul3A_123 : i32
    "tpu.region"() ({
      %run_scoped3A = tpu.sem_alloc : memref<!tpu.dma_semaphore, #tpu.memory_space<semaphore_mem>>
      %dma_start3A_125 = arith.constant 0 : i32
      %dma_start3A_126 = tpu.memref_slice %arg5[%arg0, %mul3A_124, %dma_start3A_125] : memref<2x10240x64xf32, #tpu.memory_space<hbm>> -> memref<1x640x64xf32, #tpu.memory_space<hbm>>
      %dma_start3A_127 = tpu.memref_squeeze %dma_start3A_126 : memref<1x640x64xf32, #tpu.memory_space<hbm>> -> memref<640x64xf32, #tpu.memory_space<hbm>>
      %dma_start3A_128 = arith.constant 0 : i32
      %dma_start3A_129 = tpu.memref_slice %arg10[%mul3A_122, %dma_start3A_128] : memref<10240x64xf32, #tpu.memory_space<vmem_shared>> -> memref<640x64xf32, #tpu.memory_space<vmem_shared>>
      tpu.enqueue_dma source(%dma_start3A_129 : memref<640x64xf32, #tpu.memory_space<vmem_shared>>) target(%dma_start3A_127 : memref<640x64xf32, #tpu.memory_space<hbm>>) target_semaphore(%run_scoped3A : memref<!tpu.dma_semaphore, #tpu.memory_space<semaphore_mem>>)
      %dma_wait3A_130 = arith.constant 0 : i32
      %dma_wait3A_131 = tpu.memref_slice %arg5[%arg0, %mul3A_124, %dma_wait3A_130] : memref<2x10240x64xf32, #tpu.memory_space<hbm>> -> memref<1x640x64xf32, #tpu.memory_space<hbm>>
      %dma_wait3A_132 = tpu.memref_squeeze %dma_wait3A_131 : memref<1x640x64xf32, #tpu.memory_space<hbm>> -> memref<640x64xf32, #tpu.memory_space<hbm>>
      %dma_wait3A_133 = arith.constant 0 : i32
      %dma_wait3A_134 = tpu.memref_slice %arg10[%mul3A_122, %dma_wait3A_133] : memref<10240x64xf32, #tpu.memory_space<vmem_shared>> -> memref<640x64xf32, #tpu.memory_space<vmem_shared>>
      tpu.wait_dma2 semaphore(%run_scoped3A : memref<!tpu.dma_semaphore, #tpu.memory_space<semaphore_mem>>) src(%dma_wait3A_134 : memref<640x64xf32, #tpu.memory_space<vmem_shared>>) dst(%dma_wait3A_132 : memref<640x64xf32, #tpu.memory_space<hbm>>)
      tpu.yield
    }) : () -> ()
    return
  }
}

module attributes {stable_mosaic.version = 14 : i64} {
  func.func @_tc1_body(%arg0: i32, %arg1: memref<2048x128xf32, #tpu.memory_space<vmem>>, %arg2: memref<128x64xf32, #tpu.memory_space<vmem>>, %arg3: memref<2048x2xf32, #tpu.memory_space<vmem>>, %arg4: memref<2048x64xf32, #tpu.memory_space<vmem>>, %arg5: memref<2048x1xf32, #tpu.memory_space<vmem>>) attributes {dimension_semantics = [#tpu.dimension_semantics<arbitrary>], iteration_bounds = array<i64: 5>, scalar_prefetch = 0 : i64, scratch_operands = 0 : i64, tpu.core_type = #tpu.core_type<tc>, window_params = [{transform_indices = @transform_0, window_bounds = array<i64: 2048, 128>}, {pipeline_mode = #tpu.pipeline_mode<synchronous>, transform_indices = @transform_1, window_bounds = array<i64: 128, 64>}, {transform_indices = @transform_2, window_bounds = array<i64: 2048, 2>}, {transform_indices = @transform_3, window_bounds = array<i64: 2048, 64>}, {transform_indices = @transform_4, window_bounds = array<i64: 2048, 1>}]} {
    %get3A = arith.constant 0 : index
    %get3A_0 = arith.constant 0 : index
    %get3A_1 = vector.load %arg3[%get3A, %get3A_0] : memref<2048x2xf32, #tpu.memory_space<vmem>>, vector<2048x1xf32>
    %get3A_2 = arith.constant 0 : index
    %get3A_3 = arith.constant 1 : index
    %get3A_4 = vector.load %arg3[%get3A_2, %get3A_3] : memref<2048x2xf32, #tpu.memory_space<vmem>>, vector<2048x1xf32>
    %add3A = arith.addf %get3A_1, %get3A_4 : vector<2048x1xf32>
    %add3A_5 = arith.constant 1.000000e+00 : f32
    %add3A_6 = vector.broadcast %add3A_5 : f32 to vector<2048x1xf32>
    %add3A_7 = arith.addf %add3A, %add3A_6 : vector<2048x1xf32>
    %rsqrt3A = math.rsqrt %add3A_7 : vector<2048x1xf32>
    %get3A_8 = arith.constant 0 : index
    %get3A_9 = arith.constant 0 : index
    %get3A_10 = vector.load %arg1[%get3A_8, %get3A_9] : memref<2048x128xf32, #tpu.memory_space<vmem>>, vector<2048x128xf32>
    %get3A_11 = arith.constant 0 : index
    %get3A_12 = arith.constant 0 : index
    %get3A_13 = vector.load %arg2[%get3A_11, %get3A_12] : memref<128x64xf32, #tpu.memory_space<vmem>>, vector<128x64xf32>
    %dot_general3A = arith.constant dense<0.000000e+00> : vector<2048x64xf32>
    %dot_general3A_14 = tpu.matmul %get3A_10, %get3A_13, %dot_general3A {dimension_numbers = #tpu.dot_dimension_numbers<[1], [0], [0], [1], [0, 0, 1, 1], [], []>, transpose_lhs_hint = false} : vector<2048x128xf32>, vector<128x64xf32>, vector<2048x64xf32> -> vector<2048x64xf32>
    %mul3A = vector.broadcast %rsqrt3A : vector<2048x1xf32> to vector<2048x64xf32>
    %mul3A_15 = arith.mulf %dot_general3A_14, %mul3A : vector<2048x64xf32>
    %swap3A = arith.constant 0 : index
    %swap3A_16 = arith.constant 0 : index
    %swap3A_17 = vector.load %arg4[%swap3A, %swap3A_16] : memref<2048x64xf32, #tpu.memory_space<vmem>>, vector<2048x64xf32>
    tpu.vector_store %arg4[%swap3A, %swap3A_16], %mul3A_15 {strides = array<i32>} : memref<2048x64xf32, #tpu.memory_space<vmem>>, vector<2048x64xf32>,
    %swap3A_18 = arith.constant 0 : index
    %swap3A_19 = arith.constant 0 : index
    %swap3A_20 = vector.load %arg5[%swap3A_18, %swap3A_19] : memref<2048x1xf32, #tpu.memory_space<vmem>>, vector<2048x1xf32>
    tpu.vector_store %arg5[%swap3A_18, %swap3A_19], %rsqrt3A {strides = array<i32>} : memref<2048x1xf32, #tpu.memory_space<vmem>>, vector<2048x1xf32>,
    return
  }
  func.func @transform_0(%arg0: i32) -> (i32, i32) {
    %c0_i32 = arith.constant 0 : i32
    %c0_i32_0 = arith.constant 0 : i32
    return %arg0, %c0_i32 : i32, i32
  }
  func.func @transform_1(%arg0: i32) -> (i32, i32) {
    %c0_i32 = arith.constant 0 : i32
    %c0_i32_0 = arith.constant 0 : i32
    %c0_i32_1 = arith.constant 0 : i32
    return %c0_i32, %c0_i32_0 : i32, i32
  }
  func.func @transform_2(%arg0: i32) -> (i32, i32) {
    %c0_i32 = arith.constant 0 : i32
    %c0_i32_0 = arith.constant 0 : i32
    return %arg0, %c0_i32 : i32, i32
  }
  func.func @transform_3(%arg0: i32) -> (i32, i32) {
    %c0_i32 = arith.constant 0 : i32
    %c0_i32_0 = arith.constant 0 : i32
    return %arg0, %c0_i32 : i32, i32
  }
  func.func @transform_4(%arg0: i32) -> (i32, i32) {
    %c0_i32 = arith.constant 0 : i32
    %c0_i32_0 = arith.constant 0 : i32
    return %arg0, %c0_i32 : i32, i32
  }
}

module attributes {stable_mosaic.version = 14 : i64} {
  func.func @_tcmid_body(%arg0: i32, %arg1: memref<2x2048x64xf32, #tpu.memory_space<vmem>>, %arg2: memref<2048x64xf32, #tpu.memory_space<vmem>>, %arg3: memref<2048x1xf32, #tpu.memory_space<vmem>>, %arg4: memref<1x64xf32, #tpu.memory_space<vmem>>, %arg5: memref<64x64xf32, #tpu.memory_space<vmem>>, %arg6: memref<2048x64xf32, #tpu.memory_space<vmem>>) attributes {dimension_semantics = [#tpu.dimension_semantics<arbitrary>], iteration_bounds = array<i64: 5>, scalar_prefetch = 0 : i64, scratch_operands = 0 : i64, tpu.core_type = #tpu.core_type<tc>, window_params = [{transform_indices = @transform_0, window_bounds = array<i64: 2, 2048, 64>}, {transform_indices = @transform_1, window_bounds = array<i64: 2048, 64>}, {transform_indices = @transform_2, window_bounds = array<i64: 2048, 1>}, {pipeline_mode = #tpu.pipeline_mode<synchronous>, transform_indices = @transform_3, window_bounds = array<i64: 1, 64>}, {pipeline_mode = #tpu.pipeline_mode<synchronous>, transform_indices = @transform_4, window_bounds = array<i64: 64, 64>}, {transform_indices = @transform_5, window_bounds = array<i64: 2048, 64>}]} {
    %get3A = arith.constant 0 : index
    %get3A_0 = arith.constant 0 : index
    %get3A_1 = vector.load %arg3[%get3A, %get3A_0] : memref<2048x1xf32, #tpu.memory_space<vmem>>, vector<2048x1xf32>
    %get3A_2 = arith.constant 0 : index
    %get3A_3 = arith.constant 0 : index
    %get3A_4 = arith.constant 0 : index
    %get3A_5 = vector.load %arg1[%get3A_2, %get3A_3, %get3A_4] : memref<2x2048x64xf32, #tpu.memory_space<vmem>>, vector<1x2048x64xf32>
    %get3A_6 = vector.shape_cast %get3A_5 : vector<1x2048x64xf32> to vector<2048x64xf32>
    %get3A_7 = arith.constant 1 : index
    %get3A_8 = arith.constant 0 : index
    %get3A_9 = arith.constant 0 : index
    %get3A_10 = vector.load %arg1[%get3A_7, %get3A_8, %get3A_9] : memref<2x2048x64xf32, #tpu.memory_space<vmem>>, vector<1x2048x64xf32>
    %get3A_11 = vector.shape_cast %get3A_10 : vector<1x2048x64xf32> to vector<2048x64xf32>
    %add3A = arith.addf %get3A_6, %get3A_11 : vector<2048x64xf32>
    %get3A_12 = arith.constant 0 : index
    %get3A_13 = arith.constant 0 : index
    %get3A_14 = vector.load %arg2[%get3A_12, %get3A_13] : memref<2048x64xf32, #tpu.memory_space<vmem>>, vector<2048x64xf32>
    %add3A_15 = arith.addf %add3A, %get3A_14 : vector<2048x64xf32>
    %mul3A = vector.broadcast %get3A_1 : vector<2048x1xf32> to vector<2048x64xf32>
    %mul3A_16 = arith.mulf %add3A_15, %mul3A : vector<2048x64xf32>
    %get3A_17 = arith.constant 0 : index
    %get3A_18 = arith.constant 0 : index
    %get3A_19 = vector.load %arg4[%get3A_17, %get3A_18] : memref<1x64xf32, #tpu.memory_space<vmem>>, vector<1x64xf32>
    %add3A_20 = vector.broadcast %get3A_19 : vector<1x64xf32> to vector<2048x64xf32>
    %add3A_21 = arith.addf %mul3A_16, %add3A_20 : vector<2048x64xf32>
    %max3A = arith.constant 0.000000e+00 : f32
    %max3A_22 = vector.broadcast %max3A : f32 to vector<2048x64xf32>
    %max3A_23 = arith.maximumf %add3A_21, %max3A_22 : vector<2048x64xf32>
    %get3A_24 = arith.constant 0 : index
    %get3A_25 = arith.constant 0 : index
    %get3A_26 = vector.load %arg5[%get3A_24, %get3A_25] : memref<64x64xf32, #tpu.memory_space<vmem>>, vector<64x64xf32>
    %dot_general3A = arith.constant dense<0.000000e+00> : vector<2048x64xf32>
    %dot_general3A_27 = tpu.matmul %max3A_23, %get3A_26, %dot_general3A {dimension_numbers = #tpu.dot_dimension_numbers<[1], [0], [0], [1], [0, 0, 1, 1], [], []>, transpose_lhs_hint = false} : vector<2048x64xf32>, vector<64x64xf32>, vector<2048x64xf32> -> vector<2048x64xf32>
    %mul3A_28 = vector.broadcast %get3A_1 : vector<2048x1xf32> to vector<2048x64xf32>
    %mul3A_29 = arith.mulf %dot_general3A_27, %mul3A_28 : vector<2048x64xf32>
    %swap3A = arith.constant 0 : index
    %swap3A_30 = arith.constant 0 : index
    %swap3A_31 = vector.load %arg6[%swap3A, %swap3A_30] : memref<2048x64xf32, #tpu.memory_space<vmem>>, vector<2048x64xf32>
    tpu.vector_store %arg6[%swap3A, %swap3A_30], %mul3A_29 {strides = array<i32>} : memref<2048x64xf32, #tpu.memory_space<vmem>>, vector<2048x64xf32>,
    return
  }
  func.func @transform_0(%arg0: i32) -> (i32, i32, i32) {
    %c0_i32 = arith.constant 0 : i32
    %c0_i32_0 = arith.constant 0 : i32
    %c0_i32_1 = arith.constant 0 : i32
    return %c0_i32, %arg0, %c0_i32_0 : i32, i32, i32
  }
  func.func @transform_1(%arg0: i32) -> (i32, i32) {
    %c0_i32 = arith.constant 0 : i32
    %c0_i32_0 = arith.constant 0 : i32
    return %arg0, %c0_i32 : i32, i32
  }
  func.func @transform_2(%arg0: i32) -> (i32, i32) {
    %c0_i32 = arith.constant 0 : i32
    %c0_i32_0 = arith.constant 0 : i32
    return %arg0, %c0_i32 : i32, i32
  }
  func.func @transform_3(%arg0: i32) -> (i32, i32) {
    %c0_i32 = arith.constant 0 : i32
    %c0_i32_0 = arith.constant 0 : i32
    %c0_i32_1 = arith.constant 0 : i32
    return %c0_i32, %c0_i32_0 : i32, i32
  }
  func.func @transform_4(%arg0: i32) -> (i32, i32) {
    %c0_i32 = arith.constant 0 : i32
    %c0_i32_0 = arith.constant 0 : i32
    %c0_i32_1 = arith.constant 0 : i32
    return %c0_i32, %c0_i32_0 : i32, i32
  }
  func.func @transform_5(%arg0: i32) -> (i32, i32) {
    %c0_i32 = arith.constant 0 : i32
    %c0_i32_0 = arith.constant 0 : i32
    return %arg0, %c0_i32 : i32, i32
  }
}

module attributes {stable_mosaic.version = 14 : i64} {
  func.func @_tcmid_body(%arg0: i32, %arg1: memref<2x2048x64xf32, #tpu.memory_space<vmem>>, %arg2: memref<2048x64xf32, #tpu.memory_space<vmem>>, %arg3: memref<2048x1xf32, #tpu.memory_space<vmem>>, %arg4: memref<1x64xf32, #tpu.memory_space<vmem>>, %arg5: memref<64x32xf32, #tpu.memory_space<vmem>>, %arg6: memref<2048x32xf32, #tpu.memory_space<vmem>>) attributes {dimension_semantics = [#tpu.dimension_semantics<arbitrary>], iteration_bounds = array<i64: 5>, scalar_prefetch = 0 : i64, scratch_operands = 0 : i64, tpu.core_type = #tpu.core_type<tc>, window_params = [{transform_indices = @transform_0, window_bounds = array<i64: 2, 2048, 64>}, {transform_indices = @transform_1, window_bounds = array<i64: 2048, 64>}, {transform_indices = @transform_2, window_bounds = array<i64: 2048, 1>}, {pipeline_mode = #tpu.pipeline_mode<synchronous>, transform_indices = @transform_3, window_bounds = array<i64: 1, 64>}, {pipeline_mode = #tpu.pipeline_mode<synchronous>, transform_indices = @transform_4, window_bounds = array<i64: 64, 32>}, {transform_indices = @transform_5, window_bounds = array<i64: 2048, 32>}]} {
    %get3A = arith.constant 0 : index
    %get3A_0 = arith.constant 0 : index
    %get3A_1 = vector.load %arg3[%get3A, %get3A_0] : memref<2048x1xf32, #tpu.memory_space<vmem>>, vector<2048x1xf32>
    %get3A_2 = arith.constant 0 : index
    %get3A_3 = arith.constant 0 : index
    %get3A_4 = arith.constant 0 : index
    %get3A_5 = vector.load %arg1[%get3A_2, %get3A_3, %get3A_4] : memref<2x2048x64xf32, #tpu.memory_space<vmem>>, vector<1x2048x64xf32>
    %get3A_6 = vector.shape_cast %get3A_5 : vector<1x2048x64xf32> to vector<2048x64xf32>
    %get3A_7 = arith.constant 1 : index
    %get3A_8 = arith.constant 0 : index
    %get3A_9 = arith.constant 0 : index
    %get3A_10 = vector.load %arg1[%get3A_7, %get3A_8, %get3A_9] : memref<2x2048x64xf32, #tpu.memory_space<vmem>>, vector<1x2048x64xf32>
    %get3A_11 = vector.shape_cast %get3A_10 : vector<1x2048x64xf32> to vector<2048x64xf32>
    %add3A = arith.addf %get3A_6, %get3A_11 : vector<2048x64xf32>
    %get3A_12 = arith.constant 0 : index
    %get3A_13 = arith.constant 0 : index
    %get3A_14 = vector.load %arg2[%get3A_12, %get3A_13] : memref<2048x64xf32, #tpu.memory_space<vmem>>, vector<2048x64xf32>
    %add3A_15 = arith.addf %add3A, %get3A_14 : vector<2048x64xf32>
    %mul3A = vector.broadcast %get3A_1 : vector<2048x1xf32> to vector<2048x64xf32>
    %mul3A_16 = arith.mulf %add3A_15, %mul3A : vector<2048x64xf32>
    %get3A_17 = arith.constant 0 : index
    %get3A_18 = arith.constant 0 : index
    %get3A_19 = vector.load %arg4[%get3A_17, %get3A_18] : memref<1x64xf32, #tpu.memory_space<vmem>>, vector<1x64xf32>
    %add3A_20 = vector.broadcast %get3A_19 : vector<1x64xf32> to vector<2048x64xf32>
    %add3A_21 = arith.addf %mul3A_16, %add3A_20 : vector<2048x64xf32>
    %max3A = arith.constant 0.000000e+00 : f32
    %max3A_22 = vector.broadcast %max3A : f32 to vector<2048x64xf32>
    %max3A_23 = arith.maximumf %add3A_21, %max3A_22 : vector<2048x64xf32>
    %get3A_24 = arith.constant 0 : index
    %get3A_25 = arith.constant 0 : index
    %get3A_26 = vector.load %arg5[%get3A_24, %get3A_25] : memref<64x32xf32, #tpu.memory_space<vmem>>, vector<64x32xf32>
    %dot_general3A = arith.constant dense<0.000000e+00> : vector<2048x32xf32>
    %dot_general3A_27 = tpu.matmul %max3A_23, %get3A_26, %dot_general3A {dimension_numbers = #tpu.dot_dimension_numbers<[1], [0], [0], [1], [0, 0, 1, 1], [], []>, transpose_lhs_hint = false} : vector<2048x64xf32>, vector<64x32xf32>, vector<2048x32xf32> -> vector<2048x32xf32>
    %mul3A_28 = vector.broadcast %get3A_1 : vector<2048x1xf32> to vector<2048x32xf32>
    %mul3A_29 = arith.mulf %dot_general3A_27, %mul3A_28 : vector<2048x32xf32>
    %swap3A = arith.constant 0 : index
    %swap3A_30 = arith.constant 0 : index
    %swap3A_31 = vector.load %arg6[%swap3A, %swap3A_30] : memref<2048x32xf32, #tpu.memory_space<vmem>>, vector<2048x32xf32>
    tpu.vector_store %arg6[%swap3A, %swap3A_30], %mul3A_29 {strides = array<i32>} : memref<2048x32xf32, #tpu.memory_space<vmem>>, vector<2048x32xf32>,
    return
  }
  func.func @transform_0(%arg0: i32) -> (i32, i32, i32) {
    %c0_i32 = arith.constant 0 : i32
    %c0_i32_0 = arith.constant 0 : i32
    %c0_i32_1 = arith.constant 0 : i32
    return %c0_i32, %arg0, %c0_i32_0 : i32, i32, i32
  }
  func.func @transform_1(%arg0: i32) -> (i32, i32) {
    %c0_i32 = arith.constant 0 : i32
    %c0_i32_0 = arith.constant 0 : i32
    return %arg0, %c0_i32 : i32, i32
  }
  func.func @transform_2(%arg0: i32) -> (i32, i32) {
    %c0_i32 = arith.constant 0 : i32
    %c0_i32_0 = arith.constant 0 : i32
    return %arg0, %c0_i32 : i32, i32
  }
  func.func @transform_3(%arg0: i32) -> (i32, i32) {
    %c0_i32 = arith.constant 0 : i32
    %c0_i32_0 = arith.constant 0 : i32
    %c0_i32_1 = arith.constant 0 : i32
    return %c0_i32, %c0_i32_0 : i32, i32
  }
  func.func @transform_4(%arg0: i32) -> (i32, i32) {
    %c0_i32 = arith.constant 0 : i32
    %c0_i32_0 = arith.constant 0 : i32
    %c0_i32_1 = arith.constant 0 : i32
    return %c0_i32, %c0_i32_0 : i32, i32
  }
  func.func @transform_5(%arg0: i32) -> (i32, i32) {
    %c0_i32 = arith.constant 0 : i32
    %c0_i32_0 = arith.constant 0 : i32
    return %arg0, %c0_i32 : i32, i32
  }
}

module attributes {stable_mosaic.version = 14 : i64} {
  func.func @_tcfin_body(%arg0: i32, %arg1: memref<2x2048x32xf32, #tpu.memory_space<vmem>>, %arg2: memref<2048x32xf32, #tpu.memory_space<vmem>>, %arg3: memref<2048x1xf32, #tpu.memory_space<vmem>>, %arg4: memref<1x32xf32, #tpu.memory_space<vmem>>, %arg5: memref<32x1xf32, #tpu.memory_space<vmem>>, %arg6: memref<1x1xf32, #tpu.memory_space<vmem>>, %arg7: memref<2048x1xf32, #tpu.memory_space<vmem>>) attributes {dimension_semantics = [#tpu.dimension_semantics<arbitrary>], iteration_bounds = array<i64: 5>, scalar_prefetch = 0 : i64, scratch_operands = 0 : i64, tpu.core_type = #tpu.core_type<tc>, window_params = [{transform_indices = @transform_0, window_bounds = array<i64: 2, 2048, 32>}, {transform_indices = @transform_1, window_bounds = array<i64: 2048, 32>}, {transform_indices = @transform_2, window_bounds = array<i64: 2048, 1>}, {pipeline_mode = #tpu.pipeline_mode<synchronous>, transform_indices = @transform_3, window_bounds = array<i64: 1, 32>}, {pipeline_mode = #tpu.pipeline_mode<synchronous>, transform_indices = @transform_4, window_bounds = array<i64: 32, 1>}, {pipeline_mode = #tpu.pipeline_mode<synchronous>, transform_indices = @transform_5, window_bounds = array<i64: 1, 1>}, {transform_indices = @transform_6, window_bounds = array<i64: 2048, 1>}]} {
    %get3A = arith.constant 0 : index
    %get3A_0 = arith.constant 0 : index
    %get3A_1 = arith.constant 0 : index
    %get3A_2 = vector.load %arg1[%get3A, %get3A_0, %get3A_1] : memref<2x2048x32xf32, #tpu.memory_space<vmem>>, vector<1x2048x32xf32>
    %get3A_3 = vector.shape_cast %get3A_2 : vector<1x2048x32xf32> to vector<2048x32xf32>
    %get3A_4 = arith.constant 1 : index
    %get3A_5 = arith.constant 0 : index
    %get3A_6 = arith.constant 0 : index
    %get3A_7 = vector.load %arg1[%get3A_4, %get3A_5, %get3A_6] : memref<2x2048x32xf32, #tpu.memory_space<vmem>>, vector<1x2048x32xf32>
    %get3A_8 = vector.shape_cast %get3A_7 : vector<1x2048x32xf32> to vector<2048x32xf32>
    %add3A = arith.addf %get3A_3, %get3A_8 : vector<2048x32xf32>
    %get3A_9 = arith.constant 0 : index
    %get3A_10 = arith.constant 0 : index
    %get3A_11 = vector.load %arg2[%get3A_9, %get3A_10] : memref<2048x32xf32, #tpu.memory_space<vmem>>, vector<2048x32xf32>
    %add3A_12 = arith.addf %add3A, %get3A_11 : vector<2048x32xf32>
    %get3A_13 = arith.constant 0 : index
    %get3A_14 = arith.constant 0 : index
    %get3A_15 = vector.load %arg3[%get3A_13, %get3A_14] : memref<2048x1xf32, #tpu.memory_space<vmem>>, vector<2048x1xf32>
    %mul3A = vector.broadcast %get3A_15 : vector<2048x1xf32> to vector<2048x32xf32>
    %mul3A_16 = arith.mulf %add3A_12, %mul3A : vector<2048x32xf32>
    %get3A_17 = arith.constant 0 : index
    %get3A_18 = arith.constant 0 : index
    %get3A_19 = vector.load %arg4[%get3A_17, %get3A_18] : memref<1x32xf32, #tpu.memory_space<vmem>>, vector<1x32xf32>
    %add3A_20 = vector.broadcast %get3A_19 : vector<1x32xf32> to vector<2048x32xf32>
    %add3A_21 = arith.addf %mul3A_16, %add3A_20 : vector<2048x32xf32>
    %max3A = arith.constant 0.000000e+00 : f32
    %max3A_22 = vector.broadcast %max3A : f32 to vector<2048x32xf32>
    %max3A_23 = arith.maximumf %add3A_21, %max3A_22 : vector<2048x32xf32>
    %get3A_24 = arith.constant 0 : index
    %get3A_25 = arith.constant 0 : index
    %get3A_26 = vector.load %arg5[%get3A_24, %get3A_25] : memref<32x1xf32, #tpu.memory_space<vmem>>, vector<32x1xf32>
    %dot_general3A = arith.constant dense<0.000000e+00> : vector<2048x1xf32>
    %dot_general3A_27 = tpu.matmul %max3A_23, %get3A_26, %dot_general3A {dimension_numbers = #tpu.dot_dimension_numbers<[1], [0], [0], [1], [0, 0, 1, 1], [], []>, transpose_lhs_hint = false} : vector<2048x32xf32>, vector<32x1xf32>, vector<2048x1xf32> -> vector<2048x1xf32>
    %get3A_28 = arith.constant 0 : index
    %get3A_29 = arith.constant 0 : index
    %get3A_30 = vector.load %arg6[%get3A_28, %get3A_29] : memref<1x1xf32, #tpu.memory_space<vmem>>, vector<1x1xf32>
    %add3A_31 = vector.broadcast %get3A_30 : vector<1x1xf32> to vector<2048x1xf32>
    %add3A_32 = arith.addf %dot_general3A_27, %add3A_31 : vector<2048x1xf32>
    %swap3A = arith.constant 0 : index
    %swap3A_33 = arith.constant 0 : index
    %swap3A_34 = vector.load %arg7[%swap3A, %swap3A_33] : memref<2048x1xf32, #tpu.memory_space<vmem>>, vector<2048x1xf32>
    tpu.vector_store %arg7[%swap3A, %swap3A_33], %add3A_32 {strides = array<i32>} : memref<2048x1xf32, #tpu.memory_space<vmem>>, vector<2048x1xf32>,
    return
  }
  func.func @transform_0(%arg0: i32) -> (i32, i32, i32) {
    %c0_i32 = arith.constant 0 : i32
    %c0_i32_0 = arith.constant 0 : i32
    %c0_i32_1 = arith.constant 0 : i32
    return %c0_i32, %arg0, %c0_i32_0 : i32, i32, i32
  }
  func.func @transform_1(%arg0: i32) -> (i32, i32) {
    %c0_i32 = arith.constant 0 : i32
    %c0_i32_0 = arith.constant 0 : i32
    return %arg0, %c0_i32 : i32, i32
  }
  func.func @transform_2(%arg0: i32) -> (i32, i32) {
    %c0_i32 = arith.constant 0 : i32
    %c0_i32_0 = arith.constant 0 : i32
    return %arg0, %c0_i32 : i32, i32
  }
  func.func @transform_3(%arg0: i32) -> (i32, i32) {
    %c0_i32 = arith.constant 0 : i32
    %c0_i32_0 = arith.constant 0 : i32
    %c0_i32_1 = arith.constant 0 : i32
    return %c0_i32, %c0_i32_0 : i32, i32
  }
  func.func @transform_4(%arg0: i32) -> (i32, i32) {
    %c0_i32 = arith.constant 0 : i32
    %c0_i32_0 = arith.constant 0 : i32
    %c0_i32_1 = arith.constant 0 : i32
    return %c0_i32, %c0_i32_0 : i32, i32
  }
  func.func @transform_5(%arg0: i32) -> (i32, i32) {
    %c0_i32 = arith.constant 0 : i32
    %c0_i32_0 = arith.constant 0 : i32
    %c0_i32_1 = arith.constant 0 : i32
    return %c0_i32, %c0_i32_0 : i32, i32
  }
  func.func @transform_6(%arg0: i32) -> (i32, i32) {
    %c0_i32 = arith.constant 0 : i32
    %c0_i32_0 = arith.constant 0 : i32
    return %arg0, %c0_i32 : i32, i32
  }
}

</mosaic_0001>

<sc_bundles>
// kernel: kernel.10.cloned.1.call-start
scs
__scs_entry_jumppad:
0x0: {  	(pc) =	sbr.rel $0x88, $3  }
0x1: {  	(tag) =	ssettag $0x0;
	lr =	simm.s32 $0x1  }
0x2: {  	[smem:$0x3F97] =	sst lr;
	_ =	strace $0xD0000000  }
0x3: {  	_ = 	snop  }
0x4: {  	_ = 	snop  }
0x5: {  	_ = 	snop  }
0x6: {  	_ = 	snop  }
0x7: {  	_ = 	snop  }
__scs_overlays_trampoline_lowered:
0x8: {  	[smem:$0x3FA6] =	sst s0  }
0x9: {  	[smem:$0x3FA7] =	sst s1  }
0xa: {  	[smem:$0x3FA8] =	sst s2  }
0xb: {  	[smem:$0x3FA9] =	sst s3  }
0xc: {  	[smem:$0x3FAA] =	sst s4  }
0xd: {  	[smem:$0x3FAB] =	sst s5  }
0xe: {  	[smem:$0x3FAC] =	sst s6  }
0xf: {  	[smem:$0x3FAD] =	sst s7  }
0x10: {  	[smem:$0x3FAE] =	sst s8  }
0x11: {  	[smem:$0x3FAF] =	sst s9;
	s0 =	simm.s32 @!p0 $0x0  }
0x12: {  	s1 =	sld [smem:$0x3F95];
	s0 =	simm.s32 @p0 $0x1  }
0x13: {  	[smem:$0x3FB0] =	sst s0;
	s0 =	simm.s32 @!p1 $0x0  }
0x14: {  	s2 =	sld [smem:$0x3F94];
	s0 =	simm.s32 @p1 $0x1  }
0x15: {  	[smem:$0x3FB1] =	sst s0;
	s0 =	simm.s32 @!p2 $0x0  }
0x16: {  	s3 =	sld [smem:$0x3FDB];
	s0 =	simm.s32 @p2 $0x1  }
0x17: {  	s4 =	simm.s32 $0x1BF5;
	[smem:$0x3FB3] =	sst s0  }
0x18: {  	s0 =	sld [smem:$0x3F96];
	_ =	swait.ge [sflag:s4], $0x0  }
0x19: {  	s7 =	sld [smem:$0x3F97]  }
0x1a: {  	s8 =	sadd.s32 $0xFFFFE003, lr  }
0x1b: {  	s9 =	sadd.s32 $0xFFFFFEF7, lr;
	s5 =	simm.s32 $0xFFFFFFFF;
	p2 =	slt.u32 s8, $0xFFFFF086  }
0x1c: {  	p1 =	slt.u32 s9, $0xF7A;
	s5 =	simm.s32 @!p2 $0x0  }
0x1d: {  	s5 =	simm.s32 @p1 $0x1;
	p0 =	seq.s32 s7, s2  }
0x1e: {  	s7 =	smul.u32 @!p0 $0xF7A, s2;
	p2 =	seq.s32 @!p0 s5, $0x0  }
0x1f: {  	s9 =	smul.u32 $0xF7A, s1;
	s8 =	simm.s32 @!p0 $0x1BF5;
	p2 =	por !p2, p0  }
0x20: {  	[sflag:s8] =	ssyncset.s32 @!p0 $0xFFFFF086;
	s6 =	sadd.s32 @!p0 s3, s7;
	s7 =	simm.s32 @!p0 $0x108  }
0x21: {  	s3 =	sadd.s32 s3, s9;
	s6 =	sadd.s32 @!p0 $0x88, s6;
	s7 =	simm.s32 @p2 $0x1082  }
0x22: {  	[simem:s7], [sflag:s8] =	dma.local @!p0 [hbm:s6], $0xF7A  }
0x23: {  	s9 =	sor.u32 $0xD0000000, s2;
	s6 =	simm.s32 $0x108;
	_ =	swait.ge @!p0 [sflag:s8], $0x0  }
0x24: {  	s3 =	sadd.s32 $0x88, s3;
	s6 =	simm.s32 @!p1 $0x1082;
	[sflag:s4] =	ssyncset.s32 $0xFFFFF086  }
0x25: {  	[simem:s6], [sflag:s4] =	dma.local [hbm:s3], $0xF7A  }
0x26: {  	[smem:$0x3F97] =	sst s1;
	(tag) =	ssettag s2;
	_ =	strace s9  }
0x27: {  	s1 =	sld [smem:$0x3FA7]  }
0x28: {  	s2 =	sld [smem:$0x3FA8]  }
0x29: {  	s4 =	sld [smem:$0x3FAA]  }
0x2a: {  	p0 =	seq.s32 s5, $0x0;
	s5 =	sld [smem:$0x3FAB]  }
0x2b: {  	s6 =	sld [smem:$0x3FAC]  }
0x2c: {  	s7 =	sld [smem:$0x3FAD]  }
0x2d: {  	s3 =	simm.s32 $0x108;
	s8 =	sld [smem:$0x3FAE]  }
0x2e: {  	s3 =	simm.s32 @!p0 $0x1082;
	s9 =	sld [smem:$0x3FAF]  }
0x2f: {  	lr =	sadd.s32 s0, s3;
	s0 =	sld [smem:$0x3FA6]  }
0x30: {  	s3 =	sld [smem:$0x3FA9]  }
0x31: {  	[smem:$0x3FB2] =	sst s10  }
0x32: {  	s10 =	sld [smem:$0x3FB0];
	_ =	sdelay $0x3  }
0x33: {  	p0 =	seq.s32 s10, $0x1;
	s10 =	sld [smem:$0x3FB2];
	_ =	sdelay $0x3  }
0x34: {  	[smem:$0x3FB2] =	sst s10  }
0x35: {  	s10 =	sld [smem:$0x3FB1];
	_ =	sdelay $0x3  }
0x36: {  	p1 =	seq.s32 s10, $0x1;
	s10 =	sld [smem:$0x3FB2];
	_ =	sdelay $0x3  }
0x37: {  	[smem:$0x3FB2] =	sst s10  }
0x38: {  	s10 =	sld [smem:$0x3FB3]  }
0x39: {  	_ = 	snop;
	(pc) =	sbr.ind lr, $3  }
0x3a: {  	_ = 	snop  }
0x3b: {  	_ = 	snop  }
0x3c: {  	p2 =	seq.s32 s10, $0x1;
	s10 =	sld [smem:$0x3FB2]  }
0x3d: {  	_ =	shalt  }
0x3e: {  	_ =	shalt  }
0x3f: {  	_ =	shalt  }
0x40: {  	_ =	shalt  }
0x41: {  	_ =	shalt  }
0x42: {  	_ =	shalt  }
0x43: {  	_ =	shalt  }
0x44: {  	_ =	shalt  }
0x45: {  	_ =	shalt  }
0x46: {  	_ =	shalt  }
0x47: {  	_ =	shalt  }
0x48: {  	_ =	shalt  }
0x49: {  	_ =	shalt  }
0x4a: {  	_ =	shalt  }
0x4b: {  	_ =	shalt  }
0x4c: {  	_ =	shalt  }
0x4d: {  	_ =	shalt  }
0x4e: {  	_ =	shalt  }
0x4f: {  	_ =	shalt  }
0x50: {  	_ =	shalt  }
0x51: {  	_ =	shalt  }
0x52: {  	_ =	shalt  }
0x53: {  	_ =	shalt  }
0x54: {  	_ =	shalt  }
0x55: {  	_ =	shalt  }
0x56: {  	_ =	shalt  }
0x57: {  	_ =	shalt  }
0x58: {  	_ =	shalt  }
0x59: {  	_ =	shalt  }
0x5a: {  	_ =	shalt  }
0x5b: {  	_ =	shalt  }
0x5c: {  	_ =	shalt  }
0x5d: {  	_ =	shalt  }
0x5e: {  	_ =	shalt  }
0x5f: {  	_ =	shalt  }
0x60: {  	_ =	shalt  }
0x61: {  	_ =	shalt  }
0x62: {  	_ =	shalt  }
0x63: {  	_ =	shalt  }
0x64: {  	_ =	shalt  }
0x65: {  	_ =	shalt  }
0x66: {  	_ =	shalt  }
0x67: {  	_ =	shalt  }
0x68: {  	_ =	shalt  }
0x69: {  	_ =	shalt  }
0x6a: {  	_ =	shalt  }
0x6b: {  	_ =	shalt  }
0x6c: {  	_ =	shalt  }
0x6d: {  	_ =	shalt  }
0x6e: {  	_ =	shalt  }
0x6f: {  	_ =	shalt  }
0x70: {  	_ =	shalt  }
0x71: {  	_ =	shalt  }
0x72: {  	_ =	shalt  }
0x73: {  	_ =	shalt  }
0x74: {  	_ =	shalt  }
0x75: {  	_ =	shalt  }
0x76: {  	_ =	shalt  }
0x77: {  	_ =	shalt  }
0x78: {  	_ =	shalt  }
0x79: {  	_ =	shalt  }
0x7a: {  	_ =	shalt  }
0x7b: {  	_ =	shalt  }
0x7c: {  	_ =	shalt  }
0x7d: {  	_ =	shalt  }
0x7e: {  	_ =	shalt  }
0x7f: {  	_ =	shalt  }
0x80: {  	_ =	shalt  }
0x81: {  	_ =	shalt  }
0x82: {  	_ =	shalt  }
0x83: {  	_ =	shalt  }
0x84: {  	_ =	shalt  }
0x85: {  	_ =	shalt  }
0x86: {  	_ =	shalt  }
0x87: {  	_ =	shalt  }
.Lfunc_end0:
.L_simem_size_0:
called_computation_lowered:
.L_overlay_start_0:
0x88: {  	s2 =	sld [smem:$0x3FD9]  }
0x89: {  	s3 =	sld [smem:$0x3FFE];
	_ =	sdelay $0x1  }
0x8a: {  	s1 =	srdreg.scid  }
0x8b: {  	s0 =	sand.u32 $0x1, s1  }
0x8c: {  	s16 =	sshll.u32 s0, $0xA;
	s2 =	sadd.s32 s3, s2  }
0x8d: {  	s2 =	sadd.s32 s2, s16  }
0x8e: {  	[smem:$0x3FBE] =	sst s2  }
0x8f: {  	_ = 	snop  }
0x90: {  	(tm) =	ssettm $0x1  }
0x91: {  	s17 =	sld [smem:$0x3FFB];
	_ =	sdelay $0x3  }
0x92: {  	_ =	strace s17  }
0x93: {  	s2 =	sld [smem:$0x3FFC];
	_ =	sdelay $0x3  }
0x94: {  	_ =	strace s2  }
0x95: {  	s2 =	sld [smem:$0x3FFD];
	_ =	sdelay $0x3  }
0x96: {  	_ =	strace s2  }
0x97: {  	_ =	strace $0x8FFFFFFF  }
0x98: {  	s18 =	sld [smem:$0x3FDB];
	_ =	sdelay $0x1  }
0x99: {  	s19 =	simm.s32 $_scs_section_size  }
0x9a: {  	s4 =	simm.s32 $_size__tile_overlayer_lowered;
	s5 =	simm.s32 $_tile_overlayer_lowered  }
0x9b: {  	s22 =	simm.s32 $0x1BFF;
	s21 =	sshll.u32 s5, $0x1;
	s2 =	sadd.s32 s19, s18  }
0x9c: {  	s6 =	simm.s32 $0x0;
	s20 =	sshll.u32 s4, $0x1;
	s4 =	sadd.s32 s21, s2  }
0x9d: {  	[timem:s6], [sflag:s22] =	dma.local [hbm:s4], s20  }
0x9e: {  	_ =	swait.ge [sflag:s22], s20  }
0x9f: {  	s3 =	ssub.s32 $0x0, s20;
	[sflag:s22] =	ssyncset.done $0x0  }
0xa0: {  	[sflag:s22] =	ssyncadd.s32 s3;
	_ =	sdelay $0x1  }
0xa1: {  	s23 =	simm.s32 $0x1B8B  }
0xa2: {  	_ =	swait.ge [sflag:s23], $0x1  }
0xa3: {  	[sflag:s23] =	ssyncset.done $0x0  }
0xa4: {  	s25 =	simm.s32 $0x1B8E;
	s24 =	sld [smem:$0x3FFE];
	[sflag:s23] =	ssyncadd.s32 $0xFFFFFFFF  }
0xa5: {  	s26 =	simm.s32 $execute0_lowered;
	[smem:$0x3FD2] =	sst s25  }
0xa6: {  	s4 =	sshll.u32 s26, $0x1;
	_ =	strace $0x80000046;
	[dreg:$0x1] =	wrdreg $0xFFFFFFFF  }
0xa7: {  	s28 =	simm.s32 $_size_execute0_lowered;
	s2 =	sadd.s32 s2, s4;
	[dreg:$0x0] =	wrdreg $0x0  }
0xa8: {  	s4 =	sshll.u32 s28, $0x1;
	[dreg:$0x2] =	wrdreg s2  }
0xa9: {  	[dreg:$0x3] =	wrdreg s4  }
0xaa: {  	[dreg:$0x4] =	wrdreg $0xC0  }
0xab: {  	_ =	task [dreg:s6], $0x5FFFF  }
0xac: {  	[dreg:$0x1] =	wrdreg $0xFFFFFFFF  }
0xad: {  	[dreg:$0x0] =	wrdreg $0x60  }
0xae: {  	[dreg:$0x2] =	wrdreg s24  }
0xaf: {  	[dreg:$0x3] =	wrdreg $0x34000  }
0xb0: {  	[dreg:$0x4] =	wrdreg $0x9  }
0xb1: {  	_ =	task.clear_ibuf [dreg:s6], $0x5FFFF;
	_ =	strace $0x90000046  }
0xb2: {  	s29 =	simm.s32 $0x9;
	_ =	strace $0x80000048  }
0xb3: {  	_ =	swait.ge [sflag:s29], $0x1  }
0xb4: {  	[sflag:s29] =	ssyncadd.s32 $0xFFFFFFFF  }
0xb5: {  	_ =	strace $0x90000048  }
0xb6: {  	_ =	sfence  }
0xb7: {  	s30 =	sld [smem:$0x0];
	_ =	sdelay $0x2  }
0xb8: {  	s31 =	sshll.u32 s1, $0xD;
	s1 =	sshrl.u32 s1, $0x2  }
0xb9: {  	s3 =	sand.u32 $0x4000, s31;
	s1 =	sadd.s32 s1, s30  }
0xba: {  	s0 =	sor.u32 s3, s0;
	s1 =	sshll.u32 s1, $0x11  }
0xbb: {  	s0 =	sor.u32 s1, s0  }
0xbc: {  	s0 =	sadd.s32 $0x8F2B, s0  }
0xbd: {  	[sflag:s0] =	ssyncadd.remote.s32 $0x1  }
0xbe: {  	_ =	sfence.sel $0xFFFF  }
0xbf: {  	[dreg:$0x0] =	wrdreg $0xFFFFFFFF;
	(pc) =	sbr.abs _section_cstart, $3  }
0xc0: {  	[dreg:$0x1] =	wrdreg $0xFFFFFFFF  }
0xc1: {  	_ =	task.clear_ibuf [dreg:s6], $0x2FFFF;
	_ =	strace $0x9FFFFFFF  }
0xc2: {  	(tm) =	ssettm $0x7FFFFFFF  }
0xc3: {  	_ =	shalt  }
tec
execute0_lowered:
.L_overlay_start_1:
0x0: {  	(tag) =	ssettag $0x1  }
0x1: {  	s4 =	rddreg [dreg:$0x0]  }
0x2: {  	s2 =	rddreg [dreg:$0x1]  }
0x3: {  	s1 =	srdreg.scid;
	s0 =	rddreg [dreg:$0x2]  }
0x4: {  	s3 =	simm.s32 $0x0;
	s17 =	simm.s32 $0x3;
	s18 =	simm.s32 $0x3000  }
0x5: {  	s19 =	simm.s32 $0x80;
	s20 =	simm.s32 $0x2800;
	s21 =	simm.s32 $0x1  }
0x6: {  	s22 =	simm.s32 $0x2;
	s23 =	simm.s32 $0x2780;
	s5 =	sand.u32 $0x1, s1  }
0x7: {  	s25 =	simm.s32 $0x0;
	s1 =	stileid.u32;
	s7 =	smul.u32 $0x28000, s5  }
0x8: {  	[smem:$0x7FF] =	sst s3;
	s6 =	sshll.u32 s5, $0x4;
	s8 =	smul.u32 $0x2800, s1  }
0x9: {  	s9 =	smul.u32 $0xA000, s1;
	s5 =	ssub.s32 $0x2, s5;
	s6 =	sor.u32 s1, s6  }
0xa: {  	_ =	strace $0x80000047;
	s31 =	sshrl.u32 s5, $0x1;
	s6 =	smul.u32 $0x500, s6  }
0xb: {  	s7 =	sadd.s32 s8, s7;
	s9 =	sshrl.u32 s9, $0x2;
	s10 =	ssub.s32 s5, s31  }
0xc: {  	s24 =	sadd.s32 s8, s2;
	s7 =	sshrl.u32 s7, $0x3;
	s5 =	sadd.s32 s9, s2  }
0xd: {  	s24 =	sshrl.u32 s24, $0x3;
	s6 =	sadd.s32 s6, s4;
	s7 =	sadd.s32 s7, s4  }
0xe: {  	s8 =	sadd.s32 $0x400, s5;
	s9 =	sadd.s32 $0x800, s5;
	s11 =	sadd.s32 $0x1000, s5  }
0xf: {  	s12 =	sadd.s32 $0x1400, s5;
	s13 =	sadd.s32 $0x1800, s5;
	s14 =	sadd.s32 $0x1C00, s5  }
0x10: {  	s15 =	sadd.s32 $0x2000, s5;
	s16 =	sadd.s32 $0x2400, s5;
	s4 =	sadd.s32 $0x2000, s6  }
0x11: {  	v0 =	vimm.f32 $1.000000000e+00;
	v1 =	vimm.f32 $0.0e+00;
	s6 =	sadd.s32 $0xC000, s7;
	s7 =	smax.u32 s10, $0x1;
	s10 =	sadd.s32 $0xC00, s5  }
.LBB2_1:
0x12: {  	[tilespmem:s3], [sflag:$0x3] =	stream.linear.gather [hbm4b:s4+s3], $0x2800, $0x38;
	[tilespmem:$0x5C00] =	vst v63  }
0x13: {  	_ =	swait.ge [sflag:s17], $0x2800  }
0x14: {  	[sflag:s17] =	ssyncset.done $0x0  }
0x15: {  	s26 =	simm.s32 $0x0;
	[sflag:s17] =	ssyncadd.s32 $0xFFFFD800  }
.LBB2_2:
0x16: {  	p0 =	sne.s32 s26, $0x1FC0  }
.Ltmp0:
0x17: {  	_ = 	snop;
	(pc) =	sbr.rel @p0 .LBB2_2-.Ltmp0, $3  }
0x18: {  	_ =	sdelay $0x1  }
0x19: {  	s28 =	sshra.s32 s26, $0x2  }
0x1a: {  	s26 =	sadd.s32 $0x40, s26;
	[tilespmem:s28+$0x2800] =	vst v0  }
0x1b: {  	s26 =	simm.s32 $0x40;
	s28 =	simm.s32 $0x0  }
.LBB2_4:
0x1c: {  	p0 =	sne.s32 s26, $0xFC0;
	[tilespmem:s28+$0x3000] =	vst v1;
	s28 =	smov.u32 s26;
	s26 =	sadd.s32 $0x40, s26  }
.Ltmp1:
0x1d: {  	(pc) =	sbr.rel @p0 .LBB2_4-.Ltmp1, $2  }
0x1e: {  	_ =	sdelay $0x2  }
0x1f: {  	s28 =	sshra.s32 s28, $0x2  }
0x20: {  	[tilespmem:s28+$0x3000] =	vst v1  }
0x21: {  	[spmem:s5] =	stream.linear.scatter [tilespmem:s18], [sflag:$0x3], $0x400, $0x38;
	[tilespmem:$0x5C00] =	vst v63  }
0x22: {  	_ =	swait.ge [sflag:s17], $0x400  }
0x23: {  	[sflag:s17] =	ssyncset.done $0x0  }
0x24: {  	[sflag:s17] =	ssyncadd.s32 $0xFFFFFC00  }
0x25: {  	[spmem:s8] =	stream.linear.scatter [tilespmem:s18], [sflag:$0x3], $0x400, $0x38;
	[tilespmem:$0x5C00] =	vst v63  }
0x26: {  	_ =	swait.ge [sflag:s17], $0x400  }
0x27: {  	[sflag:s17] =	ssyncset.done $0x0  }
0x28: {  	[sflag:s17] =	ssyncadd.s32 $0xFFFFFC00  }
0x29: {  	[spmem:s9] =	stream.linear.scatter [tilespmem:s18], [sflag:$0x3], $0x400, $0x38;
	[tilespmem:$0x5C00] =	vst v63  }
0x2a: {  	_ =	swait.ge [sflag:s17], $0x400  }
0x2b: {  	[sflag:s17] =	ssyncset.done $0x0  }
0x2c: {  	[sflag:s17] =	ssyncadd.s32 $0xFFFFFC00  }
0x2d: {  	[spmem:s10] =	stream.linear.scatter [tilespmem:s18], [sflag:$0x3], $0x400, $0x38;
	[tilespmem:$0x5C00] =	vst v63  }
0x2e: {  	_ =	swait.ge [sflag:s17], $0x400  }
0x2f: {  	[sflag:s17] =	ssyncset.done $0x0  }
0x30: {  	[sflag:s17] =	ssyncadd.s32 $0xFFFFFC00  }
0x31: {  	[spmem:s11] =	stream.linear.scatter [tilespmem:s18], [sflag:$0x3], $0x400, $0x38;
	[tilespmem:$0x5C00] =	vst v63  }
0x32: {  	_ =	swait.ge [sflag:s17], $0x400  }
0x33: {  	[sflag:s17] =	ssyncset.done $0x0  }
0x34: {  	[sflag:s17] =	ssyncadd.s32 $0xFFFFFC00  }
0x35: {  	[spmem:s12] =	stream.linear.scatter [tilespmem:s18], [sflag:$0x3], $0x400, $0x38;
	[tilespmem:$0x5C00] =	vst v63  }
0x36: {  	_ =	swait.ge [sflag:s17], $0x400  }
0x37: {  	[sflag:s17] =	ssyncset.done $0x0  }
0x38: {  	[sflag:s17] =	ssyncadd.s32 $0xFFFFFC00  }
0x39: {  	[spmem:s13] =	stream.linear.scatter [tilespmem:s18], [sflag:$0x3], $0x400, $0x38;
	[tilespmem:$0x5C00] =	vst v63  }
0x3a: {  	_ =	swait.ge [sflag:s17], $0x400  }
0x3b: {  	[sflag:s17] =	ssyncset.done $0x0  }
0x3c: {  	[sflag:s17] =	ssyncadd.s32 $0xFFFFFC00  }
0x3d: {  	[spmem:s14] =	stream.linear.scatter [tilespmem:s18], [sflag:$0x3], $0x400, $0x38;
	[tilespmem:$0x5C00] =	vst v63  }
0x3e: {  	_ =	swait.ge [sflag:s17], $0x400  }
0x3f: {  	[sflag:s17] =	ssyncset.done $0x0  }
0x40: {  	[sflag:s17] =	ssyncadd.s32 $0xFFFFFC00  }
0x41: {  	[spmem:s15] =	stream.linear.scatter [tilespmem:s18], [sflag:$0x3], $0x400, $0x38;
	[tilespmem:$0x5C00] =	vst v63  }
0x42: {  	_ =	swait.ge [sflag:s17], $0x400  }
0x43: {  	[sflag:s17] =	ssyncset.done $0x0  }
0x44: {  	[sflag:s17] =	ssyncadd.s32 $0xFFFFFC00  }
0x45: {  	[spmem:s16] =	stream.linear.scatter [tilespmem:s18], [sflag:$0x3], $0x400, $0x38;
	[tilespmem:$0x5C00] =	vst v63  }
0x46: {  	_ =	swait.ge [sflag:s17], $0x400  }
0x47: {  	[sflag:s17] =	ssyncset.done $0x0  }
0x48: {  	[sflag:s17] =	ssyncadd.s32 $0xFFFFFC00  }
0x49: {  	[bflag:$0x0] =	sbarrier.arrive $0xFFFF  }
0x4a: {  	[spmem:s2] =	stream.indirect.scatter.add.f32 [tilespmem:s20], [sflag:$0x1], $0x10, s3, s19, $0xb8;
	[tilespmem:$0x5C00] =	vst v63  }
0x4b: {  	s26 =	simm.s32 $0x80  }
0x4c: {  	[spmem:s2] =	stream.indirect.scatter.add.f32 [tilespmem:s20], [sflag:$0x2], $0x10, s26, s19, $0xb8;
	[tilespmem:$0x5C00] =	vst v63  }
0x4d: {  	_ =	swait.ge [sflag:s21], $0x800  }
0x4e: {  	[sflag:s21] =	ssyncset.done $0x0  }
0x4f: {  	s31 =	simm.s32 $0x100;
	[sflag:s21] =	ssyncadd.s32 $0xFFFFF800  }
0x50: {  	[spmem:s2] =	stream.indirect.scatter.add.f32 [tilespmem:s20], [sflag:$0x1], $0x10, s31, s19, $0xb8;
	[tilespmem:$0x5C00] =	vst v63  }
0x51: {  	_ =	swait.ge [sflag:s22], $0x800  }
0x52: {  	s28 =	simm.s32 $0xFFFF6C00;
	s26 =	simm.s32 $0xFFFFDA00;
	[sflag:s22] =	ssyncset.done $0x0  }
.LBB2_6:
0x53: {  	s29 =	sadd.s32 $0x2780, s26  }
0x54: {  	[sflag:s22] =	ssyncadd.s32 $0xFFFFF800;
	s30 =	smov.u32 s28;
	s31 =	sadd.s32 $0x400, s28  }
0x55: {  	[spmem:s2] =	stream.indirect.scatter.add.f32 [tilespmem:s20], [sflag:$0x2], $0x10, s29, s19, $0xb8;
	[tilespmem:$0x5C00] =	vst v63  }
0x56: {  	p0 =	sne.s32 s28, $0xFFFFFC00;
	_ =	swait.ge [sflag:s21], $0x800  }
.Ltmp2:
0x57: {  	[sflag:s21] =	ssyncset.done $0x0;
	(pc) =	sbr.rel @p0 .LBB2_6-.Ltmp2, $4  }
0x58: {  	s26 =	sadd.s32 $0x2800, s26;
	[sflag:s21] =	ssyncadd.s32 $0xFFFFF800  }
0x59: {  	[spmem:s2] =	stream.indirect.scatter.add.f32 [tilespmem:s20], [sflag:$0x1], $0x10, s26, s19, $0xb8;
	[tilespmem:$0x5C00] =	vst v63  }
0x5a: {  	_ =	swait.ge [sflag:s22], $0x800  }
0x5b: {  	s28 =	smov.u32 s31;
	s26 =	sshra.s32 s30, $0x2;
	[sflag:s22] =	ssyncset.done $0x0  }
0x5c: {  	s28 =	sadd.s32 $0x2780, s26;
	[sflag:s22] =	ssyncadd.s32 $0xFFFFF800  }
0x5d: {  	[spmem:s2] =	stream.indirect.scatter.add.f32 [tilespmem:s20], [sflag:$0x2], $0x10, s28, s19, $0xb8;
	[tilespmem:$0x5C00] =	vst v63  }
0x5e: {  	_ =	swait.ge [sflag:s21], $0x800  }
0x5f: {  	[sflag:s21] =	ssyncset.done $0x0  }
0x60: {  	s30 =	sadd.s32 $0x2800, s26;
	[sflag:s21] =	ssyncadd.s32 $0xFFFFF800  }
0x61: {  	[spmem:s2] =	stream.indirect.scatter.add.f32 [tilespmem:s20], [sflag:$0x1], $0x10, s30, s19, $0xb8;
	[tilespmem:$0x5C00] =	vst v63  }
0x62: {  	_ =	swait.ge [sflag:s22], $0x800  }
0x63: {  	[sflag:s22] =	ssyncset.done $0x0  }
0x64: {  	[sflag:s22] =	ssyncadd.s32 $0xFFFFF800  }
0x65: {  	[spmem:s2] =	stream.indirect.scatter.add.f32 [tilespmem:s20], [sflag:$0x2], $0x10, s23, s19, $0xb8;
	[tilespmem:$0x5C00] =	vst v63  }
0x66: {  	_ =	swait.ge [sflag:s21], $0x800  }
0x67: {  	[sflag:s21] =	ssyncset.done $0x0  }
0x68: {  	[sflag:s21] =	ssyncadd.s32 $0xFFFFF800  }
0x69: {  	_ =	swait.ge [sflag:s22], $0x800  }
0x6a: {  	s25 =	sadd.s32 $0x1, s25;
	[sflag:s22] =	ssyncset.done $0x0  }
0x6b: {  	s31 =	sshll.u32 s1, $0x6;
	p0 =	sne.s32 s25, s7;
	[sflag:s22] =	ssyncadd.s32 $0xFFFFF800  }
.Ltmp3:
0x6c: {  	s26 =	sor.u32 $0x1C03, s31;
	[bflag:$0x0] =	sbarrier.arrive $0xFFFF;
	(pc) =	sbr.rel @p0 .LBB2_1-.Ltmp3, $4  }
0x6d: {  	[hbm:s6], [sflag:s26] =	dma.local [spmem:s24], $0x500  }
0x6e: {  	_ =	swait.ge [sflag:s17], $0x500  }
0x6f: {  	[sflag:s17] =	ssyncset.done $0x0  }
0x70: {  	[sflag:s17] =	ssyncadd.s32 $0xFFFFFB00  }
0x71: {  	_ =	sfence.sel $0x180000  }
0x72: {  	[bflag:$0x0] =	sbarrier.arrive $0xFFFF  }
0x73: {  	p0 =	sne.s32 s1, $0x0;
	_ =	strace $0x90000047  }
0x74: {  	s0 =	sadd.s32 @!p0 $0x100000, s0;
	[bflag:$0x2] =	sbarrier.arrive $0xFFFF  }
0x75: {  	[sflag:s0] =	ssyncadd.tile.s32 @!p0 $0x1;
	_ =	shalt  }
.Lfunc_end2:
_tile_overlayer_lowered:
.L_overlay_start_2:
0x76: {  	(tag) =	ssettag $0x2  }
0x77: {  	s0 =	rddreg [dreg:$0x0];
	s2 =	stileid.u32  }
0x78: {  	s1 =	rddreg [dreg:$0x1];
	p0 =	sne.s32 s2, $0x0  }
0x79: {  	s3 =	rddreg [dreg:$0x2];
	[bflag:$0x3] =	sbarrier.arrive $0xFFFF;
	s2 =	simm.s32 @!p0 $0x1C03  }
0x7a: {  	[timem:s3], [sflag:s2] =	dma.local @!p0 [hbm:s0], s1  }
0x7b: {  	s0 =	simm.s32 @!p0 $0x3  }
0x7c: {  	_ =	swait.ge @!p0 [sflag:s0], s1  }
0x7d: {  	s1 =	ssub.s32 @!p0 $0x0, s1;
	[sflag:s0] =	ssyncset.done @!p0 $0x0  }
0x7e: {  	[sflag:s0] =	ssyncadd.s32 @!p0 s1  }
0x7f: {  	[bflag:$0x3] =	sbarrier.arrive $0xFFFF  }
0x80: {  	_ =	shalt  }

// kernel: kernel.13.cloned.1.call-start
scs
__scs_entry_jumppad:
0x0: {  	(pc) =	sbr.rel $0x88, $3  }
0x1: {  	(tag) =	ssettag $0x0;
	lr =	simm.s32 $0x1  }
0x2: {  	[smem:$0x3F97] =	sst lr;
	_ =	strace $0xD0000000  }
0x3: {  	_ = 	snop  }
0x4: {  	_ = 	snop  }
0x5: {  	_ = 	snop  }
0x6: {  	_ = 	snop  }
0x7: {  	_ = 	snop  }
__scs_overlays_trampoline_lowered:
0x8: {  	[smem:$0x3FA6] =	sst s0  }
0x9: {  	[smem:$0x3FA7] =	sst s1  }
0xa: {  	[smem:$0x3FA8] =	sst s2  }
0xb: {  	[smem:$0x3FA9] =	sst s3  }
0xc: {  	[smem:$0x3FAA] =	sst s4  }
0xd: {  	[smem:$0x3FAB] =	sst s5  }
0xe: {  	[smem:$0x3FAC] =	sst s6  }
0xf: {  	[smem:$0x3FAD] =	sst s7  }
0x10: {  	[smem:$0x3FAE] =	sst s8  }
0x11: {  	[smem:$0x3FAF] =	sst s9;
	s0 =	simm.s32 @!p0 $0x0  }
0x12: {  	s1 =	sld [smem:$0x3F95];
	s0 =	simm.s32 @p0 $0x1  }
0x13: {  	[smem:$0x3FB0] =	sst s0;
	s0 =	simm.s32 @!p1 $0x0  }
0x14: {  	s2 =	sld [smem:$0x3F94];
	s0 =	simm.s32 @p1 $0x1  }
0x15: {  	[smem:$0x3FB1] =	sst s0;
	s0 =	simm.s32 @!p2 $0x0  }
0x16: {  	s3 =	sld [smem:$0x3FDB];
	s0 =	simm.s32 @p2 $0x1  }
0x17: {  	s4 =	simm.s32 $0x1BF5;
	[smem:$0x3FB3] =	sst s0  }
0x18: {  	s0 =	sld [smem:$0x3F96];
	_ =	swait.ge [sflag:s4], $0x0  }
0x19: {  	s7 =	sld [smem:$0x3F97]  }
0x1a: {  	s8 =	sadd.s32 $0xFFFFE003, lr  }
0x1b: {  	s9 =	sadd.s32 $0xFFFFFEF7, lr;
	s5 =	simm.s32 $0xFFFFFFFF;
	p2 =	slt.u32 s8, $0xFFFFF086  }
0x1c: {  	p1 =	slt.u32 s9, $0xF7A;
	s5 =	simm.s32 @!p2 $0x0  }
0x1d: {  	s5 =	simm.s32 @p1 $0x1;
	p0 =	seq.s32 s7, s2  }
0x1e: {  	s7 =	smul.u32 @!p0 $0xF7A, s2;
	p2 =	seq.s32 @!p0 s5, $0x0  }
0x1f: {  	s9 =	smul.u32 $0xF7A, s1;
	s8 =	simm.s32 @!p0 $0x1BF5;
	p2 =	por !p2, p0  }
0x20: {  	[sflag:s8] =	ssyncset.s32 @!p0 $0xFFFFF086;
	s6 =	sadd.s32 @!p0 s3, s7;
	s7 =	simm.s32 @!p0 $0x108  }
0x21: {  	s3 =	sadd.s32 s3, s9;
	s6 =	sadd.s32 @!p0 $0x88, s6;
	s7 =	simm.s32 @p2 $0x1082  }
0x22: {  	[simem:s7], [sflag:s8] =	dma.local @!p0 [hbm:s6], $0xF7A  }
0x23: {  	s9 =	sor.u32 $0xD0000000, s2;
	s6 =	simm.s32 $0x108;
	_ =	swait.ge @!p0 [sflag:s8], $0x0  }
0x24: {  	s3 =	sadd.s32 $0x88, s3;
	s6 =	simm.s32 @!p1 $0x1082;
	[sflag:s4] =	ssyncset.s32 $0xFFFFF086  }
0x25: {  	[simem:s6], [sflag:s4] =	dma.local [hbm:s3], $0xF7A  }
0x26: {  	[smem:$0x3F97] =	sst s1;
	(tag) =	ssettag s2;
	_ =	strace s9  }
0x27: {  	s1 =	sld [smem:$0x3FA7]  }
0x28: {  	s2 =	sld [smem:$0x3FA8]  }
0x29: {  	s4 =	sld [smem:$0x3FAA]  }
0x2a: {  	p0 =	seq.s32 s5, $0x0;
	s5 =	sld [smem:$0x3FAB]  }
0x2b: {  	s6 =	sld [smem:$0x3FAC]  }
0x2c: {  	s7 =	sld [smem:$0x3FAD]  }
0x2d: {  	s3 =	simm.s32 $0x108;
	s8 =	sld [smem:$0x3FAE]  }
0x2e: {  	s3 =	simm.s32 @!p0 $0x1082;
	s9 =	sld [smem:$0x3FAF]  }
0x2f: {  	lr =	sadd.s32 s0, s3;
	s0 =	sld [smem:$0x3FA6]  }
0x30: {  	s3 =	sld [smem:$0x3FA9]  }
0x31: {  	[smem:$0x3FB2] =	sst s10  }
0x32: {  	s10 =	sld [smem:$0x3FB0];
	_ =	sdelay $0x3  }
0x33: {  	p0 =	seq.s32 s10, $0x1;
	s10 =	sld [smem:$0x3FB2];
	_ =	sdelay $0x3  }
0x34: {  	[smem:$0x3FB2] =	sst s10  }
0x35: {  	s10 =	sld [smem:$0x3FB1];
	_ =	sdelay $0x3  }
0x36: {  	p1 =	seq.s32 s10, $0x1;
	s10 =	sld [smem:$0x3FB2];
	_ =	sdelay $0x3  }
0x37: {  	[smem:$0x3FB2] =	sst s10  }
0x38: {  	s10 =	sld [smem:$0x3FB3]  }
0x39: {  	_ = 	snop;
	(pc) =	sbr.ind lr, $3  }
0x3a: {  	_ = 	snop  }
0x3b: {  	_ = 	snop  }
0x3c: {  	p2 =	seq.s32 s10, $0x1;
	s10 =	sld [smem:$0x3FB2]  }
0x3d: {  	_ =	shalt  }
0x3e: {  	_ =	shalt  }
0x3f: {  	_ =	shalt  }
0x40: {  	_ =	shalt  }
0x41: {  	_ =	shalt  }
0x42: {  	_ =	shalt  }
0x43: {  	_ =	shalt  }
0x44: {  	_ =	shalt  }
0x45: {  	_ =	shalt  }
0x46: {  	_ =	shalt  }
0x47: {  	_ =	shalt  }
0x48: {  	_ =	shalt  }
0x49: {  	_ =	shalt  }
0x4a: {  	_ =	shalt  }
0x4b: {  	_ =	shalt  }
0x4c: {  	_ =	shalt  }
0x4d: {  	_ =	shalt  }
0x4e: {  	_ =	shalt  }
0x4f: {  	_ =	shalt  }
0x50: {  	_ =	shalt  }
0x51: {  	_ =	shalt  }
0x52: {  	_ =	shalt  }
0x53: {  	_ =	shalt  }
0x54: {  	_ =	shalt  }
0x55: {  	_ =	shalt  }
0x56: {  	_ =	shalt  }
0x57: {  	_ =	shalt  }
0x58: {  	_ =	shalt  }
0x59: {  	_ =	shalt  }
0x5a: {  	_ =	shalt  }
0x5b: {  	_ =	shalt  }
0x5c: {  	_ =	shalt  }
0x5d: {  	_ =	shalt  }
0x5e: {  	_ =	shalt  }
0x5f: {  	_ =	shalt  }
0x60: {  	_ =	shalt  }
0x61: {  	_ =	shalt  }
0x62: {  	_ =	shalt  }
0x63: {  	_ =	shalt  }
0x64: {  	_ =	shalt  }
0x65: {  	_ =	shalt  }
0x66: {  	_ =	shalt  }
0x67: {  	_ =	shalt  }
0x68: {  	_ =	shalt  }
0x69: {  	_ =	shalt  }
0x6a: {  	_ =	shalt  }
0x6b: {  	_ =	shalt  }
0x6c: {  	_ =	shalt  }
0x6d: {  	_ =	shalt  }
0x6e: {  	_ =	shalt  }
0x6f: {  	_ =	shalt  }
0x70: {  	_ =	shalt  }
0x71: {  	_ =	shalt  }
0x72: {  	_ =	shalt  }
0x73: {  	_ =	shalt  }
0x74: {  	_ =	shalt  }
0x75: {  	_ =	shalt  }
0x76: {  	_ =	shalt  }
0x77: {  	_ =	shalt  }
0x78: {  	_ =	shalt  }
0x79: {  	_ =	shalt  }
0x7a: {  	_ =	shalt  }
0x7b: {  	_ =	shalt  }
0x7c: {  	_ =	shalt  }
0x7d: {  	_ =	shalt  }
0x7e: {  	_ =	shalt  }
0x7f: {  	_ =	shalt  }
0x80: {  	_ =	shalt  }
0x81: {  	_ =	shalt  }
0x82: {  	_ =	shalt  }
0x83: {  	_ =	shalt  }
0x84: {  	_ =	shalt  }
0x85: {  	_ =	shalt  }
0x86: {  	_ =	shalt  }
0x87: {  	_ =	shalt  }
.Lfunc_end0:
.L_simem_size_0:
called_computation.1_lowered:
.L_overlay_start_0:
0x88: {  	s2 =	sld [smem:$0x3FD9]  }
0x89: {  	s3 =	sld [smem:$0x3FFE];
	_ =	sdelay $0x1  }
0x8a: {  	s1 =	srdreg.scid  }
0x8b: {  	s0 =	sand.u32 $0x1, s1  }
0x8c: {  	s16 =	sshll.u32 s0, $0xA;
	s2 =	sadd.s32 s3, s2  }
0x8d: {  	s2 =	sadd.s32 s2, s16  }
0x8e: {  	[smem:$0x3FBE] =	sst s2  }
0x8f: {  	_ = 	snop  }
0x90: {  	(tm) =	ssettm $0x1  }
0x91: {  	s17 =	sld [smem:$0x3FFB];
	_ =	sdelay $0x3  }
0x92: {  	_ =	strace s17  }
0x93: {  	s2 =	sld [smem:$0x3FFC];
	_ =	sdelay $0x3  }
0x94: {  	_ =	strace s2  }
0x95: {  	s2 =	sld [smem:$0x3FFD];
	_ =	sdelay $0x3  }
0x96: {  	_ =	strace s2  }
0x97: {  	_ =	strace $0x8FFFFFFF  }
0x98: {  	s18 =	sld [smem:$0x3FDB];
	_ =	sdelay $0x1  }
0x99: {  	s19 =	simm.s32 $_scs_section_size  }
0x9a: {  	s4 =	simm.s32 $_size__tile_overlayer_lowered;
	s5 =	simm.s32 $_tile_overlayer_lowered  }
0x9b: {  	s22 =	simm.s32 $0x1BFF;
	s21 =	sshll.u32 s5, $0x1;
	s2 =	sadd.s32 s19, s18  }
0x9c: {  	s6 =	simm.s32 $0x0;
	s20 =	sshll.u32 s4, $0x1;
	s4 =	sadd.s32 s21, s2  }
0x9d: {  	[timem:s6], [sflag:s22] =	dma.local [hbm:s4], s20  }
0x9e: {  	_ =	swait.ge [sflag:s22], s20  }
0x9f: {  	s3 =	ssub.s32 $0x0, s20;
	[sflag:s22] =	ssyncset.done $0x0  }
0xa0: {  	[sflag:s22] =	ssyncadd.s32 s3;
	_ =	sdelay $0x1  }
0xa1: {  	s23 =	simm.s32 $0x1B8B  }
0xa2: {  	_ =	swait.ge [sflag:s23], $0x1  }
0xa3: {  	[sflag:s23] =	ssyncset.done $0x0  }
0xa4: {  	s25 =	simm.s32 $0x1B8E;
	s24 =	sld [smem:$0x3FFE];
	[sflag:s23] =	ssyncadd.s32 $0xFFFFFFFF  }
0xa5: {  	s26 =	simm.s32 $execute0_lowered;
	[smem:$0x3FD2] =	sst s25  }
0xa6: {  	s4 =	sshll.u32 s26, $0x1;
	_ =	strace $0x80000049;
	[dreg:$0x1] =	wrdreg $0xFFFFFFFF  }
0xa7: {  	s28 =	simm.s32 $_size_execute0_lowered;
	s2 =	sadd.s32 s2, s4;
	[dreg:$0x0] =	wrdreg $0x0  }
0xa8: {  	s4 =	sshll.u32 s28, $0x1;
	[dreg:$0x2] =	wrdreg s2  }
0xa9: {  	[dreg:$0x3] =	wrdreg s4  }
0xaa: {  	[dreg:$0x4] =	wrdreg $0xC0  }
0xab: {  	_ =	task [dreg:s6], $0x5FFFF  }
0xac: {  	[dreg:$0x1] =	wrdreg $0xFFFFFFFF  }
0xad: {  	[dreg:$0x0] =	wrdreg $0x60  }
0xae: {  	[dreg:$0x2] =	wrdreg s24  }
0xaf: {  	[dreg:$0x3] =	wrdreg $0x160000  }
0xb0: {  	[dreg:$0x4] =	wrdreg $0x9  }
0xb1: {  	_ =	task.clear_ibuf [dreg:s6], $0x5FFFF;
	_ =	strace $0x90000049  }
0xb2: {  	s29 =	simm.s32 $0x9;
	_ =	strace $0x8000004B  }
0xb3: {  	_ =	swait.ge [sflag:s29], $0x1  }
0xb4: {  	[sflag:s29] =	ssyncadd.s32 $0xFFFFFFFF  }
0xb5: {  	_ =	strace $0x9000004B  }
0xb6: {  	_ =	sfence  }
0xb7: {  	s30 =	sld [smem:$0x0];
	_ =	sdelay $0x2  }
0xb8: {  	s31 =	sshll.u32 s1, $0xD;
	s1 =	sshrl.u32 s1, $0x2  }
0xb9: {  	s3 =	sand.u32 $0x4000, s31;
	s1 =	sadd.s32 s1, s30  }
0xba: {  	s0 =	sor.u32 s3, s0;
	s1 =	sshll.u32 s1, $0x11  }
0xbb: {  	s0 =	sor.u32 s1, s0  }
0xbc: {  	s0 =	sadd.s32 $0x8F2B, s0  }
0xbd: {  	[sflag:s0] =	ssyncadd.remote.s32 $0x1  }
0xbe: {  	_ =	sfence.sel $0xFFFF  }
0xbf: {  	[dreg:$0x0] =	wrdreg $0xFFFFFFFF;
	(pc) =	sbr.abs _section_cstart, $3  }
0xc0: {  	[dreg:$0x1] =	wrdreg $0xFFFFFFFF  }
0xc1: {  	_ =	task.clear_ibuf [dreg:s6], $0x2FFFF;
	_ =	strace $0x9FFFFFFF  }
0xc2: {  	(tm) =	ssettm $0x7FFFFFFF  }
0xc3: {  	_ =	shalt  }
tec
execute0_lowered:
.L_overlay_start_1:
0x0: {  	(tag) =	ssettag $0x1  }
0x1: {  	s0 =	rddreg [dreg:$0x0]  }
0x2: {  	s1 =	rddreg [dreg:$0x1];
	s2 =	srdreg.scid;
	s4 =	simm.s32 $0x0  }
0x3: {  	s8 =	stileid.u32;
	s30 =	simm.s32 $0x11000;
	s2 =	sand.u32 $0x1, s2  }
0x4: {  	[smem:$0x7FF] =	sst s4;
	s6 =	smul.u32 $0xA000, s8;
	s4 =	sadd.s32 $0x20000, s0  }
0x5: {  	s3 =	smul.u32 $0xA0000, s2;
	s5 =	sshll.u32 s2, $0x4;
	_ =	strace $0x8000004A  }
0x6: {  	s2 =	ssub.s32 $0x2, s2;
	s5 =	sor.u32 s8, s5;
	s8 =	smul.u32 $0x28000, s8  }
0x7: {  	s7 =	sshrl.u32 s2, $0x1;
	s5 =	smul.u32 $0x500, s5;
	s3 =	sadd.s32 s6, s3  }
0x8: {  	[dreg:$0x3] =	wrdreg s30;
	s2 =	ssub.s32 s2, s7;
	s3 =	sshrl.u32 s3, $0x3  }
0x9: {  	s17 =	sshrl.u32 s8, $0x2;
	s2 =	smax.u32 s2, $0x1;
	s5 =	sadd.s32 s5, s0  }
0xa: {  	s0 =	sadd.s32 s3, s0;
	s3 =	sadd.s32 s17, s1;
	[dreg:$0x8] =	wrdreg s2  }
0xb: {  	s15 =	sadd.s32 $0x16000, s5;
	[dreg:$0x6] =	wrdreg s3  }
0xc: {  	s16 =	sadd.s32 $0x2000, s5;
	[dreg:$0x4] =	wrdreg s15  }
0xd: {  	s0 =	sadd.s32 $0x34000, s0;
	[dreg:$0x5] =	wrdreg s16  }
0xe: {  	s19 =	sadd.s32 $0x1000, s3;
	[dreg:$0x7] =	wrdreg s0  }
0xf: {  	s10 =	simm.s32 $0x11;
	s20 =	sadd.s32 $0x2000, s3;
	[dreg:$0x9] =	wrdreg s19  }
0x10: {  	s28 =	simm.s32 $0x1;
	s21 =	sadd.s32 $0x3000, s3;
	[dreg:$0xa] =	wrdreg s20  }
0x11: {  	s31 =	simm.s32 $0x2;
	s22 =	sadd.s32 $0x4000, s3;
	[dreg:$0xb] =	wrdreg s21  }
0x12: {  	s18 =	sadd.s32 s6, s1;
	s23 =	sadd.s32 $0x5000, s3;
	[dreg:$0xc] =	wrdreg s22  }
0x13: {  	s6 =	simm.s32 $0x8;
	s24 =	sadd.s32 $0x6000, s3;
	[dreg:$0xd] =	wrdreg s23  }
0x14: {  	s8 =	simm.s32 $0x0;
	s25 =	sadd.s32 $0x7000, s3;
	[dreg:$0xe] =	wrdreg s24  }
0x15: {  	s17 =	simm.s32 $0x13000;
	s26 =	sadd.s32 $0x8000, s3;
	[dreg:$0xf] =	wrdreg s25  }
0x16: {  	s2 =	simm.s32 $0xB;
	s29 =	sadd.s32 $0x9000, s3;
	[dreg:$0x10] =	wrdreg s26  }
0x17: {  	s3 =	simm.s32 $0x6;
	s5 =	simm.s32 $0xD;
	[dreg:$0x11] =	wrdreg s29  }
0x18: {  	s22 =	simm.s32 $0x80;
	s15 =	simm.s32 $0x5000;
	s16 =	simm.s32 $0x7000  }
0x19: {  	s0 =	sshrl.u32 s18, $0x3;
	s25 =	simm.s32 $0xB000;
	s21 =	simm.s32 $0xF000  }
0x1a: {  	v0 =	vimm.f32 $0.0e+00;
	s20 =	simm.s32 $0x4;
	[dreg:$0x12] =	wrdreg s0;
	s0 =	simm.s32 $0x9  }
.LBB2_1:
0x1b: {  	[dreg:$0x13] =	wrdreg s8  }
0x1c: {  	s7 =	simm.s32 $0x0;
	s29 =	rddreg [dreg:$0x4]  }
0x1d: {  	[tilespmem:s7], [sflag:$0x11] =	stream.linear.gather [hbm4b:s29+s7], $0x2800, $0x38;
	v63 =	vld [tilespmem:$0x0]  }
0x1e: {  	_ =	swait.ge [sflag:s10], $0x2800  }
0x1f: {  	[sflag:s10] =	ssyncset.done $0x0  }
0x20: {  	s9 =	simm.s32 $0x2800;
	s30 =	rddreg [dreg:$0x5];
	[sflag:s10] =	ssyncadd.s32 $0xFFFFD800  }
0x21: {  	[tilespmem:s9], [sflag:$0x11] =	stream.linear.gather [hbm4b:s30+s7], $0x2800, $0x38;
	v63 =	vld [tilespmem:$0x0]  }
0x22: {  	_ =	swait.ge [sflag:s10], $0x2800  }
0x23: {  	[sflag:s10] =	ssyncset.done $0x0  }
0x24: {  	s8 =	simm.s32 $0x100;
	s7 =	simm.s32 $0x0;
	[sflag:s10] =	ssyncadd.s32 $0xFFFFD800  }
.LBB2_2:
0x25: {  	p0 =	sne.s32 s8, $0x3F00;
	[tilespmem:s7+$0x15030] =	vst v0;
	s9 =	smov.u32 s8;
	s8 =	sadd.s32 $0x100, s8  }
.Ltmp0:
0x26: {  	[tilespmem:s7+$0x15020] =	vst v0;
	(pc) =	sbr.rel @p0 .LBB2_2-.Ltmp0, $3  }
0x27: {  	[tilespmem:s7+$0x15000] =	vst v0  }
0x28: {  	[tilespmem:s7+$0x15010] =	vst v0;
	_ =	sdelay $0x1  }
0x29: {  	s7 =	sshra.s32 s9, $0x2  }
0x2a: {  	[tilespmem:s7+$0x15030] =	vst v0  }
0x2b: {  	[tilespmem:s7+$0x15020] =	vst v0  }
0x2c: {  	[tilespmem:s7+$0x15000] =	vst v0  }
0x2d: {  	[tilespmem:s7+$0x15010] =	vst v0;
	s12 =	rddreg [dreg:$0x6];
	s8 =	simm.s32 $0x15000  }
0x2e: {  	[spmem:s12] =	stream.linear.scatter [tilespmem:s8], [sflag:$0x11], $0x1000, $0x38;
	v63 =	vld [tilespmem:$0x0]  }
0x2f: {  	_ =	swait.ge [sflag:s10], $0x1000  }
0x30: {  	[sflag:s10] =	ssyncset.done $0x0  }
0x31: {  	s13 =	rddreg [dreg:$0x9];
	[sflag:s10] =	ssyncadd.s32 $0xFFFFF000  }
0x32: {  	[spmem:s13] =	stream.linear.scatter [tilespmem:s8], [sflag:$0x11], $0x1000, $0x38;
	v63 =	vld [tilespmem:$0x0]  }
0x33: {  	_ =	swait.ge [sflag:s10], $0x1000  }
0x34: {  	[sflag:s10] =	ssyncset.done $0x0  }
0x35: {  	s14 =	rddreg [dreg:$0xa];
	[sflag:s10] =	ssyncadd.s32 $0xFFFFF000  }
0x36: {  	[spmem:s14] =	stream.linear.scatter [tilespmem:s8], [sflag:$0x11], $0x1000, $0x38;
	v63 =	vld [tilespmem:$0x0]  }
0x37: {  	_ =	swait.ge [sflag:s10], $0x1000  }
0x38: {  	[sflag:s10] =	ssyncset.done $0x0  }
0x39: {  	s18 =	rddreg [dreg:$0xb];
	[sflag:s10] =	ssyncadd.s32 $0xFFFFF000  }
0x3a: {  	[spmem:s18] =	stream.linear.scatter [tilespmem:s8], [sflag:$0x11], $0x1000, $0x38;
	v63 =	vld [tilespmem:$0x0]  }
0x3b: {  	_ =	swait.ge [sflag:s10], $0x1000  }
0x3c: {  	[sflag:s10] =	ssyncset.done $0x0  }
0x3d: {  	s19 =	rddreg [dreg:$0xc];
	[sflag:s10] =	ssyncadd.s32 $0xFFFFF000  }
0x3e: {  	[spmem:s19] =	stream.linear.scatter [tilespmem:s8], [sflag:$0x11], $0x1000, $0x38;
	v63 =	vld [tilespmem:$0x0]  }
0x3f: {  	_ =	swait.ge [sflag:s10], $0x1000  }
0x40: {  	[sflag:s10] =	ssyncset.done $0x0  }
0x41: {  	s23 =	rddreg [dreg:$0xd];
	[sflag:s10] =	ssyncadd.s32 $0xFFFFF000  }
0x42: {  	[spmem:s23] =	stream.linear.scatter [tilespmem:s8], [sflag:$0x11], $0x1000, $0x38;
	v63 =	vld [tilespmem:$0x0]  }
0x43: {  	_ =	swait.ge [sflag:s10], $0x1000  }
0x44: {  	[sflag:s10] =	ssyncset.done $0x0  }
0x45: {  	s24 =	rddreg [dreg:$0xe];
	[sflag:s10] =	ssyncadd.s32 $0xFFFFF000  }
0x46: {  	[spmem:s24] =	stream.linear.scatter [tilespmem:s8], [sflag:$0x11], $0x1000, $0x38;
	v63 =	vld [tilespmem:$0x0]  }
0x47: {  	_ =	swait.ge [sflag:s10], $0x1000  }
0x48: {  	[sflag:s10] =	ssyncset.done $0x0  }
0x49: {  	s26 =	rddreg [dreg:$0xf];
	[sflag:s10] =	ssyncadd.s32 $0xFFFFF000  }
0x4a: {  	[spmem:s26] =	stream.linear.scatter [tilespmem:s8], [sflag:$0x11], $0x1000, $0x38;
	v63 =	vld [tilespmem:$0x0]  }
0x4b: {  	_ =	swait.ge [sflag:s10], $0x1000  }
0x4c: {  	[sflag:s10] =	ssyncset.done $0x0  }
0x4d: {  	s29 =	rddreg [dreg:$0x10];
	[sflag:s10] =	ssyncadd.s32 $0xFFFFF000  }
0x4e: {  	[spmem:s29] =	stream.linear.scatter [tilespmem:s8], [sflag:$0x11], $0x1000, $0x38;
	v63 =	vld [tilespmem:$0x0]  }
0x4f: {  	_ =	swait.ge [sflag:s10], $0x1000  }
0x50: {  	[sflag:s10] =	ssyncset.done $0x0  }
0x51: {  	s30 =	rddreg [dreg:$0x11];
	[sflag:s10] =	ssyncadd.s32 $0xFFFFF000  }
0x52: {  	[spmem:s30] =	stream.linear.scatter [tilespmem:s8], [sflag:$0x11], $0x1000, $0x38;
	v63 =	vld [tilespmem:$0x0]  }
0x53: {  	_ =	swait.ge [sflag:s10], $0x1000  }
0x54: {  	[sflag:s10] =	ssyncset.done $0x0  }
0x55: {  	[sflag:s10] =	ssyncadd.s32 $0xFFFFF000  }
0x56: {  	s8 =	simm.s32 $0x0;
	[bflag:$0x0] =	sbarrier.arrive $0xFFFF  }
0x57: {  	[tilespmem:s15], [sflag:$0x1] =	stream.indirect.gather [hbm4b:s4+s22], $0x40, s8, s22, $0xb8;
	v63 =	vld [tilespmem:$0x0]  }
0x58: {  	_ = 	snop  }
0x59: {  	[tilespmem:s16], [sflag:$0x2] =	stream.indirect.gather [hbm4b:s4+s22], $0x40, s22, s22, $0xb8;
	v63 =	vld [tilespmem:$0x0]  }
0x5a: {  	s9 =	simm.s32 $0x100;
	s10 =	simm.s32 $0x9000  }
0x5b: {  	[tilespmem:s10], [sflag:$0x3] =	stream.indirect.gather [hbm4b:s4+s22], $0x40, s9, s22, $0xb8;
	v63 =	vld [tilespmem:$0x0]  }
0x5c: {  	s11 =	simm.s32 $0x180  }
0x5d: {  	[tilespmem:s25], [sflag:$0x4] =	stream.indirect.gather [hbm4b:s4+s22], $0x40, s11, s22, $0xb8;
	v63 =	vld [tilespmem:$0x0]  }
0x5e: {  	p0 =	por $0x1, $0x1;
	s12 =	simm.s32 $0x200;
	s13 =	simm.s32 $0xD000  }
0x5f: {  	[tilespmem:s13], [sflag:$0x5] =	stream.indirect.gather [hbm4b:s4+s22], $0x40, s12, s22, $0xb8;
	v63 =	vld [tilespmem:$0x0]  }
0x60: {  	s7 =	simm.s32 @!p0 $0xF;
	s14 =	simm.s32 $0x280  }
0x61: {  	[tilespmem:s21], [sflag:$0x6] =	stream.indirect.gather [hbm4b:s4+s22], $0x40, s14, s22, $0xb8;
	v63 =	vld [tilespmem:$0x0]  }
0x62: {  	_ =	swait.ge @!p0 [sflag:s7], $0x2000  }
0x63: {  	[sflag:s7] =	ssyncset.done @!p0 $0x0  }
0x64: {  	s19 =	simm.s32 $0x300;
	s18 =	rddreg [dreg:$0x3];
	[sflag:s7] =	ssyncadd.s32 @!p0 $0xFFFFE000  }
0x65: {  	[tilespmem:s18], [sflag:$0x7] =	stream.indirect.gather [hbm4b:s4+s22], $0x40, s19, s22, $0xb8;
	v63 =	vld [tilespmem:$0x0]  }
0x66: {  	_ =	swait.ge [sflag:s28], $0x2000  }
0x67: {  	[sflag:s28] =	ssyncset.done $0x0  }
0x68: {  	s23 =	simm.s32 $0x2800;
	s8 =	simm.s32 @!p0 $0x10;
	[sflag:s28] =	ssyncadd.s32 $0xFFFFE000  }
0x69: {  	[spmem:s1] =	stream.indirect.scatter.add.f32 [tilespmem:s15], [sflag:$0x9], $0x40, s23, s22, $0xb8;
	v63 =	vld [tilespmem:$0x0]  }
0x6a: {  	_ =	swait.ge @!p0 [sflag:s8], $0x2000  }
0x6b: {  	[sflag:s8] =	ssyncset.done @!p0 $0x0  }
0x6c: {  	s24 =	simm.s32 $0x380;
	[sflag:s8] =	ssyncadd.s32 @!p0 $0xFFFFE000  }
0x6d: {  	[tilespmem:s17], [sflag:$0x8] =	stream.indirect.gather [hbm4b:s4+s22], $0x40, s24, s22, $0xb8;
	v63 =	vld [tilespmem:$0x0]  }
0x6e: {  	_ =	swait.ge [sflag:s31], $0x2000  }
0x6f: {  	[sflag:s31] =	ssyncset.done $0x0  }
0x70: {  	s26 =	simm.s32 $0x2880;
	[sflag:s31] =	ssyncadd.s32 $0xFFFFE000  }
0x71: {  	[spmem:s1] =	stream.indirect.scatter.add.f32 [tilespmem:s16], [sflag:$0xA], $0x40, s26, s22, $0xb8;
	v63 =	vld [tilespmem:$0x0]  }
0x72: {  	_ =	swait.ge [sflag:s0], $0x2000  }
0x73: {  	p0 =	por $0x0, $0x0;
	[sflag:s0] =	ssyncset.done $0x0  }
0x74: {  	s7 =	simm.s32 @p0 $0x3;
	[sflag:s0] =	ssyncadd.s32 $0xFFFFE000  }
0x75: {  	_ =	swait.ge @p0 [sflag:s7], $0x2000  }
0x76: {  	s9 =	simm.s32 @p0 $0x9000;
	s8 =	simm.s32 @p0 $0x80;
	[sflag:s7] =	ssyncset.done @p0 $0x0  }
0x77: {  	s11 =	simm.s32 @p0 $0xA;
	[sflag:s7] =	ssyncadd.s32 @p0 $0xFFFFE000;
	s7 =	simm.s32 @p0 $0x2900  }
0x78: {  	[spmem:s1] =	stream.indirect.scatter.add.f32 @p0 [tilespmem:s9], [sflag:$0xB], $0x40, s7, s8, $0xb8;
	v63 =	vld [tilespmem:$0x0]  }
0x79: {  	_ =	swait.ge @p0 [sflag:s11], $0x2000  }
0x7a: {  	s12 =	simm.s32 @!p0 $0x5000;
	s9 =	simm.s32 @!p0 $0x400;
	[sflag:s11] =	ssyncset.done @p0 $0x0  }
0x7b: {  	s7 =	simm.s32 @!p0 $0x80;
	[sflag:s11] =	ssyncadd.s32 @p0 $0xFFFFE000;
	s11 =	simm.s32 @!p0 $0x3  }
0x7c: {  	[tilespmem:s12], [sflag:$0x1] =	stream.indirect.gather @!p0 [hbm4b:s4+s7], $0x40, s9, s7, $0xb8;
	v63 =	vld [tilespmem:$0x0]  }
0x7d: {  	_ =	swait.ge @!p0 [sflag:s11], $0x2000  }
0x7e: {  	s9 =	simm.s32 @!p0 $0x2900;
	[sflag:s11] =	ssyncset.done @!p0 $0x0  }
0x7f: {  	s12 =	simm.s32 @!p0 $0x9000;
	[sflag:s11] =	ssyncadd.s32 @!p0 $0xFFFFE000;
	s11 =	simm.s32 @!p0 $0xA  }
0x80: {  	[spmem:s1] =	stream.indirect.scatter.add.f32 @!p0 [tilespmem:s12], [sflag:$0xB], $0x40, s9, s7, $0xb8;
	v63 =	vld [tilespmem:$0x0]  }
0x81: {  	_ =	swait.ge @!p0 [sflag:s11], $0x2000  }
0x82: {  	[sflag:s11] =	ssyncset.done @!p0 $0x0  }
0x83: {  	s9 =	simm.s32 @!p0 $0x480;
	[sflag:s11] =	ssyncadd.s32 @!p0 $0xFFFFE000;
	s11 =	simm.s32 @!p0 $0x7000  }
0x84: {  	[tilespmem:s11], [sflag:$0x2] =	stream.indirect.gather @!p0 [hbm4b:s4+s7], $0x40, s9, s7, $0xb8;
	v63 =	vld [tilespmem:$0x0]  }
0x85: {  	_ =	swait.ge [sflag:s20], $0x2000  }
0x86: {  	[sflag:s20] =	ssyncset.done $0x0  }
0x87: {  	s29 =	simm.s32 $0x2980;
	[sflag:s20] =	ssyncadd.s32 $0xFFFFE000  }
0x88: {  	[spmem:s1] =	stream.indirect.scatter.add.f32 [tilespmem:s25], [sflag:$0xC], $0x40, s29, s22, $0xb8;
	v63 =	vld [tilespmem:$0x0]  }
0x89: {  	_ =	swait.ge [sflag:s2], $0x2000  }
0x8a: {  	[sflag:s2] =	ssyncset.done $0x0  }
0x8b: {  	s9 =	simm.s32 @p0 $0x5;
	[sflag:s2] =	ssyncadd.s32 $0xFFFFE000  }
0x8c: {  	_ =	swait.ge @p0 [sflag:s9], $0x2000  }
0x8d: {  	[sflag:s9] =	ssyncset.done @p0 $0x0  }
0x8e: {  	s11 =	simm.s32 @p0 $0x2A00;
	[sflag:s9] =	ssyncadd.s32 @p0 $0xFFFFE000;
	s9 =	simm.s32 @p0 $0xD000  }
0x8f: {  	[spmem:s1] =	stream.indirect.scatter.add.f32 @p0 [tilespmem:s9], [sflag:$0xD], $0x40, s11, s8, $0xb8;
	v63 =	vld [tilespmem:$0x0]  }
0x90: {  	s9 =	simm.s32 @p0 $0xC  }
0x91: {  	_ =	swait.ge @p0 [sflag:s9], $0x2000  }
0x92: {  	[sflag:s9] =	ssyncset.done @p0 $0x0  }
0x93: {  	s11 =	simm.s32 @!p0 $0x500;
	[sflag:s9] =	ssyncadd.s32 @p0 $0xFFFFE000;
	s9 =	simm.s32 @!p0 $0x5  }
0x94: {  	[tilespmem:s12], [sflag:$0x3] =	stream.indirect.gather @!p0 [hbm4b:s4+s7], $0x40, s11, s7, $0xb8;
	v63 =	vld [tilespmem:$0x0]  }
0x95: {  	_ =	swait.ge @!p0 [sflag:s9], $0x2000  }
0x96: {  	s11 =	simm.s32 @!p0 $0x2A00;
	[sflag:s9] =	ssyncset.done @!p0 $0x0  }
0x97: {  	s12 =	simm.s32 @!p0 $0xD000;
	[sflag:s9] =	ssyncadd.s32 @!p0 $0xFFFFE000;
	s9 =	simm.s32 @!p0 $0xC  }
0x98: {  	[spmem:s1] =	stream.indirect.scatter.add.f32 @!p0 [tilespmem:s12], [sflag:$0xD], $0x40, s11, s7, $0xb8;
	v63 =	vld [tilespmem:$0x0]  }
0x99: {  	_ =	swait.ge @!p0 [sflag:s9], $0x2000  }
0x9a: {  	[sflag:s9] =	ssyncset.done @!p0 $0x0  }
0x9b: {  	s11 =	simm.s32 @!p0 $0x580;
	[sflag:s9] =	ssyncadd.s32 @!p0 $0xFFFFE000;
	s9 =	simm.s32 @!p0 $0xB000  }
0x9c: {  	[tilespmem:s9], [sflag:$0x4] =	stream.indirect.gather @!p0 [hbm4b:s4+s7], $0x40, s11, s7, $0xb8;
	v63 =	vld [tilespmem:$0x0]  }
0x9d: {  	_ =	swait.ge [sflag:s3], $0x2000  }
0x9e: {  	[sflag:s3] =	ssyncset.done $0x0  }
0x9f: {  	s30 =	simm.s32 $0x2A80;
	[sflag:s3] =	ssyncadd.s32 $0xFFFFE000  }
0xa0: {  	[spmem:s1] =	stream.indirect.scatter.add.f32 [tilespmem:s21], [sflag:$0xE], $0x40, s30, s22, $0xb8;
	v63 =	vld [tilespmem:$0x0]  }
0xa1: {  	_ =	swait.ge [sflag:s5], $0x2000  }
0xa2: {  	[sflag:s5] =	ssyncset.done $0x0  }
0xa3: {  	s9 =	simm.s32 @p0 $0x7;
	[sflag:s5] =	ssyncadd.s32 $0xFFFFE000  }
0xa4: {  	_ =	swait.ge @p0 [sflag:s9], $0x2000  }
0xa5: {  	[sflag:s9] =	ssyncset.done @p0 $0x0  }
0xa6: {  	s11 =	simm.s32 @p0 $0x2B00;
	[sflag:s9] =	ssyncadd.s32 @p0 $0xFFFFE000;
	s9 =	simm.s32 @p0 $0x11000  }
0xa7: {  	[spmem:s1] =	stream.indirect.scatter.add.f32 @p0 [tilespmem:s9], [sflag:$0xF], $0x40, s11, s8, $0xb8;
	v63 =	vld [tilespmem:$0x0]  }
0xa8: {  	s8 =	simm.s32 @p0 $0xE  }
0xa9: {  	_ =	swait.ge @p0 [sflag:s8], $0x2000  }
0xaa: {  	[sflag:s8] =	ssyncset.done @p0 $0x0  }
0xab: {  	[sflag:s8] =	ssyncadd.s32 @p0 $0xFFFFE000;
	s8 =	simm.s32 @!p0 $0x600  }
0xac: {  	[tilespmem:s12], [sflag:$0x5] =	stream.indirect.gather @!p0 [hbm4b:s4+s7], $0x40, s8, s7, $0xb8;
	v63 =	vld [tilespmem:$0x0]  }
0xad: {  	s8 =	simm.s32 @!p0 $0x7  }
0xae: {  	_ =	swait.ge @!p0 [sflag:s8], $0x2000  }
0xaf: {  	[sflag:s8] =	ssyncset.done @!p0 $0x0  }
0xb0: {  	s9 =	simm.s32 @!p0 $0x2B00;
	[sflag:s8] =	ssyncadd.s32 @!p0 $0xFFFFE000;
	s8 =	simm.s32 @!p0 $0x11000  }
0xb1: {  	[spmem:s1] =	stream.indirect.scatter.add.f32 @!p0 [tilespmem:s8], [sflag:$0xF], $0x40, s9, s7, $0xb8;
	v63 =	vld [tilespmem:$0x0]  }
0xb2: {  	s8 =	simm.s32 @!p0 $0xE  }
0xb3: {  	_ =	swait.ge @!p0 [sflag:s8], $0x2000  }
0xb4: {  	p1 =	por $0x0, $0x0;
	s13 =	simm.s32 $0x2B80;
	[sflag:s8] =	ssyncset.done @!p0 $0x0  }
0xb5: {  	s9 =	simm.s32 @!p0 $0x680;
	[sflag:s8] =	ssyncadd.s32 @!p0 $0xFFFFE000;
	s8 =	simm.s32 @!p0 $0xF000  }
0xb6: {  	[tilespmem:s8], [sflag:$0x6] =	stream.indirect.gather @!p0 [hbm4b:s4+s7], $0x40, s9, s7, $0xb8;
	v63 =	vld [tilespmem:$0x0]  }
0xb7: {  	s11 =	simm.s32 $0x2000;
	s12 =	simm.s32 $0x1000;
	_ =	swait.ge [sflag:s6], $0x2000  }
.LBB2_4:
0xb8: {  	[sflag:s6] =	ssyncset.done $0x0  }
0xb9: {  	s7 =	simm.s32 @!p1 $0xF;
	[sflag:s6] =	ssyncadd.s32 $0xFFFFE000  }
0xba: {  	[spmem:s1] =	stream.indirect.scatter.add.f32 [tilespmem:s17], [sflag:$0x10], $0x40, s13, s22, $0xb8;
	v63 =	vld [tilespmem:$0x0]  }
0xbb: {  	_ =	swait.ge @!p1 [sflag:s7], $0x2000  }
0xbc: {  	s14 =	sshra.s32 s12, $0x2;
	[sflag:s7] =	ssyncset.done @!p1 $0x0  }
0xbd: {  	s21 =	sadd.s32 $0x300, s14;
	s8 =	rddreg [dreg:$0x3];
	[sflag:s7] =	ssyncadd.s32 @!p1 $0xFFFFE000  }
0xbe: {  	[tilespmem:s8], [sflag:$0x7] =	stream.indirect.gather [hbm4b:s4+s22], $0x40, s21, s22, $0xb8;
	v63 =	vld [tilespmem:$0x0]  }
0xbf: {  	_ =	swait.ge [sflag:s28], $0x2000  }
0xc0: {  	[sflag:s28] =	ssyncset.done $0x0  }
0xc1: {  	s23 =	sadd.s32 $0x2800, s14;
	s8 =	simm.s32 @!p1 $0x10;
	[sflag:s28] =	ssyncadd.s32 $0xFFFFE000  }
0xc2: {  	[spmem:s1] =	stream.indirect.scatter.add.f32 [tilespmem:s15], [sflag:$0x9], $0x40, s23, s22, $0xb8;
	v63 =	vld [tilespmem:$0x0]  }
0xc3: {  	_ =	swait.ge @!p1 [sflag:s8], $0x2000  }
0xc4: {  	[sflag:s8] =	ssyncset.done @!p1 $0x0  }
0xc5: {  	s24 =	sadd.s32 $0x380, s14;
	[sflag:s8] =	ssyncadd.s32 @!p1 $0xFFFFE000  }
0xc6: {  	[tilespmem:s17], [sflag:$0x8] =	stream.indirect.gather [hbm4b:s4+s22], $0x40, s24, s22, $0xb8;
	v63 =	vld [tilespmem:$0x0]  }
0xc7: {  	_ =	swait.ge [sflag:s31], $0x2000  }
0xc8: {  	[sflag:s31] =	ssyncset.done $0x0  }
0xc9: {  	s26 =	sadd.s32 $0x2880, s14;
	[sflag:s31] =	ssyncadd.s32 $0xFFFFE000  }
0xca: {  	[spmem:s1] =	stream.indirect.scatter.add.f32 [tilespmem:s16], [sflag:$0xA], $0x40, s26, s22, $0xb8;
	v63 =	vld [tilespmem:$0x0]  }
0xcb: {  	_ =	swait.ge [sflag:s0], $0x2000  }
0xcc: {  	p1 =	seq.s32 s12, $0x9000;
	[sflag:s0] =	ssyncset.done $0x0  }
0xcd: {  	s7 =	simm.s32 @p1 $0x3;
	[sflag:s0] =	ssyncadd.s32 $0xFFFFE000  }
0xce: {  	s8 =	simm.s32 @p1 $0x9000;
	_ =	swait.ge @p1 [sflag:s7], $0x2000  }
0xcf: {  	s17 =	sshra.s32 @p1 s12, $0x2;
	s21 =	simm.s32 @p1 $0xA;
	[sflag:s7] =	ssyncset.done @p1 $0x0  }
0xd0: {  	s16 =	simm.s32 @p1 $0x80;
	[sflag:s7] =	ssyncadd.s32 @p1 $0xFFFFE000;
	s7 =	sadd.s32 @p1 $0x2900, s17  }
0xd1: {  	[spmem:s1] =	stream.indirect.scatter.add.f32 @p1 [tilespmem:s8], [sflag:$0xB], $0x40, s7, s16, $0xb8;
	v63 =	vld [tilespmem:$0x0]  }
0xd2: {  	s12 =	sshra.s32 @!p1 s12, $0x2;
	_ =	swait.ge @p1 [sflag:s21], $0x2000  }
0xd3: {  	s15 =	simm.s32 @!p1 $0x80;
	s23 =	simm.s32 @!p1 $0x3;
	[sflag:s21] =	ssyncset.done @p1 $0x0  }
0xd4: {  	s18 =	sadd.s32 @!p1 $0x400, s12;
	s7 =	simm.s32 @!p1 $0x5000;
	[sflag:s21] =	ssyncadd.s32 @p1 $0xFFFFE000  }
0xd5: {  	[tilespmem:s7], [sflag:$0x1] =	stream.indirect.gather @!p1 [hbm4b:s4+s15], $0x40, s18, s15, $0xb8;
	v63 =	vld [tilespmem:$0x0]  }
0xd6: {  	s25 =	smov.u32 s11;
	_ =	swait.ge @!p1 [sflag:s23], $0x2000  }
0xd7: {  	s29 =	simm.s32 @!p1 $0xA;
	s10 =	sadd.s32 @!p1 $0x2900, s12;
	[sflag:s23] =	ssyncset.done @!p1 $0x0  }
0xd8: {  	s19 =	sadd.s32 @!p1 $0x480, s12;
	s26 =	simm.s32 @!p1 $0x9000;
	[sflag:s23] =	ssyncadd.s32 @!p1 $0xFFFFE000  }
0xd9: {  	[spmem:s1] =	stream.indirect.scatter.add.f32 @!p1 [tilespmem:s26], [sflag:$0xB], $0x40, s10, s15, $0xb8;
	v63 =	vld [tilespmem:$0x0]  }
0xda: {  	s9 =	sadd.s32 @!p1 $0x580, s12;
	s24 =	sadd.s32 @p1 $0x2A00, s17;
	_ =	swait.ge @!p1 [sflag:s29], $0x2000  }
0xdb: {  	s30 =	sadd.s32 @!p1 $0x500, s12;
	s8 =	sadd.s32 @p1 $0x2B00, s17;
	[sflag:s29] =	ssyncset.done @!p1 $0x0  }
0xdc: {  	s17 =	sadd.s32 @!p1 $0x680, s12;
	s10 =	simm.s32 @!p1 $0x7000;
	[sflag:s29] =	ssyncadd.s32 @!p1 $0xFFFFE000  }
0xdd: {  	[tilespmem:s10], [sflag:$0x2] =	stream.indirect.gather @!p1 [hbm4b:s4+s15], $0x40, s19, s15, $0xb8;
	v63 =	vld [tilespmem:$0x0]  }
0xde: {  	s21 =	sadd.s32 @!p1 $0x2A00, s12;
	s7 =	sadd.s32 @!p1 $0x600, s12;
	_ =	swait.ge [sflag:s20], $0x2000  }
0xdf: {  	s18 =	sadd.s32 @!p1 $0x2B00, s12;
	s12 =	smov.u32 s25;
	[sflag:s20] =	ssyncset.done $0x0  }
0xe0: {  	s25 =	simm.s32 $0xB000;
	s29 =	sadd.s32 $0x2980, s14;
	[sflag:s20] =	ssyncadd.s32 $0xFFFFE000  }
0xe1: {  	[spmem:s1] =	stream.indirect.scatter.add.f32 [tilespmem:s25], [sflag:$0xC], $0x40, s29, s22, $0xb8;
	v63 =	vld [tilespmem:$0x0]  }
0xe2: {  	_ =	swait.ge [sflag:s2], $0x2000  }
0xe3: {  	[sflag:s2] =	ssyncset.done $0x0  }
0xe4: {  	s10 =	simm.s32 @p1 $0x5;
	[sflag:s2] =	ssyncadd.s32 $0xFFFFE000  }
0xe5: {  	_ =	swait.ge @p1 [sflag:s10], $0x2000  }
0xe6: {  	[sflag:s10] =	ssyncset.done @p1 $0x0  }
0xe7: {  	s23 =	simm.s32 @p1 $0xC;
	s19 =	simm.s32 @p1 $0xD000;
	[sflag:s10] =	ssyncadd.s32 @p1 $0xFFFFE000  }
0xe8: {  	[spmem:s1] =	stream.indirect.scatter.add.f32 @p1 [tilespmem:s19], [sflag:$0xD], $0x40, s24, s16, $0xb8;
	v63 =	vld [tilespmem:$0x0]  }
0xe9: {  	_ =	swait.ge @p1 [sflag:s23], $0x2000  }
0xea: {  	[sflag:s23] =	ssyncset.done @p1 $0x0  }
0xeb: {  	s10 =	simm.s32 @!p1 $0x5;
	[sflag:s23] =	ssyncadd.s32 @p1 $0xFFFFE000  }
0xec: {  	[tilespmem:s26], [sflag:$0x3] =	stream.indirect.gather @!p1 [hbm4b:s4+s15], $0x40, s30, s15, $0xb8;
	v63 =	vld [tilespmem:$0x0]  }
0xed: {  	_ =	swait.ge @!p1 [sflag:s10], $0x2000  }
0xee: {  	[sflag:s10] =	ssyncset.done @!p1 $0x0  }
0xef: {  	s19 =	simm.s32 @!p1 $0xD000;
	[sflag:s10] =	ssyncadd.s32 @!p1 $0xFFFFE000;
	s10 =	simm.s32 @!p1 $0xC  }
0xf0: {  	[spmem:s1] =	stream.indirect.scatter.add.f32 @!p1 [tilespmem:s19], [sflag:$0xD], $0x40, s21, s15, $0xb8;
	v63 =	vld [tilespmem:$0x0]  }
0xf1: {  	_ =	swait.ge @!p1 [sflag:s10], $0x2000  }
0xf2: {  	[sflag:s10] =	ssyncset.done @!p1 $0x0  }
0xf3: {  	s21 =	simm.s32 @!p1 $0xB000;
	[sflag:s10] =	ssyncadd.s32 @!p1 $0xFFFFE000  }
0xf4: {  	[tilespmem:s21], [sflag:$0x4] =	stream.indirect.gather @!p1 [hbm4b:s4+s15], $0x40, s9, s15, $0xb8;
	v63 =	vld [tilespmem:$0x0]  }
0xf5: {  	_ =	swait.ge [sflag:s3], $0x2000  }
0xf6: {  	[sflag:s3] =	ssyncset.done $0x0  }
0xf7: {  	s30 =	sadd.s32 $0x2A80, s14;
	s21 =	simm.s32 $0xF000;
	[sflag:s3] =	ssyncadd.s32 $0xFFFFE000  }
0xf8: {  	[spmem:s1] =	stream.indirect.scatter.add.f32 [tilespmem:s21], [sflag:$0xE], $0x40, s30, s22, $0xb8;
	v63 =	vld [tilespmem:$0x0]  }
0xf9: {  	_ =	swait.ge [sflag:s5], $0x2000  }
0xfa: {  	[sflag:s5] =	ssyncset.done $0x0  }
0xfb: {  	s9 =	simm.s32 @p1 $0x7;
	[sflag:s5] =	ssyncadd.s32 $0xFFFFE000  }
0xfc: {  	_ =	swait.ge @p1 [sflag:s9], $0x2000  }
0xfd: {  	[sflag:s9] =	ssyncset.done @p1 $0x0  }
0xfe: {  	s10 =	simm.s32 @p1 $0x11000;
	[sflag:s9] =	ssyncadd.s32 @p1 $0xFFFFE000;
	s9 =	simm.s32 @p1 $0xE  }
0xff: {  	[spmem:s1] =	stream.indirect.scatter.add.f32 @p1 [tilespmem:s10], [sflag:$0xF], $0x40, s8, s16, $0xb8;
	v63 =	vld [tilespmem:$0x0]  }
0x100: {  	_ =	swait.ge @p1 [sflag:s9], $0x2000  }
0x101: {  	[sflag:s9] =	ssyncset.done @p1 $0x0  }
0x102: {  	s8 =	simm.s32 @!p1 $0x7;
	[sflag:s9] =	ssyncadd.s32 @p1 $0xFFFFE000  }
0x103: {  	[tilespmem:s19], [sflag:$0x5] =	stream.indirect.gather @!p1 [hbm4b:s4+s15], $0x40, s7, s15, $0xb8;
	v63 =	vld [tilespmem:$0x0]  }
0x104: {  	_ =	swait.ge @!p1 [sflag:s8], $0x2000  }
0x105: {  	s11 =	sadd.s32 $0x1000, s11;
	[sflag:s8] =	ssyncset.done @!p1 $0x0  }
0x106: {  	s7 =	simm.s32 @!p1 $0x11000;
	[sflag:s8] =	ssyncadd.s32 @!p1 $0xFFFFE000;
	s8 =	simm.s32 @!p1 $0xE  }
0x107: {  	[spmem:s1] =	stream.indirect.scatter.add.f32 @!p1 [tilespmem:s7], [sflag:$0xF], $0x40, s18, s15, $0xb8;
	v63 =	vld [tilespmem:$0x0]  }
0x108: {  	p0 =	sne.s32 s11, $0xA000;
	_ =	swait.ge @!p1 [sflag:s8], $0x2000  }
.Ltmp1:
0x109: {  	[sflag:s8] =	ssyncset.done @!p1 $0x0;
	(pc) =	sbr.rel @p0 .LBB2_4-.Ltmp1, $4  }
0x10a: {  	s7 =	simm.s32 @!p1 $0xF000;
	[sflag:s8] =	ssyncadd.s32 @!p1 $0xFFFFE000  }
0x10b: {  	[tilespmem:s7], [sflag:$0x6] =	stream.indirect.gather @!p1 [hbm4b:s4+s15], $0x40, s17, s15, $0xb8;
	v63 =	vld [tilespmem:$0x0]  }
0x10c: {  	s13 =	sadd.s32 $0x2B80, s14;
	s16 =	simm.s32 $0x7000;
	s17 =	simm.s32 $0x13000  }
0x10d: {  	s15 =	simm.s32 $0x5000;
	p1 =	seq.s32 s12, $0x0;
	_ =	swait.ge [sflag:s6], $0x2000  }
0x10e: {  	[sflag:s6] =	ssyncset.done $0x0  }
0x10f: {  	s7 =	simm.s32 @!p1 $0xF;
	[sflag:s6] =	ssyncadd.s32 $0xFFFFE000  }
0x110: {  	[spmem:s1] =	stream.indirect.scatter.add.f32 [tilespmem:s17], [sflag:$0x10], $0x40, s13, s22, $0xb8;
	v63 =	vld [tilespmem:$0x0]  }
0x111: {  	_ =	swait.ge @!p1 [sflag:s7], $0x2000  }
0x112: {  	s11 =	sshra.s32 s12, $0x2;
	[sflag:s7] =	ssyncset.done @!p1 $0x0  }
0x113: {  	s23 =	sadd.s32 $0x300, s11;
	s8 =	rddreg [dreg:$0x3];
	[sflag:s7] =	ssyncadd.s32 @!p1 $0xFFFFE000  }
0x114: {  	[tilespmem:s8], [sflag:$0x7] =	stream.indirect.gather [hbm4b:s4+s22], $0x40, s23, s22, $0xb8;
	v63 =	vld [tilespmem:$0x0]  }
0x115: {  	_ =	swait.ge [sflag:s28], $0x2000  }
0x116: {  	[sflag:s28] =	ssyncset.done $0x0  }
0x117: {  	s24 =	sadd.s32 $0x2800, s11;
	s8 =	simm.s32 @!p1 $0x10;
	[sflag:s28] =	ssyncadd.s32 $0xFFFFE000  }
0x118: {  	[spmem:s1] =	stream.indirect.scatter.add.f32 [tilespmem:s15], [sflag:$0x9], $0x40, s24, s22, $0xb8;
	v63 =	vld [tilespmem:$0x0]  }
0x119: {  	_ =	swait.ge @!p1 [sflag:s8], $0x2000  }
0x11a: {  	[sflag:s8] =	ssyncset.done @!p1 $0x0  }
0x11b: {  	s26 =	sadd.s32 $0x380, s11;
	[sflag:s8] =	ssyncadd.s32 @!p1 $0xFFFFE000  }
0x11c: {  	[tilespmem:s17], [sflag:$0x8] =	stream.indirect.gather [hbm4b:s4+s22], $0x40, s26, s22, $0xb8;
	v63 =	vld [tilespmem:$0x0]  }
0x11d: {  	_ =	swait.ge [sflag:s31], $0x2000  }
0x11e: {  	[sflag:s31] =	ssyncset.done $0x0  }
0x11f: {  	s29 =	sadd.s32 $0x2880, s11;
	[sflag:s31] =	ssyncadd.s32 $0xFFFFE000  }
0x120: {  	[spmem:s1] =	stream.indirect.scatter.add.f32 [tilespmem:s16], [sflag:$0xA], $0x40, s29, s22, $0xb8;
	v63 =	vld [tilespmem:$0x0]  }
0x121: {  	_ =	swait.ge [sflag:s0], $0x2000  }
0x122: {  	p0 =	seq.s32 s12, $0x9000;
	[sflag:s0] =	ssyncset.done $0x0  }
0x123: {  	s7 =	simm.s32 @p0 $0x3;
	[sflag:s0] =	ssyncadd.s32 $0xFFFFE000  }
0x124: {  	s9 =	simm.s32 @p0 $0x80;
	_ =	swait.ge @p0 [sflag:s7], $0x2000  }
0x125: {  	s10 =	simm.s32 @p0 $0xA;
	s13 =	sshra.s32 @p0 s12, $0x2;
	[sflag:s7] =	ssyncset.done @p0 $0x0  }
0x126: {  	s8 =	simm.s32 @p0 $0x9000;
	[sflag:s7] =	ssyncadd.s32 @p0 $0xFFFFE000;
	s7 =	sadd.s32 @p0 $0x2900, s13  }
0x127: {  	[spmem:s1] =	stream.indirect.scatter.add.f32 @p0 [tilespmem:s8], [sflag:$0xB], $0x40, s7, s9, $0xb8;
	v63 =	vld [tilespmem:$0x0]  }
0x128: {  	s14 =	simm.s32 @!p0 $0x5000;
	_ =	swait.ge @p0 [sflag:s10], $0x2000  }
0x129: {  	s7 =	sshra.s32 @!p0 s12, $0x2;
	s8 =	simm.s32 @!p0 $0x80;
	[sflag:s10] =	ssyncset.done @p0 $0x0  }
0x12a: {  	s12 =	sadd.s32 @!p0 $0x400, s7;
	[sflag:s10] =	ssyncadd.s32 @p0 $0xFFFFE000;
	s10 =	simm.s32 @!p0 $0x3  }
0x12b: {  	[tilespmem:s14], [sflag:$0x1] =	stream.indirect.gather @!p0 [hbm4b:s4+s8], $0x40, s12, s8, $0xb8;
	v63 =	vld [tilespmem:$0x0]  }
0x12c: {  	_ =	swait.ge @!p0 [sflag:s10], $0x2000  }
0x12d: {  	s12 =	sadd.s32 @!p0 $0x2900, s7;
	[sflag:s10] =	ssyncset.done @!p0 $0x0  }
0x12e: {  	s14 =	simm.s32 @!p0 $0x9000;
	[sflag:s10] =	ssyncadd.s32 @!p0 $0xFFFFE000;
	s10 =	simm.s32 @!p0 $0xA  }
0x12f: {  	[spmem:s1] =	stream.indirect.scatter.add.f32 @!p0 [tilespmem:s14], [sflag:$0xB], $0x40, s12, s8, $0xb8;
	v63 =	vld [tilespmem:$0x0]  }
0x130: {  	_ =	swait.ge @!p0 [sflag:s10], $0x2000  }
0x131: {  	[sflag:s10] =	ssyncset.done @!p0 $0x0  }
0x132: {  	s12 =	sadd.s32 @!p0 $0x480, s7;
	[sflag:s10] =	ssyncadd.s32 @!p0 $0xFFFFE000;
	s10 =	simm.s32 @!p0 $0x7000  }
0x133: {  	[tilespmem:s10], [sflag:$0x2] =	stream.indirect.gather @!p0 [hbm4b:s4+s8], $0x40, s12, s8, $0xb8;
	v63 =	vld [tilespmem:$0x0]  }
0x134: {  	_ =	swait.ge [sflag:s20], $0x2000  }
0x135: {  	[sflag:s20] =	ssyncset.done $0x0  }
0x136: {  	s30 =	sadd.s32 $0x2980, s11;
	[sflag:s20] =	ssyncadd.s32 $0xFFFFE000  }
0x137: {  	[spmem:s1] =	stream.indirect.scatter.add.f32 [tilespmem:s25], [sflag:$0xC], $0x40, s30, s22, $0xb8;
	v63 =	vld [tilespmem:$0x0]  }
0x138: {  	_ =	swait.ge [sflag:s2], $0x2000  }
0x139: {  	[sflag:s2] =	ssyncset.done $0x0  }
0x13a: {  	s10 =	simm.s32 @p0 $0x5;
	[sflag:s2] =	ssyncadd.s32 $0xFFFFE000  }
0x13b: {  	_ =	swait.ge @p0 [sflag:s10], $0x2000  }
0x13c: {  	[sflag:s10] =	ssyncset.done @p0 $0x0  }
0x13d: {  	s12 =	sadd.s32 @p0 $0x2A00, s13;
	[sflag:s10] =	ssyncadd.s32 @p0 $0xFFFFE000;
	s10 =	simm.s32 @p0 $0xD000  }
0x13e: {  	[spmem:s1] =	stream.indirect.scatter.add.f32 @p0 [tilespmem:s10], [sflag:$0xD], $0x40, s12, s9, $0xb8;
	v63 =	vld [tilespmem:$0x0]  }
0x13f: {  	s10 =	simm.s32 @p0 $0xC  }
0x140: {  	_ =	swait.ge @p0 [sflag:s10], $0x2000  }
0x141: {  	[sflag:s10] =	ssyncset.done @p0 $0x0  }
0x142: {  	s12 =	sadd.s32 @!p0 $0x500, s7;
	[sflag:s10] =	ssyncadd.s32 @p0 $0xFFFFE000;
	s10 =	simm.s32 @!p0 $0x5  }
0x143: {  	[tilespmem:s14], [sflag:$0x3] =	stream.indirect.gather @!p0 [hbm4b:s4+s8], $0x40, s12, s8, $0xb8;
	v63 =	vld [tilespmem:$0x0]  }
0x144: {  	_ =	swait.ge @!p0 [sflag:s10], $0x2000  }
0x145: {  	s12 =	sadd.s32 @!p0 $0x2A00, s7;
	[sflag:s10] =	ssyncset.done @!p0 $0x0  }
0x146: {  	s14 =	simm.s32 @!p0 $0xD000;
	[sflag:s10] =	ssyncadd.s32 @!p0 $0xFFFFE000;
	s10 =	simm.s32 @!p0 $0xC  }
0x147: {  	[spmem:s1] =	stream.indirect.scatter.add.f32 @!p0 [tilespmem:s14], [sflag:$0xD], $0x40, s12, s8, $0xb8;
	v63 =	vld [tilespmem:$0x0]  }
0x148: {  	_ =	swait.ge @!p0 [sflag:s10], $0x2000  }
0x149: {  	[sflag:s10] =	ssyncset.done @!p0 $0x0  }
0x14a: {  	s12 =	sadd.s32 @!p0 $0x580, s7;
	[sflag:s10] =	ssyncadd.s32 @!p0 $0xFFFFE000;
	s10 =	simm.s32 @!p0 $0xB000  }
0x14b: {  	[tilespmem:s10], [sflag:$0x4] =	stream.indirect.gather @!p0 [hbm4b:s4+s8], $0x40, s12, s8, $0xb8;
	v63 =	vld [tilespmem:$0x0]  }
0x14c: {  	_ =	swait.ge [sflag:s3], $0x2000  }
0x14d: {  	[sflag:s3] =	ssyncset.done $0x0  }
0x14e: {  	s12 =	sadd.s32 $0x2A80, s11;
	[sflag:s3] =	ssyncadd.s32 $0xFFFFE000  }
0x14f: {  	[spmem:s1] =	stream.indirect.scatter.add.f32 [tilespmem:s21], [sflag:$0xE], $0x40, s12, s22, $0xb8;
	v63 =	vld [tilespmem:$0x0]  }
0x150: {  	_ =	swait.ge [sflag:s5], $0x2000  }
0x151: {  	[sflag:s5] =	ssyncset.done $0x0  }
0x152: {  	s10 =	simm.s32 @p0 $0x7;
	[sflag:s5] =	ssyncadd.s32 $0xFFFFE000  }
0x153: {  	_ =	swait.ge @p0 [sflag:s10], $0x2000  }
0x154: {  	[sflag:s10] =	ssyncset.done @p0 $0x0  }
0x155: {  	s12 =	sadd.s32 @p0 $0x2B00, s13;
	[sflag:s10] =	ssyncadd.s32 @p0 $0xFFFFE000;
	s10 =	simm.s32 @p0 $0x11000  }
0x156: {  	[spmem:s1] =	stream.indirect.scatter.add.f32 @p0 [tilespmem:s10], [sflag:$0xF], $0x40, s12, s9, $0xb8;
	v63 =	vld [tilespmem:$0x0]  }
0x157: {  	s9 =	simm.s32 @p0 $0xE  }
0x158: {  	_ =	swait.ge @p0 [sflag:s9], $0x2000  }
0x159: {  	[sflag:s9] =	ssyncset.done @p0 $0x0  }
0x15a: {  	[sflag:s9] =	ssyncadd.s32 @p0 $0xFFFFE000;
	s9 =	sadd.s32 @!p0 $0x600, s7  }
0x15b: {  	[tilespmem:s14], [sflag:$0x5] =	stream.indirect.gather @!p0 [hbm4b:s4+s8], $0x40, s9, s8, $0xb8;
	v63 =	vld [tilespmem:$0x0]  }
0x15c: {  	s9 =	simm.s32 @!p0 $0x7  }
0x15d: {  	_ =	swait.ge @!p0 [sflag:s9], $0x2000  }
0x15e: {  	[sflag:s9] =	ssyncset.done @!p0 $0x0  }
0x15f: {  	s10 =	sadd.s32 @!p0 $0x2B00, s7;
	[sflag:s9] =	ssyncadd.s32 @!p0 $0xFFFFE000;
	s9 =	simm.s32 @!p0 $0x11000  }
0x160: {  	[spmem:s1] =	stream.indirect.scatter.add.f32 @!p0 [tilespmem:s9], [sflag:$0xF], $0x40, s10, s8, $0xb8;
	v63 =	vld [tilespmem:$0x0]  }
0x161: {  	s9 =	simm.s32 @!p0 $0xE  }
0x162: {  	_ =	swait.ge @!p0 [sflag:s9], $0x2000  }
0x163: {  	[sflag:s9] =	ssyncset.done @!p0 $0x0  }
0x164: {  	s7 =	sadd.s32 @!p0 $0x680, s7;
	[sflag:s9] =	ssyncadd.s32 @!p0 $0xFFFFE000;
	s9 =	simm.s32 @!p0 $0xF000  }
0x165: {  	[tilespmem:s9], [sflag:$0x6] =	stream.indirect.gather @!p0 [hbm4b:s4+s8], $0x40, s7, s8, $0xb8;
	v63 =	vld [tilespmem:$0x0]  }
0x166: {  	_ =	swait.ge [sflag:s6], $0x2000  }
0x167: {  	[sflag:s6] =	ssyncset.done $0x0  }
0x168: {  	s18 =	simm.s32 $0xF;
	s14 =	sadd.s32 $0x2B80, s11;
	[sflag:s6] =	ssyncadd.s32 $0xFFFFE000  }
0x169: {  	[spmem:s1] =	stream.indirect.scatter.add.f32 [tilespmem:s17], [sflag:$0x10], $0x40, s14, s22, $0xb8;
	v63 =	vld [tilespmem:$0x0]  }
0x16a: {  	_ =	swait.ge [sflag:s18], $0x2000  }
0x16b: {  	[sflag:s18] =	ssyncset.done $0x0  }
0x16c: {  	s19 =	simm.s32 $0x10;
	[sflag:s18] =	ssyncadd.s32 $0xFFFFE000  }
0x16d: {  	_ =	swait.ge [sflag:s19], $0x2000  }
0x16e: {  	[sflag:s19] =	ssyncset.done $0x0  }
0x16f: {  	[sflag:s19] =	ssyncadd.s32 $0xFFFFE000  }
0x170: {  	s23 =	stileid.u32;
	[bflag:$0x0] =	sbarrier.arrive $0xFFFF  }
0x171: {  	s7 =	sshll.u32 s23, $0x6;
	s24 =	rddreg [dreg:$0x7]  }
0x172: {  	s10 =	simm.s32 $0x11;
	s7 =	sor.u32 $0x1C11, s7;
	s26 =	rddreg [dreg:$0x12]  }
0x173: {  	[hbm:s24], [sflag:s7] =	dma.local [spmem:s26], $0x1400  }
0x174: {  	_ =	swait.ge [sflag:s10], $0x1400  }
0x175: {  	s29 =	rddreg [dreg:$0x13]  }
0x176: {  	s30 =	rddreg [dreg:$0x8];
	s8 =	sadd.s32 $0x1, s29  }
0x177: {  	p0 =	sne.s32 s8, s30  }
.Ltmp2:
0x178: {  	_ = 	snop;
	(pc) =	sbr.rel @p0 .LBB2_1-.Ltmp2, $3  }
0x179: {  	_ =	sdelay $0x1  }
0x17a: {  	[sflag:s10] =	ssyncset.done $0x0  }
0x17b: {  	[sflag:s10] =	ssyncadd.s32 $0xFFFFEC00  }
0x17c: {  	_ =	sfence.sel $0x180000  }
0x17d: {  	[bflag:$0x0] =	sbarrier.arrive $0xFFFF  }
0x17e: {  	_ =	strace $0x9000004A  }
0x17f: {  	s0 =	stileid.u32;
	[bflag:$0x2] =	sbarrier.arrive $0xFFFF  }
0x180: {  	p0 =	sne.s32 s0, $0x0;
	s0 =	rddreg [dreg:$0x2]  }
0x181: {  	s0 =	sadd.s32 @!p0 $0x100000, s0  }
0x182: {  	[sflag:s0] =	ssyncadd.tile.s32 @!p0 $0x1;
	_ =	shalt  }
.Lfunc_end2:
_tile_overlayer_lowered:
.L_overlay_start_2:
0x183: {  	(tag) =	ssettag $0x2  }
0x184: {  	s0 =	rddreg [dreg:$0x0];
	s2 =	stileid.u32  }
0x185: {  	s1 =	rddreg [dreg:$0x1];
	p0 =	sne.s32 s2, $0x0  }
0x186: {  	s3 =	rddreg [dreg:$0x2];
	[bflag:$0x3] =	sbarrier.arrive $0xFFFF;
	s2 =	simm.s32 @!p0 $0x1C11  }
0x187: {  	[timem:s3], [sflag:s2] =	dma.local @!p0 [hbm:s0], s1  }
0x188: {  	s0 =	simm.s32 @!p0 $0x11  }
0x189: {  	_ =	swait.ge @!p0 [sflag:s0], s1  }
0x18a: {  	s1 =	ssub.s32 @!p0 $0x0, s1;
	[sflag:s0] =	ssyncset.done @!p0 $0x0  }
0x18b: {  	[sflag:s0] =	ssyncadd.s32 @!p0 s1  }
0x18c: {  	[bflag:$0x3] =	sbarrier.arrive $0xFFFF  }
0x18d: {  	_ =	shalt  }

// kernel: kernel.16.cloned.1.call-start
scs
__scs_entry_jumppad:
0x0: {  	(pc) =	sbr.rel $0x88, $3  }
0x1: {  	(tag) =	ssettag $0x0;
	lr =	simm.s32 $0x1  }
0x2: {  	[smem:$0x3F97] =	sst lr;
	_ =	strace $0xD0000000  }
0x3: {  	_ = 	snop  }
0x4: {  	_ = 	snop  }
0x5: {  	_ = 	snop  }
0x6: {  	_ = 	snop  }
0x7: {  	_ = 	snop  }
__scs_overlays_trampoline_lowered:
0x8: {  	[smem:$0x3FA6] =	sst s0  }
0x9: {  	[smem:$0x3FA7] =	sst s1  }
0xa: {  	[smem:$0x3FA8] =	sst s2  }
0xb: {  	[smem:$0x3FA9] =	sst s3  }
0xc: {  	[smem:$0x3FAA] =	sst s4  }
0xd: {  	[smem:$0x3FAB] =	sst s5  }
0xe: {  	[smem:$0x3FAC] =	sst s6  }
0xf: {  	[smem:$0x3FAD] =	sst s7  }
0x10: {  	[smem:$0x3FAE] =	sst s8  }
0x11: {  	[smem:$0x3FAF] =	sst s9;
	s0 =	simm.s32 @!p0 $0x0  }
0x12: {  	s1 =	sld [smem:$0x3F95];
	s0 =	simm.s32 @p0 $0x1  }
0x13: {  	[smem:$0x3FB0] =	sst s0;
	s0 =	simm.s32 @!p1 $0x0  }
0x14: {  	s2 =	sld [smem:$0x3F94];
	s0 =	simm.s32 @p1 $0x1  }
0x15: {  	[smem:$0x3FB1] =	sst s0;
	s0 =	simm.s32 @!p2 $0x0  }
0x16: {  	s3 =	sld [smem:$0x3FDB];
	s0 =	simm.s32 @p2 $0x1  }
0x17: {  	s4 =	simm.s32 $0x1BF5;
	[smem:$0x3FB3] =	sst s0  }
0x18: {  	s0 =	sld [smem:$0x3F96];
	_ =	swait.ge [sflag:s4], $0x0  }
0x19: {  	s7 =	sld [smem:$0x3F97]  }
0x1a: {  	s8 =	sadd.s32 $0xFFFFE003, lr  }
0x1b: {  	s9 =	sadd.s32 $0xFFFFFEF7, lr;
	s5 =	simm.s32 $0xFFFFFFFF;
	p2 =	slt.u32 s8, $0xFFFFF086  }
0x1c: {  	p1 =	slt.u32 s9, $0xF7A;
	s5 =	simm.s32 @!p2 $0x0  }
0x1d: {  	s5 =	simm.s32 @p1 $0x1;
	p0 =	seq.s32 s7, s2  }
0x1e: {  	s7 =	smul.u32 @!p0 $0xF7A, s2;
	p2 =	seq.s32 @!p0 s5, $0x0  }
0x1f: {  	s9 =	smul.u32 $0xF7A, s1;
	s8 =	simm.s32 @!p0 $0x1BF5;
	p2 =	por !p2, p0  }
0x20: {  	[sflag:s8] =	ssyncset.s32 @!p0 $0xFFFFF086;
	s6 =	sadd.s32 @!p0 s3, s7;
	s7 =	simm.s32 @!p0 $0x108  }
0x21: {  	s3 =	sadd.s32 s3, s9;
	s6 =	sadd.s32 @!p0 $0x88, s6;
	s7 =	simm.s32 @p2 $0x1082  }
0x22: {  	[simem:s7], [sflag:s8] =	dma.local @!p0 [hbm:s6], $0xF7A  }
0x23: {  	s9 =	sor.u32 $0xD0000000, s2;
	s6 =	simm.s32 $0x108;
	_ =	swait.ge @!p0 [sflag:s8], $0x0  }
0x24: {  	s3 =	sadd.s32 $0x88, s3;
	s6 =	simm.s32 @!p1 $0x1082;
	[sflag:s4] =	ssyncset.s32 $0xFFFFF086  }
0x25: {  	[simem:s6], [sflag:s4] =	dma.local [hbm:s3], $0xF7A  }
0x26: {  	[smem:$0x3F97] =	sst s1;
	(tag) =	ssettag s2;
	_ =	strace s9  }
0x27: {  	s1 =	sld [smem:$0x3FA7]  }
0x28: {  	s2 =	sld [smem:$0x3FA8]  }
0x29: {  	s4 =	sld [smem:$0x3FAA]  }
0x2a: {  	p0 =	seq.s32 s5, $0x0;
	s5 =	sld [smem:$0x3FAB]  }
0x2b: {  	s6 =	sld [smem:$0x3FAC]  }
0x2c: {  	s7 =	sld [smem:$0x3FAD]  }
0x2d: {  	s3 =	simm.s32 $0x108;
	s8 =	sld [smem:$0x3FAE]  }
0x2e: {  	s3 =	simm.s32 @!p0 $0x1082;
	s9 =	sld [smem:$0x3FAF]  }
0x2f: {  	lr =	sadd.s32 s0, s3;
	s0 =	sld [smem:$0x3FA6]  }
0x30: {  	s3 =	sld [smem:$0x3FA9]  }
0x31: {  	[smem:$0x3FB2] =	sst s10  }
0x32: {  	s10 =	sld [smem:$0x3FB0];
	_ =	sdelay $0x3  }
0x33: {  	p0 =	seq.s32 s10, $0x1;
	s10 =	sld [smem:$0x3FB2];
	_ =	sdelay $0x3  }
0x34: {  	[smem:$0x3FB2] =	sst s10  }
0x35: {  	s10 =	sld [smem:$0x3FB1];
	_ =	sdelay $0x3  }
0x36: {  	p1 =	seq.s32 s10, $0x1;
	s10 =	sld [smem:$0x3FB2];
	_ =	sdelay $0x3  }
0x37: {  	[smem:$0x3FB2] =	sst s10  }
0x38: {  	s10 =	sld [smem:$0x3FB3]  }
0x39: {  	_ = 	snop;
	(pc) =	sbr.ind lr, $3  }
0x3a: {  	_ = 	snop  }
0x3b: {  	_ = 	snop  }
0x3c: {  	p2 =	seq.s32 s10, $0x1;
	s10 =	sld [smem:$0x3FB2]  }
0x3d: {  	_ =	shalt  }
0x3e: {  	_ =	shalt  }
0x3f: {  	_ =	shalt  }
0x40: {  	_ =	shalt  }
0x41: {  	_ =	shalt  }
0x42: {  	_ =	shalt  }
0x43: {  	_ =	shalt  }
0x44: {  	_ =	shalt  }
0x45: {  	_ =	shalt  }
0x46: {  	_ =	shalt  }
0x47: {  	_ =	shalt  }
0x48: {  	_ =	shalt  }
0x49: {  	_ =	shalt  }
0x4a: {  	_ =	shalt  }
0x4b: {  	_ =	shalt  }
0x4c: {  	_ =	shalt  }
0x4d: {  	_ =	shalt  }
0x4e: {  	_ =	shalt  }
0x4f: {  	_ =	shalt  }
0x50: {  	_ =	shalt  }
0x51: {  	_ =	shalt  }
0x52: {  	_ =	shalt  }
0x53: {  	_ =	shalt  }
0x54: {  	_ =	shalt  }
0x55: {  	_ =	shalt  }
0x56: {  	_ =	shalt  }
0x57: {  	_ =	shalt  }
0x58: {  	_ =	shalt  }
0x59: {  	_ =	shalt  }
0x5a: {  	_ =	shalt  }
0x5b: {  	_ =	shalt  }
0x5c: {  	_ =	shalt  }
0x5d: {  	_ =	shalt  }
0x5e: {  	_ =	shalt  }
0x5f: {  	_ =	shalt  }
0x60: {  	_ =	shalt  }
0x61: {  	_ =	shalt  }
0x62: {  	_ =	shalt  }
0x63: {  	_ =	shalt  }
0x64: {  	_ =	shalt  }
0x65: {  	_ =	shalt  }
0x66: {  	_ =	shalt  }
0x67: {  	_ =	shalt  }
0x68: {  	_ =	shalt  }
0x69: {  	_ =	shalt  }
0x6a: {  	_ =	shalt  }
0x6b: {  	_ =	shalt  }
0x6c: {  	_ =	shalt  }
0x6d: {  	_ =	shalt  }
0x6e: {  	_ =	shalt  }
0x6f: {  	_ =	shalt  }
0x70: {  	_ =	shalt  }
0x71: {  	_ =	shalt  }
0x72: {  	_ =	shalt  }
0x73: {  	_ =	shalt  }
0x74: {  	_ =	shalt  }
0x75: {  	_ =	shalt  }
0x76: {  	_ =	shalt  }
0x77: {  	_ =	shalt  }
0x78: {  	_ =	shalt  }
0x79: {  	_ =	shalt  }
0x7a: {  	_ =	shalt  }
0x7b: {  	_ =	shalt  }
0x7c: {  	_ =	shalt  }
0x7d: {  	_ =	shalt  }
0x7e: {  	_ =	shalt  }
0x7f: {  	_ =	shalt  }
0x80: {  	_ =	shalt  }
0x81: {  	_ =	shalt  }
0x82: {  	_ =	shalt  }
0x83: {  	_ =	shalt  }
0x84: {  	_ =	shalt  }
0x85: {  	_ =	shalt  }
0x86: {  	_ =	shalt  }
0x87: {  	_ =	shalt  }
.Lfunc_end0:
.L_simem_size_0:
called_computation.2_lowered:
.L_overlay_start_0:
0x88: {  	s2 =	sld [smem:$0x3FD9]  }
0x89: {  	s3 =	sld [smem:$0x3FFE];
	_ =	sdelay $0x1  }
0x8a: {  	s1 =	srdreg.scid  }
0x8b: {  	s0 =	sand.u32 $0x1, s1  }
0x8c: {  	s16 =	sshll.u32 s0, $0xA;
	s2 =	sadd.s32 s3, s2  }
0x8d: {  	s2 =	sadd.s32 s2, s16  }
0x8e: {  	[smem:$0x3FBE] =	sst s2  }
0x8f: {  	_ = 	snop  }
0x90: {  	(tm) =	ssettm $0x1  }
0x91: {  	s17 =	sld [smem:$0x3FFB];
	_ =	sdelay $0x3  }
0x92: {  	_ =	strace s17  }
0x93: {  	s2 =	sld [smem:$0x3FFC];
	_ =	sdelay $0x3  }
0x94: {  	_ =	strace s2  }
0x95: {  	s2 =	sld [smem:$0x3FFD];
	_ =	sdelay $0x3  }
0x96: {  	_ =	strace s2  }
0x97: {  	_ =	strace $0x8FFFFFFF  }
0x98: {  	s18 =	sld [smem:$0x3FDB];
	_ =	sdelay $0x1  }
0x99: {  	s19 =	simm.s32 $_scs_section_size  }
0x9a: {  	s4 =	simm.s32 $_size__tile_overlayer_lowered;
	s5 =	simm.s32 $_tile_overlayer_lowered  }
0x9b: {  	s22 =	simm.s32 $0x1BFF;
	s21 =	sshll.u32 s5, $0x1;
	s2 =	sadd.s32 s19, s18  }
0x9c: {  	s6 =	simm.s32 $0x0;
	s20 =	sshll.u32 s4, $0x1;
	s4 =	sadd.s32 s21, s2  }
0x9d: {  	[timem:s6], [sflag:s22] =	dma.local [hbm:s4], s20  }
0x9e: {  	_ =	swait.ge [sflag:s22], s20  }
0x9f: {  	s3 =	ssub.s32 $0x0, s20;
	[sflag:s22] =	ssyncset.done $0x0  }
0xa0: {  	[sflag:s22] =	ssyncadd.s32 s3;
	_ =	sdelay $0x1  }
0xa1: {  	s23 =	simm.s32 $0x1B8B  }
0xa2: {  	_ =	swait.ge [sflag:s23], $0x1  }
0xa3: {  	[sflag:s23] =	ssyncset.done $0x0  }
0xa4: {  	s25 =	simm.s32 $0x1B8E;
	s24 =	sld [smem:$0x3FFE];
	[sflag:s23] =	ssyncadd.s32 $0xFFFFFFFF  }
0xa5: {  	s26 =	simm.s32 $execute0_lowered;
	[smem:$0x3FD2] =	sst s25  }
0xa6: {  	s4 =	sshll.u32 s26, $0x1;
	_ =	strace $0x8000004C;
	[dreg:$0x1] =	wrdreg $0xFFFFFFFF  }
0xa7: {  	s28 =	simm.s32 $_size_execute0_lowered;
	s2 =	sadd.s32 s2, s4;
	[dreg:$0x0] =	wrdreg $0x0  }
0xa8: {  	s4 =	sshll.u32 s28, $0x1;
	[dreg:$0x2] =	wrdreg s2  }
0xa9: {  	[dreg:$0x3] =	wrdreg s4  }
0xaa: {  	[dreg:$0x4] =	wrdreg $0xC0  }
0xab: {  	_ =	task [dreg:s6], $0x5FFFF  }
0xac: {  	[dreg:$0x1] =	wrdreg $0xFFFFFFFF  }
0xad: {  	[dreg:$0x0] =	wrdreg $0x60  }
0xae: {  	[dreg:$0x2] =	wrdreg s24  }
0xaf: {  	[dreg:$0x3] =	wrdreg $0x160000  }
0xb0: {  	[dreg:$0x4] =	wrdreg $0x9  }
0xb1: {  	_ =	task.clear_ibuf [dreg:s6], $0x5FFFF;
	_ =	strace $0x9000004C  }
0xb2: {  	s29 =	simm.s32 $0x9;
	_ =	strace $0x8000004E  }
0xb3: {  	_ =	swait.ge [sflag:s29], $0x1  }
0xb4: {  	[sflag:s29] =	ssyncadd.s32 $0xFFFFFFFF  }
0xb5: {  	_ =	strace $0x9000004E  }
0xb6: {  	_ =	sfence  }
0xb7: {  	s30 =	sld [smem:$0x0];
	_ =	sdelay $0x2  }
0xb8: {  	s31 =	sshll.u32 s1, $0xD;
	s1 =	sshrl.u32 s1, $0x2  }
0xb9: {  	s3 =	sand.u32 $0x4000, s31;
	s1 =	sadd.s32 s1, s30  }
0xba: {  	s0 =	sor.u32 s3, s0;
	s1 =	sshll.u32 s1, $0x11  }
0xbb: {  	s0 =	sor.u32 s1, s0  }
0xbc: {  	s0 =	sadd.s32 $0x8F2B, s0  }
0xbd: {  	[sflag:s0] =	ssyncadd.remote.s32 $0x1  }
0xbe: {  	_ =	sfence.sel $0xFFFF  }
0xbf: {  	[dreg:$0x0] =	wrdreg $0xFFFFFFFF;
	(pc) =	sbr.abs _section_cstart, $3  }
0xc0: {  	[dreg:$0x1] =	wrdreg $0xFFFFFFFF  }
0xc1: {  	_ =	task.clear_ibuf [dreg:s6], $0x2FFFF;
	_ =	strace $0x9FFFFFFF  }
0xc2: {  	(tm) =	ssettm $0x7FFFFFFF  }
0xc3: {  	_ =	shalt  }
tec
execute0_lowered:
.L_overlay_start_1:
0x0: {  	(tag) =	ssettag $0x1  }
0x1: {  	s0 =	rddreg [dreg:$0x0]  }
0x2: {  	s1 =	rddreg [dreg:$0x1];
	s2 =	srdreg.scid;
	s4 =	simm.s32 $0x0  }
0x3: {  	s8 =	stileid.u32;
	s30 =	simm.s32 $0x11000;
	s2 =	sand.u32 $0x1, s2  }
0x4: {  	[smem:$0x7FF] =	sst s4;
	s6 =	smul.u32 $0xA000, s8;
	s4 =	sadd.s32 $0x20000, s0  }
0x5: {  	s3 =	smul.u32 $0xA0000, s2;
	s5 =	sshll.u32 s2, $0x4;
	_ =	strace $0x8000004D  }
0x6: {  	s2 =	ssub.s32 $0x2, s2;
	s5 =	sor.u32 s8, s5;
	s8 =	smul.u32 $0x28000, s8  }
0x7: {  	s7 =	sshrl.u32 s2, $0x1;
	s5 =	smul.u32 $0x500, s5;
	s3 =	sadd.s32 s6, s3  }
0x8: {  	[dreg:$0x3] =	wrdreg s30;
	s2 =	ssub.s32 s2, s7;
	s3 =	sshrl.u32 s3, $0x3  }
0x9: {  	s17 =	sshrl.u32 s8, $0x2;
	s2 =	smax.u32 s2, $0x1;
	s5 =	sadd.s32 s5, s0  }
0xa: {  	s0 =	sadd.s32 s3, s0;
	s3 =	sadd.s32 s17, s1;
	[dreg:$0x8] =	wrdreg s2  }
0xb: {  	s15 =	sadd.s32 $0x16000, s5;
	[dreg:$0x6] =	wrdreg s3  }
0xc: {  	s16 =	sadd.s32 $0x2000, s5;
	[dreg:$0x4] =	wrdreg s15  }
0xd: {  	s0 =	sadd.s32 $0x34000, s0;
	[dreg:$0x5] =	wrdreg s16  }
0xe: {  	s19 =	sadd.s32 $0x1000, s3;
	[dreg:$0x7] =	wrdreg s0  }
0xf: {  	s10 =	simm.s32 $0x11;
	s20 =	sadd.s32 $0x2000, s3;
	[dreg:$0x9] =	wrdreg s19  }
0x10: {  	s28 =	simm.s32 $0x1;
	s21 =	sadd.s32 $0x3000, s3;
	[dreg:$0xa] =	wrdreg s20  }
0x11: {  	s31 =	simm.s32 $0x2;
	s22 =	sadd.s32 $0x4000, s3;
	[dreg:$0xb] =	wrdreg s21  }
0x12: {  	s18 =	sadd.s32 s6, s1;
	s23 =	sadd.s32 $0x5000, s3;
	[dreg:$0xc] =	wrdreg s22  }
0x13: {  	s6 =	simm.s32 $0x8;
	s24 =	sadd.s32 $0x6000, s3;
	[dreg:$0xd] =	wrdreg s23  }
0x14: {  	s8 =	simm.s32 $0x0;
	s25 =	sadd.s32 $0x7000, s3;
	[dreg:$0xe] =	wrdreg s24  }
0x15: {  	s17 =	simm.s32 $0x13000;
	s26 =	sadd.s32 $0x8000, s3;
	[dreg:$0xf] =	wrdreg s25  }
0x16: {  	s2 =	simm.s32 $0xB;
	s29 =	sadd.s32 $0x9000, s3;
	[dreg:$0x10] =	wrdreg s26  }
0x17: {  	s3 =	simm.s32 $0x6;
	s5 =	simm.s32 $0xD;
	[dreg:$0x11] =	wrdreg s29  }
0x18: {  	s22 =	simm.s32 $0x80;
	s15 =	simm.s32 $0x5000;
	s16 =	simm.s32 $0x7000  }
0x19: {  	s0 =	sshrl.u32 s18, $0x3;
	s25 =	simm.s32 $0xB000;
	s21 =	simm.s32 $0xF000  }
0x1a: {  	v0 =	vimm.f32 $0.0e+00;
	s20 =	simm.s32 $0x4;
	[dreg:$0x12] =	wrdreg s0;
	s0 =	simm.s32 $0x9  }
.LBB2_1:
0x1b: {  	[dreg:$0x13] =	wrdreg s8  }
0x1c: {  	s7 =	simm.s32 $0x0;
	s29 =	rddreg [dreg:$0x4]  }
0x1d: {  	[tilespmem:s7], [sflag:$0x11] =	stream.linear.gather [hbm4b:s29+s7], $0x2800, $0x38;
	v63 =	vld [tilespmem:$0x0]  }
0x1e: {  	_ =	swait.ge [sflag:s10], $0x2800  }
0x1f: {  	[sflag:s10] =	ssyncset.done $0x0  }
0x20: {  	s9 =	simm.s32 $0x2800;
	s30 =	rddreg [dreg:$0x5];
	[sflag:s10] =	ssyncadd.s32 $0xFFFFD800  }
0x21: {  	[tilespmem:s9], [sflag:$0x11] =	stream.linear.gather [hbm4b:s30+s7], $0x2800, $0x38;
	v63 =	vld [tilespmem:$0x0]  }
0x22: {  	_ =	swait.ge [sflag:s10], $0x2800  }
0x23: {  	[sflag:s10] =	ssyncset.done $0x0  }
0x24: {  	s8 =	simm.s32 $0x100;
	s7 =	simm.s32 $0x0;
	[sflag:s10] =	ssyncadd.s32 $0xFFFFD800  }
.LBB2_2:
0x25: {  	p0 =	sne.s32 s8, $0x3F00;
	[tilespmem:s7+$0x15030] =	vst v0;
	s9 =	smov.u32 s8;
	s8 =	sadd.s32 $0x100, s8  }
.Ltmp0:
0x26: {  	[tilespmem:s7+$0x15020] =	vst v0;
	(pc) =	sbr.rel @p0 .LBB2_2-.Ltmp0, $3  }
0x27: {  	[tilespmem:s7+$0x15000] =	vst v0  }
0x28: {  	[tilespmem:s7+$0x15010] =	vst v0;
	_ =	sdelay $0x1  }
0x29: {  	s7 =	sshra.s32 s9, $0x2  }
0x2a: {  	[tilespmem:s7+$0x15030] =	vst v0  }
0x2b: {  	[tilespmem:s7+$0x15020] =	vst v0  }
0x2c: {  	[tilespmem:s7+$0x15000] =	vst v0  }
0x2d: {  	[tilespmem:s7+$0x15010] =	vst v0;
	s12 =	rddreg [dreg:$0x6];
	s8 =	simm.s32 $0x15000  }
0x2e: {  	[spmem:s12] =	stream.linear.scatter [tilespmem:s8], [sflag:$0x11], $0x1000, $0x38;
	v63 =	vld [tilespmem:$0x0]  }
0x2f: {  	_ =	swait.ge [sflag:s10], $0x1000  }
0x30: {  	[sflag:s10] =	ssyncset.done $0x0  }
0x31: {  	s13 =	rddreg [dreg:$0x9];
	[sflag:s10] =	ssyncadd.s32 $0xFFFFF000  }
0x32: {  	[spmem:s13] =	stream.linear.scatter [tilespmem:s8], [sflag:$0x11], $0x1000, $0x38;
	v63 =	vld [tilespmem:$0x0]  }
0x33: {  	_ =	swait.ge [sflag:s10], $0x1000  }
0x34: {  	[sflag:s10] =	ssyncset.done $0x0  }
0x35: {  	s14 =	rddreg [dreg:$0xa];
	[sflag:s10] =	ssyncadd.s32 $0xFFFFF000  }
0x36: {  	[spmem:s14] =	stream.linear.scatter [tilespmem:s8], [sflag:$0x11], $0x1000, $0x38;
	v63 =	vld [tilespmem:$0x0]  }
0x37: {  	_ =	swait.ge [sflag:s10], $0x1000  }
0x38: {  	[sflag:s10] =	ssyncset.done $0x0  }
0x39: {  	s18 =	rddreg [dreg:$0xb];
	[sflag:s10] =	ssyncadd.s32 $0xFFFFF000  }
0x3a: {  	[spmem:s18] =	stream.linear.scatter [tilespmem:s8], [sflag:$0x11], $0x1000, $0x38;
	v63 =	vld [tilespmem:$0x0]  }
0x3b: {  	_ =	swait.ge [sflag:s10], $0x1000  }
0x3c: {  	[sflag:s10] =	ssyncset.done $0x0  }
0x3d: {  	s19 =	rddreg [dreg:$0xc];
	[sflag:s10] =	ssyncadd.s32 $0xFFFFF000  }
0x3e: {  	[spmem:s19] =	stream.linear.scatter [tilespmem:s8], [sflag:$0x11], $0x1000, $0x38;
	v63 =	vld [tilespmem:$0x0]  }
0x3f: {  	_ =	swait.ge [sflag:s10], $0x1000  }
0x40: {  	[sflag:s10] =	ssyncset.done $0x0  }
0x41: {  	s23 =	rddreg [dreg:$0xd];
	[sflag:s10] =	ssyncadd.s32 $0xFFFFF000  }
0x42: {  	[spmem:s23] =	stream.linear.scatter [tilespmem:s8], [sflag:$0x11], $0x1000, $0x38;
	v63 =	vld [tilespmem:$0x0]  }
0x43: {  	_ =	swait.ge [sflag:s10], $0x1000  }
0x44: {  	[sflag:s10] =	ssyncset.done $0x0  }
0x45: {  	s24 =	rddreg [dreg:$0xe];
	[sflag:s10] =	ssyncadd.s32 $0xFFFFF000  }
0x46: {  	[spmem:s24] =	stream.linear.scatter [tilespmem:s8], [sflag:$0x11], $0x1000, $0x38;
	v63 =	vld [tilespmem:$0x0]  }
0x47: {  	_ =	swait.ge [sflag:s10], $0x1000  }
0x48: {  	[sflag:s10] =	ssyncset.done $0x0  }
0x49: {  	s26 =	rddreg [dreg:$0xf];
	[sflag:s10] =	ssyncadd.s32 $0xFFFFF000  }
0x4a: {  	[spmem:s26] =	stream.linear.scatter [tilespmem:s8], [sflag:$0x11], $0x1000, $0x38;
	v63 =	vld [tilespmem:$0x0]  }
0x4b: {  	_ =	swait.ge [sflag:s10], $0x1000  }
0x4c: {  	[sflag:s10] =	ssyncset.done $0x0  }
0x4d: {  	s29 =	rddreg [dreg:$0x10];
	[sflag:s10] =	ssyncadd.s32 $0xFFFFF000  }
0x4e: {  	[spmem:s29] =	stream.linear.scatter [tilespmem:s8], [sflag:$0x11], $0x1000, $0x38;
	v63 =	vld [tilespmem:$0x0]  }
0x4f: {  	_ =	swait.ge [sflag:s10], $0x1000  }
0x50: {  	[sflag:s10] =	ssyncset.done $0x0  }
0x51: {  	s30 =	rddreg [dreg:$0x11];
	[sflag:s10] =	ssyncadd.s32 $0xFFFFF000  }
0x52: {  	[spmem:s30] =	stream.linear.scatter [tilespmem:s8], [sflag:$0x11], $0x1000, $0x38;
	v63 =	vld [tilespmem:$0x0]  }
0x53: {  	_ =	swait.ge [sflag:s10], $0x1000  }
0x54: {  	[sflag:s10] =	ssyncset.done $0x0  }
0x55: {  	[sflag:s10] =	ssyncadd.s32 $0xFFFFF000  }
0x56: {  	s8 =	simm.s32 $0x0;
	[bflag:$0x0] =	sbarrier.arrive $0xFFFF  }
0x57: {  	[tilespmem:s15], [sflag:$0x1] =	stream.indirect.gather [hbm4b:s4+s22], $0x40, s8, s22, $0xb8;
	v63 =	vld [tilespmem:$0x0]  }
0x58: {  	_ = 	snop  }
0x59: {  	[tilespmem:s16], [sflag:$0x2] =	stream.indirect.gather [hbm4b:s4+s22], $0x40, s22, s22, $0xb8;
	v63 =	vld [tilespmem:$0x0]  }
0x5a: {  	s9 =	simm.s32 $0x100;
	s10 =	simm.s32 $0x9000  }
0x5b: {  	[tilespmem:s10], [sflag:$0x3] =	stream.indirect.gather [hbm4b:s4+s22], $0x40, s9, s22, $0xb8;
	v63 =	vld [tilespmem:$0x0]  }
0x5c: {  	s11 =	simm.s32 $0x180  }
0x5d: {  	[tilespmem:s25], [sflag:$0x4] =	stream.indirect.gather [hbm4b:s4+s22], $0x40, s11, s22, $0xb8;
	v63 =	vld [tilespmem:$0x0]  }
0x5e: {  	p0 =	por $0x1, $0x1;
	s12 =	simm.s32 $0x200;
	s13 =	simm.s32 $0xD000  }
0x5f: {  	[tilespmem:s13], [sflag:$0x5] =	stream.indirect.gather [hbm4b:s4+s22], $0x40, s12, s22, $0xb8;
	v63 =	vld [tilespmem:$0x0]  }
0x60: {  	s7 =	simm.s32 @!p0 $0xF;
	s14 =	simm.s32 $0x280  }
0x61: {  	[tilespmem:s21], [sflag:$0x6] =	stream.indirect.gather [hbm4b:s4+s22], $0x40, s14, s22, $0xb8;
	v63 =	vld [tilespmem:$0x0]  }
0x62: {  	_ =	swait.ge @!p0 [sflag:s7], $0x2000  }
0x63: {  	[sflag:s7] =	ssyncset.done @!p0 $0x0  }
0x64: {  	s19 =	simm.s32 $0x300;
	s18 =	rddreg [dreg:$0x3];
	[sflag:s7] =	ssyncadd.s32 @!p0 $0xFFFFE000  }
0x65: {  	[tilespmem:s18], [sflag:$0x7] =	stream.indirect.gather [hbm4b:s4+s22], $0x40, s19, s22, $0xb8;
	v63 =	vld [tilespmem:$0x0]  }
0x66: {  	_ =	swait.ge [sflag:s28], $0x2000  }
0x67: {  	[sflag:s28] =	ssyncset.done $0x0  }
0x68: {  	s23 =	simm.s32 $0x2800;
	s8 =	simm.s32 @!p0 $0x10;
	[sflag:s28] =	ssyncadd.s32 $0xFFFFE000  }
0x69: {  	[spmem:s1] =	stream.indirect.scatter.add.f32 [tilespmem:s15], [sflag:$0x9], $0x40, s23, s22, $0xb8;
	v63 =	vld [tilespmem:$0x0]  }
0x6a: {  	_ =	swait.ge @!p0 [sflag:s8], $0x2000  }
0x6b: {  	[sflag:s8] =	ssyncset.done @!p0 $0x0  }
0x6c: {  	s24 =	simm.s32 $0x380;
	[sflag:s8] =	ssyncadd.s32 @!p0 $0xFFFFE000  }
0x6d: {  	[tilespmem:s17], [sflag:$0x8] =	stream.indirect.gather [hbm4b:s4+s22], $0x40, s24, s22, $0xb8;
	v63 =	vld [tilespmem:$0x0]  }
0x6e: {  	_ =	swait.ge [sflag:s31], $0x2000  }
0x6f: {  	[sflag:s31] =	ssyncset.done $0x0  }
0x70: {  	s26 =	simm.s32 $0x2880;
	[sflag:s31] =	ssyncadd.s32 $0xFFFFE000  }
0x71: {  	[spmem:s1] =	stream.indirect.scatter.add.f32 [tilespmem:s16], [sflag:$0xA], $0x40, s26, s22, $0xb8;
	v63 =	vld [tilespmem:$0x0]  }
0x72: {  	_ =	swait.ge [sflag:s0], $0x2000  }
0x73: {  	p0 =	por $0x0, $0x0;
	[sflag:s0] =	ssyncset.done $0x0  }
0x74: {  	s7 =	simm.s32 @p0 $0x3;
	[sflag:s0] =	ssyncadd.s32 $0xFFFFE000  }
0x75: {  	_ =	swait.ge @p0 [sflag:s7], $0x2000  }
0x76: {  	s9 =	simm.s32 @p0 $0x9000;
	s8 =	simm.s32 @p0 $0x80;
	[sflag:s7] =	ssyncset.done @p0 $0x0  }
0x77: {  	s11 =	simm.s32 @p0 $0xA;
	[sflag:s7] =	ssyncadd.s32 @p0 $0xFFFFE000;
	s7 =	simm.s32 @p0 $0x2900  }
0x78: {  	[spmem:s1] =	stream.indirect.scatter.add.f32 @p0 [tilespmem:s9], [sflag:$0xB], $0x40, s7, s8, $0xb8;
	v63 =	vld [tilespmem:$0x0]  }
0x79: {  	_ =	swait.ge @p0 [sflag:s11], $0x2000  }
0x7a: {  	s12 =	simm.s32 @!p0 $0x5000;
	s9 =	simm.s32 @!p0 $0x400;
	[sflag:s11] =	ssyncset.done @p0 $0x0  }
0x7b: {  	s7 =	simm.s32 @!p0 $0x80;
	[sflag:s11] =	ssyncadd.s32 @p0 $0xFFFFE000;
	s11 =	simm.s32 @!p0 $0x3  }
0x7c: {  	[tilespmem:s12], [sflag:$0x1] =	stream.indirect.gather @!p0 [hbm4b:s4+s7], $0x40, s9, s7, $0xb8;
	v63 =	vld [tilespmem:$0x0]  }
0x7d: {  	_ =	swait.ge @!p0 [sflag:s11], $0x2000  }
0x7e: {  	s9 =	simm.s32 @!p0 $0x2900;
	[sflag:s11] =	ssyncset.done @!p0 $0x0  }
0x7f: {  	s12 =	simm.s32 @!p0 $0x9000;
	[sflag:s11] =	ssyncadd.s32 @!p0 $0xFFFFE000;
	s11 =	simm.s32 @!p0 $0xA  }
0x80: {  	[spmem:s1] =	stream.indirect.scatter.add.f32 @!p0 [tilespmem:s12], [sflag:$0xB], $0x40, s9, s7, $0xb8;
	v63 =	vld [tilespmem:$0x0]  }
0x81: {  	_ =	swait.ge @!p0 [sflag:s11], $0x2000  }
0x82: {  	[sflag:s11] =	ssyncset.done @!p0 $0x0  }
0x83: {  	s9 =	simm.s32 @!p0 $0x480;
	[sflag:s11] =	ssyncadd.s32 @!p0 $0xFFFFE000;
	s11 =	simm.s32 @!p0 $0x7000  }
0x84: {  	[tilespmem:s11], [sflag:$0x2] =	stream.indirect.gather @!p0 [hbm4b:s4+s7], $0x40, s9, s7, $0xb8;
	v63 =	vld [tilespmem:$0x0]  }
0x85: {  	_ =	swait.ge [sflag:s20], $0x2000  }
0x86: {  	[sflag:s20] =	ssyncset.done $0x0  }
0x87: {  	s29 =	simm.s32 $0x2980;
	[sflag:s20] =	ssyncadd.s32 $0xFFFFE000  }
0x88: {  	[spmem:s1] =	stream.indirect.scatter.add.f32 [tilespmem:s25], [sflag:$0xC], $0x40, s29, s22, $0xb8;
	v63 =	vld [tilespmem:$0x0]  }
0x89: {  	_ =	swait.ge [sflag:s2], $0x2000  }
0x8a: {  	[sflag:s2] =	ssyncset.done $0x0  }
0x8b: {  	s9 =	simm.s32 @p0 $0x5;
	[sflag:s2] =	ssyncadd.s32 $0xFFFFE000  }
0x8c: {  	_ =	swait.ge @p0 [sflag:s9], $0x2000  }
0x8d: {  	[sflag:s9] =	ssyncset.done @p0 $0x0  }
0x8e: {  	s11 =	simm.s32 @p0 $0x2A00;
	[sflag:s9] =	ssyncadd.s32 @p0 $0xFFFFE000;
	s9 =	simm.s32 @p0 $0xD000  }
0x8f: {  	[spmem:s1] =	stream.indirect.scatter.add.f32 @p0 [tilespmem:s9], [sflag:$0xD], $0x40, s11, s8, $0xb8;
	v63 =	vld [tilespmem:$0x0]  }
0x90: {  	s9 =	simm.s32 @p0 $0xC  }
0x91: {  	_ =	swait.ge @p0 [sflag:s9], $0x2000  }
0x92: {  	[sflag:s9] =	ssyncset.done @p0 $0x0  }
0x93: {  	s11 =	simm.s32 @!p0 $0x500;
	[sflag:s9] =	ssyncadd.s32 @p0 $0xFFFFE000;
	s9 =	simm.s32 @!p0 $0x5  }
0x94: {  	[tilespmem:s12], [sflag:$0x3] =	stream.indirect.gather @!p0 [hbm4b:s4+s7], $0x40, s11, s7, $0xb8;
	v63 =	vld [tilespmem:$0x0]  }
0x95: {  	_ =	swait.ge @!p0 [sflag:s9], $0x2000  }
0x96: {  	s11 =	simm.s32 @!p0 $0x2A00;
	[sflag:s9] =	ssyncset.done @!p0 $0x0  }
0x97: {  	s12 =	simm.s32 @!p0 $0xD000;
	[sflag:s9] =	ssyncadd.s32 @!p0 $0xFFFFE000;
	s9 =	simm.s32 @!p0 $0xC  }
0x98: {  	[spmem:s1] =	stream.indirect.scatter.add.f32 @!p0 [tilespmem:s12], [sflag:$0xD], $0x40, s11, s7, $0xb8;
	v63 =	vld [tilespmem:$0x0]  }
0x99: {  	_ =	swait.ge @!p0 [sflag:s9], $0x2000  }
0x9a: {  	[sflag:s9] =	ssyncset.done @!p0 $0x0  }
0x9b: {  	s11 =	simm.s32 @!p0 $0x580;
	[sflag:s9] =	ssyncadd.s32 @!p0 $0xFFFFE000;
	s9 =	simm.s32 @!p0 $0xB000  }
0x9c: {  	[tilespmem:s9], [sflag:$0x4] =	stream.indirect.gather @!p0 [hbm4b:s4+s7], $0x40, s11, s7, $0xb8;
	v63 =	vld [tilespmem:$0x0]  }
0x9d: {  	_ =	swait.ge [sflag:s3], $0x2000  }
0x9e: {  	[sflag:s3] =	ssyncset.done $0x0  }
0x9f: {  	s30 =	simm.s32 $0x2A80;
	[sflag:s3] =	ssyncadd.s32 $0xFFFFE000  }
0xa0: {  	[spmem:s1] =	stream.indirect.scatter.add.f32 [tilespmem:s21], [sflag:$0xE], $0x40, s30, s22, $0xb8;
	v63 =	vld [tilespmem:$0x0]  }
0xa1: {  	_ =	swait.ge [sflag:s5], $0x2000  }
0xa2: {  	[sflag:s5] =	ssyncset.done $0x0  }
0xa3: {  	s9 =	simm.s32 @p0 $0x7;
	[sflag:s5] =	ssyncadd.s32 $0xFFFFE000  }
0xa4: {  	_ =	swait.ge @p0 [sflag:s9], $0x2000  }
0xa5: {  	[sflag:s9] =	ssyncset.done @p0 $0x0  }
0xa6: {  	s11 =	simm.s32 @p0 $0x2B00;
	[sflag:s9] =	ssyncadd.s32 @p0 $0xFFFFE000;
	s9 =	simm.s32 @p0 $0x11000  }
0xa7: {  	[spmem:s1] =	stream.indirect.scatter.add.f32 @p0 [tilespmem:s9], [sflag:$0xF], $0x40, s11, s8, $0xb8;
	v63 =	vld [tilespmem:$0x0]  }
0xa8: {  	s8 =	simm.s32 @p0 $0xE  }
0xa9: {  	_ =	swait.ge @p0 [sflag:s8], $0x2000  }
0xaa: {  	[sflag:s8] =	ssyncset.done @p0 $0x0  }
0xab: {  	[sflag:s8] =	ssyncadd.s32 @p0 $0xFFFFE000;
	s8 =	simm.s32 @!p0 $0x600  }
0xac: {  	[tilespmem:s12], [sflag:$0x5] =	stream.indirect.gather @!p0 [hbm4b:s4+s7], $0x40, s8, s7, $0xb8;
	v63 =	vld [tilespmem:$0x0]  }
0xad: {  	s8 =	simm.s32 @!p0 $0x7  }
0xae: {  	_ =	swait.ge @!p0 [sflag:s8], $0x2000  }
0xaf: {  	[sflag:s8] =	ssyncset.done @!p0 $0x0  }
0xb0: {  	s9 =	simm.s32 @!p0 $0x2B00;
	[sflag:s8] =	ssyncadd.s32 @!p0 $0xFFFFE000;
	s8 =	simm.s32 @!p0 $0x11000  }
0xb1: {  	[spmem:s1] =	stream.indirect.scatter.add.f32 @!p0 [tilespmem:s8], [sflag:$0xF], $0x40, s9, s7, $0xb8;
	v63 =	vld [tilespmem:$0x0]  }
0xb2: {  	s8 =	simm.s32 @!p0 $0xE  }
0xb3: {  	_ =	swait.ge @!p0 [sflag:s8], $0x2000  }
0xb4: {  	p1 =	por $0x0, $0x0;
	s13 =	simm.s32 $0x2B80;
	[sflag:s8] =	ssyncset.done @!p0 $0x0  }
0xb5: {  	s9 =	simm.s32 @!p0 $0x680;
	[sflag:s8] =	ssyncadd.s32 @!p0 $0xFFFFE000;
	s8 =	simm.s32 @!p0 $0xF000  }
0xb6: {  	[tilespmem:s8], [sflag:$0x6] =	stream.indirect.gather @!p0 [hbm4b:s4+s7], $0x40, s9, s7, $0xb8;
	v63 =	vld [tilespmem:$0x0]  }
0xb7: {  	s11 =	simm.s32 $0x2000;
	s12 =	simm.s32 $0x1000;
	_ =	swait.ge [sflag:s6], $0x2000  }
.LBB2_4:
0xb8: {  	[sflag:s6] =	ssyncset.done $0x0  }
0xb9: {  	s7 =	simm.s32 @!p1 $0xF;
	[sflag:s6] =	ssyncadd.s32 $0xFFFFE000  }
0xba: {  	[spmem:s1] =	stream.indirect.scatter.add.f32 [tilespmem:s17], [sflag:$0x10], $0x40, s13, s22, $0xb8;
	v63 =	vld [tilespmem:$0x0]  }
0xbb: {  	_ =	swait.ge @!p1 [sflag:s7], $0x2000  }
0xbc: {  	s14 =	sshra.s32 s12, $0x2;
	[sflag:s7] =	ssyncset.done @!p1 $0x0  }
0xbd: {  	s21 =	sadd.s32 $0x300, s14;
	s8 =	rddreg [dreg:$0x3];
	[sflag:s7] =	ssyncadd.s32 @!p1 $0xFFFFE000  }
0xbe: {  	[tilespmem:s8], [sflag:$0x7] =	stream.indirect.gather [hbm4b:s4+s22], $0x40, s21, s22, $0xb8;
	v63 =	vld [tilespmem:$0x0]  }
0xbf: {  	_ =	swait.ge [sflag:s28], $0x2000  }
0xc0: {  	[sflag:s28] =	ssyncset.done $0x0  }
0xc1: {  	s23 =	sadd.s32 $0x2800, s14;
	s8 =	simm.s32 @!p1 $0x10;
	[sflag:s28] =	ssyncadd.s32 $0xFFFFE000  }
0xc2: {  	[spmem:s1] =	stream.indirect.scatter.add.f32 [tilespmem:s15], [sflag:$0x9], $0x40, s23, s22, $0xb8;
	v63 =	vld [tilespmem:$0x0]  }
0xc3: {  	_ =	swait.ge @!p1 [sflag:s8], $0x2000  }
0xc4: {  	[sflag:s8] =	ssyncset.done @!p1 $0x0  }
0xc5: {  	s24 =	sadd.s32 $0x380, s14;
	[sflag:s8] =	ssyncadd.s32 @!p1 $0xFFFFE000  }
0xc6: {  	[tilespmem:s17], [sflag:$0x8] =	stream.indirect.gather [hbm4b:s4+s22], $0x40, s24, s22, $0xb8;
	v63 =	vld [tilespmem:$0x0]  }
0xc7: {  	_ =	swait.ge [sflag:s31], $0x2000  }
0xc8: {  	[sflag:s31] =	ssyncset.done $0x0  }
0xc9: {  	s26 =	sadd.s32 $0x2880, s14;
	[sflag:s31] =	ssyncadd.s32 $0xFFFFE000  }
0xca: {  	[spmem:s1] =	stream.indirect.scatter.add.f32 [tilespmem:s16], [sflag:$0xA], $0x40, s26, s22, $0xb8;
	v63 =	vld [tilespmem:$0x0]  }
0xcb: {  	_ =	swait.ge [sflag:s0], $0x2000  }
0xcc: {  	p1 =	seq.s32 s12, $0x9000;
	[sflag:s0] =	ssyncset.done $0x0  }
0xcd: {  	s7 =	simm.s32 @p1 $0x3;
	[sflag:s0] =	ssyncadd.s32 $0xFFFFE000  }
0xce: {  	s8 =	simm.s32 @p1 $0x9000;
	_ =	swait.ge @p1 [sflag:s7], $0x2000  }
0xcf: {  	s17 =	sshra.s32 @p1 s12, $0x2;
	s21 =	simm.s32 @p1 $0xA;
	[sflag:s7] =	ssyncset.done @p1 $0x0  }
0xd0: {  	s16 =	simm.s32 @p1 $0x80;
	[sflag:s7] =	ssyncadd.s32 @p1 $0xFFFFE000;
	s7 =	sadd.s32 @p1 $0x2900, s17  }
0xd1: {  	[spmem:s1] =	stream.indirect.scatter.add.f32 @p1 [tilespmem:s8], [sflag:$0xB], $0x40, s7, s16, $0xb8;
	v63 =	vld [tilespmem:$0x0]  }
0xd2: {  	s12 =	sshra.s32 @!p1 s12, $0x2;
	_ =	swait.ge @p1 [sflag:s21], $0x2000  }
0xd3: {  	s15 =	simm.s32 @!p1 $0x80;
	s23 =	simm.s32 @!p1 $0x3;
	[sflag:s21] =	ssyncset.done @p1 $0x0  }
0xd4: {  	s18 =	sadd.s32 @!p1 $0x400, s12;
	s7 =	simm.s32 @!p1 $0x5000;
	[sflag:s21] =	ssyncadd.s32 @p1 $0xFFFFE000  }
0xd5: {  	[tilespmem:s7], [sflag:$0x1] =	stream.indirect.gather @!p1 [hbm4b:s4+s15], $0x40, s18, s15, $0xb8;
	v63 =	vld [tilespmem:$0x0]  }
0xd6: {  	s25 =	smov.u32 s11;
	_ =	swait.ge @!p1 [sflag:s23], $0x2000  }
0xd7: {  	s29 =	simm.s32 @!p1 $0xA;
	s10 =	sadd.s32 @!p1 $0x2900, s12;
	[sflag:s23] =	ssyncset.done @!p1 $0x0  }
0xd8: {  	s19 =	sadd.s32 @!p1 $0x480, s12;
	s26 =	simm.s32 @!p1 $0x9000;
	[sflag:s23] =	ssyncadd.s32 @!p1 $0xFFFFE000  }
0xd9: {  	[spmem:s1] =	stream.indirect.scatter.add.f32 @!p1 [tilespmem:s26], [sflag:$0xB], $0x40, s10, s15, $0xb8;
	v63 =	vld [tilespmem:$0x0]  }
0xda: {  	s9 =	sadd.s32 @!p1 $0x580, s12;
	s24 =	sadd.s32 @p1 $0x2A00, s17;
	_ =	swait.ge @!p1 [sflag:s29], $0x2000  }
0xdb: {  	s30 =	sadd.s32 @!p1 $0x500, s12;
	s8 =	sadd.s32 @p1 $0x2B00, s17;
	[sflag:s29] =	ssyncset.done @!p1 $0x0  }
0xdc: {  	s17 =	sadd.s32 @!p1 $0x680, s12;
	s10 =	simm.s32 @!p1 $0x7000;
	[sflag:s29] =	ssyncadd.s32 @!p1 $0xFFFFE000  }
0xdd: {  	[tilespmem:s10], [sflag:$0x2] =	stream.indirect.gather @!p1 [hbm4b:s4+s15], $0x40, s19, s15, $0xb8;
	v63 =	vld [tilespmem:$0x0]  }
0xde: {  	s21 =	sadd.s32 @!p1 $0x2A00, s12;
	s7 =	sadd.s32 @!p1 $0x600, s12;
	_ =	swait.ge [sflag:s20], $0x2000  }
0xdf: {  	s18 =	sadd.s32 @!p1 $0x2B00, s12;
	s12 =	smov.u32 s25;
	[sflag:s20] =	ssyncset.done $0x0  }
0xe0: {  	s25 =	simm.s32 $0xB000;
	s29 =	sadd.s32 $0x2980, s14;
	[sflag:s20] =	ssyncadd.s32 $0xFFFFE000  }
0xe1: {  	[spmem:s1] =	stream.indirect.scatter.add.f32 [tilespmem:s25], [sflag:$0xC], $0x40, s29, s22, $0xb8;
	v63 =	vld [tilespmem:$0x0]  }
0xe2: {  	_ =	swait.ge [sflag:s2], $0x2000  }
0xe3: {  	[sflag:s2] =	ssyncset.done $0x0  }
0xe4: {  	s10 =	simm.s32 @p1 $0x5;
	[sflag:s2] =	ssyncadd.s32 $0xFFFFE000  }
0xe5: {  	_ =	swait.ge @p1 [sflag:s10], $0x2000  }
0xe6: {  	[sflag:s10] =	ssyncset.done @p1 $0x0  }
0xe7: {  	s23 =	simm.s32 @p1 $0xC;
	s19 =	simm.s32 @p1 $0xD000;
	[sflag:s10] =	ssyncadd.s32 @p1 $0xFFFFE000  }
0xe8: {  	[spmem:s1] =	stream.indirect.scatter.add.f32 @p1 [tilespmem:s19], [sflag:$0xD], $0x40, s24, s16, $0xb8;
	v63 =	vld [tilespmem:$0x0]  }
0xe9: {  	_ =	swait.ge @p1 [sflag:s23], $0x2000  }
0xea: {  	[sflag:s23] =	ssyncset.done @p1 $0x0  }
0xeb: {  	s10 =	simm.s32 @!p1 $0x5;
	[sflag:s23] =	ssyncadd.s32 @p1 $0xFFFFE000  }
0xec: {  	[tilespmem:s26], [sflag:$0x3] =	stream.indirect.gather @!p1 [hbm4b:s4+s15], $0x40, s30, s15, $0xb8;
	v63 =	vld [tilespmem:$0x0]  }
0xed: {  	_ =	swait.ge @!p1 [sflag:s10], $0x2000  }
0xee: {  	[sflag:s10] =	ssyncset.done @!p1 $0x0  }
0xef: {  	s19 =	simm.s32 @!p1 $0xD000;
	[sflag:s10] =	ssyncadd.s32 @!p1 $0xFFFFE000;
	s10 =	simm.s32 @!p1 $0xC  }
0xf0: {  	[spmem:s1] =	stream.indirect.scatter.add.f32 @!p1 [tilespmem:s19], [sflag:$0xD], $0x40, s21, s15, $0xb8;
	v63 =	vld [tilespmem:$0x0]  }
0xf1: {  	_ =	swait.ge @!p1 [sflag:s10], $0x2000  }
0xf2: {  	[sflag:s10] =	ssyncset.done @!p1 $0x0  }
0xf3: {  	s21 =	simm.s32 @!p1 $0xB000;
	[sflag:s10] =	ssyncadd.s32 @!p1 $0xFFFFE000  }
0xf4: {  	[tilespmem:s21], [sflag:$0x4] =	stream.indirect.gather @!p1 [hbm4b:s4+s15], $0x40, s9, s15, $0xb8;
	v63 =	vld [tilespmem:$0x0]  }
0xf5: {  	_ =	swait.ge [sflag:s3], $0x2000  }
0xf6: {  	[sflag:s3] =	ssyncset.done $0x0  }
0xf7: {  	s30 =	sadd.s32 $0x2A80, s14;
	s21 =	simm.s32 $0xF000;
	[sflag:s3] =	ssyncadd.s32 $0xFFFFE000  }
0xf8: {  	[spmem:s1] =	stream.indirect.scatter.add.f32 [tilespmem:s21], [sflag:$0xE], $0x40, s30, s22, $0xb8;
	v63 =	vld [tilespmem:$0x0]  }
0xf9: {  	_ =	swait.ge [sflag:s5], $0x2000  }
0xfa: {  	[sflag:s5] =	ssyncset.done $0x0  }
0xfb: {  	s9 =	simm.s32 @p1 $0x7;
	[sflag:s5] =	ssyncadd.s32 $0xFFFFE000  }
0xfc: {  	_ =	swait.ge @p1 [sflag:s9], $0x2000  }
0xfd: {  	[sflag:s9] =	ssyncset.done @p1 $0x0  }
0xfe: {  	s10 =	simm.s32 @p1 $0x11000;
	[sflag:s9] =	ssyncadd.s32 @p1 $0xFFFFE000;
	s9 =	simm.s32 @p1 $0xE  }
0xff: {  	[spmem:s1] =	stream.indirect.scatter.add.f32 @p1 [tilespmem:s10], [sflag:$0xF], $0x40, s8, s16, $0xb8;
	v63 =	vld [tilespmem:$0x0]  }
0x100: {  	_ =	swait.ge @p1 [sflag:s9], $0x2000  }
0x101: {  	[sflag:s9] =	ssyncset.done @p1 $0x0  }
0x102: {  	s8 =	simm.s32 @!p1 $0x7;
	[sflag:s9] =	ssyncadd.s32 @p1 $0xFFFFE000  }
0x103: {  	[tilespmem:s19], [sflag:$0x5] =	stream.indirect.gather @!p1 [hbm4b:s4+s15], $0x40, s7, s15, $0xb8;
	v63 =	vld [tilespmem:$0x0]  }
0x104: {  	_ =	swait.ge @!p1 [sflag:s8], $0x2000  }
0x105: {  	s11 =	sadd.s32 $0x1000, s11;
	[sflag:s8] =	ssyncset.done @!p1 $0x0  }
0x106: {  	s7 =	simm.s32 @!p1 $0x11000;
	[sflag:s8] =	ssyncadd.s32 @!p1 $0xFFFFE000;
	s8 =	simm.s32 @!p1 $0xE  }
0x107: {  	[spmem:s1] =	stream.indirect.scatter.add.f32 @!p1 [tilespmem:s7], [sflag:$0xF], $0x40, s18, s15, $0xb8;
	v63 =	vld [tilespmem:$0x0]  }
0x108: {  	p0 =	sne.s32 s11, $0xA000;
	_ =	swait.ge @!p1 [sflag:s8], $0x2000  }
.Ltmp1:
0x109: {  	[sflag:s8] =	ssyncset.done @!p1 $0x0;
	(pc) =	sbr.rel @p0 .LBB2_4-.Ltmp1, $4  }
0x10a: {  	s7 =	simm.s32 @!p1 $0xF000;
	[sflag:s8] =	ssyncadd.s32 @!p1 $0xFFFFE000  }
0x10b: {  	[tilespmem:s7], [sflag:$0x6] =	stream.indirect.gather @!p1 [hbm4b:s4+s15], $0x40, s17, s15, $0xb8;
	v63 =	vld [tilespmem:$0x0]  }
0x10c: {  	s13 =	sadd.s32 $0x2B80, s14;
	s16 =	simm.s32 $0x7000;
	s17 =	simm.s32 $0x13000  }
0x10d: {  	s15 =	simm.s32 $0x5000;
	p1 =	seq.s32 s12, $0x0;
	_ =	swait.ge [sflag:s6], $0x2000  }
0x10e: {  	[sflag:s6] =	ssyncset.done $0x0  }
0x10f: {  	s7 =	simm.s32 @!p1 $0xF;
	[sflag:s6] =	ssyncadd.s32 $0xFFFFE000  }
0x110: {  	[spmem:s1] =	stream.indirect.scatter.add.f32 [tilespmem:s17], [sflag:$0x10], $0x40, s13, s22, $0xb8;
	v63 =	vld [tilespmem:$0x0]  }
0x111: {  	_ =	swait.ge @!p1 [sflag:s7], $0x2000  }
0x112: {  	s11 =	sshra.s32 s12, $0x2;
	[sflag:s7] =	ssyncset.done @!p1 $0x0  }
0x113: {  	s23 =	sadd.s32 $0x300, s11;
	s8 =	rddreg [dreg:$0x3];
	[sflag:s7] =	ssyncadd.s32 @!p1 $0xFFFFE000  }
0x114: {  	[tilespmem:s8], [sflag:$0x7] =	stream.indirect.gather [hbm4b:s4+s22], $0x40, s23, s22, $0xb8;
	v63 =	vld [tilespmem:$0x0]  }
0x115: {  	_ =	swait.ge [sflag:s28], $0x2000  }
0x116: {  	[sflag:s28] =	ssyncset.done $0x0  }
0x117: {  	s24 =	sadd.s32 $0x2800, s11;
	s8 =	simm.s32 @!p1 $0x10;
	[sflag:s28] =	ssyncadd.s32 $0xFFFFE000  }
0x118: {  	[spmem:s1] =	stream.indirect.scatter.add.f32 [tilespmem:s15], [sflag:$0x9], $0x40, s24, s22, $0xb8;
	v63 =	vld [tilespmem:$0x0]  }
0x119: {  	_ =	swait.ge @!p1 [sflag:s8], $0x2000  }
0x11a: {  	[sflag:s8] =	ssyncset.done @!p1 $0x0  }
0x11b: {  	s26 =	sadd.s32 $0x380, s11;
	[sflag:s8] =	ssyncadd.s32 @!p1 $0xFFFFE000  }
0x11c: {  	[tilespmem:s17], [sflag:$0x8] =	stream.indirect.gather [hbm4b:s4+s22], $0x40, s26, s22, $0xb8;
	v63 =	vld [tilespmem:$0x0]  }
0x11d: {  	_ =	swait.ge [sflag:s31], $0x2000  }
0x11e: {  	[sflag:s31] =	ssyncset.done $0x0  }
0x11f: {  	s29 =	sadd.s32 $0x2880, s11;
	[sflag:s31] =	ssyncadd.s32 $0xFFFFE000  }
0x120: {  	[spmem:s1] =	stream.indirect.scatter.add.f32 [tilespmem:s16], [sflag:$0xA], $0x40, s29, s22, $0xb8;
	v63 =	vld [tilespmem:$0x0]  }
0x121: {  	_ =	swait.ge [sflag:s0], $0x2000  }
0x122: {  	p0 =	seq.s32 s12, $0x9000;
	[sflag:s0] =	ssyncset.done $0x0  }
0x123: {  	s7 =	simm.s32 @p0 $0x3;
	[sflag:s0] =	ssyncadd.s32 $0xFFFFE000  }
0x124: {  	s9 =	simm.s32 @p0 $0x80;
	_ =	swait.ge @p0 [sflag:s7], $0x2000  }
0x125: {  	s10 =	simm.s32 @p0 $0xA;
	s13 =	sshra.s32 @p0 s12, $0x2;
	[sflag:s7] =	ssyncset.done @p0 $0x0  }
0x126: {  	s8 =	simm.s32 @p0 $0x9000;
	[sflag:s7] =	ssyncadd.s32 @p0 $0xFFFFE000;
	s7 =	sadd.s32 @p0 $0x2900, s13  }
0x127: {  	[spmem:s1] =	stream.indirect.scatter.add.f32 @p0 [tilespmem:s8], [sflag:$0xB], $0x40, s7, s9, $0xb8;
	v63 =	vld [tilespmem:$0x0]  }
0x128: {  	s14 =	simm.s32 @!p0 $0x5000;
	_ =	swait.ge @p0 [sflag:s10], $0x2000  }
0x129: {  	s7 =	sshra.s32 @!p0 s12, $0x2;
	s8 =	simm.s32 @!p0 $0x80;
	[sflag:s10] =	ssyncset.done @p0 $0x0  }
0x12a: {  	s12 =	sadd.s32 @!p0 $0x400, s7;
	[sflag:s10] =	ssyncadd.s32 @p0 $0xFFFFE000;
	s10 =	simm.s32 @!p0 $0x3  }
0x12b: {  	[tilespmem:s14], [sflag:$0x1] =	stream.indirect.gather @!p0 [hbm4b:s4+s8], $0x40, s12, s8, $0xb8;
	v63 =	vld [tilespmem:$0x0]  }
0x12c: {  	_ =	swait.ge @!p0 [sflag:s10], $0x2000  }
0x12d: {  	s12 =	sadd.s32 @!p0 $0x2900, s7;
	[sflag:s10] =	ssyncset.done @!p0 $0x0  }
0x12e: {  	s14 =	simm.s32 @!p0 $0x9000;
	[sflag:s10] =	ssyncadd.s32 @!p0 $0xFFFFE000;
	s10 =	simm.s32 @!p0 $0xA  }
0x12f: {  	[spmem:s1] =	stream.indirect.scatter.add.f32 @!p0 [tilespmem:s14], [sflag:$0xB], $0x40, s12, s8, $0xb8;
	v63 =	vld [tilespmem:$0x0]  }
0x130: {  	_ =	swait.ge @!p0 [sflag:s10], $0x2000  }
0x131: {  	[sflag:s10] =	ssyncset.done @!p0 $0x0  }
0x132: {  	s12 =	sadd.s32 @!p0 $0x480, s7;
	[sflag:s10] =	ssyncadd.s32 @!p0 $0xFFFFE000;
	s10 =	simm.s32 @!p0 $0x7000  }
0x133: {  	[tilespmem:s10], [sflag:$0x2] =	stream.indirect.gather @!p0 [hbm4b:s4+s8], $0x40, s12, s8, $0xb8;
	v63 =	vld [tilespmem:$0x0]  }
0x134: {  	_ =	swait.ge [sflag:s20], $0x2000  }
0x135: {  	[sflag:s20] =	ssyncset.done $0x0  }
0x136: {  	s30 =	sadd.s32 $0x2980, s11;
	[sflag:s20] =	ssyncadd.s32 $0xFFFFE000  }
0x137: {  	[spmem:s1] =	stream.indirect.scatter.add.f32 [tilespmem:s25], [sflag:$0xC], $0x40, s30, s22, $0xb8;
	v63 =	vld [tilespmem:$0x0]  }
0x138: {  	_ =	swait.ge [sflag:s2], $0x2000  }
0x139: {  	[sflag:s2] =	ssyncset.done $0x0  }
0x13a: {  	s10 =	simm.s32 @p0 $0x5;
	[sflag:s2] =	ssyncadd.s32 $0xFFFFE000  }
0x13b: {  	_ =	swait.ge @p0 [sflag:s10], $0x2000  }
0x13c: {  	[sflag:s10] =	ssyncset.done @p0 $0x0  }
0x13d: {  	s12 =	sadd.s32 @p0 $0x2A00, s13;
	[sflag:s10] =	ssyncadd.s32 @p0 $0xFFFFE000;
	s10 =	simm.s32 @p0 $0xD000  }
0x13e: {  	[spmem:s1] =	stream.indirect.scatter.add.f32 @p0 [tilespmem:s10], [sflag:$0xD], $0x40, s12, s9, $0xb8;
	v63 =	vld [tilespmem:$0x0]  }
0x13f: {  	s10 =	simm.s32 @p0 $0xC  }
0x140: {  	_ =	swait.ge @p0 [sflag:s10], $0x2000  }
0x141: {  	[sflag:s10] =	ssyncset.done @p0 $0x0  }
0x142: {  	s12 =	sadd.s32 @!p0 $0x500, s7;
	[sflag:s10] =	ssyncadd.s32 @p0 $0xFFFFE000;
	s10 =	simm.s32 @!p0 $0x5  }
0x143: {  	[tilespmem:s14], [sflag:$0x3] =	stream.indirect.gather @!p0 [hbm4b:s4+s8], $0x40, s12, s8, $0xb8;
	v63 =	vld [tilespmem:$0x0]  }
0x144: {  	_ =	swait.ge @!p0 [sflag:s10], $0x2000  }
0x145: {  	s12 =	sadd.s32 @!p0 $0x2A00, s7;
	[sflag:s10] =	ssyncset.done @!p0 $0x0  }
0x146: {  	s14 =	simm.s32 @!p0 $0xD000;
	[sflag:s10] =	ssyncadd.s32 @!p0 $0xFFFFE000;
	s10 =	simm.s32 @!p0 $0xC  }
0x147: {  	[spmem:s1] =	stream.indirect.scatter.add.f32 @!p0 [tilespmem:s14], [sflag:$0xD], $0x40, s12, s8, $0xb8;
	v63 =	vld [tilespmem:$0x0]  }
0x148: {  	_ =	swait.ge @!p0 [sflag:s10], $0x2000  }
0x149: {  	[sflag:s10] =	ssyncset.done @!p0 $0x0  }
0x14a: {  	s12 =	sadd.s32 @!p0 $0x580, s7;
	[sflag:s10] =	ssyncadd.s32 @!p0 $0xFFFFE000;
	s10 =	simm.s32 @!p0 $0xB000  }
0x14b: {  	[tilespmem:s10], [sflag:$0x4] =	stream.indirect.gather @!p0 [hbm4b:s4+s8], $0x40, s12, s8, $0xb8;
	v63 =	vld [tilespmem:$0x0]  }
0x14c: {  	_ =	swait.ge [sflag:s3], $0x2000  }
0x14d: {  	[sflag:s3] =	ssyncset.done $0x0  }
0x14e: {  	s12 =	sadd.s32 $0x2A80, s11;
	[sflag:s3] =	ssyncadd.s32 $0xFFFFE000  }
0x14f: {  	[spmem:s1] =	stream.indirect.scatter.add.f32 [tilespmem:s21], [sflag:$0xE], $0x40, s12, s22, $0xb8;
	v63 =	vld [tilespmem:$0x0]  }
0x150: {  	_ =	swait.ge [sflag:s5], $0x2000  }
0x151: {  	[sflag:s5] =	ssyncset.done $0x0  }
0x152: {  	s10 =	simm.s32 @p0 $0x7;
	[sflag:s5] =	ssyncadd.s32 $0xFFFFE000  }
0x153: {  	_ =	swait.ge @p0 [sflag:s10], $0x2000  }
0x154: {  	[sflag:s10] =	ssyncset.done @p0 $0x0  }
0x155: {  	s12 =	sadd.s32 @p0 $0x2B00, s13;
	[sflag:s10] =	ssyncadd.s32 @p0 $0xFFFFE000;
	s10 =	simm.s32 @p0 $0x11000  }
0x156: {  	[spmem:s1] =	stream.indirect.scatter.add.f32 @p0 [tilespmem:s10], [sflag:$0xF], $0x40, s12, s9, $0xb8;
	v63 =	vld [tilespmem:$0x0]  }
0x157: {  	s9 =	simm.s32 @p0 $0xE  }
0x158: {  	_ =	swait.ge @p0 [sflag:s9], $0x2000  }
0x159: {  	[sflag:s9] =	ssyncset.done @p0 $0x0  }
0x15a: {  	[sflag:s9] =	ssyncadd.s32 @p0 $0xFFFFE000;
	s9 =	sadd.s32 @!p0 $0x600, s7  }
0x15b: {  	[tilespmem:s14], [sflag:$0x5] =	stream.indirect.gather @!p0 [hbm4b:s4+s8], $0x40, s9, s8, $0xb8;
	v63 =	vld [tilespmem:$0x0]  }
0x15c: {  	s9 =	simm.s32 @!p0 $0x7  }
0x15d: {  	_ =	swait.ge @!p0 [sflag:s9], $0x2000  }
0x15e: {  	[sflag:s9] =	ssyncset.done @!p0 $0x0  }
0x15f: {  	s10 =	sadd.s32 @!p0 $0x2B00, s7;
	[sflag:s9] =	ssyncadd.s32 @!p0 $0xFFFFE000;
	s9 =	simm.s32 @!p0 $0x11000  }
0x160: {  	[spmem:s1] =	stream.indirect.scatter.add.f32 @!p0 [tilespmem:s9], [sflag:$0xF], $0x40, s10, s8, $0xb8;
	v63 =	vld [tilespmem:$0x0]  }
0x161: {  	s9 =	simm.s32 @!p0 $0xE  }
0x162: {  	_ =	swait.ge @!p0 [sflag:s9], $0x2000  }
0x163: {  	[sflag:s9] =	ssyncset.done @!p0 $0x0  }
0x164: {  	s7 =	sadd.s32 @!p0 $0x680, s7;
	[sflag:s9] =	ssyncadd.s32 @!p0 $0xFFFFE000;
	s9 =	simm.s32 @!p0 $0xF000  }
0x165: {  	[tilespmem:s9], [sflag:$0x6] =	stream.indirect.gather @!p0 [hbm4b:s4+s8], $0x40, s7, s8, $0xb8;
	v63 =	vld [tilespmem:$0x0]  }
0x166: {  	_ =	swait.ge [sflag:s6], $0x2000  }
0x167: {  	[sflag:s6] =	ssyncset.done $0x0  }
0x168: {  	s18 =	simm.s32 $0xF;
	s14 =	sadd.s32 $0x2B80, s11;
	[sflag:s6] =	ssyncadd.s32 $0xFFFFE000  }
0x169: {  	[spmem:s1] =	stream.indirect.scatter.add.f32 [tilespmem:s17], [sflag:$0x10], $0x40, s14, s22, $0xb8;
	v63 =	vld [tilespmem:$0x0]  }
0x16a: {  	_ =	swait.ge [sflag:s18], $0x2000  }
0x16b: {  	[sflag:s18] =	ssyncset.done $0x0  }
0x16c: {  	s19 =	simm.s32 $0x10;
	[sflag:s18] =	ssyncadd.s32 $0xFFFFE000  }
0x16d: {  	_ =	swait.ge [sflag:s19], $0x2000  }
0x16e: {  	[sflag:s19] =	ssyncset.done $0x0  }
0x16f: {  	[sflag:s19] =	ssyncadd.s32 $0xFFFFE000  }
0x170: {  	s23 =	stileid.u32;
	[bflag:$0x0] =	sbarrier.arrive $0xFFFF  }
0x171: {  	s7 =	sshll.u32 s23, $0x6;
	s24 =	rddreg [dreg:$0x7]  }
0x172: {  	s10 =	simm.s32 $0x11;
	s7 =	sor.u32 $0x1C11, s7;
	s26 =	rddreg [dreg:$0x12]  }
0x173: {  	[hbm:s24], [sflag:s7] =	dma.local [spmem:s26], $0x1400  }
0x174: {  	_ =	swait.ge [sflag:s10], $0x1400  }
0x175: {  	s29 =	rddreg [dreg:$0x13]  }
0x176: {  	s30 =	rddreg [dreg:$0x8];
	s8 =	sadd.s32 $0x1, s29  }
0x177: {  	p0 =	sne.s32 s8, s30  }
.Ltmp2:
0x178: {  	_ = 	snop;
	(pc) =	sbr.rel @p0 .LBB2_1-.Ltmp2, $3  }
0x179: {  	_ =	sdelay $0x1  }
0x17a: {  	[sflag:s10] =	ssyncset.done $0x0  }
0x17b: {  	[sflag:s10] =	ssyncadd.s32 $0xFFFFEC00  }
0x17c: {  	_ =	sfence.sel $0x180000  }
0x17d: {  	[bflag:$0x0] =	sbarrier.arrive $0xFFFF  }
0x17e: {  	_ =	strace $0x9000004D  }
0x17f: {  	s0 =	stileid.u32;
	[bflag:$0x2] =	sbarrier.arrive $0xFFFF  }
0x180: {  	p0 =	sne.s32 s0, $0x0;
	s0 =	rddreg [dreg:$0x2]  }
0x181: {  	s0 =	sadd.s32 @!p0 $0x100000, s0  }
0x182: {  	[sflag:s0] =	ssyncadd.tile.s32 @!p0 $0x1;
	_ =	shalt  }
.Lfunc_end2:
_tile_overlayer_lowered:
.L_overlay_start_2:
0x183: {  	(tag) =	ssettag $0x2  }
0x184: {  	s0 =	rddreg [dreg:$0x0];
	s2 =	stileid.u32  }
0x185: {  	s1 =	rddreg [dreg:$0x1];
	p0 =	sne.s32 s2, $0x0  }
0x186: {  	s3 =	rddreg [dreg:$0x2];
	[bflag:$0x3] =	sbarrier.arrive $0xFFFF;
	s2 =	simm.s32 @!p0 $0x1C11  }
0x187: {  	[timem:s3], [sflag:s2] =	dma.local @!p0 [hbm:s0], s1  }
0x188: {  	s0 =	simm.s32 @!p0 $0x11  }
0x189: {  	_ =	swait.ge @!p0 [sflag:s0], s1  }
0x18a: {  	s1 =	ssub.s32 @!p0 $0x0, s1;
	[sflag:s0] =	ssyncset.done @!p0 $0x0  }
0x18b: {  	[sflag:s0] =	ssyncadd.s32 @!p0 s1  }
0x18c: {  	[bflag:$0x3] =	sbarrier.arrive $0xFFFF  }
0x18d: {  	_ =	shalt  }

// kernel: kernel.19.cloned.1.call-start
scs
__scs_entry_jumppad:
0x0: {  	(pc) =	sbr.rel $0x88, $3  }
0x1: {  	(tag) =	ssettag $0x0;
	lr =	simm.s32 $0x1  }
0x2: {  	[smem:$0x3F97] =	sst lr;
	_ =	strace $0xD0000000  }
0x3: {  	_ = 	snop  }
0x4: {  	_ = 	snop  }
0x5: {  	_ = 	snop  }
0x6: {  	_ = 	snop  }
0x7: {  	_ = 	snop  }
__scs_overlays_trampoline_lowered:
0x8: {  	[smem:$0x3FA6] =	sst s0  }
0x9: {  	[smem:$0x3FA7] =	sst s1  }
0xa: {  	[smem:$0x3FA8] =	sst s2  }
0xb: {  	[smem:$0x3FA9] =	sst s3  }
0xc: {  	[smem:$0x3FAA] =	sst s4  }
0xd: {  	[smem:$0x3FAB] =	sst s5  }
0xe: {  	[smem:$0x3FAC] =	sst s6  }
0xf: {  	[smem:$0x3FAD] =	sst s7  }
0x10: {  	[smem:$0x3FAE] =	sst s8  }
0x11: {  	[smem:$0x3FAF] =	sst s9;
	s0 =	simm.s32 @!p0 $0x0  }
0x12: {  	s1 =	sld [smem:$0x3F95];
	s0 =	simm.s32 @p0 $0x1  }
0x13: {  	[smem:$0x3FB0] =	sst s0;
	s0 =	simm.s32 @!p1 $0x0  }
0x14: {  	s2 =	sld [smem:$0x3F94];
	s0 =	simm.s32 @p1 $0x1  }
0x15: {  	[smem:$0x3FB1] =	sst s0;
	s0 =	simm.s32 @!p2 $0x0  }
0x16: {  	s3 =	sld [smem:$0x3FDB];
	s0 =	simm.s32 @p2 $0x1  }
0x17: {  	s4 =	simm.s32 $0x1BF5;
	[smem:$0x3FB3] =	sst s0  }
0x18: {  	s0 =	sld [smem:$0x3F96];
	_ =	swait.ge [sflag:s4], $0x0  }
0x19: {  	s7 =	sld [smem:$0x3F97]  }
0x1a: {  	s8 =	sadd.s32 $0xFFFFE003, lr  }
0x1b: {  	s9 =	sadd.s32 $0xFFFFFEF7, lr;
	s5 =	simm.s32 $0xFFFFFFFF;
	p2 =	slt.u32 s8, $0xFFFFF086  }
0x1c: {  	p1 =	slt.u32 s9, $0xF7A;
	s5 =	simm.s32 @!p2 $0x0  }
0x1d: {  	s5 =	simm.s32 @p1 $0x1;
	p0 =	seq.s32 s7, s2  }
0x1e: {  	s7 =	smul.u32 @!p0 $0xF7A, s2;
	p2 =	seq.s32 @!p0 s5, $0x0  }
0x1f: {  	s9 =	smul.u32 $0xF7A, s1;
	s8 =	simm.s32 @!p0 $0x1BF5;
	p2 =	por !p2, p0  }
0x20: {  	[sflag:s8] =	ssyncset.s32 @!p0 $0xFFFFF086;
	s6 =	sadd.s32 @!p0 s3, s7;
	s7 =	simm.s32 @!p0 $0x108  }
0x21: {  	s3 =	sadd.s32 s3, s9;
	s6 =	sadd.s32 @!p0 $0x88, s6;
	s7 =	simm.s32 @p2 $0x1082  }
0x22: {  	[simem:s7], [sflag:s8] =	dma.local @!p0 [hbm:s6], $0xF7A  }
0x23: {  	s9 =	sor.u32 $0xD0000000, s2;
	s6 =	simm.s32 $0x108;
	_ =	swait.ge @!p0 [sflag:s8], $0x0  }
0x24: {  	s3 =	sadd.s32 $0x88, s3;
	s6 =	simm.s32 @!p1 $0x1082;
	[sflag:s4] =	ssyncset.s32 $0xFFFFF086  }
0x25: {  	[simem:s6], [sflag:s4] =	dma.local [hbm:s3], $0xF7A  }
0x26: {  	[smem:$0x3F97] =	sst s1;
	(tag) =	ssettag s2;
	_ =	strace s9  }
0x27: {  	s1 =	sld [smem:$0x3FA7]  }
0x28: {  	s2 =	sld [smem:$0x3FA8]  }
0x29: {  	s4 =	sld [smem:$0x3FAA]  }
0x2a: {  	p0 =	seq.s32 s5, $0x0;
	s5 =	sld [smem:$0x3FAB]  }
0x2b: {  	s6 =	sld [smem:$0x3FAC]  }
0x2c: {  	s7 =	sld [smem:$0x3FAD]  }
0x2d: {  	s3 =	simm.s32 $0x108;
	s8 =	sld [smem:$0x3FAE]  }
0x2e: {  	s3 =	simm.s32 @!p0 $0x1082;
	s9 =	sld [smem:$0x3FAF]  }
0x2f: {  	lr =	sadd.s32 s0, s3;
	s0 =	sld [smem:$0x3FA6]  }
0x30: {  	s3 =	sld [smem:$0x3FA9]  }
0x31: {  	[smem:$0x3FB2] =	sst s10  }
0x32: {  	s10 =	sld [smem:$0x3FB0];
	_ =	sdelay $0x3  }
0x33: {  	p0 =	seq.s32 s10, $0x1;
	s10 =	sld [smem:$0x3FB2];
	_ =	sdelay $0x3  }
0x34: {  	[smem:$0x3FB2] =	sst s10  }
0x35: {  	s10 =	sld [smem:$0x3FB1];
	_ =	sdelay $0x3  }
0x36: {  	p1 =	seq.s32 s10, $0x1;
	s10 =	sld [smem:$0x3FB2];
	_ =	sdelay $0x3  }
0x37: {  	[smem:$0x3FB2] =	sst s10  }
0x38: {  	s10 =	sld [smem:$0x3FB3]  }
0x39: {  	_ = 	snop;
	(pc) =	sbr.ind lr, $3  }
0x3a: {  	_ = 	snop  }
0x3b: {  	_ = 	snop  }
0x3c: {  	p2 =	seq.s32 s10, $0x1;
	s10 =	sld [smem:$0x3FB2]  }
0x3d: {  	_ =	shalt  }
0x3e: {  	_ =	shalt  }
0x3f: {  	_ =	shalt  }
0x40: {  	_ =	shalt  }
0x41: {  	_ =	shalt  }
0x42: {  	_ =	shalt  }
0x43: {  	_ =	shalt  }
0x44: {  	_ =	shalt  }
0x45: {  	_ =	shalt  }
0x46: {  	_ =	shalt  }
0x47: {  	_ =	shalt  }
0x48: {  	_ =	shalt  }
0x49: {  	_ =	shalt  }
0x4a: {  	_ =	shalt  }
0x4b: {  	_ =	shalt  }
0x4c: {  	_ =	shalt  }
0x4d: {  	_ =	shalt  }
0x4e: {  	_ =	shalt  }
0x4f: {  	_ =	shalt  }
0x50: {  	_ =	shalt  }
0x51: {  	_ =	shalt  }
0x52: {  	_ =	shalt  }
0x53: {  	_ =	shalt  }
0x54: {  	_ =	shalt  }
0x55: {  	_ =	shalt  }
0x56: {  	_ =	shalt  }
0x57: {  	_ =	shalt  }
0x58: {  	_ =	shalt  }
0x59: {  	_ =	shalt  }
0x5a: {  	_ =	shalt  }
0x5b: {  	_ =	shalt  }
0x5c: {  	_ =	shalt  }
0x5d: {  	_ =	shalt  }
0x5e: {  	_ =	shalt  }
0x5f: {  	_ =	shalt  }
0x60: {  	_ =	shalt  }
0x61: {  	_ =	shalt  }
0x62: {  	_ =	shalt  }
0x63: {  	_ =	shalt  }
0x64: {  	_ =	shalt  }
0x65: {  	_ =	shalt  }
0x66: {  	_ =	shalt  }
0x67: {  	_ =	shalt  }
0x68: {  	_ =	shalt  }
0x69: {  	_ =	shalt  }
0x6a: {  	_ =	shalt  }
0x6b: {  	_ =	shalt  }
0x6c: {  	_ =	shalt  }
0x6d: {  	_ =	shalt  }
0x6e: {  	_ =	shalt  }
0x6f: {  	_ =	shalt  }
0x70: {  	_ =	shalt  }
0x71: {  	_ =	shalt  }
0x72: {  	_ =	shalt  }
0x73: {  	_ =	shalt  }
0x74: {  	_ =	shalt  }
0x75: {  	_ =	shalt  }
0x76: {  	_ =	shalt  }
0x77: {  	_ =	shalt  }
0x78: {  	_ =	shalt  }
0x79: {  	_ =	shalt  }
0x7a: {  	_ =	shalt  }
0x7b: {  	_ =	shalt  }
0x7c: {  	_ =	shalt  }
0x7d: {  	_ =	shalt  }
0x7e: {  	_ =	shalt  }
0x7f: {  	_ =	shalt  }
0x80: {  	_ =	shalt  }
0x81: {  	_ =	shalt  }
0x82: {  	_ =	shalt  }
0x83: {  	_ =	shalt  }
0x84: {  	_ =	shalt  }
0x85: {  	_ =	shalt  }
0x86: {  	_ =	shalt  }
0x87: {  	_ =	shalt  }
.Lfunc_end0:
.L_simem_size_0:
called_computation.3_lowered:
.L_overlay_start_0:
0x88: {  	s2 =	sld [smem:$0x3FD9]  }
0x89: {  	s3 =	sld [smem:$0x3FFE];
	_ =	sdelay $0x1  }
0x8a: {  	s1 =	srdreg.scid  }
0x8b: {  	s0 =	sand.u32 $0x1, s1  }
0x8c: {  	s16 =	sshll.u32 s0, $0xA;
	s2 =	sadd.s32 s3, s2  }
0x8d: {  	s2 =	sadd.s32 s2, s16  }
0x8e: {  	[smem:$0x3FBE] =	sst s2  }
0x8f: {  	_ = 	snop  }
0x90: {  	(tm) =	ssettm $0x1  }
0x91: {  	s17 =	sld [smem:$0x3FFB];
	_ =	sdelay $0x3  }
0x92: {  	_ =	strace s17  }
0x93: {  	s2 =	sld [smem:$0x3FFC];
	_ =	sdelay $0x3  }
0x94: {  	_ =	strace s2  }
0x95: {  	s2 =	sld [smem:$0x3FFD];
	_ =	sdelay $0x3  }
0x96: {  	_ =	strace s2  }
0x97: {  	_ =	strace $0x8FFFFFFF  }
0x98: {  	s18 =	sld [smem:$0x3FDB];
	_ =	sdelay $0x1  }
0x99: {  	s19 =	simm.s32 $_scs_section_size  }
0x9a: {  	s4 =	simm.s32 $_size__tile_overlayer_lowered;
	s5 =	simm.s32 $_tile_overlayer_lowered  }
0x9b: {  	s22 =	simm.s32 $0x1BFF;
	s21 =	sshll.u32 s5, $0x1;
	s2 =	sadd.s32 s19, s18  }
0x9c: {  	s6 =	simm.s32 $0x0;
	s20 =	sshll.u32 s4, $0x1;
	s4 =	sadd.s32 s21, s2  }
0x9d: {  	[timem:s6], [sflag:s22] =	dma.local [hbm:s4], s20  }
0x9e: {  	_ =	swait.ge [sflag:s22], s20  }
0x9f: {  	s3 =	ssub.s32 $0x0, s20;
	[sflag:s22] =	ssyncset.done $0x0  }
0xa0: {  	[sflag:s22] =	ssyncadd.s32 s3;
	_ =	sdelay $0x1  }
0xa1: {  	s23 =	simm.s32 $0x1B8B  }
0xa2: {  	_ =	swait.ge [sflag:s23], $0x1  }
0xa3: {  	[sflag:s23] =	ssyncset.done $0x0  }
0xa4: {  	s25 =	simm.s32 $0x1B8E;
	s24 =	sld [smem:$0x3FFE];
	[sflag:s23] =	ssyncadd.s32 $0xFFFFFFFF  }
0xa5: {  	s26 =	simm.s32 $execute0_lowered;
	[smem:$0x3FD2] =	sst s25  }
0xa6: {  	s4 =	sshll.u32 s26, $0x1;
	_ =	strace $0x8000004F;
	[dreg:$0x1] =	wrdreg $0xFFFFFFFF  }
0xa7: {  	s28 =	simm.s32 $_size_execute0_lowered;
	s2 =	sadd.s32 s2, s4;
	[dreg:$0x0] =	wrdreg $0x0  }
0xa8: {  	s4 =	sshll.u32 s28, $0x1;
	[dreg:$0x2] =	wrdreg s2  }
0xa9: {  	[dreg:$0x3] =	wrdreg s4  }
0xaa: {  	[dreg:$0x4] =	wrdreg $0xC0  }
0xab: {  	_ =	task [dreg:s6], $0x5FFFF  }
0xac: {  	[dreg:$0x1] =	wrdreg $0xFFFFFFFF  }
0xad: {  	[dreg:$0x0] =	wrdreg $0x60  }
0xae: {  	[dreg:$0x2] =	wrdreg s24  }
0xaf: {  	[dreg:$0x3] =	wrdreg $0xD8000  }
0xb0: {  	[dreg:$0x4] =	wrdreg $0x9  }
0xb1: {  	_ =	task.clear_ibuf [dreg:s6], $0x5FFFF;
	_ =	strace $0x9000004F  }
0xb2: {  	s29 =	simm.s32 $0x9;
	_ =	strace $0x80000051  }
0xb3: {  	_ =	swait.ge [sflag:s29], $0x1  }
0xb4: {  	[sflag:s29] =	ssyncadd.s32 $0xFFFFFFFF  }
0xb5: {  	_ =	strace $0x90000051  }
0xb6: {  	_ =	sfence  }
0xb7: {  	s30 =	sld [smem:$0x0];
	_ =	sdelay $0x2  }
0xb8: {  	s31 =	sshll.u32 s1, $0xD;
	s1 =	sshrl.u32 s1, $0x2  }
0xb9: {  	s3 =	sand.u32 $0x4000, s31;
	s1 =	sadd.s32 s1, s30  }
0xba: {  	s0 =	sor.u32 s3, s0;
	s1 =	sshll.u32 s1, $0x11  }
0xbb: {  	s0 =	sor.u32 s1, s0  }
0xbc: {  	s0 =	sadd.s32 $0x8F2B, s0  }
0xbd: {  	[sflag:s0] =	ssyncadd.remote.s32 $0x1  }
0xbe: {  	_ =	sfence.sel $0xFFFF  }
0xbf: {  	[dreg:$0x0] =	wrdreg $0xFFFFFFFF;
	(pc) =	sbr.abs _section_cstart, $3  }
0xc0: {  	[dreg:$0x1] =	wrdreg $0xFFFFFFFF  }
0xc1: {  	_ =	task.clear_ibuf [dreg:s6], $0x2FFFF;
	_ =	strace $0x9FFFFFFF  }
0xc2: {  	(tm) =	ssettm $0x7FFFFFFF  }
0xc3: {  	_ =	shalt  }
tec
execute0_lowered:
.L_overlay_start_1:
0x0: {  	(tag) =	ssettag $0x1  }
0x1: {  	s0 =	rddreg [dreg:$0x0]  }
0x2: {  	s1 =	rddreg [dreg:$0x1];
	s2 =	srdreg.scid;
	s4 =	simm.s32 $0x0  }
0x3: {  	s8 =	stileid.u32;
	s30 =	simm.s32 $0xB000;
	s2 =	sand.u32 $0x1, s2  }
0x4: {  	[smem:$0x7FF] =	sst s4;
	s6 =	smul.u32 $0x5000, s8;
	s4 =	sadd.s32 $0xC000, s0  }
0x5: {  	s3 =	smul.u32 $0x50000, s2;
	s5 =	sshll.u32 s2, $0x4;
	_ =	strace $0x80000050  }
0x6: {  	s2 =	ssub.s32 $0x2, s2;
	s5 =	sor.u32 s8, s5;
	s8 =	smul.u32 $0x14000, s8  }
0x7: {  	s7 =	sshrl.u32 s2, $0x1;
	s5 =	smul.u32 $0x500, s5;
	s3 =	sadd.s32 s6, s3  }
0x8: {  	[dreg:$0x3] =	wrdreg s30;
	s2 =	ssub.s32 s2, s7;
	s3 =	sshrl.u32 s3, $0x3  }
0x9: {  	s17 =	sshrl.u32 s8, $0x2;
	s2 =	smax.u32 s2, $0x1;
	s5 =	sadd.s32 s5, s0  }
0xa: {  	s0 =	sadd.s32 s3, s0;
	s3 =	sadd.s32 s17, s1;
	[dreg:$0x8] =	wrdreg s2  }
0xb: {  	s15 =	sadd.s32 $0x16000, s5;
	[dreg:$0x6] =	wrdreg s3  }
0xc: {  	s16 =	sadd.s32 $0x2000, s5;
	[dreg:$0x4] =	wrdreg s15  }
0xd: {  	s0 =	sadd.s32 $0x20000, s0;
	[dreg:$0x5] =	wrdreg s16  }
0xe: {  	s19 =	sadd.s32 $0x800, s3;
	[dreg:$0x7] =	wrdreg s0  }
0xf: {  	s10 =	simm.s32 $0x11;
	s20 =	sadd.s32 $0x1000, s3;
	[dreg:$0x9] =	wrdreg s19  }
0x10: {  	s28 =	simm.s32 $0x1;
	s21 =	sadd.s32 $0x1800, s3;
	[dreg:$0xa] =	wrdreg s20  }
0x11: {  	s31 =	simm.s32 $0x2;
	s22 =	sadd.s32 $0x2000, s3;
	[dreg:$0xb] =	wrdreg s21  }
0x12: {  	s18 =	sadd.s32 s6, s1;
	s23 =	sadd.s32 $0x2800, s3;
	[dreg:$0xc] =	wrdreg s22  }
0x13: {  	s6 =	simm.s32 $0x8;
	s24 =	sadd.s32 $0x3000, s3;
	[dreg:$0xd] =	wrdreg s23  }
0x14: {  	s8 =	simm.s32 $0x0;
	s25 =	sadd.s32 $0x3800, s3;
	[dreg:$0xe] =	wrdreg s24  }
0x15: {  	s17 =	simm.s32 $0xC000;
	s26 =	sadd.s32 $0x4000, s3;
	[dreg:$0xf] =	wrdreg s25  }
0x16: {  	s2 =	simm.s32 $0xB;
	s29 =	sadd.s32 $0x4800, s3;
	[dreg:$0x10] =	wrdreg s26  }
0x17: {  	s3 =	simm.s32 $0x6;
	s5 =	simm.s32 $0xD;
	[dreg:$0x11] =	wrdreg s29  }
0x18: {  	s22 =	simm.s32 $0x80;
	s15 =	simm.s32 $0x5000;
	s16 =	simm.s32 $0x6000  }
0x19: {  	s0 =	sshrl.u32 s18, $0x3;
	s25 =	simm.s32 $0x8000;
	s21 =	simm.s32 $0xA000  }
0x1a: {  	v0 =	vimm.f32 $0.0e+00;
	s20 =	simm.s32 $0x4;
	[dreg:$0x12] =	wrdreg s0;
	s0 =	simm.s32 $0x9  }
.LBB2_1:
0x1b: {  	[dreg:$0x13] =	wrdreg s8  }
0x1c: {  	s7 =	simm.s32 $0x0;
	s29 =	rddreg [dreg:$0x4]  }
0x1d: {  	[tilespmem:s7], [sflag:$0x11] =	stream.linear.gather [hbm4b:s29+s7], $0x2800, $0x38;
	[tilespmem:$0x12800] =	vst v63  }
0x1e: {  	_ =	swait.ge [sflag:s10], $0x2800  }
0x1f: {  	[sflag:s10] =	ssyncset.done $0x0  }
0x20: {  	s9 =	simm.s32 $0x2800;
	s30 =	rddreg [dreg:$0x5];
	[sflag:s10] =	ssyncadd.s32 $0xFFFFD800  }
0x21: {  	[tilespmem:s9], [sflag:$0x11] =	stream.linear.gather [hbm4b:s30+s7], $0x2800, $0x38;
	[tilespmem:$0x12800] =	vst v63  }
0x22: {  	_ =	swait.ge [sflag:s10], $0x2800  }
0x23: {  	[sflag:s10] =	ssyncset.done $0x0  }
0x24: {  	s8 =	simm.s32 $0x0;
	s7 =	simm.s32 $0x80;
	[sflag:s10] =	ssyncadd.s32 $0xFFFFD800  }
.LBB2_2:
0x25: {  	p0 =	sne.s32 s7, $0x1F80;
	[tilespmem:s8+$0xD000] =	vst v0;
	s9 =	smov.u32 s7;
	s7 =	sadd.s32 $0x80, s7  }
.Ltmp0:
0x26: {  	[tilespmem:s8+$0xD010] =	vst v0;
	(pc) =	sbr.rel @p0 .LBB2_2-.Ltmp0, $2  }
0x27: {  	_ =	sdelay $0x2  }
0x28: {  	s8 =	sshra.s32 s9, $0x2  }
0x29: {  	[tilespmem:s8+$0xD000] =	vst v0  }
0x2a: {  	[tilespmem:s8+$0xD010] =	vst v0;
	s7 =	rddreg [dreg:$0x6];
	s12 =	simm.s32 $0xD000  }
0x2b: {  	[spmem:s7] =	stream.linear.scatter [tilespmem:s12], [sflag:$0x11], $0x800, $0x38;
	[tilespmem:$0x12800] =	vst v63  }
0x2c: {  	_ =	swait.ge [sflag:s10], $0x800  }
0x2d: {  	[sflag:s10] =	ssyncset.done $0x0  }
0x2e: {  	s13 =	rddreg [dreg:$0x9];
	[sflag:s10] =	ssyncadd.s32 $0xFFFFF800  }
0x2f: {  	[spmem:s13] =	stream.linear.scatter [tilespmem:s12], [sflag:$0x11], $0x800, $0x38;
	[tilespmem:$0x12800] =	vst v63  }
0x30: {  	_ =	swait.ge [sflag:s10], $0x800  }
0x31: {  	[sflag:s10] =	ssyncset.done $0x0  }
0x32: {  	s14 =	rddreg [dreg:$0xa];
	[sflag:s10] =	ssyncadd.s32 $0xFFFFF800  }
0x33: {  	[spmem:s14] =	stream.linear.scatter [tilespmem:s12], [sflag:$0x11], $0x800, $0x38;
	[tilespmem:$0x12800] =	vst v63  }
0x34: {  	_ =	swait.ge [sflag:s10], $0x800  }
0x35: {  	[sflag:s10] =	ssyncset.done $0x0  }
0x36: {  	s18 =	rddreg [dreg:$0xb];
	[sflag:s10] =	ssyncadd.s32 $0xFFFFF800  }
0x37: {  	[spmem:s18] =	stream.linear.scatter [tilespmem:s12], [sflag:$0x11], $0x800, $0x38;
	[tilespmem:$0x12800] =	vst v63  }
0x38: {  	_ =	swait.ge [sflag:s10], $0x800  }
0x39: {  	[sflag:s10] =	ssyncset.done $0x0  }
0x3a: {  	s19 =	rddreg [dreg:$0xc];
	[sflag:s10] =	ssyncadd.s32 $0xFFFFF800  }
0x3b: {  	[spmem:s19] =	stream.linear.scatter [tilespmem:s12], [sflag:$0x11], $0x800, $0x38;
	[tilespmem:$0x12800] =	vst v63  }
0x3c: {  	_ =	swait.ge [sflag:s10], $0x800  }
0x3d: {  	[sflag:s10] =	ssyncset.done $0x0  }
0x3e: {  	s23 =	rddreg [dreg:$0xd];
	[sflag:s10] =	ssyncadd.s32 $0xFFFFF800  }
0x3f: {  	[spmem:s23] =	stream.linear.scatter [tilespmem:s12], [sflag:$0x11], $0x800, $0x38;
	[tilespmem:$0x12800] =	vst v63  }
0x40: {  	_ =	swait.ge [sflag:s10], $0x800  }
0x41: {  	[sflag:s10] =	ssyncset.done $0x0  }
0x42: {  	s24 =	rddreg [dreg:$0xe];
	[sflag:s10] =	ssyncadd.s32 $0xFFFFF800  }
0x43: {  	[spmem:s24] =	stream.linear.scatter [tilespmem:s12], [sflag:$0x11], $0x800, $0x38;
	[tilespmem:$0x12800] =	vst v63  }
0x44: {  	_ =	swait.ge [sflag:s10], $0x800  }
0x45: {  	[sflag:s10] =	ssyncset.done $0x0  }
0x46: {  	s26 =	rddreg [dreg:$0xf];
	[sflag:s10] =	ssyncadd.s32 $0xFFFFF800  }
0x47: {  	[spmem:s26] =	stream.linear.scatter [tilespmem:s12], [sflag:$0x11], $0x800, $0x38;
	[tilespmem:$0x12800] =	vst v63  }
0x48: {  	_ =	swait.ge [sflag:s10], $0x800  }
0x49: {  	[sflag:s10] =	ssyncset.done $0x0  }
0x4a: {  	s29 =	rddreg [dreg:$0x10];
	[sflag:s10] =	ssyncadd.s32 $0xFFFFF800  }
0x4b: {  	[spmem:s29] =	stream.linear.scatter [tilespmem:s12], [sflag:$0x11], $0x800, $0x38;
	[tilespmem:$0x12800] =	vst v63  }
0x4c: {  	_ =	swait.ge [sflag:s10], $0x800  }
0x4d: {  	[sflag:s10] =	ssyncset.done $0x0  }
0x4e: {  	s30 =	rddreg [dreg:$0x11];
	[sflag:s10] =	ssyncadd.s32 $0xFFFFF800  }
0x4f: {  	[spmem:s30] =	stream.linear.scatter [tilespmem:s12], [sflag:$0x11], $0x800, $0x38;
	[tilespmem:$0x12800] =	vst v63  }
0x50: {  	_ =	swait.ge [sflag:s10], $0x800  }
0x51: {  	[sflag:s10] =	ssyncset.done $0x0  }
0x52: {  	[sflag:s10] =	ssyncadd.s32 $0xFFFFF800  }
0x53: {  	s8 =	simm.s32 $0x0;
	[bflag:$0x0] =	sbarrier.arrive $0xFFFF  }
0x54: {  	[tilespmem:s15], [sflag:$0x1] =	stream.indirect.gather [hbm4b:s4+s22], $0x20, s8, s22, $0xb8;
	[tilespmem:$0x12800] =	vst v63  }
0x55: {  	_ = 	snop  }
0x56: {  	[tilespmem:s16], [sflag:$0x2] =	stream.indirect.gather [hbm4b:s4+s22], $0x20, s22, s22, $0xb8;
	[tilespmem:$0x12800] =	vst v63  }
0x57: {  	s9 =	simm.s32 $0x100;
	s10 =	simm.s32 $0x7000  }
0x58: {  	[tilespmem:s10], [sflag:$0x3] =	stream.indirect.gather [hbm4b:s4+s22], $0x20, s9, s22, $0xb8;
	[tilespmem:$0x12800] =	vst v63  }
0x59: {  	s11 =	simm.s32 $0x180  }
0x5a: {  	[tilespmem:s25], [sflag:$0x4] =	stream.indirect.gather [hbm4b:s4+s22], $0x20, s11, s22, $0xb8;
	[tilespmem:$0x12800] =	vst v63  }
0x5b: {  	p0 =	por $0x1, $0x1;
	s13 =	simm.s32 $0x9000;
	s12 =	simm.s32 $0x200  }
0x5c: {  	[tilespmem:s13], [sflag:$0x5] =	stream.indirect.gather [hbm4b:s4+s22], $0x20, s12, s22, $0xb8;
	[tilespmem:$0x12800] =	vst v63  }
0x5d: {  	s7 =	simm.s32 @!p0 $0xF;
	s14 =	simm.s32 $0x280  }
0x5e: {  	[tilespmem:s21], [sflag:$0x6] =	stream.indirect.gather [hbm4b:s4+s22], $0x20, s14, s22, $0xb8;
	[tilespmem:$0x12800] =	vst v63  }
0x5f: {  	_ =	swait.ge @!p0 [sflag:s7], $0x1000  }
0x60: {  	[sflag:s7] =	ssyncset.done @!p0 $0x0  }
0x61: {  	s19 =	simm.s32 $0x300;
	s18 =	rddreg [dreg:$0x3];
	[sflag:s7] =	ssyncadd.s32 @!p0 $0xFFFFF000  }
0x62: {  	[tilespmem:s18], [sflag:$0x7] =	stream.indirect.gather [hbm4b:s4+s22], $0x20, s19, s22, $0xb8;
	[tilespmem:$0x12800] =	vst v63  }
0x63: {  	_ =	swait.ge [sflag:s28], $0x1000  }
0x64: {  	[sflag:s28] =	ssyncset.done $0x0  }
0x65: {  	s23 =	simm.s32 $0x2800;
	s8 =	simm.s32 @!p0 $0x10;
	[sflag:s28] =	ssyncadd.s32 $0xFFFFF000  }
0x66: {  	[spmem:s1] =	stream.indirect.scatter.add.f32 [tilespmem:s15], [sflag:$0x9], $0x20, s23, s22, $0xb8;
	[tilespmem:$0x12800] =	vst v63  }
0x67: {  	_ =	swait.ge @!p0 [sflag:s8], $0x1000  }
0x68: {  	[sflag:s8] =	ssyncset.done @!p0 $0x0  }
0x69: {  	s24 =	simm.s32 $0x380;
	[sflag:s8] =	ssyncadd.s32 @!p0 $0xFFFFF000  }
0x6a: {  	[tilespmem:s17], [sflag:$0x8] =	stream.indirect.gather [hbm4b:s4+s22], $0x20, s24, s22, $0xb8;
	[tilespmem:$0x12800] =	vst v63  }
0x6b: {  	_ =	swait.ge [sflag:s31], $0x1000  }
0x6c: {  	[sflag:s31] =	ssyncset.done $0x0  }
0x6d: {  	s26 =	simm.s32 $0x2880;
	[sflag:s31] =	ssyncadd.s32 $0xFFFFF000  }
0x6e: {  	[spmem:s1] =	stream.indirect.scatter.add.f32 [tilespmem:s16], [sflag:$0xA], $0x20, s26, s22, $0xb8;
	[tilespmem:$0x12800] =	vst v63  }
0x6f: {  	_ =	swait.ge [sflag:s0], $0x1000  }
0x70: {  	p0 =	por $0x0, $0x0;
	[sflag:s0] =	ssyncset.done $0x0  }
0x71: {  	s7 =	simm.s32 @p0 $0x3;
	[sflag:s0] =	ssyncadd.s32 $0xFFFFF000  }
0x72: {  	_ =	swait.ge @p0 [sflag:s7], $0x1000  }
0x73: {  	s9 =	simm.s32 @p0 $0x7000;
	s8 =	simm.s32 @p0 $0x80;
	[sflag:s7] =	ssyncset.done @p0 $0x0  }
0x74: {  	s11 =	simm.s32 @p0 $0xA;
	[sflag:s7] =	ssyncadd.s32 @p0 $0xFFFFF000;
	s7 =	simm.s32 @p0 $0x2900  }
0x75: {  	[spmem:s1] =	stream.indirect.scatter.add.f32 @p0 [tilespmem:s9], [sflag:$0xB], $0x20, s7, s8, $0xb8;
	[tilespmem:$0x12800] =	vst v63  }
0x76: {  	_ =	swait.ge @p0 [sflag:s11], $0x1000  }
0x77: {  	s12 =	simm.s32 @!p0 $0x5000;
	s9 =	simm.s32 @!p0 $0x400;
	[sflag:s11] =	ssyncset.done @p0 $0x0  }
0x78: {  	s7 =	simm.s32 @!p0 $0x80;
	[sflag:s11] =	ssyncadd.s32 @p0 $0xFFFFF000;
	s11 =	simm.s32 @!p0 $0x3  }
0x79: {  	[tilespmem:s12], [sflag:$0x1] =	stream.indirect.gather @!p0 [hbm4b:s4+s7], $0x20, s9, s7, $0xb8;
	[tilespmem:$0x12800] =	vst v63  }
0x7a: {  	_ =	swait.ge @!p0 [sflag:s11], $0x1000  }
0x7b: {  	s9 =	simm.s32 @!p0 $0x2900;
	[sflag:s11] =	ssyncset.done @!p0 $0x0  }
0x7c: {  	s12 =	simm.s32 @!p0 $0x7000;
	[sflag:s11] =	ssyncadd.s32 @!p0 $0xFFFFF000;
	s11 =	simm.s32 @!p0 $0xA  }
0x7d: {  	[spmem:s1] =	stream.indirect.scatter.add.f32 @!p0 [tilespmem:s12], [sflag:$0xB], $0x20, s9, s7, $0xb8;
	[tilespmem:$0x12800] =	vst v63  }
0x7e: {  	_ =	swait.ge @!p0 [sflag:s11], $0x1000  }
0x7f: {  	[sflag:s11] =	ssyncset.done @!p0 $0x0  }
0x80: {  	s9 =	simm.s32 @!p0 $0x480;
	[sflag:s11] =	ssyncadd.s32 @!p0 $0xFFFFF000;
	s11 =	simm.s32 @!p0 $0x6000  }
0x81: {  	[tilespmem:s11], [sflag:$0x2] =	stream.indirect.gather @!p0 [hbm4b:s4+s7], $0x20, s9, s7, $0xb8;
	[tilespmem:$0x12800] =	vst v63  }
0x82: {  	_ =	swait.ge [sflag:s20], $0x1000  }
0x83: {  	[sflag:s20] =	ssyncset.done $0x0  }
0x84: {  	s29 =	simm.s32 $0x2980;
	[sflag:s20] =	ssyncadd.s32 $0xFFFFF000  }
0x85: {  	[spmem:s1] =	stream.indirect.scatter.add.f32 [tilespmem:s25], [sflag:$0xC], $0x20, s29, s22, $0xb8;
	[tilespmem:$0x12800] =	vst v63  }
0x86: {  	_ =	swait.ge [sflag:s2], $0x1000  }
0x87: {  	[sflag:s2] =	ssyncset.done $0x0  }
0x88: {  	s9 =	simm.s32 @p0 $0x5;
	[sflag:s2] =	ssyncadd.s32 $0xFFFFF000  }
0x89: {  	_ =	swait.ge @p0 [sflag:s9], $0x1000  }
0x8a: {  	[sflag:s9] =	ssyncset.done @p0 $0x0  }
0x8b: {  	s11 =	simm.s32 @p0 $0x2A00;
	[sflag:s9] =	ssyncadd.s32 @p0 $0xFFFFF000;
	s9 =	simm.s32 @p0 $0x9000  }
0x8c: {  	[spmem:s1] =	stream.indirect.scatter.add.f32 @p0 [tilespmem:s9], [sflag:$0xD], $0x20, s11, s8, $0xb8;
	[tilespmem:$0x12800] =	vst v63  }
0x8d: {  	s9 =	simm.s32 @p0 $0xC  }
0x8e: {  	_ =	swait.ge @p0 [sflag:s9], $0x1000  }
0x8f: {  	[sflag:s9] =	ssyncset.done @p0 $0x0  }
0x90: {  	s11 =	simm.s32 @!p0 $0x500;
	[sflag:s9] =	ssyncadd.s32 @p0 $0xFFFFF000;
	s9 =	simm.s32 @!p0 $0x5  }
0x91: {  	[tilespmem:s12], [sflag:$0x3] =	stream.indirect.gather @!p0 [hbm4b:s4+s7], $0x20, s11, s7, $0xb8;
	[tilespmem:$0x12800] =	vst v63  }
0x92: {  	_ =	swait.ge @!p0 [sflag:s9], $0x1000  }
0x93: {  	s11 =	simm.s32 @!p0 $0x2A00;
	[sflag:s9] =	ssyncset.done @!p0 $0x0  }
0x94: {  	s12 =	simm.s32 @!p0 $0x9000;
	[sflag:s9] =	ssyncadd.s32 @!p0 $0xFFFFF000;
	s9 =	simm.s32 @!p0 $0xC  }
0x95: {  	[spmem:s1] =	stream.indirect.scatter.add.f32 @!p0 [tilespmem:s12], [sflag:$0xD], $0x20, s11, s7, $0xb8;
	[tilespmem:$0x12800] =	vst v63  }
0x96: {  	_ =	swait.ge @!p0 [sflag:s9], $0x1000  }
0x97: {  	[sflag:s9] =	ssyncset.done @!p0 $0x0  }
0x98: {  	s11 =	simm.s32 @!p0 $0x580;
	[sflag:s9] =	ssyncadd.s32 @!p0 $0xFFFFF000;
	s9 =	simm.s32 @!p0 $0x8000  }
0x99: {  	[tilespmem:s9], [sflag:$0x4] =	stream.indirect.gather @!p0 [hbm4b:s4+s7], $0x20, s11, s7, $0xb8;
	[tilespmem:$0x12800] =	vst v63  }
0x9a: {  	_ =	swait.ge [sflag:s3], $0x1000  }
0x9b: {  	[sflag:s3] =	ssyncset.done $0x0  }
0x9c: {  	s30 =	simm.s32 $0x2A80;
	[sflag:s3] =	ssyncadd.s32 $0xFFFFF000  }
0x9d: {  	[spmem:s1] =	stream.indirect.scatter.add.f32 [tilespmem:s21], [sflag:$0xE], $0x20, s30, s22, $0xb8;
	[tilespmem:$0x12800] =	vst v63  }
0x9e: {  	_ =	swait.ge [sflag:s5], $0x1000  }
0x9f: {  	[sflag:s5] =	ssyncset.done $0x0  }
0xa0: {  	s9 =	simm.s32 @p0 $0x7;
	[sflag:s5] =	ssyncadd.s32 $0xFFFFF000  }
0xa1: {  	_ =	swait.ge @p0 [sflag:s9], $0x1000  }
0xa2: {  	[sflag:s9] =	ssyncset.done @p0 $0x0  }
0xa3: {  	s11 =	simm.s32 @p0 $0x2B00;
	[sflag:s9] =	ssyncadd.s32 @p0 $0xFFFFF000;
	s9 =	simm.s32 @p0 $0xB000  }
0xa4: {  	[spmem:s1] =	stream.indirect.scatter.add.f32 @p0 [tilespmem:s9], [sflag:$0xF], $0x20, s11, s8, $0xb8;
	[tilespmem:$0x12800] =	vst v63  }
0xa5: {  	s8 =	simm.s32 @p0 $0xE  }
0xa6: {  	_ =	swait.ge @p0 [sflag:s8], $0x1000  }
0xa7: {  	[sflag:s8] =	ssyncset.done @p0 $0x0  }
0xa8: {  	[sflag:s8] =	ssyncadd.s32 @p0 $0xFFFFF000;
	s8 =	simm.s32 @!p0 $0x600  }
0xa9: {  	[tilespmem:s12], [sflag:$0x5] =	stream.indirect.gather @!p0 [hbm4b:s4+s7], $0x20, s8, s7, $0xb8;
	[tilespmem:$0x12800] =	vst v63  }
0xaa: {  	s8 =	simm.s32 @!p0 $0x7  }
0xab: {  	_ =	swait.ge @!p0 [sflag:s8], $0x1000  }
0xac: {  	[sflag:s8] =	ssyncset.done @!p0 $0x0  }
0xad: {  	s9 =	simm.s32 @!p0 $0x2B00;
	[sflag:s8] =	ssyncadd.s32 @!p0 $0xFFFFF000;
	s8 =	simm.s32 @!p0 $0xB000  }
0xae: {  	[spmem:s1] =	stream.indirect.scatter.add.f32 @!p0 [tilespmem:s8], [sflag:$0xF], $0x20, s9, s7, $0xb8;
	[tilespmem:$0x12800] =	vst v63  }
0xaf: {  	s8 =	simm.s32 @!p0 $0xE  }
0xb0: {  	_ =	swait.ge @!p0 [sflag:s8], $0x1000  }
0xb1: {  	p1 =	por $0x0, $0x0;
	s13 =	simm.s32 $0x2B80;
	[sflag:s8] =	ssyncset.done @!p0 $0x0  }
0xb2: {  	s9 =	simm.s32 @!p0 $0x680;
	[sflag:s8] =	ssyncadd.s32 @!p0 $0xFFFFF000;
	s8 =	simm.s32 @!p0 $0xA000  }
0xb3: {  	[tilespmem:s8], [sflag:$0x6] =	stream.indirect.gather @!p0 [hbm4b:s4+s7], $0x20, s9, s7, $0xb8;
	[tilespmem:$0x12800] =	vst v63  }
0xb4: {  	s11 =	simm.s32 $0x2000;
	s12 =	simm.s32 $0x1000;
	_ =	swait.ge [sflag:s6], $0x1000  }
.LBB2_4:
0xb5: {  	[sflag:s6] =	ssyncset.done $0x0  }
0xb6: {  	s7 =	simm.s32 @!p1 $0xF;
	[sflag:s6] =	ssyncadd.s32 $0xFFFFF000  }
0xb7: {  	[spmem:s1] =	stream.indirect.scatter.add.f32 [tilespmem:s17], [sflag:$0x10], $0x20, s13, s22, $0xb8;
	[tilespmem:$0x12800] =	vst v63  }
0xb8: {  	_ =	swait.ge @!p1 [sflag:s7], $0x1000  }
0xb9: {  	s14 =	sshra.s32 s12, $0x2;
	[sflag:s7] =	ssyncset.done @!p1 $0x0  }
0xba: {  	s21 =	sadd.s32 $0x300, s14;
	s8 =	rddreg [dreg:$0x3];
	[sflag:s7] =	ssyncadd.s32 @!p1 $0xFFFFF000  }
0xbb: {  	[tilespmem:s8], [sflag:$0x7] =	stream.indirect.gather [hbm4b:s4+s22], $0x20, s21, s22, $0xb8;
	[tilespmem:$0x12800] =	vst v63  }
0xbc: {  	_ =	swait.ge [sflag:s28], $0x1000  }
0xbd: {  	[sflag:s28] =	ssyncset.done $0x0  }
0xbe: {  	s23 =	sadd.s32 $0x2800, s14;
	s8 =	simm.s32 @!p1 $0x10;
	[sflag:s28] =	ssyncadd.s32 $0xFFFFF000  }
0xbf: {  	[spmem:s1] =	stream.indirect.scatter.add.f32 [tilespmem:s15], [sflag:$0x9], $0x20, s23, s22, $0xb8;
	[tilespmem:$0x12800] =	vst v63  }
0xc0: {  	_ =	swait.ge @!p1 [sflag:s8], $0x1000  }
0xc1: {  	[sflag:s8] =	ssyncset.done @!p1 $0x0  }
0xc2: {  	s24 =	sadd.s32 $0x380, s14;
	[sflag:s8] =	ssyncadd.s32 @!p1 $0xFFFFF000  }
0xc3: {  	[tilespmem:s17], [sflag:$0x8] =	stream.indirect.gather [hbm4b:s4+s22], $0x20, s24, s22, $0xb8;
	[tilespmem:$0x12800] =	vst v63  }
0xc4: {  	_ =	swait.ge [sflag:s31], $0x1000  }
0xc5: {  	[sflag:s31] =	ssyncset.done $0x0  }
0xc6: {  	s26 =	sadd.s32 $0x2880, s14;
	[sflag:s31] =	ssyncadd.s32 $0xFFFFF000  }
0xc7: {  	[spmem:s1] =	stream.indirect.scatter.add.f32 [tilespmem:s16], [sflag:$0xA], $0x20, s26, s22, $0xb8;
	[tilespmem:$0x12800] =	vst v63  }
0xc8: {  	_ =	swait.ge [sflag:s0], $0x1000  }
0xc9: {  	p1 =	seq.s32 s12, $0x9000;
	[sflag:s0] =	ssyncset.done $0x0  }
0xca: {  	s7 =	simm.s32 @p1 $0x3;
	[sflag:s0] =	ssyncadd.s32 $0xFFFFF000  }
0xcb: {  	s8 =	simm.s32 @p1 $0x7000;
	_ =	swait.ge @p1 [sflag:s7], $0x1000  }
0xcc: {  	s17 =	sshra.s32 @p1 s12, $0x2;
	s21 =	simm.s32 @p1 $0xA;
	[sflag:s7] =	ssyncset.done @p1 $0x0  }
0xcd: {  	s16 =	simm.s32 @p1 $0x80;
	[sflag:s7] =	ssyncadd.s32 @p1 $0xFFFFF000;
	s7 =	sadd.s32 @p1 $0x2900, s17  }
0xce: {  	[spmem:s1] =	stream.indirect.scatter.add.f32 @p1 [tilespmem:s8], [sflag:$0xB], $0x20, s7, s16, $0xb8;
	[tilespmem:$0x12800] =	vst v63  }
0xcf: {  	s12 =	sshra.s32 @!p1 s12, $0x2;
	_ =	swait.ge @p1 [sflag:s21], $0x1000  }
0xd0: {  	s15 =	simm.s32 @!p1 $0x80;
	s23 =	simm.s32 @!p1 $0x3;
	[sflag:s21] =	ssyncset.done @p1 $0x0  }
0xd1: {  	s18 =	sadd.s32 @!p1 $0x400, s12;
	s7 =	simm.s32 @!p1 $0x5000;
	[sflag:s21] =	ssyncadd.s32 @p1 $0xFFFFF000  }
0xd2: {  	[tilespmem:s7], [sflag:$0x1] =	stream.indirect.gather @!p1 [hbm4b:s4+s15], $0x20, s18, s15, $0xb8;
	[tilespmem:$0x12800] =	vst v63  }
0xd3: {  	s25 =	smov.u32 s11;
	_ =	swait.ge @!p1 [sflag:s23], $0x1000  }
0xd4: {  	s29 =	simm.s32 @!p1 $0xA;
	s10 =	sadd.s32 @!p1 $0x2900, s12;
	[sflag:s23] =	ssyncset.done @!p1 $0x0  }
0xd5: {  	s19 =	sadd.s32 @!p1 $0x480, s12;
	s26 =	simm.s32 @!p1 $0x7000;
	[sflag:s23] =	ssyncadd.s32 @!p1 $0xFFFFF000  }
0xd6: {  	[spmem:s1] =	stream.indirect.scatter.add.f32 @!p1 [tilespmem:s26], [sflag:$0xB], $0x20, s10, s15, $0xb8;
	[tilespmem:$0x12800] =	vst v63  }
0xd7: {  	s9 =	sadd.s32 @!p1 $0x580, s12;
	s24 =	sadd.s32 @p1 $0x2A00, s17;
	_ =	swait.ge @!p1 [sflag:s29], $0x1000  }
0xd8: {  	s30 =	sadd.s32 @!p1 $0x500, s12;
	s8 =	sadd.s32 @p1 $0x2B00, s17;
	[sflag:s29] =	ssyncset.done @!p1 $0x0  }
0xd9: {  	s17 =	sadd.s32 @!p1 $0x680, s12;
	s10 =	simm.s32 @!p1 $0x6000;
	[sflag:s29] =	ssyncadd.s32 @!p1 $0xFFFFF000  }
0xda: {  	[tilespmem:s10], [sflag:$0x2] =	stream.indirect.gather @!p1 [hbm4b:s4+s15], $0x20, s19, s15, $0xb8;
	[tilespmem:$0x12800] =	vst v63  }
0xdb: {  	s21 =	sadd.s32 @!p1 $0x2A00, s12;
	s7 =	sadd.s32 @!p1 $0x600, s12;
	_ =	swait.ge [sflag:s20], $0x1000  }
0xdc: {  	s18 =	sadd.s32 @!p1 $0x2B00, s12;
	s12 =	smov.u32 s25;
	[sflag:s20] =	ssyncset.done $0x0  }
0xdd: {  	s25 =	simm.s32 $0x8000;
	s29 =	sadd.s32 $0x2980, s14;
	[sflag:s20] =	ssyncadd.s32 $0xFFFFF000  }
0xde: {  	[spmem:s1] =	stream.indirect.scatter.add.f32 [tilespmem:s25], [sflag:$0xC], $0x20, s29, s22, $0xb8;
	[tilespmem:$0x12800] =	vst v63  }
0xdf: {  	_ =	swait.ge [sflag:s2], $0x1000  }
0xe0: {  	[sflag:s2] =	ssyncset.done $0x0  }
0xe1: {  	s10 =	simm.s32 @p1 $0x5;
	[sflag:s2] =	ssyncadd.s32 $0xFFFFF000  }
0xe2: {  	_ =	swait.ge @p1 [sflag:s10], $0x1000  }
0xe3: {  	[sflag:s10] =	ssyncset.done @p1 $0x0  }
0xe4: {  	s23 =	simm.s32 @p1 $0xC;
	s19 =	simm.s32 @p1 $0x9000;
	[sflag:s10] =	ssyncadd.s32 @p1 $0xFFFFF000  }
0xe5: {  	[spmem:s1] =	stream.indirect.scatter.add.f32 @p1 [tilespmem:s19], [sflag:$0xD], $0x20, s24, s16, $0xb8;
	[tilespmem:$0x12800] =	vst v63  }
0xe6: {  	_ =	swait.ge @p1 [sflag:s23], $0x1000  }
0xe7: {  	[sflag:s23] =	ssyncset.done @p1 $0x0  }
0xe8: {  	s10 =	simm.s32 @!p1 $0x5;
	[sflag:s23] =	ssyncadd.s32 @p1 $0xFFFFF000  }
0xe9: {  	[tilespmem:s26], [sflag:$0x3] =	stream.indirect.gather @!p1 [hbm4b:s4+s15], $0x20, s30, s15, $0xb8;
	[tilespmem:$0x12800] =	vst v63  }
0xea: {  	_ =	swait.ge @!p1 [sflag:s10], $0x1000  }
0xeb: {  	[sflag:s10] =	ssyncset.done @!p1 $0x0  }
0xec: {  	s19 =	simm.s32 @!p1 $0x9000;
	[sflag:s10] =	ssyncadd.s32 @!p1 $0xFFFFF000;
	s10 =	simm.s32 @!p1 $0xC  }
0xed: {  	[spmem:s1] =	stream.indirect.scatter.add.f32 @!p1 [tilespmem:s19], [sflag:$0xD], $0x20, s21, s15, $0xb8;
	[tilespmem:$0x12800] =	vst v63  }
0xee: {  	_ =	swait.ge @!p1 [sflag:s10], $0x1000  }
0xef: {  	[sflag:s10] =	ssyncset.done @!p1 $0x0  }
0xf0: {  	s21 =	simm.s32 @!p1 $0x8000;
	[sflag:s10] =	ssyncadd.s32 @!p1 $0xFFFFF000  }
0xf1: {  	[tilespmem:s21], [sflag:$0x4] =	stream.indirect.gather @!p1 [hbm4b:s4+s15], $0x20, s9, s15, $0xb8;
	[tilespmem:$0x12800] =	vst v63  }
0xf2: {  	_ =	swait.ge [sflag:s3], $0x1000  }
0xf3: {  	[sflag:s3] =	ssyncset.done $0x0  }
0xf4: {  	s30 =	sadd.s32 $0x2A80, s14;
	s21 =	simm.s32 $0xA000;
	[sflag:s3] =	ssyncadd.s32 $0xFFFFF000  }
0xf5: {  	[spmem:s1] =	stream.indirect.scatter.add.f32 [tilespmem:s21], [sflag:$0xE], $0x20, s30, s22, $0xb8;
	[tilespmem:$0x12800] =	vst v63  }
0xf6: {  	_ =	swait.ge [sflag:s5], $0x1000  }
0xf7: {  	[sflag:s5] =	ssyncset.done $0x0  }
0xf8: {  	s9 =	simm.s32 @p1 $0x7;
	[sflag:s5] =	ssyncadd.s32 $0xFFFFF000  }
0xf9: {  	_ =	swait.ge @p1 [sflag:s9], $0x1000  }
0xfa: {  	[sflag:s9] =	ssyncset.done @p1 $0x0  }
0xfb: {  	s10 =	simm.s32 @p1 $0xB000;
	[sflag:s9] =	ssyncadd.s32 @p1 $0xFFFFF000;
	s9 =	simm.s32 @p1 $0xE  }
0xfc: {  	[spmem:s1] =	stream.indirect.scatter.add.f32 @p1 [tilespmem:s10], [sflag:$0xF], $0x20, s8, s16, $0xb8;
	[tilespmem:$0x12800] =	vst v63  }
0xfd: {  	_ =	swait.ge @p1 [sflag:s9], $0x1000  }
0xfe: {  	[sflag:s9] =	ssyncset.done @p1 $0x0  }
0xff: {  	s8 =	simm.s32 @!p1 $0x7;
	[sflag:s9] =	ssyncadd.s32 @p1 $0xFFFFF000  }
0x100: {  	[tilespmem:s19], [sflag:$0x5] =	stream.indirect.gather @!p1 [hbm4b:s4+s15], $0x20, s7, s15, $0xb8;
	[tilespmem:$0x12800] =	vst v63  }
0x101: {  	_ =	swait.ge @!p1 [sflag:s8], $0x1000  }
0x102: {  	s11 =	sadd.s32 $0x1000, s11;
	[sflag:s8] =	ssyncset.done @!p1 $0x0  }
0x103: {  	s7 =	simm.s32 @!p1 $0xB000;
	[sflag:s8] =	ssyncadd.s32 @!p1 $0xFFFFF000;
	s8 =	simm.s32 @!p1 $0xE  }
0x104: {  	[spmem:s1] =	stream.indirect.scatter.add.f32 @!p1 [tilespmem:s7], [sflag:$0xF], $0x20, s18, s15, $0xb8;
	[tilespmem:$0x12800] =	vst v63  }
0x105: {  	p0 =	sne.s32 s11, $0xA000;
	_ =	swait.ge @!p1 [sflag:s8], $0x1000  }
.Ltmp1:
0x106: {  	[sflag:s8] =	ssyncset.done @!p1 $0x0;
	(pc) =	sbr.rel @p0 .LBB2_4-.Ltmp1, $4  }
0x107: {  	s7 =	simm.s32 @!p1 $0xA000;
	[sflag:s8] =	ssyncadd.s32 @!p1 $0xFFFFF000  }
0x108: {  	[tilespmem:s7], [sflag:$0x6] =	stream.indirect.gather @!p1 [hbm4b:s4+s15], $0x20, s17, s15, $0xb8;
	[tilespmem:$0x12800] =	vst v63  }
0x109: {  	s13 =	sadd.s32 $0x2B80, s14;
	s16 =	simm.s32 $0x6000;
	s17 =	simm.s32 $0xC000  }
0x10a: {  	s15 =	simm.s32 $0x5000;
	p1 =	seq.s32 s12, $0x0;
	_ =	swait.ge [sflag:s6], $0x1000  }
0x10b: {  	[sflag:s6] =	ssyncset.done $0x0  }
0x10c: {  	s7 =	simm.s32 @!p1 $0xF;
	[sflag:s6] =	ssyncadd.s32 $0xFFFFF000  }
0x10d: {  	[spmem:s1] =	stream.indirect.scatter.add.f32 [tilespmem:s17], [sflag:$0x10], $0x20, s13, s22, $0xb8;
	[tilespmem:$0x12800] =	vst v63  }
0x10e: {  	_ =	swait.ge @!p1 [sflag:s7], $0x1000  }
0x10f: {  	s11 =	sshra.s32 s12, $0x2;
	[sflag:s7] =	ssyncset.done @!p1 $0x0  }
0x110: {  	s23 =	sadd.s32 $0x300, s11;
	s8 =	rddreg [dreg:$0x3];
	[sflag:s7] =	ssyncadd.s32 @!p1 $0xFFFFF000  }
0x111: {  	[tilespmem:s8], [sflag:$0x7] =	stream.indirect.gather [hbm4b:s4+s22], $0x20, s23, s22, $0xb8;
	[tilespmem:$0x12800] =	vst v63  }
0x112: {  	_ =	swait.ge [sflag:s28], $0x1000  }
0x113: {  	[sflag:s28] =	ssyncset.done $0x0  }
0x114: {  	s24 =	sadd.s32 $0x2800, s11;
	s8 =	simm.s32 @!p1 $0x10;
	[sflag:s28] =	ssyncadd.s32 $0xFFFFF000  }
0x115: {  	[spmem:s1] =	stream.indirect.scatter.add.f32 [tilespmem:s15], [sflag:$0x9], $0x20, s24, s22, $0xb8;
	[tilespmem:$0x12800] =	vst v63  }
0x116: {  	_ =	swait.ge @!p1 [sflag:s8], $0x1000  }
0x117: {  	[sflag:s8] =	ssyncset.done @!p1 $0x0  }
0x118: {  	s26 =	sadd.s32 $0x380, s11;
	[sflag:s8] =	ssyncadd.s32 @!p1 $0xFFFFF000  }
0x119: {  	[tilespmem:s17], [sflag:$0x8] =	stream.indirect.gather [hbm4b:s4+s22], $0x20, s26, s22, $0xb8;
	[tilespmem:$0x12800] =	vst v63  }
0x11a: {  	_ =	swait.ge [sflag:s31], $0x1000  }
0x11b: {  	[sflag:s31] =	ssyncset.done $0x0  }
0x11c: {  	s29 =	sadd.s32 $0x2880, s11;
	[sflag:s31] =	ssyncadd.s32 $0xFFFFF000  }
0x11d: {  	[spmem:s1] =	stream.indirect.scatter.add.f32 [tilespmem:s16], [sflag:$0xA], $0x20, s29, s22, $0xb8;
	[tilespmem:$0x12800] =	vst v63  }
0x11e: {  	_ =	swait.ge [sflag:s0], $0x1000  }
0x11f: {  	p0 =	seq.s32 s12, $0x9000;
	[sflag:s0] =	ssyncset.done $0x0  }
0x120: {  	s7 =	simm.s32 @p0 $0x3;
	[sflag:s0] =	ssyncadd.s32 $0xFFFFF000  }
0x121: {  	s9 =	simm.s32 @p0 $0x80;
	_ =	swait.ge @p0 [sflag:s7], $0x1000  }
0x122: {  	s10 =	simm.s32 @p0 $0xA;
	s13 =	sshra.s32 @p0 s12, $0x2;
	[sflag:s7] =	ssyncset.done @p0 $0x0  }
0x123: {  	s8 =	simm.s32 @p0 $0x7000;
	[sflag:s7] =	ssyncadd.s32 @p0 $0xFFFFF000;
	s7 =	sadd.s32 @p0 $0x2900, s13  }
0x124: {  	[spmem:s1] =	stream.indirect.scatter.add.f32 @p0 [tilespmem:s8], [sflag:$0xB], $0x20, s7, s9, $0xb8;
	[tilespmem:$0x12800] =	vst v63  }
0x125: {  	s14 =	simm.s32 @!p0 $0x5000;
	_ =	swait.ge @p0 [sflag:s10], $0x1000  }
0x126: {  	s7 =	sshra.s32 @!p0 s12, $0x2;
	s8 =	simm.s32 @!p0 $0x80;
	[sflag:s10] =	ssyncset.done @p0 $0x0  }
0x127: {  	s12 =	sadd.s32 @!p0 $0x400, s7;
	[sflag:s10] =	ssyncadd.s32 @p0 $0xFFFFF000;
	s10 =	simm.s32 @!p0 $0x3  }
0x128: {  	[tilespmem:s14], [sflag:$0x1] =	stream.indirect.gather @!p0 [hbm4b:s4+s8], $0x20, s12, s8, $0xb8;
	[tilespmem:$0x12800] =	vst v63  }
0x129: {  	_ =	swait.ge @!p0 [sflag:s10], $0x1000  }
0x12a: {  	s12 =	sadd.s32 @!p0 $0x2900, s7;
	[sflag:s10] =	ssyncset.done @!p0 $0x0  }
0x12b: {  	s14 =	simm.s32 @!p0 $0x7000;
	[sflag:s10] =	ssyncadd.s32 @!p0 $0xFFFFF000;
	s10 =	simm.s32 @!p0 $0xA  }
0x12c: {  	[spmem:s1] =	stream.indirect.scatter.add.f32 @!p0 [tilespmem:s14], [sflag:$0xB], $0x20, s12, s8, $0xb8;
	[tilespmem:$0x12800] =	vst v63  }
0x12d: {  	_ =	swait.ge @!p0 [sflag:s10], $0x1000  }
0x12e: {  	[sflag:s10] =	ssyncset.done @!p0 $0x0  }
0x12f: {  	s12 =	sadd.s32 @!p0 $0x480, s7;
	[sflag:s10] =	ssyncadd.s32 @!p0 $0xFFFFF000;
	s10 =	simm.s32 @!p0 $0x6000  }
0x130: {  	[tilespmem:s10], [sflag:$0x2] =	stream.indirect.gather @!p0 [hbm4b:s4+s8], $0x20, s12, s8, $0xb8;
	[tilespmem:$0x12800] =	vst v63  }
0x131: {  	_ =	swait.ge [sflag:s20], $0x1000  }
0x132: {  	[sflag:s20] =	ssyncset.done $0x0  }
0x133: {  	s30 =	sadd.s32 $0x2980, s11;
	[sflag:s20] =	ssyncadd.s32 $0xFFFFF000  }
0x134: {  	[spmem:s1] =	stream.indirect.scatter.add.f32 [tilespmem:s25], [sflag:$0xC], $0x20, s30, s22, $0xb8;
	[tilespmem:$0x12800] =	vst v63  }
0x135: {  	_ =	swait.ge [sflag:s2], $0x1000  }
0x136: {  	[sflag:s2] =	ssyncset.done $0x0  }
0x137: {  	s10 =	simm.s32 @p0 $0x5;
	[sflag:s2] =	ssyncadd.s32 $0xFFFFF000  }
0x138: {  	_ =	swait.ge @p0 [sflag:s10], $0x1000  }
0x139: {  	[sflag:s10] =	ssyncset.done @p0 $0x0  }
0x13a: {  	s12 =	sadd.s32 @p0 $0x2A00, s13;
	[sflag:s10] =	ssyncadd.s32 @p0 $0xFFFFF000;
	s10 =	simm.s32 @p0 $0x9000  }
0x13b: {  	[spmem:s1] =	stream.indirect.scatter.add.f32 @p0 [tilespmem:s10], [sflag:$0xD], $0x20, s12, s9, $0xb8;
	[tilespmem:$0x12800] =	vst v63  }
0x13c: {  	s10 =	simm.s32 @p0 $0xC  }
0x13d: {  	_ =	swait.ge @p0 [sflag:s10], $0x1000  }
0x13e: {  	[sflag:s10] =	ssyncset.done @p0 $0x0  }
0x13f: {  	s12 =	sadd.s32 @!p0 $0x500, s7;
	[sflag:s10] =	ssyncadd.s32 @p0 $0xFFFFF000;
	s10 =	simm.s32 @!p0 $0x5  }
0x140: {  	[tilespmem:s14], [sflag:$0x3] =	stream.indirect.gather @!p0 [hbm4b:s4+s8], $0x20, s12, s8, $0xb8;
	[tilespmem:$0x12800] =	vst v63  }
0x141: {  	_ =	swait.ge @!p0 [sflag:s10], $0x1000  }
0x142: {  	s12 =	sadd.s32 @!p0 $0x2A00, s7;
	[sflag:s10] =	ssyncset.done @!p0 $0x0  }
0x143: {  	s14 =	simm.s32 @!p0 $0x9000;
	[sflag:s10] =	ssyncadd.s32 @!p0 $0xFFFFF000;
	s10 =	simm.s32 @!p0 $0xC  }
0x144: {  	[spmem:s1] =	stream.indirect.scatter.add.f32 @!p0 [tilespmem:s14], [sflag:$0xD], $0x20, s12, s8, $0xb8;
	[tilespmem:$0x12800] =	vst v63  }
0x145: {  	_ =	swait.ge @!p0 [sflag:s10], $0x1000  }
0x146: {  	[sflag:s10] =	ssyncset.done @!p0 $0x0  }
0x147: {  	s12 =	sadd.s32 @!p0 $0x580, s7;
	[sflag:s10] =	ssyncadd.s32 @!p0 $0xFFFFF000;
	s10 =	simm.s32 @!p0 $0x8000  }
0x148: {  	[tilespmem:s10], [sflag:$0x4] =	stream.indirect.gather @!p0 [hbm4b:s4+s8], $0x20, s12, s8, $0xb8;
	[tilespmem:$0x12800] =	vst v63  }
0x149: {  	_ =	swait.ge [sflag:s3], $0x1000  }
0x14a: {  	[sflag:s3] =	ssyncset.done $0x0  }
0x14b: {  	s12 =	sadd.s32 $0x2A80, s11;
	[sflag:s3] =	ssyncadd.s32 $0xFFFFF000  }
0x14c: {  	[spmem:s1] =	stream.indirect.scatter.add.f32 [tilespmem:s21], [sflag:$0xE], $0x20, s12, s22, $0xb8;
	[tilespmem:$0x12800] =	vst v63  }
0x14d: {  	_ =	swait.ge [sflag:s5], $0x1000  }
0x14e: {  	[sflag:s5] =	ssyncset.done $0x0  }
0x14f: {  	s10 =	simm.s32 @p0 $0x7;
	[sflag:s5] =	ssyncadd.s32 $0xFFFFF000  }
0x150: {  	_ =	swait.ge @p0 [sflag:s10], $0x1000  }
0x151: {  	[sflag:s10] =	ssyncset.done @p0 $0x0  }
0x152: {  	s12 =	sadd.s32 @p0 $0x2B00, s13;
	[sflag:s10] =	ssyncadd.s32 @p0 $0xFFFFF000;
	s10 =	simm.s32 @p0 $0xB000  }
0x153: {  	[spmem:s1] =	stream.indirect.scatter.add.f32 @p0 [tilespmem:s10], [sflag:$0xF], $0x20, s12, s9, $0xb8;
	[tilespmem:$0x12800] =	vst v63  }
0x154: {  	s9 =	simm.s32 @p0 $0xE  }
0x155: {  	_ =	swait.ge @p0 [sflag:s9], $0x1000  }
0x156: {  	[sflag:s9] =	ssyncset.done @p0 $0x0  }
0x157: {  	[sflag:s9] =	ssyncadd.s32 @p0 $0xFFFFF000;
	s9 =	sadd.s32 @!p0 $0x600, s7  }
0x158: {  	[tilespmem:s14], [sflag:$0x5] =	stream.indirect.gather @!p0 [hbm4b:s4+s8], $0x20, s9, s8, $0xb8;
	[tilespmem:$0x12800] =	vst v63  }
0x159: {  	s9 =	simm.s32 @!p0 $0x7  }
0x15a: {  	_ =	swait.ge @!p0 [sflag:s9], $0x1000  }
0x15b: {  	[sflag:s9] =	ssyncset.done @!p0 $0x0  }
0x15c: {  	s10 =	sadd.s32 @!p0 $0x2B00, s7;
	[sflag:s9] =	ssyncadd.s32 @!p0 $0xFFFFF000;
	s9 =	simm.s32 @!p0 $0xB000  }
0x15d: {  	[spmem:s1] =	stream.indirect.scatter.add.f32 @!p0 [tilespmem:s9], [sflag:$0xF], $0x20, s10, s8, $0xb8;
	[tilespmem:$0x12800] =	vst v63  }
0x15e: {  	s9 =	simm.s32 @!p0 $0xE  }
0x15f: {  	_ =	swait.ge @!p0 [sflag:s9], $0x1000  }
0x160: {  	[sflag:s9] =	ssyncset.done @!p0 $0x0  }
0x161: {  	s7 =	sadd.s32 @!p0 $0x680, s7;
	[sflag:s9] =	ssyncadd.s32 @!p0 $0xFFFFF000;
	s9 =	simm.s32 @!p0 $0xA000  }
0x162: {  	[tilespmem:s9], [sflag:$0x6] =	stream.indirect.gather @!p0 [hbm4b:s4+s8], $0x20, s7, s8, $0xb8;
	[tilespmem:$0x12800] =	vst v63  }
0x163: {  	_ =	swait.ge [sflag:s6], $0x1000  }
0x164: {  	[sflag:s6] =	ssyncset.done $0x0  }
0x165: {  	s18 =	simm.s32 $0xF;
	s14 =	sadd.s32 $0x2B80, s11;
	[sflag:s6] =	ssyncadd.s32 $0xFFFFF000  }
0x166: {  	[spmem:s1] =	stream.indirect.scatter.add.f32 [tilespmem:s17], [sflag:$0x10], $0x20, s14, s22, $0xb8;
	[tilespmem:$0x12800] =	vst v63  }
0x167: {  	_ =	swait.ge [sflag:s18], $0x1000  }
0x168: {  	[sflag:s18] =	ssyncset.done $0x0  }
0x169: {  	s19 =	simm.s32 $0x10;
	[sflag:s18] =	ssyncadd.s32 $0xFFFFF000  }
0x16a: {  	_ =	swait.ge [sflag:s19], $0x1000  }
0x16b: {  	[sflag:s19] =	ssyncset.done $0x0  }
0x16c: {  	[sflag:s19] =	ssyncadd.s32 $0xFFFFF000  }
0x16d: {  	s23 =	stileid.u32;
	[bflag:$0x0] =	sbarrier.arrive $0xFFFF  }
0x16e: {  	s7 =	sshll.u32 s23, $0x6;
	s24 =	rddreg [dreg:$0x7]  }
0x16f: {  	s10 =	simm.s32 $0x11;
	s7 =	sor.u32 $0x1C11, s7;
	s26 =	rddreg [dreg:$0x12]  }
0x170: {  	[hbm:s24], [sflag:s7] =	dma.local [spmem:s26], $0xA00  }
0x171: {  	_ =	swait.ge [sflag:s10], $0xA00  }
0x172: {  	s29 =	rddreg [dreg:$0x13]  }
0x173: {  	s30 =	rddreg [dreg:$0x8];
	s8 =	sadd.s32 $0x1, s29  }
0x174: {  	p0 =	sne.s32 s8, s30  }
.Ltmp2:
0x175: {  	_ = 	snop;
	(pc) =	sbr.rel @p0 .LBB2_1-.Ltmp2, $3  }
0x176: {  	_ =	sdelay $0x1  }
0x177: {  	[sflag:s10] =	ssyncset.done $0x0  }
0x178: {  	[sflag:s10] =	ssyncadd.s32 $0xFFFFF600  }
0x179: {  	_ =	sfence.sel $0x180000  }
0x17a: {  	[bflag:$0x0] =	sbarrier.arrive $0xFFFF  }
0x17b: {  	_ =	strace $0x90000050  }
0x17c: {  	s0 =	stileid.u32;
	[bflag:$0x2] =	sbarrier.arrive $0xFFFF  }
0x17d: {  	p0 =	sne.s32 s0, $0x0;
	s0 =	rddreg [dreg:$0x2]  }
0x17e: {  	s0 =	sadd.s32 @!p0 $0x100000, s0  }
0x17f: {  	[sflag:s0] =	ssyncadd.tile.s32 @!p0 $0x1;
	_ =	shalt  }
.Lfunc_end2:
_tile_overlayer_lowered:
.L_overlay_start_2:
0x180: {  	(tag) =	ssettag $0x2  }
0x181: {  	s0 =	rddreg [dreg:$0x0];
	s2 =	stileid.u32  }
0x182: {  	s1 =	rddreg [dreg:$0x1];
	p0 =	sne.s32 s2, $0x0  }
0x183: {  	s3 =	rddreg [dreg:$0x2];
	[bflag:$0x3] =	sbarrier.arrive $0xFFFF;
	s2 =	simm.s32 @!p0 $0x1C11  }
0x184: {  	[timem:s3], [sflag:s2] =	dma.local @!p0 [hbm:s0], s1  }
0x185: {  	s0 =	simm.s32 @!p0 $0x11  }
0x186: {  	_ =	swait.ge @!p0 [sflag:s0], s1  }
0x187: {  	s1 =	ssub.s32 @!p0 $0x0, s1;
	[sflag:s0] =	ssyncset.done @!p0 $0x0  }
0x188: {  	[sflag:s0] =	ssyncadd.s32 @!p0 s1  }
0x189: {  	[bflag:$0x3] =	sbarrier.arrive $0xFFFF  }
0x18a: {  	_ =	shalt  }

</sc_bundles>
